<compile_context>
chip_gen: v7x
topology: tpu7x:2x2x1
jax: 0.10.2.dev20260603
libtpu: 0.0.44.dev20260713+nightly
codegen_flags: <defaults>
</compile_context>

<pallas_src>
import functools
import jax
import jax.numpy as jnp
from jax import lax
from jax.experimental import pallas as pl
from jax.experimental.pallas import tpu as pltpu
from jax.experimental.pallas import tpu_sc as plsc

_B, _V = 128, 100000
_L = 16
_RB = 8
_CW = 1024
_NR = 6
_SW = _NR * _CW + 128
_REM0 = _NR * 16 * _CW
_RW = 128
_NBLK = 64 // _RB

_mesh = plsc.VectorSubcoreMesh(core_axis_name="c", subcore_axis_name="s")


@functools.partial(
    pl.kernel,
    mesh=_mesh,
    out_type=jax.ShapeDtypeStruct((_B, _V), jnp.float32),
    scratch_types=dict(
        estripe=pltpu.VMEM((_RB, _SW), jnp.float32),
        nbuf=pltpu.VMEM((3, _RB, _CW), jnp.float32),
        exown=pltpu.VMEM((_RB * _L,), jnp.float32),
        exbuf=pltpu.VMEM((16 * _RB * _L,), jnp.float32),
        ex_sh=pltpu.VMEM_SHARED((2 * 16 * _RB * _L,), jnp.float32),
        rembuf=pltpu.VMEM((_RB, _RW), jnp.float32),
        sem_l=pltpu.SemaphoreType.DMA,
        sem_n=pltpu.SemaphoreType.DMA,
        sem_o=pltpu.SemaphoreType.DMA,
        sem_r=pltpu.SemaphoreType.DMA,
    ),
)
def _sc_softmax(l_hbm, n_hbm, out_hbm, estripe, nbuf, exown, exbuf, ex_sh,
                rembuf, sem_l, sem_n, sem_o, sem_r):
    c = lax.axis_index("c")
    s = lax.axis_index("s")

    def col0(r):
        return pl.multiple_of(r * 16 * _CW + s * _CW, 128)

    rem_col = pl.multiple_of(_REM0 + s * _RW, 128)
    zeros = jnp.zeros((_L,), jnp.float32)

    def blk_body(p, carry):
        row0 = pl.multiple_of(c * 64 + p * _RB, 8)
        rows = pl.ds(row0, _RB)

        def start_in(r):
            hl = pltpu.async_copy(
                l_hbm.at[rows, pl.ds(col0(r), _CW)],
                estripe.at[:, pl.ds(r * _CW, _CW)], sem_l)
            hn = pltpu.async_copy(
                n_hbm.at[rows, pl.ds(col0(r), _CW)], nbuf.at[r % 3], sem_n)
            return hl, hn

        handles = {0: start_in(0), 1: start_in(1)}
        rem_h = []

        @pl.when(s < 14)
        def _():
            rem_h.append(pltpu.async_copy(
                l_hbm.at[rows, pl.ds(rem_col, _RW)],
                estripe.at[:, pl.ds(_NR * _CW, _RW)], sem_r))
            rem_h.append(pltpu.async_copy(
                n_hbm.at[rows, pl.ds(rem_col, _RW)], rembuf, sem_r))

        acc = (zeros,) * _RB
        for r in range(_NR):
            if r + 2 < _NR:
                handles[r + 2] = start_in(r + 2)
            hl, hn = handles.pop(r)
            hl.wait()
            hn.wait()
            ni = r % 3

            def jbody(j, a, ni=ni, base=r * _CW):
                out = []
                for rr in range(_RB):
                    v = (estripe[rr, pl.ds(base + j * _L, _L)]
                         + nbuf[ni, rr, pl.ds(j * _L, _L)])
                    e = jnp.exp(v)
                    estripe[rr, pl.ds(base + j * _L, _L)] = e
                    out.append(a[rr] + e)
                return tuple(out)

            acc = lax.fori_loop(0, _CW // _L, jbody, acc)

        @pl.when(s < 14)
        def _():
            for h in rem_h:
                h.wait()
            lane = lax.iota(jnp.int32, _L)

            def jrem(j, a, base=_NR * _CW):
                ok = rem_col + j * _L + lane < _V
                out = []
                for rr in range(_RB):
                    v = (estripe[rr, pl.ds(base + j * _L, _L)]
                         + rembuf[rr, pl.ds(j * _L, _L)])
                    e = jnp.exp(v)
                    estripe[rr, pl.ds(base + j * _L, _L)] = e
                    out.append(a[rr] + jnp.where(ok, e, 0.0))
                return tuple(out)

            a2 = lax.fori_loop(0, _RW // _L, jrem, (zeros,) * _RB)
            for rr in range(_RB):
                exown[pl.ds(rr * _L, _L)] = a2[rr]

        @pl.when(s >= 14)
        def _():
            for rr in range(_RB):
                exown[pl.ds(rr * _L, _L)] = zeros

        for rr in range(_RB):
            exown[pl.ds(rr * _L, _L)] = exown[pl.ds(rr * _L, _L)] + acc[rr]
        half = lax.rem(p, 2) * (16 * _RB * _L)
        pltpu.sync_copy(exown,
                        ex_sh.at[pl.ds(half + s * _RB * _L, _RB * _L)])
        plsc.subcore_barrier()
        pltpu.sync_copy(ex_sh.at[pl.ds(half, 16 * _RB * _L)], exbuf)
        lane = lax.iota(jnp.int32, _L)
        rsv = []
        for rr in range(_RB):
            tot_v = exbuf[pl.ds(rr * _L, _L)]
            for t in range(1, 16):
                tot_v = tot_v + exbuf[pl.ds(t * _RB * _L + rr * _L, _L)]
            for d in (1, 2, 4, 8):
                tot_v = tot_v + tot_v.at[lane ^ d].get(
                    mode="promise_in_bounds")
            rsv.append(1.0 / tot_v)

        out_h = {}
        for r in range(_NR):
            def jscale(j, _, base=r * _CW):
                for rr in range(_RB):
                    estripe[rr, pl.ds(base + j * _L, _L)] = (
                        estripe[rr, pl.ds(base + j * _L, _L)] * rsv[rr])
                return 0

            lax.fori_loop(0, _CW // _L, jscale, 0)
            out_h[r] = pltpu.async_copy(
                estripe.at[:, pl.ds(r * _CW, _CW)],
                out_hbm.at[rows, pl.ds(col0(r), _CW)], sem_o)

        @pl.when(s < 14)
        def _():
            def jrs(j, _, base=_NR * _CW):
                for rr in range(_RB):
                    estripe[rr, pl.ds(base + j * _L, _L)] = (
                        estripe[rr, pl.ds(base + j * _L, _L)] * rsv[rr])
                return 0

            lax.fori_loop(0, _RW // _L, jrs, 0)
            pltpu.async_copy(
                estripe.at[:, pl.ds(_NR * _CW, _RW)],
                out_hbm.at[rows, pl.ds(rem_col, _RW)], sem_r).wait()

        for r in sorted(out_h):
            out_h.pop(r).wait()

        return carry

    lax.fori_loop(0, _NBLK, blk_body, 0)


def kernel(logits, gumbel_noise):
    return _sc_softmax(logits, gumbel_noise)

# --- scband reference (transcript-rebuilt; emitter-appended) ---
"""Pipeline reference for scband-gumbel-softmax-36756330119756 (READ-ONLY COPY).

The authoritative reference and input builder live on the scoring server;
editing this copy changes nothing except your own understanding.
"""

import jax, jax.numpy as jnp
import numpy as np

TAU = 1.0

def setup_inputs(seed: int = 0) -> dict:
    key = jax.random.key(seed)
    k1, k2 = jax.random.split(key)
    B, V = 128, 100000
    logits = jax.random.normal(k1, (B, V), dtype=jnp.float32)
    # Gumbel(0,1) noise: torch does -log(Exp(1)) which is exactly standard Gumbel.
    gumbel_noise = jax.random.gumbel(k2, (B, V), dtype=jnp.float32)
    return {"logits": logits, "gumbel_noise": gumbel_noise}

def reference(logits, gumbel_noise):
    # gumbels = (logits + g) / tau; y_soft = softmax(gumbels, dim=-1); hard=False -> return y_soft
    g = (logits + gumbel_noise) / TAU
    y_soft = jax.nn.softmax(g, axis=-1)
    return y_soft

if __name__ == "__main__":
    import jax
    _d = setup_inputs()
    print(jax.jit(kernel)(*tuple(_d.values())))

</pallas_src>

<mosaic_0001>
#map = affine_map<(d0, d1) -> (0, 0)>
module attributes {stable_mosaic.version = 14 : i64} {
  func.func @_sc_softmax(%arg0: i32, %arg1: i32, %arg2: memref<128x100000xf32, #tpu.memory_space<hbm>>, %arg3: memref<128x100000xf32, #tpu.memory_space<hbm>>, %arg4: memref<128x100000xf32, #tpu.memory_space<hbm>>, %arg5: memref<8x6272xf32, #tpu.memory_space<vmem>>, %arg6: memref<4096xf32, #tpu.memory_space<vmem_shared>>, %arg7: memref<2048xf32, #tpu.memory_space<vmem>>, %arg8: memref<128xf32, #tpu.memory_space<vmem>>, %arg9: memref<3x8x1024xf32, #tpu.memory_space<vmem>>, %arg10: memref<8x128xf32, #tpu.memory_space<vmem>>, %arg11: memref<!tpu.dma_semaphore, #tpu.memory_space<semaphore_mem>>, %arg12: memref<!tpu.dma_semaphore, #tpu.memory_space<semaphore_mem>>, %arg13: memref<!tpu.dma_semaphore, #tpu.memory_space<semaphore_mem>>, %arg14: memref<!tpu.dma_semaphore, #tpu.memory_space<semaphore_mem>>) attributes {dimension_semantics = [#tpu.dimension_semantics<core_parallel>, #tpu.dimension_semantics<subcore_parallel>], iteration_bounds = array<i64: 2, 16>, scalar_prefetch = 0 : i64, scratch_operands = 10 : i64, tpu.core_type = #tpu.core_type<sc_vector_subcore>, window_params = [{transform_indices = #map}, {transform_indices = #map}, {transform_indices = #map}]} {
    %mul3A = arith.constant 128 : i32
    %mul3A_0 = arith.muli %arg1, %mul3A : i32
    %add3A = arith.constant 98304 : i32
    %add3A_1 = arith.addi %add3A, %mul3A_0 : i32
    %multiple_of3A = tpu.assume_multiple %add3A_1, 128 : i32
    %broadcast_in_dim3A = arith.constant 0.000000e+00 : f32
    %broadcast_in_dim3A_2 = vector.broadcast %broadcast_in_dim3A : f32 to vector<16xf32>
    %scan3A = arith.constant 0 : i32
    %scan3A_3 = arith.constant 0 : i32
    %scan3A_4 = arith.constant 8 : i32
    %scan3A_5 = arith.addi %scan3A_3, %scan3A_4 : i32
    %scan3A_6 = arith.constant 1 : i32
    scf.for %scan3A_8 = %scan3A_3 to %scan3A_5 step %scan3A_6  : i32 {
      %mul3A_9 = arith.constant 64 : i32
      %mul3A_10 = arith.muli %arg0, %mul3A_9 : i32
      %mul3A_11 = arith.constant 8 : i32
      %mul3A_12 = arith.muli %scan3A_8, %mul3A_11 : i32
      %add3A_13 = arith.addi %mul3A_10, %mul3A_12 : i32
      %multiple_of3A_14 = tpu.assume_multiple %add3A_13, 8 : i32
      %mul3A_15 = arith.constant 1024 : i32
      %mul3A_16 = arith.muli %arg1, %mul3A_15 : i32
      %add3A_17 = arith.constant 0 : i32
      %add3A_18 = arith.addi %add3A_17, %mul3A_16 : i32
      %multiple_of3A_19 = tpu.assume_multiple %add3A_18, 128 : i32
      %dma_start3A = arith.constant 0 : i32
      %dma_start3A_20 = arith.constant 0 : i32
      %dma_start3A_21 = tpu.memref_slice %arg5[%dma_start3A, %dma_start3A_20] : memref<8x6272xf32, #tpu.memory_space<vmem>> -> memref<8x1024xf32, #tpu.memory_space<vmem>>
      %dma_start3A_22 = tpu.memref_slice %arg2[%multiple_of3A_14, %multiple_of3A_19] : memref<128x100000xf32, #tpu.memory_space<hbm>> -> memref<8x1024xf32, #tpu.memory_space<hbm>>
      %dma_start3A_23 = arith.constant 0 : i32
      %dma_start3A_24 = arith.constant 0 : i32
      %dma_start3A_25 = tpu.memref_slice %arg5[%dma_start3A_23, %dma_start3A_24] : memref<8x6272xf32, #tpu.memory_space<vmem>> -> memref<8x1024xf32, #tpu.memory_space<vmem>>
      %dma_start3A_26 = tpu.memref_slice %arg2[%multiple_of3A_14, %multiple_of3A_19] : memref<128x100000xf32, #tpu.memory_space<hbm>> -> memref<8x1024xf32, #tpu.memory_space<hbm>>
      tpu.enqueue_dma source(%dma_start3A_26 : memref<8x1024xf32, #tpu.memory_space<hbm>>) target(%dma_start3A_25 : memref<8x1024xf32, #tpu.memory_space<vmem>>) target_semaphore(%arg11 : memref<!tpu.dma_semaphore, #tpu.memory_space<semaphore_mem>>)
      %mul3A_27 = arith.constant 1024 : i32
      %mul3A_28 = arith.muli %arg1, %mul3A_27 : i32
      %add3A_29 = arith.constant 0 : i32
      %add3A_30 = arith.addi %add3A_29, %mul3A_28 : i32
      %multiple_of3A_31 = tpu.assume_multiple %add3A_30, 128 : i32
      %dma_start3A_32 = arith.constant 0 : i32
      %dma_start3A_33 = arith.constant 0 : i32
      %dma_start3A_34 = arith.constant 0 : i32
      %dma_start3A_35 = tpu.memref_slice %arg9[%dma_start3A_32, %dma_start3A_33, %dma_start3A_34] : memref<3x8x1024xf32, #tpu.memory_space<vmem>> -> memref<1x8x1024xf32, #tpu.memory_space<vmem>>
      %dma_start3A_36 = tpu.memref_squeeze %dma_start3A_35 : memref<1x8x1024xf32, #tpu.memory_space<vmem>> -> memref<8x1024xf32, #tpu.memory_space<vmem>>
      %dma_start3A_37 = tpu.memref_slice %arg3[%multiple_of3A_14, %multiple_of3A_31] : memref<128x100000xf32, #tpu.memory_space<hbm>> -> memref<8x1024xf32, #tpu.memory_space<hbm>>
      %dma_start3A_38 = arith.constant 0 : i32
      %dma_start3A_39 = arith.constant 0 : i32
      %dma_start3A_40 = tpu.memref_slice %arg9[%dma_start3A_32, %dma_start3A_38, %dma_start3A_39] : memref<3x8x1024xf32, #tpu.memory_space<vmem>> -> memref<1x8x1024xf32, #tpu.memory_space<vmem>>
      %dma_start3A_41 = tpu.memref_squeeze %dma_start3A_40 : memref<1x8x1024xf32, #tpu.memory_space<vmem>> -> memref<8x1024xf32, #tpu.memory_space<vmem>>
      %dma_start3A_42 = tpu.memref_slice %arg3[%multiple_of3A_14, %multiple_of3A_31] : memref<128x100000xf32, #tpu.memory_space<hbm>> -> memref<8x1024xf32, #tpu.memory_space<hbm>>
      tpu.enqueue_dma source(%dma_start3A_42 : memref<8x1024xf32, #tpu.memory_space<hbm>>) target(%dma_start3A_41 : memref<8x1024xf32, #tpu.memory_space<vmem>>) target_semaphore(%arg12 : memref<!tpu.dma_semaphore, #tpu.memory_space<semaphore_mem>>)
      %mul3A_43 = arith.constant 1024 : i32
      %mul3A_44 = arith.muli %arg1, %mul3A_43 : i32
      %add3A_45 = arith.constant 16384 : i32
      %add3A_46 = arith.addi %add3A_45, %mul3A_44 : i32
      %multiple_of3A_47 = tpu.assume_multiple %add3A_46, 128 : i32
      %dma_start3A_48 = arith.constant 0 : i32
      %dma_start3A_49 = arith.constant 1024 : i32
      %dma_start3A_50 = tpu.memref_slice %arg5[%dma_start3A_48, %dma_start3A_49] : memref<8x6272xf32, #tpu.memory_space<vmem>> -> memref<8x1024xf32, #tpu.memory_space<vmem>>
      %dma_start3A_51 = tpu.memref_slice %arg2[%multiple_of3A_14, %multiple_of3A_47] : memref<128x100000xf32, #tpu.memory_space<hbm>> -> memref<8x1024xf32, #tpu.memory_space<hbm>>
      %dma_start3A_52 = arith.constant 0 : i32
      %dma_start3A_53 = arith.constant 1024 : i32
      %dma_start3A_54 = tpu.memref_slice %arg5[%dma_start3A_52, %dma_start3A_53] : memref<8x6272xf32, #tpu.memory_space<vmem>> -> memref<8x1024xf32, #tpu.memory_space<vmem>>
      %dma_start3A_55 = tpu.memref_slice %arg2[%multiple_of3A_14, %multiple_of3A_47] : memref<128x100000xf32, #tpu.memory_space<hbm>> -> memref<8x1024xf32, #tpu.memory_space<hbm>>
      tpu.enqueue_dma source(%dma_start3A_55 : memref<8x1024xf32, #tpu.memory_space<hbm>>) target(%dma_start3A_54 : memref<8x1024xf32, #tpu.memory_space<vmem>>) target_semaphore(%arg11 : memref<!tpu.dma_semaphore, #tpu.memory_space<semaphore_mem>>)
      %mul3A_56 = arith.constant 1024 : i32
      %mul3A_57 = arith.muli %arg1, %mul3A_56 : i32
      %add3A_58 = arith.constant 16384 : i32
      %add3A_59 = arith.addi %add3A_58, %mul3A_57 : i32
      %multiple_of3A_60 = tpu.assume_multiple %add3A_59, 128 : i32
      %dma_start3A_61 = arith.constant 1 : i32
      %dma_start3A_62 = arith.constant 0 : i32
      %dma_start3A_63 = arith.constant 0 : i32
      %dma_start3A_64 = tpu.memref_slice %arg9[%dma_start3A_61, %dma_start3A_62, %dma_start3A_63] : memref<3x8x1024xf32, #tpu.memory_space<vmem>> -> memref<1x8x1024xf32, #tpu.memory_space<vmem>>
      %dma_start3A_65 = tpu.memref_squeeze %dma_start3A_64 : memref<1x8x1024xf32, #tpu.memory_space<vmem>> -> memref<8x1024xf32, #tpu.memory_space<vmem>>
      %dma_start3A_66 = tpu.memref_slice %arg3[%multiple_of3A_14, %multiple_of3A_60] : memref<128x100000xf32, #tpu.memory_space<hbm>> -> memref<8x1024xf32, #tpu.memory_space<hbm>>
      %dma_start3A_67 = arith.constant 0 : i32
      %dma_start3A_68 = arith.constant 0 : i32
      %dma_start3A_69 = tpu.memref_slice %arg9[%dma_start3A_61, %dma_start3A_67, %dma_start3A_68] : memref<3x8x1024xf32, #tpu.memory_space<vmem>> -> memref<1x8x1024xf32, #tpu.memory_space<vmem>>
      %dma_start3A_70 = tpu.memref_squeeze %dma_start3A_69 : memref<1x8x1024xf32, #tpu.memory_space<vmem>> -> memref<8x1024xf32, #tpu.memory_space<vmem>>
      %dma_start3A_71 = tpu.memref_slice %arg3[%multiple_of3A_14, %multiple_of3A_60] : memref<128x100000xf32, #tpu.memory_space<hbm>> -> memref<8x1024xf32, #tpu.memory_space<hbm>>
      tpu.enqueue_dma source(%dma_start3A_71 : memref<8x1024xf32, #tpu.memory_space<hbm>>) target(%dma_start3A_70 : memref<8x1024xf32, #tpu.memory_space<vmem>>) target_semaphore(%arg12 : memref<!tpu.dma_semaphore, #tpu.memory_space<semaphore_mem>>)
      %lt3A = arith.constant 14 : i32
      %lt3A_72 = arith.cmpi slt, %arg1, %lt3A : i32
      %convert_element_type3A = arith.extui %lt3A_72 : i1 to i32
      %cond3A = arith.constant 0 : i32
      %cond3A_73 = arith.cmpi ne, %convert_element_type3A, %cond3A : i32
      scf.if %cond3A_73 {
        %dma_start3A_1563 = arith.constant 0 : i32
        %dma_start3A_1564 = arith.constant 6144 : i32
        %dma_start3A_1565 = tpu.memref_slice %arg5[%dma_start3A_1563, %dma_start3A_1564] : memref<8x6272xf32, #tpu.memory_space<vmem>> -> memref<8x128xf32, #tpu.memory_space<vmem>>
        %dma_start3A_1566 = tpu.memref_slice %arg2[%multiple_of3A_14, %multiple_of3A] : memref<128x100000xf32, #tpu.memory_space<hbm>> -> memref<8x128xf32, #tpu.memory_space<hbm>>
        %dma_start3A_1567 = arith.constant 0 : i32
        %dma_start3A_1568 = arith.constant 6144 : i32
        %dma_start3A_1569 = tpu.memref_slice %arg5[%dma_start3A_1567, %dma_start3A_1568] : memref<8x6272xf32, #tpu.memory_space<vmem>> -> memref<8x128xf32, #tpu.memory_space<vmem>>
        %dma_start3A_1570 = tpu.memref_slice %arg2[%multiple_of3A_14, %multiple_of3A] : memref<128x100000xf32, #tpu.memory_space<hbm>> -> memref<8x128xf32, #tpu.memory_space<hbm>>
        tpu.enqueue_dma source(%dma_start3A_1570 : memref<8x128xf32, #tpu.memory_space<hbm>>) target(%dma_start3A_1569 : memref<8x128xf32, #tpu.memory_space<vmem>>) target_semaphore(%arg14 : memref<!tpu.dma_semaphore, #tpu.memory_space<semaphore_mem>>)
        %dma_start3A_1571 = tpu.memref_slice %arg3[%multiple_of3A_14, %multiple_of3A] : memref<128x100000xf32, #tpu.memory_space<hbm>> -> memref<8x128xf32, #tpu.memory_space<hbm>>
        %dma_start3A_1572 = tpu.memref_slice %arg3[%multiple_of3A_14, %multiple_of3A] : memref<128x100000xf32, #tpu.memory_space<hbm>> -> memref<8x128xf32, #tpu.memory_space<hbm>>
        tpu.enqueue_dma source(%dma_start3A_1572 : memref<8x128xf32, #tpu.memory_space<hbm>>) target(%arg10 : memref<8x128xf32, #tpu.memory_space<vmem>>) target_semaphore(%arg14 : memref<!tpu.dma_semaphore, #tpu.memory_space<semaphore_mem>>)
      } else {
      }
      %mul3A_74 = arith.constant 1024 : i32
      %mul3A_75 = arith.muli %arg1, %mul3A_74 : i32
      %add3A_76 = arith.constant 32768 : i32
      %add3A_77 = arith.addi %add3A_76, %mul3A_75 : i32
      %multiple_of3A_78 = tpu.assume_multiple %add3A_77, 128 : i32
      %dma_start3A_79 = arith.constant 0 : i32
      %dma_start3A_80 = arith.constant 2048 : i32
      %dma_start3A_81 = tpu.memref_slice %arg5[%dma_start3A_79, %dma_start3A_80] : memref<8x6272xf32, #tpu.memory_space<vmem>> -> memref<8x1024xf32, #tpu.memory_space<vmem>>
      %dma_start3A_82 = tpu.memref_slice %arg2[%multiple_of3A_14, %multiple_of3A_78] : memref<128x100000xf32, #tpu.memory_space<hbm>> -> memref<8x1024xf32, #tpu.memory_space<hbm>>
      %dma_start3A_83 = arith.constant 0 : i32
      %dma_start3A_84 = arith.constant 2048 : i32
      %dma_start3A_85 = tpu.memref_slice %arg5[%dma_start3A_83, %dma_start3A_84] : memref<8x6272xf32, #tpu.memory_space<vmem>> -> memref<8x1024xf32, #tpu.memory_space<vmem>>
      %dma_start3A_86 = tpu.memref_slice %arg2[%multiple_of3A_14, %multiple_of3A_78] : memref<128x100000xf32, #tpu.memory_space<hbm>> -> memref<8x1024xf32, #tpu.memory_space<hbm>>
      tpu.enqueue_dma source(%dma_start3A_86 : memref<8x1024xf32, #tpu.memory_space<hbm>>) target(%dma_start3A_85 : memref<8x1024xf32, #tpu.memory_space<vmem>>) target_semaphore(%arg11 : memref<!tpu.dma_semaphore, #tpu.memory_space<semaphore_mem>>)
      %mul3A_87 = arith.constant 1024 : i32
      %mul3A_88 = arith.muli %arg1, %mul3A_87 : i32
      %add3A_89 = arith.constant 32768 : i32
      %add3A_90 = arith.addi %add3A_89, %mul3A_88 : i32
      %multiple_of3A_91 = tpu.assume_multiple %add3A_90, 128 : i32
      %dma_start3A_92 = arith.constant 2 : i32
      %dma_start3A_93 = arith.constant 0 : i32
      %dma_start3A_94 = arith.constant 0 : i32
      %dma_start3A_95 = tpu.memref_slice %arg9[%dma_start3A_92, %dma_start3A_93, %dma_start3A_94] : memref<3x8x1024xf32, #tpu.memory_space<vmem>> -> memref<1x8x1024xf32, #tpu.memory_space<vmem>>
      %dma_start3A_96 = tpu.memref_squeeze %dma_start3A_95 : memref<1x8x1024xf32, #tpu.memory_space<vmem>> -> memref<8x1024xf32, #tpu.memory_space<vmem>>
      %dma_start3A_97 = tpu.memref_slice %arg3[%multiple_of3A_14, %multiple_of3A_91] : memref<128x100000xf32, #tpu.memory_space<hbm>> -> memref<8x1024xf32, #tpu.memory_space<hbm>>
      %dma_start3A_98 = arith.constant 0 : i32
      %dma_start3A_99 = arith.constant 0 : i32
      %dma_start3A_100 = tpu.memref_slice %arg9[%dma_start3A_92, %dma_start3A_98, %dma_start3A_99] : memref<3x8x1024xf32, #tpu.memory_space<vmem>> -> memref<1x8x1024xf32, #tpu.memory_space<vmem>>
      %dma_start3A_101 = tpu.memref_squeeze %dma_start3A_100 : memref<1x8x1024xf32, #tpu.memory_space<vmem>> -> memref<8x1024xf32, #tpu.memory_space<vmem>>
      %dma_start3A_102 = tpu.memref_slice %arg3[%multiple_of3A_14, %multiple_of3A_91] : memref<128x100000xf32, #tpu.memory_space<hbm>> -> memref<8x1024xf32, #tpu.memory_space<hbm>>
      tpu.enqueue_dma source(%dma_start3A_102 : memref<8x1024xf32, #tpu.memory_space<hbm>>) target(%dma_start3A_101 : memref<8x1024xf32, #tpu.memory_space<vmem>>) target_semaphore(%arg12 : memref<!tpu.dma_semaphore, #tpu.memory_space<semaphore_mem>>)
      %dma_wait3A = arith.constant 0 : i32
      %dma_wait3A_103 = arith.constant 0 : i32
      %dma_wait3A_104 = tpu.memref_slice %arg5[%dma_wait3A, %dma_wait3A_103] : memref<8x6272xf32, #tpu.memory_space<vmem>> -> memref<8x1024xf32, #tpu.memory_space<vmem>>
      %dma_wait3A_105 = tpu.memref_slice %arg2[%multiple_of3A_14, %multiple_of3A_19] : memref<128x100000xf32, #tpu.memory_space<hbm>> -> memref<8x1024xf32, #tpu.memory_space<hbm>>
      %dma_wait3A_106 = arith.constant 0 : i32
      %dma_wait3A_107 = arith.constant 0 : i32
      %dma_wait3A_108 = tpu.memref_slice %arg5[%dma_wait3A_106, %dma_wait3A_107] : memref<8x6272xf32, #tpu.memory_space<vmem>> -> memref<8x1024xf32, #tpu.memory_space<vmem>>
      %dma_wait3A_109 = tpu.memref_slice %arg2[%multiple_of3A_14, %multiple_of3A_19] : memref<128x100000xf32, #tpu.memory_space<hbm>> -> memref<8x1024xf32, #tpu.memory_space<hbm>>
      tpu.wait_dma2 semaphore(%arg11 : memref<!tpu.dma_semaphore, #tpu.memory_space<semaphore_mem>>) src(%dma_wait3A_109 : memref<8x1024xf32, #tpu.memory_space<hbm>>) dst(%dma_wait3A_108 : memref<8x1024xf32, #tpu.memory_space<vmem>>)
      %dma_wait3A_110 = arith.constant 0 : i32
      %dma_wait3A_111 = arith.constant 0 : i32
      %dma_wait3A_112 = arith.constant 0 : i32
      %dma_wait3A_113 = tpu.memref_slice %arg9[%dma_wait3A_110, %dma_wait3A_111, %dma_wait3A_112] : memref<3x8x1024xf32, #tpu.memory_space<vmem>> -> memref<1x8x1024xf32, #tpu.memory_space<vmem>>
      %dma_wait3A_114 = tpu.memref_squeeze %dma_wait3A_113 : memref<1x8x1024xf32, #tpu.memory_space<vmem>> -> memref<8x1024xf32, #tpu.memory_space<vmem>>
      %dma_wait3A_115 = tpu.memref_slice %arg3[%multiple_of3A_14, %multiple_of3A_31] : memref<128x100000xf32, #tpu.memory_space<hbm>> -> memref<8x1024xf32, #tpu.memory_space<hbm>>
      %dma_wait3A_116 = arith.constant 0 : i32
      %dma_wait3A_117 = arith.constant 0 : i32
      %dma_wait3A_118 = tpu.memref_slice %arg9[%dma_wait3A_110, %dma_wait3A_116, %dma_wait3A_117] : memref<3x8x1024xf32, #tpu.memory_space<vmem>> -> memref<1x8x1024xf32, #tpu.memory_space<vmem>>
      %dma_wait3A_119 = tpu.memref_squeeze %dma_wait3A_118 : memref<1x8x1024xf32, #tpu.memory_space<vmem>> -> memref<8x1024xf32, #tpu.memory_space<vmem>>
      %dma_wait3A_120 = tpu.memref_slice %arg3[%multiple_of3A_14, %multiple_of3A_31] : memref<128x100000xf32, #tpu.memory_space<hbm>> -> memref<8x1024xf32, #tpu.memory_space<hbm>>
      tpu.wait_dma2 semaphore(%arg12 : memref<!tpu.dma_semaphore, #tpu.memory_space<semaphore_mem>>) src(%dma_wait3A_120 : memref<8x1024xf32, #tpu.memory_space<hbm>>) dst(%dma_wait3A_119 : memref<8x1024xf32, #tpu.memory_space<vmem>>)
      %scan3A_121 = arith.constant 0 : i32
      %scan3A_122 = arith.constant 64 : i32
      %scan3A_123 = arith.addi %scan3A_121, %scan3A_122 : i32
      %scan3A_124 = arith.constant 1 : i32
      %scan3A_125:8 = scf.for %scan3A_1563 = %scan3A_121 to %scan3A_123 step %scan3A_124 iter_args(%scan3A_1564 = %broadcast_in_dim3A_2, %scan3A_1565 = %broadcast_in_dim3A_2, %scan3A_1566 = %broadcast_in_dim3A_2, %scan3A_1567 = %broadcast_in_dim3A_2, %scan3A_1568 = %broadcast_in_dim3A_2, %scan3A_1569 = %broadcast_in_dim3A_2, %scan3A_1570 = %broadcast_in_dim3A_2, %scan3A_1571 = %broadcast_in_dim3A_2) -> (vector<16xf32>, vector<16xf32>, vector<16xf32>, vector<16xf32>, vector<16xf32>, vector<16xf32>, vector<16xf32>, vector<16xf32>)  : i32 {
        %mul3A_1572 = arith.constant 16 : i32
        %mul3A_1573 = arith.muli %scan3A_1563, %mul3A_1572 : i32
        %add3A_1574 = arith.constant 0 : i32
        %add3A_1575 = arith.addi %add3A_1574, %mul3A_1573 : i32
        %get3A_1576 = arith.constant 0 : i32
        %get3A_1577 = arith.index_cast %get3A_1576 : i32 to index
        %get3A_1578 = arith.index_cast %add3A_1575 : i32 to index
        %get3A_1579 = tpu.vector_load %arg5[%get3A_1577, %get3A_1578] {strides = array<i32>} : memref<8x6272xf32, #tpu.memory_space<vmem>>, vector<1x16xf32>,
        %get3A_1580 = vector.shape_cast %get3A_1579 : vector<1x16xf32> to vector<16xf32>
        %mul3A_1581 = arith.constant 16 : i32
        %mul3A_1582 = arith.muli %scan3A_1563, %mul3A_1581 : i32
        %get3A_1583 = arith.constant 0 : i32
        %get3A_1584 = arith.constant 0 : i32
        %get3A_1585 = arith.index_cast %get3A_1583 : i32 to index
        %get3A_1586 = arith.index_cast %get3A_1584 : i32 to index
        %get3A_1587 = arith.index_cast %mul3A_1582 : i32 to index
        %get3A_1588 = tpu.vector_load %arg9[%get3A_1585, %get3A_1586, %get3A_1587] {strides = array<i32>} : memref<3x8x1024xf32, #tpu.memory_space<vmem>>, vector<1x1x16xf32>,
        %get3A_1589 = vector.shape_cast %get3A_1588 : vector<1x1x16xf32> to vector<16xf32>
        %add3A_1590 = arith.addf %get3A_1580, %get3A_1589 : vector<16xf32>
        %exp3A = math.exp %add3A_1590 : vector<16xf32>
        %mul3A_1591 = arith.constant 16 : i32
        %mul3A_1592 = arith.muli %scan3A_1563, %mul3A_1591 : i32
        %add3A_1593 = arith.constant 0 : i32
        %add3A_1594 = arith.addi %add3A_1593, %mul3A_1592 : i32
        %swap3A_1595 = arith.constant 0 : i32
        %swap3A_1596 = arith.index_cast %swap3A_1595 : i32 to index
        %swap3A_1597 = arith.index_cast %add3A_1594 : i32 to index
        %swap3A_1598 = tpu.vector_load %arg5[%swap3A_1596, %swap3A_1597] {strides = array<i32>} : memref<8x6272xf32, #tpu.memory_space<vmem>>, vector<1x16xf32>,
        %swap3A_1599 = vector.shape_cast %swap3A_1598 : vector<1x16xf32> to vector<16xf32>
        %swap3A_1600 = vector.shape_cast %exp3A : vector<16xf32> to vector<1x16xf32>
        tpu.vector_store %arg5[%swap3A_1596, %swap3A_1597], %swap3A_1600 {strides = array<i32>} : memref<8x6272xf32, #tpu.memory_space<vmem>>, vector<1x16xf32>,
        %add3A_1601 = arith.addf %scan3A_1564, %exp3A : vector<16xf32>
        %mul3A_1602 = arith.constant 16 : i32
        %mul3A_1603 = arith.muli %scan3A_1563, %mul3A_1602 : i32
        %add3A_1604 = arith.constant 0 : i32
        %add3A_1605 = arith.addi %add3A_1604, %mul3A_1603 : i32
        %get3A_1606 = arith.constant 1 : i32
        %get3A_1607 = arith.index_cast %get3A_1606 : i32 to index
        %get3A_1608 = arith.index_cast %add3A_1605 : i32 to index
        %get3A_1609 = tpu.vector_load %arg5[%get3A_1607, %get3A_1608] {strides = array<i32>} : memref<8x6272xf32, #tpu.memory_space<vmem>>, vector<1x16xf32>,
        %get3A_1610 = vector.shape_cast %get3A_1609 : vector<1x16xf32> to vector<16xf32>
        %mul3A_1611 = arith.constant 16 : i32
        %mul3A_1612 = arith.muli %scan3A_1563, %mul3A_1611 : i32
        %get3A_1613 = arith.constant 0 : i32
        %get3A_1614 = arith.constant 1 : i32
        %get3A_1615 = arith.index_cast %get3A_1613 : i32 to index
        %get3A_1616 = arith.index_cast %get3A_1614 : i32 to index
        %get3A_1617 = arith.index_cast %mul3A_1612 : i32 to index
        %get3A_1618 = tpu.vector_load %arg9[%get3A_1615, %get3A_1616, %get3A_1617] {strides = array<i32>} : memref<3x8x1024xf32, #tpu.memory_space<vmem>>, vector<1x1x16xf32>,
        %get3A_1619 = vector.shape_cast %get3A_1618 : vector<1x1x16xf32> to vector<16xf32>
        %add3A_1620 = arith.addf %get3A_1610, %get3A_1619 : vector<16xf32>
        %exp3A_1621 = math.exp %add3A_1620 : vector<16xf32>
        %mul3A_1622 = arith.constant 16 : i32
        %mul3A_1623 = arith.muli %scan3A_1563, %mul3A_1622 : i32
        %add3A_1624 = arith.constant 0 : i32
        %add3A_1625 = arith.addi %add3A_1624, %mul3A_1623 : i32
        %swap3A_1626 = arith.constant 1 : i32
        %swap3A_1627 = arith.index_cast %swap3A_1626 : i32 to index
        %swap3A_1628 = arith.index_cast %add3A_1625 : i32 to index
        %swap3A_1629 = tpu.vector_load %arg5[%swap3A_1627, %swap3A_1628] {strides = array<i32>} : memref<8x6272xf32, #tpu.memory_space<vmem>>, vector<1x16xf32>,
        %swap3A_1630 = vector.shape_cast %swap3A_1629 : vector<1x16xf32> to vector<16xf32>
        %swap3A_1631 = vector.shape_cast %exp3A_1621 : vector<16xf32> to vector<1x16xf32>
        tpu.vector_store %arg5[%swap3A_1627, %swap3A_1628], %swap3A_1631 {strides = array<i32>} : memref<8x6272xf32, #tpu.memory_space<vmem>>, vector<1x16xf32>,
        %add3A_1632 = arith.addf %scan3A_1565, %exp3A_1621 : vector<16xf32>
        %mul3A_1633 = arith.constant 16 : i32
        %mul3A_1634 = arith.muli %scan3A_1563, %mul3A_1633 : i32
        %add3A_1635 = arith.constant 0 : i32
        %add3A_1636 = arith.addi %add3A_1635, %mul3A_1634 : i32
        %get3A_1637 = arith.constant 2 : i32
        %get3A_1638 = arith.index_cast %get3A_1637 : i32 to index
        %get3A_1639 = arith.index_cast %add3A_1636 : i32 to index
        %get3A_1640 = tpu.vector_load %arg5[%get3A_1638, %get3A_1639] {strides = array<i32>} : memref<8x6272xf32, #tpu.memory_space<vmem>>, vector<1x16xf32>,
        %get3A_1641 = vector.shape_cast %get3A_1640 : vector<1x16xf32> to vector<16xf32>
        %mul3A_1642 = arith.constant 16 : i32
        %mul3A_1643 = arith.muli %scan3A_1563, %mul3A_1642 : i32
        %get3A_1644 = arith.constant 0 : i32
        %get3A_1645 = arith.constant 2 : i32
        %get3A_1646 = arith.index_cast %get3A_1644 : i32 to index
        %get3A_1647 = arith.index_cast %get3A_1645 : i32 to index
        %get3A_1648 = arith.index_cast %mul3A_1643 : i32 to index
        %get3A_1649 = tpu.vector_load %arg9[%get3A_1646, %get3A_1647, %get3A_1648] {strides = array<i32>} : memref<3x8x1024xf32, #tpu.memory_space<vmem>>, vector<1x1x16xf32>,
        %get3A_1650 = vector.shape_cast %get3A_1649 : vector<1x1x16xf32> to vector<16xf32>
        %add3A_1651 = arith.addf %get3A_1641, %get3A_1650 : vector<16xf32>
        %exp3A_1652 = math.exp %add3A_1651 : vector<16xf32>
        %mul3A_1653 = arith.constant 16 : i32
        %mul3A_1654 = arith.muli %scan3A_1563, %mul3A_1653 : i32
        %add3A_1655 = arith.constant 0 : i32
        %add3A_1656 = arith.addi %add3A_1655, %mul3A_1654 : i32
        %swap3A_1657 = arith.constant 2 : i32
        %swap3A_1658 = arith.index_cast %swap3A_1657 : i32 to index
        %swap3A_1659 = arith.index_cast %add3A_1656 : i32 to index
        %swap3A_1660 = tpu.vector_load %arg5[%swap3A_1658, %swap3A_1659] {strides = array<i32>} : memref<8x6272xf32, #tpu.memory_space<vmem>>, vector<1x16xf32>,
        %swap3A_1661 = vector.shape_cast %swap3A_1660 : vector<1x16xf32> to vector<16xf32>
        %swap3A_1662 = vector.shape_cast %exp3A_1652 : vector<16xf32> to vector<1x16xf32>
        tpu.vector_store %arg5[%swap3A_1658, %swap3A_1659], %swap3A_1662 {strides = array<i32>} : memref<8x6272xf32, #tpu.memory_space<vmem>>, vector<1x16xf32>,
        %add3A_1663 = arith.addf %scan3A_1566, %exp3A_1652 : vector<16xf32>
        %mul3A_1664 = arith.constant 16 : i32
        %mul3A_1665 = arith.muli %scan3A_1563, %mul3A_1664 : i32
        %add3A_1666 = arith.constant 0 : i32
        %add3A_1667 = arith.addi %add3A_1666, %mul3A_1665 : i32
        %get3A_1668 = arith.constant 3 : i32
        %get3A_1669 = arith.index_cast %get3A_1668 : i32 to index
        %get3A_1670 = arith.index_cast %add3A_1667 : i32 to index
        %get3A_1671 = tpu.vector_load %arg5[%get3A_1669, %get3A_1670] {strides = array<i32>} : memref<8x6272xf32, #tpu.memory_space<vmem>>, vector<1x16xf32>,
        %get3A_1672 = vector.shape_cast %get3A_1671 : vector<1x16xf32> to vector<16xf32>
        %mul3A_1673 = arith.constant 16 : i32
        %mul3A_1674 = arith.muli %scan3A_1563, %mul3A_1673 : i32
        %get3A_1675 = arith.constant 0 : i32
        %get3A_1676 = arith.constant 3 : i32
        %get3A_1677 = arith.index_cast %get3A_1675 : i32 to index
        %get3A_1678 = arith.index_cast %get3A_1676 : i32 to index
        %get3A_1679 = arith.index_cast %mul3A_1674 : i32 to index
        %get3A_1680 = tpu.vector_load %arg9[%get3A_1677, %get3A_1678, %get3A_1679] {strides = array<i32>} : memref<3x8x1024xf32, #tpu.memory_space<vmem>>, vector<1x1x16xf32>,
        %get3A_1681 = vector.shape_cast %get3A_1680 : vector<1x1x16xf32> to vector<16xf32>
        %add3A_1682 = arith.addf %get3A_1672, %get3A_1681 : vector<16xf32>
        %exp3A_1683 = math.exp %add3A_1682 : vector<16xf32>
        %mul3A_1684 = arith.constant 16 : i32
        %mul3A_1685 = arith.muli %scan3A_1563, %mul3A_1684 : i32
        %add3A_1686 = arith.constant 0 : i32
        %add3A_1687 = arith.addi %add3A_1686, %mul3A_1685 : i32
        %swap3A_1688 = arith.constant 3 : i32
        %swap3A_1689 = arith.index_cast %swap3A_1688 : i32 to index
        %swap3A_1690 = arith.index_cast %add3A_1687 : i32 to index
        %swap3A_1691 = tpu.vector_load %arg5[%swap3A_1689, %swap3A_1690] {strides = array<i32>} : memref<8x6272xf32, #tpu.memory_space<vmem>>, vector<1x16xf32>,
        %swap3A_1692 = vector.shape_cast %swap3A_1691 : vector<1x16xf32> to vector<16xf32>
        %swap3A_1693 = vector.shape_cast %exp3A_1683 : vector<16xf32> to vector<1x16xf32>
        tpu.vector_store %arg5[%swap3A_1689, %swap3A_1690], %swap3A_1693 {strides = array<i32>} : memref<8x6272xf32, #tpu.memory_space<vmem>>, vector<1x16xf32>,
        %add3A_1694 = arith.addf %scan3A_1567, %exp3A_1683 : vector<16xf32>
        %mul3A_1695 = arith.constant 16 : i32
        %mul3A_1696 = arith.muli %scan3A_1563, %mul3A_1695 : i32
        %add3A_1697 = arith.constant 0 : i32
        %add3A_1698 = arith.addi %add3A_1697, %mul3A_1696 : i32
        %get3A_1699 = arith.constant 4 : i32
        %get3A_1700 = arith.index_cast %get3A_1699 : i32 to index
        %get3A_1701 = arith.index_cast %add3A_1698 : i32 to index
        %get3A_1702 = tpu.vector_load %arg5[%get3A_1700, %get3A_1701] {strides = array<i32>} : memref<8x6272xf32, #tpu.memory_space<vmem>>, vector<1x16xf32>,
        %get3A_1703 = vector.shape_cast %get3A_1702 : vector<1x16xf32> to vector<16xf32>
        %mul3A_1704 = arith.constant 16 : i32
        %mul3A_1705 = arith.muli %scan3A_1563, %mul3A_1704 : i32
        %get3A_1706 = arith.constant 0 : i32
        %get3A_1707 = arith.constant 4 : i32
        %get3A_1708 = arith.index_cast %get3A_1706 : i32 to index
        %get3A_1709 = arith.index_cast %get3A_1707 : i32 to index
        %get3A_1710 = arith.index_cast %mul3A_1705 : i32 to index
        %get3A_1711 = tpu.vector_load %arg9[%get3A_1708, %get3A_1709, %get3A_1710] {strides = array<i32>} : memref<3x8x1024xf32, #tpu.memory_space<vmem>>, vector<1x1x16xf32>,
        %get3A_1712 = vector.shape_cast %get3A_1711 : vector<1x1x16xf32> to vector<16xf32>
        %add3A_1713 = arith.addf %get3A_1703, %get3A_1712 : vector<16xf32>
        %exp3A_1714 = math.exp %add3A_1713 : vector<16xf32>
        %mul3A_1715 = arith.constant 16 : i32
        %mul3A_1716 = arith.muli %scan3A_1563, %mul3A_1715 : i32
        %add3A_1717 = arith.constant 0 : i32
        %add3A_1718 = arith.addi %add3A_1717, %mul3A_1716 : i32
        %swap3A_1719 = arith.constant 4 : i32
        %swap3A_1720 = arith.index_cast %swap3A_1719 : i32 to index
        %swap3A_1721 = arith.index_cast %add3A_1718 : i32 to index
        %swap3A_1722 = tpu.vector_load %arg5[%swap3A_1720, %swap3A_1721] {strides = array<i32>} : memref<8x6272xf32, #tpu.memory_space<vmem>>, vector<1x16xf32>,
        %swap3A_1723 = vector.shape_cast %swap3A_1722 : vector<1x16xf32> to vector<16xf32>
        %swap3A_1724 = vector.shape_cast %exp3A_1714 : vector<16xf32> to vector<1x16xf32>
        tpu.vector_store %arg5[%swap3A_1720, %swap3A_1721], %swap3A_1724 {strides = array<i32>} : memref<8x6272xf32, #tpu.memory_space<vmem>>, vector<1x16xf32>,
        %add3A_1725 = arith.addf %scan3A_1568, %exp3A_1714 : vector<16xf32>
        %mul3A_1726 = arith.constant 16 : i32
        %mul3A_1727 = arith.muli %scan3A_1563, %mul3A_1726 : i32
        %add3A_1728 = arith.constant 0 : i32
        %add3A_1729 = arith.addi %add3A_1728, %mul3A_1727 : i32
        %get3A_1730 = arith.constant 5 : i32
        %get3A_1731 = arith.index_cast %get3A_1730 : i32 to index
        %get3A_1732 = arith.index_cast %add3A_1729 : i32 to index
        %get3A_1733 = tpu.vector_load %arg5[%get3A_1731, %get3A_1732] {strides = array<i32>} : memref<8x6272xf32, #tpu.memory_space<vmem>>, vector<1x16xf32>,
        %get3A_1734 = vector.shape_cast %get3A_1733 : vector<1x16xf32> to vector<16xf32>
        %mul3A_1735 = arith.constant 16 : i32
        %mul3A_1736 = arith.muli %scan3A_1563, %mul3A_1735 : i32
        %get3A_1737 = arith.constant 0 : i32
        %get3A_1738 = arith.constant 5 : i32
        %get3A_1739 = arith.index_cast %get3A_1737 : i32 to index
        %get3A_1740 = arith.index_cast %get3A_1738 : i32 to index
        %get3A_1741 = arith.index_cast %mul3A_1736 : i32 to index
        %get3A_1742 = tpu.vector_load %arg9[%get3A_1739, %get3A_1740, %get3A_1741] {strides = array<i32>} : memref<3x8x1024xf32, #tpu.memory_space<vmem>>, vector<1x1x16xf32>,
        %get3A_1743 = vector.shape_cast %get3A_1742 : vector<1x1x16xf32> to vector<16xf32>
        %add3A_1744 = arith.addf %get3A_1734, %get3A_1743 : vector<16xf32>
        %exp3A_1745 = math.exp %add3A_1744 : vector<16xf32>
        %mul3A_1746 = arith.constant 16 : i32
        %mul3A_1747 = arith.muli %scan3A_1563, %mul3A_1746 : i32
        %add3A_1748 = arith.constant 0 : i32
        %add3A_1749 = arith.addi %add3A_1748, %mul3A_1747 : i32
        %swap3A_1750 = arith.constant 5 : i32
        %swap3A_1751 = arith.index_cast %swap3A_1750 : i32 to index
        %swap3A_1752 = arith.index_cast %add3A_1749 : i32 to index
        %swap3A_1753 = tpu.vector_load %arg5[%swap3A_1751, %swap3A_1752] {strides = array<i32>} : memref<8x6272xf32, #tpu.memory_space<vmem>>, vector<1x16xf32>,
        %swap3A_1754 = vector.shape_cast %swap3A_1753 : vector<1x16xf32> to vector<16xf32>
        %swap3A_1755 = vector.shape_cast %exp3A_1745 : vector<16xf32> to vector<1x16xf32>
        tpu.vector_store %arg5[%swap3A_1751, %swap3A_1752], %swap3A_1755 {strides = array<i32>} : memref<8x6272xf32, #tpu.memory_space<vmem>>, vector<1x16xf32>,
        %add3A_1756 = arith.addf %scan3A_1569, %exp3A_1745 : vector<16xf32>
        %mul3A_1757 = arith.constant 16 : i32
        %mul3A_1758 = arith.muli %scan3A_1563, %mul3A_1757 : i32
        %add3A_1759 = arith.constant 0 : i32
        %add3A_1760 = arith.addi %add3A_1759, %mul3A_1758 : i32
        %get3A_1761 = arith.constant 6 : i32
        %get3A_1762 = arith.index_cast %get3A_1761 : i32 to index
        %get3A_1763 = arith.index_cast %add3A_1760 : i32 to index
        %get3A_1764 = tpu.vector_load %arg5[%get3A_1762, %get3A_1763] {strides = array<i32>} : memref<8x6272xf32, #tpu.memory_space<vmem>>, vector<1x16xf32>,
        %get3A_1765 = vector.shape_cast %get3A_1764 : vector<1x16xf32> to vector<16xf32>
        %mul3A_1766 = arith.constant 16 : i32
        %mul3A_1767 = arith.muli %scan3A_1563, %mul3A_1766 : i32
        %get3A_1768 = arith.constant 0 : i32
        %get3A_1769 = arith.constant 6 : i32
        %get3A_1770 = arith.index_cast %get3A_1768 : i32 to index
        %get3A_1771 = arith.index_cast %get3A_1769 : i32 to index
        %get3A_1772 = arith.index_cast %mul3A_1767 : i32 to index
        %get3A_1773 = tpu.vector_load %arg9[%get3A_1770, %get3A_1771, %get3A_1772] {strides = array<i32>} : memref<3x8x1024xf32, #tpu.memory_space<vmem>>, vector<1x1x16xf32>,
        %get3A_1774 = vector.shape_cast %get3A_1773 : vector<1x1x16xf32> to vector<16xf32>
        %add3A_1775 = arith.addf %get3A_1765, %get3A_1774 : vector<16xf32>
        %exp3A_1776 = math.exp %add3A_1775 : vector<16xf32>
        %mul3A_1777 = arith.constant 16 : i32
        %mul3A_1778 = arith.muli %scan3A_1563, %mul3A_1777 : i32
        %add3A_1779 = arith.constant 0 : i32
        %add3A_1780 = arith.addi %add3A_1779, %mul3A_1778 : i32
        %swap3A_1781 = arith.constant 6 : i32
        %swap3A_1782 = arith.index_cast %swap3A_1781 : i32 to index
        %swap3A_1783 = arith.index_cast %add3A_1780 : i32 to index
        %swap3A_1784 = tpu.vector_load %arg5[%swap3A_1782, %swap3A_1783] {strides = array<i32>} : memref<8x6272xf32, #tpu.memory_space<vmem>>, vector<1x16xf32>,
        %swap3A_1785 = vector.shape_cast %swap3A_1784 : vector<1x16xf32> to vector<16xf32>
        %swap3A_1786 = vector.shape_cast %exp3A_1776 : vector<16xf32> to vector<1x16xf32>
        tpu.vector_store %arg5[%swap3A_1782, %swap3A_1783], %swap3A_1786 {strides = array<i32>} : memref<8x6272xf32, #tpu.memory_space<vmem>>, vector<1x16xf32>,
        %add3A_1787 = arith.addf %scan3A_1570, %exp3A_1776 : vector<16xf32>
        %mul3A_1788 = arith.constant 16 : i32
        %mul3A_1789 = arith.muli %scan3A_1563, %mul3A_1788 : i32
        %add3A_1790 = arith.constant 0 : i32
        %add3A_1791 = arith.addi %add3A_1790, %mul3A_1789 : i32
        %get3A_1792 = arith.constant 7 : i32
        %get3A_1793 = arith.index_cast %get3A_1792 : i32 to index
        %get3A_1794 = arith.index_cast %add3A_1791 : i32 to index
        %get3A_1795 = tpu.vector_load %arg5[%get3A_1793, %get3A_1794] {strides = array<i32>} : memref<8x6272xf32, #tpu.memory_space<vmem>>, vector<1x16xf32>,
        %get3A_1796 = vector.shape_cast %get3A_1795 : vector<1x16xf32> to vector<16xf32>
        %mul3A_1797 = arith.constant 16 : i32
        %mul3A_1798 = arith.muli %scan3A_1563, %mul3A_1797 : i32
        %get3A_1799 = arith.constant 0 : i32
        %get3A_1800 = arith.constant 7 : i32
        %get3A_1801 = arith.index_cast %get3A_1799 : i32 to index
        %get3A_1802 = arith.index_cast %get3A_1800 : i32 to index
        %get3A_1803 = arith.index_cast %mul3A_1798 : i32 to index
        %get3A_1804 = tpu.vector_load %arg9[%get3A_1801, %get3A_1802, %get3A_1803] {strides = array<i32>} : memref<3x8x1024xf32, #tpu.memory_space<vmem>>, vector<1x1x16xf32>,
        %get3A_1805 = vector.shape_cast %get3A_1804 : vector<1x1x16xf32> to vector<16xf32>
        %add3A_1806 = arith.addf %get3A_1796, %get3A_1805 : vector<16xf32>
        %exp3A_1807 = math.exp %add3A_1806 : vector<16xf32>
        %mul3A_1808 = arith.constant 16 : i32
        %mul3A_1809 = arith.muli %scan3A_1563, %mul3A_1808 : i32
        %add3A_1810 = arith.constant 0 : i32
        %add3A_1811 = arith.addi %add3A_1810, %mul3A_1809 : i32
        %swap3A_1812 = arith.constant 7 : i32
        %swap3A_1813 = arith.index_cast %swap3A_1812 : i32 to index
        %swap3A_1814 = arith.index_cast %add3A_1811 : i32 to index
        %swap3A_1815 = tpu.vector_load %arg5[%swap3A_1813, %swap3A_1814] {strides = array<i32>} : memref<8x6272xf32, #tpu.memory_space<vmem>>, vector<1x16xf32>,
        %swap3A_1816 = vector.shape_cast %swap3A_1815 : vector<1x16xf32> to vector<16xf32>
        %swap3A_1817 = vector.shape_cast %exp3A_1807 : vector<16xf32> to vector<1x16xf32>
        tpu.vector_store %arg5[%swap3A_1813, %swap3A_1814], %swap3A_1817 {strides = array<i32>} : memref<8x6272xf32, #tpu.memory_space<vmem>>, vector<1x16xf32>,
        %add3A_1818 = arith.addf %scan3A_1571, %exp3A_1807 : vector<16xf32>
        scf.yield %add3A_1601, %add3A_1632, %add3A_1663, %add3A_1694, %add3A_1725, %add3A_1756, %add3A_1787, %add3A_1818 : vector<16xf32>, vector<16xf32>, vector<16xf32>, vector<16xf32>, vector<16xf32>, vector<16xf32>, vector<16xf32>, vector<16xf32>
      }
      %scan3A_126 = arith.constant 64 : i32
      %mul3A_127 = arith.constant 1024 : i32
      %mul3A_128 = arith.muli %arg1, %mul3A_127 : i32
      %add3A_129 = arith.constant 49152 : i32
      %add3A_130 = arith.addi %add3A_129, %mul3A_128 : i32
      %multiple_of3A_131 = tpu.assume_multiple %add3A_130, 128 : i32
      %dma_start3A_132 = arith.constant 0 : i32
      %dma_start3A_133 = arith.constant 3072 : i32
      %dma_start3A_134 = tpu.memref_slice %arg5[%dma_start3A_132, %dma_start3A_133] : memref<8x6272xf32, #tpu.memory_space<vmem>> -> memref<8x1024xf32, #tpu.memory_space<vmem>>
      %dma_start3A_135 = tpu.memref_slice %arg2[%multiple_of3A_14, %multiple_of3A_131] : memref<128x100000xf32, #tpu.memory_space<hbm>> -> memref<8x1024xf32, #tpu.memory_space<hbm>>
      %dma_start3A_136 = arith.constant 0 : i32
      %dma_start3A_137 = arith.constant 3072 : i32
      %dma_start3A_138 = tpu.memref_slice %arg5[%dma_start3A_136, %dma_start3A_137] : memref<8x6272xf32, #tpu.memory_space<vmem>> -> memref<8x1024xf32, #tpu.memory_space<vmem>>
      %dma_start3A_139 = tpu.memref_slice %arg2[%multiple_of3A_14, %multiple_of3A_131] : memref<128x100000xf32, #tpu.memory_space<hbm>> -> memref<8x1024xf32, #tpu.memory_space<hbm>>
      tpu.enqueue_dma source(%dma_start3A_139 : memref<8x1024xf32, #tpu.memory_space<hbm>>) target(%dma_start3A_138 : memref<8x1024xf32, #tpu.memory_space<vmem>>) target_semaphore(%arg11 : memref<!tpu.dma_semaphore, #tpu.memory_space<semaphore_mem>>)
      %mul3A_140 = arith.constant 1024 : i32
      %mul3A_141 = arith.muli %arg1, %mul3A_140 : i32
      %add3A_142 = arith.constant 49152 : i32
      %add3A_143 = arith.addi %add3A_142, %mul3A_141 : i32
      %multiple_of3A_144 = tpu.assume_multiple %add3A_143, 128 : i32
      %dma_start3A_145 = arith.constant 0 : i32
      %dma_start3A_146 = arith.constant 0 : i32
      %dma_start3A_147 = arith.constant 0 : i32
      %dma_start3A_148 = tpu.memref_slice %arg9[%dma_start3A_145, %dma_start3A_146, %dma_start3A_147] : memref<3x8x1024xf32, #tpu.memory_space<vmem>> -> memref<1x8x1024xf32, #tpu.memory_space<vmem>>
      %dma_start3A_149 = tpu.memref_squeeze %dma_start3A_148 : memref<1x8x1024xf32, #tpu.memory_space<vmem>> -> memref<8x1024xf32, #tpu.memory_space<vmem>>
      %dma_start3A_150 = tpu.memref_slice %arg3[%multiple_of3A_14, %multiple_of3A_144] : memref<128x100000xf32, #tpu.memory_space<hbm>> -> memref<8x1024xf32, #tpu.memory_space<hbm>>
      %dma_start3A_151 = arith.constant 0 : i32
      %dma_start3A_152 = arith.constant 0 : i32
      %dma_start3A_153 = tpu.memref_slice %arg9[%dma_start3A_145, %dma_start3A_151, %dma_start3A_152] : memref<3x8x1024xf32, #tpu.memory_space<vmem>> -> memref<1x8x1024xf32, #tpu.memory_space<vmem>>
      %dma_start3A_154 = tpu.memref_squeeze %dma_start3A_153 : memref<1x8x1024xf32, #tpu.memory_space<vmem>> -> memref<8x1024xf32, #tpu.memory_space<vmem>>
      %dma_start3A_155 = tpu.memref_slice %arg3[%multiple_of3A_14, %multiple_of3A_144] : memref<128x100000xf32, #tpu.memory_space<hbm>> -> memref<8x1024xf32, #tpu.memory_space<hbm>>
      tpu.enqueue_dma source(%dma_start3A_155 : memref<8x1024xf32, #tpu.memory_space<hbm>>) target(%dma_start3A_154 : memref<8x1024xf32, #tpu.memory_space<vmem>>) target_semaphore(%arg12 : memref<!tpu.dma_semaphore, #tpu.memory_space<semaphore_mem>>)
      %dma_wait3A_156 = arith.constant 0 : i32
      %dma_wait3A_157 = arith.constant 1024 : i32
      %dma_wait3A_158 = tpu.memref_slice %arg5[%dma_wait3A_156, %dma_wait3A_157] : memref<8x6272xf32, #tpu.memory_space<vmem>> -> memref<8x1024xf32, #tpu.memory_space<vmem>>
      %dma_wait3A_159 = tpu.memref_slice %arg2[%multiple_of3A_14, %multiple_of3A_47] : memref<128x100000xf32, #tpu.memory_space<hbm>> -> memref<8x1024xf32, #tpu.memory_space<hbm>>
      %dma_wait3A_160 = arith.constant 0 : i32
      %dma_wait3A_161 = arith.constant 1024 : i32
      %dma_wait3A_162 = tpu.memref_slice %arg5[%dma_wait3A_160, %dma_wait3A_161] : memref<8x6272xf32, #tpu.memory_space<vmem>> -> memref<8x1024xf32, #tpu.memory_space<vmem>>
      %dma_wait3A_163 = tpu.memref_slice %arg2[%multiple_of3A_14, %multiple_of3A_47] : memref<128x100000xf32, #tpu.memory_space<hbm>> -> memref<8x1024xf32, #tpu.memory_space<hbm>>
      tpu.wait_dma2 semaphore(%arg11 : memref<!tpu.dma_semaphore, #tpu.memory_space<semaphore_mem>>) src(%dma_wait3A_163 : memref<8x1024xf32, #tpu.memory_space<hbm>>) dst(%dma_wait3A_162 : memref<8x1024xf32, #tpu.memory_space<vmem>>)
      %dma_wait3A_164 = arith.constant 1 : i32
      %dma_wait3A_165 = arith.constant 0 : i32
      %dma_wait3A_166 = arith.constant 0 : i32
      %dma_wait3A_167 = tpu.memref_slice %arg9[%dma_wait3A_164, %dma_wait3A_165, %dma_wait3A_166] : memref<3x8x1024xf32, #tpu.memory_space<vmem>> -> memref<1x8x1024xf32, #tpu.memory_space<vmem>>
      %dma_wait3A_168 = tpu.memref_squeeze %dma_wait3A_167 : memref<1x8x1024xf32, #tpu.memory_space<vmem>> -> memref<8x1024xf32, #tpu.memory_space<vmem>>
      %dma_wait3A_169 = tpu.memref_slice %arg3[%multiple_of3A_14, %multiple_of3A_60] : memref<128x100000xf32, #tpu.memory_space<hbm>> -> memref<8x1024xf32, #tpu.memory_space<hbm>>
      %dma_wait3A_170 = arith.constant 0 : i32
      %dma_wait3A_171 = arith.constant 0 : i32
      %dma_wait3A_172 = tpu.memref_slice %arg9[%dma_wait3A_164, %dma_wait3A_170, %dma_wait3A_171] : memref<3x8x1024xf32, #tpu.memory_space<vmem>> -> memref<1x8x1024xf32, #tpu.memory_space<vmem>>
      %dma_wait3A_173 = tpu.memref_squeeze %dma_wait3A_172 : memref<1x8x1024xf32, #tpu.memory_space<vmem>> -> memref<8x1024xf32, #tpu.memory_space<vmem>>
      %dma_wait3A_174 = tpu.memref_slice %arg3[%multiple_of3A_14, %multiple_of3A_60] : memref<128x100000xf32, #tpu.memory_space<hbm>> -> memref<8x1024xf32, #tpu.memory_space<hbm>>
      tpu.wait_dma2 semaphore(%arg12 : memref<!tpu.dma_semaphore, #tpu.memory_space<semaphore_mem>>) src(%dma_wait3A_174 : memref<8x1024xf32, #tpu.memory_space<hbm>>) dst(%dma_wait3A_173 : memref<8x1024xf32, #tpu.memory_space<vmem>>)
      %scan3A_175 = arith.constant 0 : i32
      %scan3A_176 = arith.constant 64 : i32
      %scan3A_177 = arith.addi %scan3A_175, %scan3A_176 : i32
      %scan3A_178 = arith.constant 1 : i32
      %scan3A_179:8 = scf.for %scan3A_1563 = %scan3A_175 to %scan3A_177 step %scan3A_178 iter_args(%scan3A_1564 = %scan3A_125#0, %scan3A_1565 = %scan3A_125#1, %scan3A_1566 = %scan3A_125#2, %scan3A_1567 = %scan3A_125#3, %scan3A_1568 = %scan3A_125#4, %scan3A_1569 = %scan3A_125#5, %scan3A_1570 = %scan3A_125#6, %scan3A_1571 = %scan3A_125#7) -> (vector<16xf32>, vector<16xf32>, vector<16xf32>, vector<16xf32>, vector<16xf32>, vector<16xf32>, vector<16xf32>, vector<16xf32>)  : i32 {
        %mul3A_1572 = arith.constant 16 : i32
        %mul3A_1573 = arith.muli %scan3A_1563, %mul3A_1572 : i32
        %add3A_1574 = arith.constant 1024 : i32
        %add3A_1575 = arith.addi %add3A_1574, %mul3A_1573 : i32
        %get3A_1576 = arith.constant 0 : i32
        %get3A_1577 = arith.index_cast %get3A_1576 : i32 to index
        %get3A_1578 = arith.index_cast %add3A_1575 : i32 to index
        %get3A_1579 = tpu.vector_load %arg5[%get3A_1577, %get3A_1578] {strides = array<i32>} : memref<8x6272xf32, #tpu.memory_space<vmem>>, vector<1x16xf32>,
        %get3A_1580 = vector.shape_cast %get3A_1579 : vector<1x16xf32> to vector<16xf32>
        %mul3A_1581 = arith.constant 16 : i32
        %mul3A_1582 = arith.muli %scan3A_1563, %mul3A_1581 : i32
        %get3A_1583 = arith.constant 1 : i32
        %get3A_1584 = arith.constant 0 : i32
        %get3A_1585 = arith.index_cast %get3A_1583 : i32 to index
        %get3A_1586 = arith.index_cast %get3A_1584 : i32 to index
        %get3A_1587 = arith.index_cast %mul3A_1582 : i32 to index
        %get3A_1588 = tpu.vector_load %arg9[%get3A_1585, %get3A_1586, %get3A_1587] {strides = array<i32>} : memref<3x8x1024xf32, #tpu.memory_space<vmem>>, vector<1x1x16xf32>,
        %get3A_1589 = vector.shape_cast %get3A_1588 : vector<1x1x16xf32> to vector<16xf32>
        %add3A_1590 = arith.addf %get3A_1580, %get3A_1589 : vector<16xf32>
        %exp3A = math.exp %add3A_1590 : vector<16xf32>
        %mul3A_1591 = arith.constant 16 : i32
        %mul3A_1592 = arith.muli %scan3A_1563, %mul3A_1591 : i32
        %add3A_1593 = arith.constant 1024 : i32
        %add3A_1594 = arith.addi %add3A_1593, %mul3A_1592 : i32
        %swap3A_1595 = arith.constant 0 : i32
        %swap3A_1596 = arith.index_cast %swap3A_1595 : i32 to index
        %swap3A_1597 = arith.index_cast %add3A_1594 : i32 to index
        %swap3A_1598 = tpu.vector_load %arg5[%swap3A_1596, %swap3A_1597] {strides = array<i32>} : memref<8x6272xf32, #tpu.memory_space<vmem>>, vector<1x16xf32>,
        %swap3A_1599 = vector.shape_cast %swap3A_1598 : vector<1x16xf32> to vector<16xf32>
        %swap3A_1600 = vector.shape_cast %exp3A : vector<16xf32> to vector<1x16xf32>
        tpu.vector_store %arg5[%swap3A_1596, %swap3A_1597], %swap3A_1600 {strides = array<i32>} : memref<8x6272xf32, #tpu.memory_space<vmem>>, vector<1x16xf32>,
        %add3A_1601 = arith.addf %scan3A_1564, %exp3A : vector<16xf32>
        %mul3A_1602 = arith.constant 16 : i32
        %mul3A_1603 = arith.muli %scan3A_1563, %mul3A_1602 : i32
        %add3A_1604 = arith.constant 1024 : i32
        %add3A_1605 = arith.addi %add3A_1604, %mul3A_1603 : i32
        %get3A_1606 = arith.constant 1 : i32
        %get3A_1607 = arith.index_cast %get3A_1606 : i32 to index
        %get3A_1608 = arith.index_cast %add3A_1605 : i32 to index
        %get3A_1609 = tpu.vector_load %arg5[%get3A_1607, %get3A_1608] {strides = array<i32>} : memref<8x6272xf32, #tpu.memory_space<vmem>>, vector<1x16xf32>,
        %get3A_1610 = vector.shape_cast %get3A_1609 : vector<1x16xf32> to vector<16xf32>
        %mul3A_1611 = arith.constant 16 : i32
        %mul3A_1612 = arith.muli %scan3A_1563, %mul3A_1611 : i32
        %get3A_1613 = arith.constant 1 : i32
        %get3A_1614 = arith.constant 1 : i32
        %get3A_1615 = arith.index_cast %get3A_1613 : i32 to index
        %get3A_1616 = arith.index_cast %get3A_1614 : i32 to index
        %get3A_1617 = arith.index_cast %mul3A_1612 : i32 to index
        %get3A_1618 = tpu.vector_load %arg9[%get3A_1615, %get3A_1616, %get3A_1617] {strides = array<i32>} : memref<3x8x1024xf32, #tpu.memory_space<vmem>>, vector<1x1x16xf32>,
        %get3A_1619 = vector.shape_cast %get3A_1618 : vector<1x1x16xf32> to vector<16xf32>
        %add3A_1620 = arith.addf %get3A_1610, %get3A_1619 : vector<16xf32>
        %exp3A_1621 = math.exp %add3A_1620 : vector<16xf32>
        %mul3A_1622 = arith.constant 16 : i32
        %mul3A_1623 = arith.muli %scan3A_1563, %mul3A_1622 : i32
        %add3A_1624 = arith.constant 1024 : i32
        %add3A_1625 = arith.addi %add3A_1624, %mul3A_1623 : i32
        %swap3A_1626 = arith.constant 1 : i32
        %swap3A_1627 = arith.index_cast %swap3A_1626 : i32 to index
        %swap3A_1628 = arith.index_cast %add3A_1625 : i32 to index
        %swap3A_1629 = tpu.vector_load %arg5[%swap3A_1627, %swap3A_1628] {strides = array<i32>} : memref<8x6272xf32, #tpu.memory_space<vmem>>, vector<1x16xf32>,
        %swap3A_1630 = vector.shape_cast %swap3A_1629 : vector<1x16xf32> to vector<16xf32>
        %swap3A_1631 = vector.shape_cast %exp3A_1621 : vector<16xf32> to vector<1x16xf32>
        tpu.vector_store %arg5[%swap3A_1627, %swap3A_1628], %swap3A_1631 {strides = array<i32>} : memref<8x6272xf32, #tpu.memory_space<vmem>>, vector<1x16xf32>,
        %add3A_1632 = arith.addf %scan3A_1565, %exp3A_1621 : vector<16xf32>
        %mul3A_1633 = arith.constant 16 : i32
        %mul3A_1634 = arith.muli %scan3A_1563, %mul3A_1633 : i32
        %add3A_1635 = arith.constant 1024 : i32
        %add3A_1636 = arith.addi %add3A_1635, %mul3A_1634 : i32
        %get3A_1637 = arith.constant 2 : i32
        %get3A_1638 = arith.index_cast %get3A_1637 : i32 to index
        %get3A_1639 = arith.index_cast %add3A_1636 : i32 to index
        %get3A_1640 = tpu.vector_load %arg5[%get3A_1638, %get3A_1639] {strides = array<i32>} : memref<8x6272xf32, #tpu.memory_space<vmem>>, vector<1x16xf32>,
        %get3A_1641 = vector.shape_cast %get3A_1640 : vector<1x16xf32> to vector<16xf32>
        %mul3A_1642 = arith.constant 16 : i32
        %mul3A_1643 = arith.muli %scan3A_1563, %mul3A_1642 : i32
        %get3A_1644 = arith.constant 1 : i32
        %get3A_1645 = arith.constant 2 : i32
        %get3A_1646 = arith.index_cast %get3A_1644 : i32 to index
        %get3A_1647 = arith.index_cast %get3A_1645 : i32 to index
        %get3A_1648 = arith.index_cast %mul3A_1643 : i32 to index
        %get3A_1649 = tpu.vector_load %arg9[%get3A_1646, %get3A_1647, %get3A_1648] {strides = array<i32>} : memref<3x8x1024xf32, #tpu.memory_space<vmem>>, vector<1x1x16xf32>,
        %get3A_1650 = vector.shape_cast %get3A_1649 : vector<1x1x16xf32> to vector<16xf32>
        %add3A_1651 = arith.addf %get3A_1641, %get3A_1650 : vector<16xf32>
        %exp3A_1652 = math.exp %add3A_1651 : vector<16xf32>
        %mul3A_1653 = arith.constant 16 : i32
        %mul3A_1654 = arith.muli %scan3A_1563, %mul3A_1653 : i32
        %add3A_1655 = arith.constant 1024 : i32
        %add3A_1656 = arith.addi %add3A_1655, %mul3A_1654 : i32
        %swap3A_1657 = arith.constant 2 : i32
        %swap3A_1658 = arith.index_cast %swap3A_1657 : i32 to index
        %swap3A_1659 = arith.index_cast %add3A_1656 : i32 to index
        %swap3A_1660 = tpu.vector_load %arg5[%swap3A_1658, %swap3A_1659] {strides = array<i32>} : memref<8x6272xf32, #tpu.memory_space<vmem>>, vector<1x16xf32>,
        %swap3A_1661 = vector.shape_cast %swap3A_1660 : vector<1x16xf32> to vector<16xf32>
        %swap3A_1662 = vector.shape_cast %exp3A_1652 : vector<16xf32> to vector<1x16xf32>
        tpu.vector_store %arg5[%swap3A_1658, %swap3A_1659], %swap3A_1662 {strides = array<i32>} : memref<8x6272xf32, #tpu.memory_space<vmem>>, vector<1x16xf32>,
        %add3A_1663 = arith.addf %scan3A_1566, %exp3A_1652 : vector<16xf32>
        %mul3A_1664 = arith.constant 16 : i32
        %mul3A_1665 = arith.muli %scan3A_1563, %mul3A_1664 : i32
        %add3A_1666 = arith.constant 1024 : i32
        %add3A_1667 = arith.addi %add3A_1666, %mul3A_1665 : i32
        %get3A_1668 = arith.constant 3 : i32
        %get3A_1669 = arith.index_cast %get3A_1668 : i32 to index
        %get3A_1670 = arith.index_cast %add3A_1667 : i32 to index
        %get3A_1671 = tpu.vector_load %arg5[%get3A_1669, %get3A_1670] {strides = array<i32>} : memref<8x6272xf32, #tpu.memory_space<vmem>>, vector<1x16xf32>,
        %get3A_1672 = vector.shape_cast %get3A_1671 : vector<1x16xf32> to vector<16xf32>
        %mul3A_1673 = arith.constant 16 : i32
        %mul3A_1674 = arith.muli %scan3A_1563, %mul3A_1673 : i32
        %get3A_1675 = arith.constant 1 : i32
        %get3A_1676 = arith.constant 3 : i32
        %get3A_1677 = arith.index_cast %get3A_1675 : i32 to index
        %get3A_1678 = arith.index_cast %get3A_1676 : i32 to index
        %get3A_1679 = arith.index_cast %mul3A_1674 : i32 to index
        %get3A_1680 = tpu.vector_load %arg9[%get3A_1677, %get3A_1678, %get3A_1679] {strides = array<i32>} : memref<3x8x1024xf32, #tpu.memory_space<vmem>>, vector<1x1x16xf32>,
        %get3A_1681 = vector.shape_cast %get3A_1680 : vector<1x1x16xf32> to vector<16xf32>
        %add3A_1682 = arith.addf %get3A_1672, %get3A_1681 : vector<16xf32>
        %exp3A_1683 = math.exp %add3A_1682 : vector<16xf32>
        %mul3A_1684 = arith.constant 16 : i32
        %mul3A_1685 = arith.muli %scan3A_1563, %mul3A_1684 : i32
        %add3A_1686 = arith.constant 1024 : i32
        %add3A_1687 = arith.addi %add3A_1686, %mul3A_1685 : i32
        %swap3A_1688 = arith.constant 3 : i32
        %swap3A_1689 = arith.index_cast %swap3A_1688 : i32 to index
        %swap3A_1690 = arith.index_cast %add3A_1687 : i32 to index
        %swap3A_1691 = tpu.vector_load %arg5[%swap3A_1689, %swap3A_1690] {strides = array<i32>} : memref<8x6272xf32, #tpu.memory_space<vmem>>, vector<1x16xf32>,
        %swap3A_1692 = vector.shape_cast %swap3A_1691 : vector<1x16xf32> to vector<16xf32>
        %swap3A_1693 = vector.shape_cast %exp3A_1683 : vector<16xf32> to vector<1x16xf32>
        tpu.vector_store %arg5[%swap3A_1689, %swap3A_1690], %swap3A_1693 {strides = array<i32>} : memref<8x6272xf32, #tpu.memory_space<vmem>>, vector<1x16xf32>,
        %add3A_1694 = arith.addf %scan3A_1567, %exp3A_1683 : vector<16xf32>
        %mul3A_1695 = arith.constant 16 : i32
        %mul3A_1696 = arith.muli %scan3A_1563, %mul3A_1695 : i32
        %add3A_1697 = arith.constant 1024 : i32
        %add3A_1698 = arith.addi %add3A_1697, %mul3A_1696 : i32
        %get3A_1699 = arith.constant 4 : i32
        %get3A_1700 = arith.index_cast %get3A_1699 : i32 to index
        %get3A_1701 = arith.index_cast %add3A_1698 : i32 to index
        %get3A_1702 = tpu.vector_load %arg5[%get3A_1700, %get3A_1701] {strides = array<i32>} : memref<8x6272xf32, #tpu.memory_space<vmem>>, vector<1x16xf32>,
        %get3A_1703 = vector.shape_cast %get3A_1702 : vector<1x16xf32> to vector<16xf32>
        %mul3A_1704 = arith.constant 16 : i32
        %mul3A_1705 = arith.muli %scan3A_1563, %mul3A_1704 : i32
        %get3A_1706 = arith.constant 1 : i32
        %get3A_1707 = arith.constant 4 : i32
        %get3A_1708 = arith.index_cast %get3A_1706 : i32 to index
        %get3A_1709 = arith.index_cast %get3A_1707 : i32 to index
        %get3A_1710 = arith.index_cast %mul3A_1705 : i32 to index
        %get3A_1711 = tpu.vector_load %arg9[%get3A_1708, %get3A_1709, %get3A_1710] {strides = array<i32>} : memref<3x8x1024xf32, #tpu.memory_space<vmem>>, vector<1x1x16xf32>,
        %get3A_1712 = vector.shape_cast %get3A_1711 : vector<1x1x16xf32> to vector<16xf32>
        %add3A_1713 = arith.addf %get3A_1703, %get3A_1712 : vector<16xf32>
        %exp3A_1714 = math.exp %add3A_1713 : vector<16xf32>
        %mul3A_1715 = arith.constant 16 : i32
        %mul3A_1716 = arith.muli %scan3A_1563, %mul3A_1715 : i32
        %add3A_1717 = arith.constant 1024 : i32
        %add3A_1718 = arith.addi %add3A_1717, %mul3A_1716 : i32
        %swap3A_1719 = arith.constant 4 : i32
        %swap3A_1720 = arith.index_cast %swap3A_1719 : i32 to index
        %swap3A_1721 = arith.index_cast %add3A_1718 : i32 to index
        %swap3A_1722 = tpu.vector_load %arg5[%swap3A_1720, %swap3A_1721] {strides = array<i32>} : memref<8x6272xf32, #tpu.memory_space<vmem>>, vector<1x16xf32>,
        %swap3A_1723 = vector.shape_cast %swap3A_1722 : vector<1x16xf32> to vector<16xf32>
        %swap3A_1724 = vector.shape_cast %exp3A_1714 : vector<16xf32> to vector<1x16xf32>
        tpu.vector_store %arg5[%swap3A_1720, %swap3A_1721], %swap3A_1724 {strides = array<i32>} : memref<8x6272xf32, #tpu.memory_space<vmem>>, vector<1x16xf32>,
        %add3A_1725 = arith.addf %scan3A_1568, %exp3A_1714 : vector<16xf32>
        %mul3A_1726 = arith.constant 16 : i32
        %mul3A_1727 = arith.muli %scan3A_1563, %mul3A_1726 : i32
        %add3A_1728 = arith.constant 1024 : i32
        %add3A_1729 = arith.addi %add3A_1728, %mul3A_1727 : i32
        %get3A_1730 = arith.constant 5 : i32
        %get3A_1731 = arith.index_cast %get3A_1730 : i32 to index
        %get3A_1732 = arith.index_cast %add3A_1729 : i32 to index
        %get3A_1733 = tpu.vector_load %arg5[%get3A_1731, %get3A_1732] {strides = array<i32>} : memref<8x6272xf32, #tpu.memory_space<vmem>>, vector<1x16xf32>,
        %get3A_1734 = vector.shape_cast %get3A_1733 : vector<1x16xf32> to vector<16xf32>
        %mul3A_1735 = arith.constant 16 : i32
        %mul3A_1736 = arith.muli %scan3A_1563, %mul3A_1735 : i32
        %get3A_1737 = arith.constant 1 : i32
        %get3A_1738 = arith.constant 5 : i32
        %get3A_1739 = arith.index_cast %get3A_1737 : i32 to index
        %get3A_1740 = arith.index_cast %get3A_1738 : i32 to index
        %get3A_1741 = arith.index_cast %mul3A_1736 : i32 to index
        %get3A_1742 = tpu.vector_load %arg9[%get3A_1739, %get3A_1740, %get3A_1741] {strides = array<i32>} : memref<3x8x1024xf32, #tpu.memory_space<vmem>>, vector<1x1x16xf32>,
        %get3A_1743 = vector.shape_cast %get3A_1742 : vector<1x1x16xf32> to vector<16xf32>
        %add3A_1744 = arith.addf %get3A_1734, %get3A_1743 : vector<16xf32>
        %exp3A_1745 = math.exp %add3A_1744 : vector<16xf32>
        %mul3A_1746 = arith.constant 16 : i32
        %mul3A_1747 = arith.muli %scan3A_1563, %mul3A_1746 : i32
        %add3A_1748 = arith.constant 1024 : i32
        %add3A_1749 = arith.addi %add3A_1748, %mul3A_1747 : i32
        %swap3A_1750 = arith.constant 5 : i32
        %swap3A_1751 = arith.index_cast %swap3A_1750 : i32 to index
        %swap3A_1752 = arith.index_cast %add3A_1749 : i32 to index
        %swap3A_1753 = tpu.vector_load %arg5[%swap3A_1751, %swap3A_1752] {strides = array<i32>} : memref<8x6272xf32, #tpu.memory_space<vmem>>, vector<1x16xf32>,
        %swap3A_1754 = vector.shape_cast %swap3A_1753 : vector<1x16xf32> to vector<16xf32>
        %swap3A_1755 = vector.shape_cast %exp3A_1745 : vector<16xf32> to vector<1x16xf32>
        tpu.vector_store %arg5[%swap3A_1751, %swap3A_1752], %swap3A_1755 {strides = array<i32>} : memref<8x6272xf32, #tpu.memory_space<vmem>>, vector<1x16xf32>,
        %add3A_1756 = arith.addf %scan3A_1569, %exp3A_1745 : vector<16xf32>
        %mul3A_1757 = arith.constant 16 : i32
        %mul3A_1758 = arith.muli %scan3A_1563, %mul3A_1757 : i32
        %add3A_1759 = arith.constant 1024 : i32
        %add3A_1760 = arith.addi %add3A_1759, %mul3A_1758 : i32
        %get3A_1761 = arith.constant 6 : i32
        %get3A_1762 = arith.index_cast %get3A_1761 : i32 to index
        %get3A_1763 = arith.index_cast %add3A_1760 : i32 to index
        %get3A_1764 = tpu.vector_load %arg5[%get3A_1762, %get3A_1763] {strides = array<i32>} : memref<8x6272xf32, #tpu.memory_space<vmem>>, vector<1x16xf32>,
        %get3A_1765 = vector.shape_cast %get3A_1764 : vector<1x16xf32> to vector<16xf32>
        %mul3A_1766 = arith.constant 16 : i32
        %mul3A_1767 = arith.muli %scan3A_1563, %mul3A_1766 : i32
        %get3A_1768 = arith.constant 1 : i32
        %get3A_1769 = arith.constant 6 : i32
        %get3A_1770 = arith.index_cast %get3A_1768 : i32 to index
        %get3A_1771 = arith.index_cast %get3A_1769 : i32 to index
        %get3A_1772 = arith.index_cast %mul3A_1767 : i32 to index
        %get3A_1773 = tpu.vector_load %arg9[%get3A_1770, %get3A_1771, %get3A_1772] {strides = array<i32>} : memref<3x8x1024xf32, #tpu.memory_space<vmem>>, vector<1x1x16xf32>,
        %get3A_1774 = vector.shape_cast %get3A_1773 : vector<1x1x16xf32> to vector<16xf32>
        %add3A_1775 = arith.addf %get3A_1765, %get3A_1774 : vector<16xf32>
        %exp3A_1776 = math.exp %add3A_1775 : vector<16xf32>
        %mul3A_1777 = arith.constant 16 : i32
        %mul3A_1778 = arith.muli %scan3A_1563, %mul3A_1777 : i32
        %add3A_1779 = arith.constant 1024 : i32
        %add3A_1780 = arith.addi %add3A_1779, %mul3A_1778 : i32
        %swap3A_1781 = arith.constant 6 : i32
        %swap3A_1782 = arith.index_cast %swap3A_1781 : i32 to index
        %swap3A_1783 = arith.index_cast %add3A_1780 : i32 to index
        %swap3A_1784 = tpu.vector_load %arg5[%swap3A_1782, %swap3A_1783] {strides = array<i32>} : memref<8x6272xf32, #tpu.memory_space<vmem>>, vector<1x16xf32>,
        %swap3A_1785 = vector.shape_cast %swap3A_1784 : vector<1x16xf32> to vector<16xf32>
        %swap3A_1786 = vector.shape_cast %exp3A_1776 : vector<16xf32> to vector<1x16xf32>
        tpu.vector_store %arg5[%swap3A_1782, %swap3A_1783], %swap3A_1786 {strides = array<i32>} : memref<8x6272xf32, #tpu.memory_space<vmem>>, vector<1x16xf32>,
        %add3A_1787 = arith.addf %scan3A_1570, %exp3A_1776 : vector<16xf32>
        %mul3A_1788 = arith.constant 16 : i32
        %mul3A_1789 = arith.muli %scan3A_1563, %mul3A_1788 : i32
        %add3A_1790 = arith.constant 1024 : i32
        %add3A_1791 = arith.addi %add3A_1790, %mul3A_1789 : i32
        %get3A_1792 = arith.constant 7 : i32
        %get3A_1793 = arith.index_cast %get3A_1792 : i32 to index
        %get3A_1794 = arith.index_cast %add3A_1791 : i32 to index
        %get3A_1795 = tpu.vector_load %arg5[%get3A_1793, %get3A_1794] {strides = array<i32>} : memref<8x6272xf32, #tpu.memory_space<vmem>>, vector<1x16xf32>,
        %get3A_1796 = vector.shape_cast %get3A_1795 : vector<1x16xf32> to vector<16xf32>
        %mul3A_1797 = arith.constant 16 : i32
        %mul3A_1798 = arith.muli %scan3A_1563, %mul3A_1797 : i32
        %get3A_1799 = arith.constant 1 : i32
        %get3A_1800 = arith.constant 7 : i32
        %get3A_1801 = arith.index_cast %get3A_1799 : i32 to index
        %get3A_1802 = arith.index_cast %get3A_1800 : i32 to index
        %get3A_1803 = arith.index_cast %mul3A_1798 : i32 to index
        %get3A_1804 = tpu.vector_load %arg9[%get3A_1801, %get3A_1802, %get3A_1803] {strides = array<i32>} : memref<3x8x1024xf32, #tpu.memory_space<vmem>>, vector<1x1x16xf32>,
        %get3A_1805 = vector.shape_cast %get3A_1804 : vector<1x1x16xf32> to vector<16xf32>
        %add3A_1806 = arith.addf %get3A_1796, %get3A_1805 : vector<16xf32>
        %exp3A_1807 = math.exp %add3A_1806 : vector<16xf32>
        %mul3A_1808 = arith.constant 16 : i32
        %mul3A_1809 = arith.muli %scan3A_1563, %mul3A_1808 : i32
        %add3A_1810 = arith.constant 1024 : i32
        %add3A_1811 = arith.addi %add3A_1810, %mul3A_1809 : i32
        %swap3A_1812 = arith.constant 7 : i32
        %swap3A_1813 = arith.index_cast %swap3A_1812 : i32 to index
        %swap3A_1814 = arith.index_cast %add3A_1811 : i32 to index
        %swap3A_1815 = tpu.vector_load %arg5[%swap3A_1813, %swap3A_1814] {strides = array<i32>} : memref<8x6272xf32, #tpu.memory_space<vmem>>, vector<1x16xf32>,
        %swap3A_1816 = vector.shape_cast %swap3A_1815 : vector<1x16xf32> to vector<16xf32>
        %swap3A_1817 = vector.shape_cast %exp3A_1807 : vector<16xf32> to vector<1x16xf32>
        tpu.vector_store %arg5[%swap3A_1813, %swap3A_1814], %swap3A_1817 {strides = array<i32>} : memref<8x6272xf32, #tpu.memory_space<vmem>>, vector<1x16xf32>,
        %add3A_1818 = arith.addf %scan3A_1571, %exp3A_1807 : vector<16xf32>
        scf.yield %add3A_1601, %add3A_1632, %add3A_1663, %add3A_1694, %add3A_1725, %add3A_1756, %add3A_1787, %add3A_1818 : vector<16xf32>, vector<16xf32>, vector<16xf32>, vector<16xf32>, vector<16xf32>, vector<16xf32>, vector<16xf32>, vector<16xf32>
      }
      %scan3A_180 = arith.constant 64 : i32
      %mul3A_181 = arith.constant 1024 : i32
      %mul3A_182 = arith.muli %arg1, %mul3A_181 : i32
      %add3A_183 = arith.constant 65536 : i32
      %add3A_184 = arith.addi %add3A_183, %mul3A_182 : i32
      %multiple_of3A_185 = tpu.assume_multiple %add3A_184, 128 : i32
      %dma_start3A_186 = arith.constant 0 : i32
      %dma_start3A_187 = arith.constant 4096 : i32
      %dma_start3A_188 = tpu.memref_slice %arg5[%dma_start3A_186, %dma_start3A_187] : memref<8x6272xf32, #tpu.memory_space<vmem>> -> memref<8x1024xf32, #tpu.memory_space<vmem>>
      %dma_start3A_189 = tpu.memref_slice %arg2[%multiple_of3A_14, %multiple_of3A_185] : memref<128x100000xf32, #tpu.memory_space<hbm>> -> memref<8x1024xf32, #tpu.memory_space<hbm>>
      %dma_start3A_190 = arith.constant 0 : i32
      %dma_start3A_191 = arith.constant 4096 : i32
      %dma_start3A_192 = tpu.memref_slice %arg5[%dma_start3A_190, %dma_start3A_191] : memref<8x6272xf32, #tpu.memory_space<vmem>> -> memref<8x1024xf32, #tpu.memory_space<vmem>>
      %dma_start3A_193 = tpu.memref_slice %arg2[%multiple_of3A_14, %multiple_of3A_185] : memref<128x100000xf32, #tpu.memory_space<hbm>> -> memref<8x1024xf32, #tpu.memory_space<hbm>>
      tpu.enqueue_dma source(%dma_start3A_193 : memref<8x1024xf32, #tpu.memory_space<hbm>>) target(%dma_start3A_192 : memref<8x1024xf32, #tpu.memory_space<vmem>>) target_semaphore(%arg11 : memref<!tpu.dma_semaphore, #tpu.memory_space<semaphore_mem>>)
      %mul3A_194 = arith.constant 1024 : i32
      %mul3A_195 = arith.muli %arg1, %mul3A_194 : i32
      %add3A_196 = arith.constant 65536 : i32
      %add3A_197 = arith.addi %add3A_196, %mul3A_195 : i32
      %multiple_of3A_198 = tpu.assume_multiple %add3A_197, 128 : i32
      %dma_start3A_199 = arith.constant 1 : i32
      %dma_start3A_200 = arith.constant 0 : i32
      %dma_start3A_201 = arith.constant 0 : i32
      %dma_start3A_202 = tpu.memref_slice %arg9[%dma_start3A_199, %dma_start3A_200, %dma_start3A_201] : memref<3x8x1024xf32, #tpu.memory_space<vmem>> -> memref<1x8x1024xf32, #tpu.memory_space<vmem>>
      %dma_start3A_203 = tpu.memref_squeeze %dma_start3A_202 : memref<1x8x1024xf32, #tpu.memory_space<vmem>> -> memref<8x1024xf32, #tpu.memory_space<vmem>>
      %dma_start3A_204 = tpu.memref_slice %arg3[%multiple_of3A_14, %multiple_of3A_198] : memref<128x100000xf32, #tpu.memory_space<hbm>> -> memref<8x1024xf32, #tpu.memory_space<hbm>>
      %dma_start3A_205 = arith.constant 0 : i32
      %dma_start3A_206 = arith.constant 0 : i32
      %dma_start3A_207 = tpu.memref_slice %arg9[%dma_start3A_199, %dma_start3A_205, %dma_start3A_206] : memref<3x8x1024xf32, #tpu.memory_space<vmem>> -> memref<1x8x1024xf32, #tpu.memory_space<vmem>>
      %dma_start3A_208 = tpu.memref_squeeze %dma_start3A_207 : memref<1x8x1024xf32, #tpu.memory_space<vmem>> -> memref<8x1024xf32, #tpu.memory_space<vmem>>
      %dma_start3A_209 = tpu.memref_slice %arg3[%multiple_of3A_14, %multiple_of3A_198] : memref<128x100000xf32, #tpu.memory_space<hbm>> -> memref<8x1024xf32, #tpu.memory_space<hbm>>
      tpu.enqueue_dma source(%dma_start3A_209 : memref<8x1024xf32, #tpu.memory_space<hbm>>) target(%dma_start3A_208 : memref<8x1024xf32, #tpu.memory_space<vmem>>) target_semaphore(%arg12 : memref<!tpu.dma_semaphore, #tpu.memory_space<semaphore_mem>>)
      %dma_wait3A_210 = arith.constant 0 : i32
      %dma_wait3A_211 = arith.constant 2048 : i32
      %dma_wait3A_212 = tpu.memref_slice %arg5[%dma_wait3A_210, %dma_wait3A_211] : memref<8x6272xf32, #tpu.memory_space<vmem>> -> memref<8x1024xf32, #tpu.memory_space<vmem>>
      %dma_wait3A_213 = tpu.memref_slice %arg2[%multiple_of3A_14, %multiple_of3A_78] : memref<128x100000xf32, #tpu.memory_space<hbm>> -> memref<8x1024xf32, #tpu.memory_space<hbm>>
      %dma_wait3A_214 = arith.constant 0 : i32
      %dma_wait3A_215 = arith.constant 2048 : i32
      %dma_wait3A_216 = tpu.memref_slice %arg5[%dma_wait3A_214, %dma_wait3A_215] : memref<8x6272xf32, #tpu.memory_space<vmem>> -> memref<8x1024xf32, #tpu.memory_space<vmem>>
      %dma_wait3A_217 = tpu.memref_slice %arg2[%multiple_of3A_14, %multiple_of3A_78] : memref<128x100000xf32, #tpu.memory_space<hbm>> -> memref<8x1024xf32, #tpu.memory_space<hbm>>
      tpu.wait_dma2 semaphore(%arg11 : memref<!tpu.dma_semaphore, #tpu.memory_space<semaphore_mem>>) src(%dma_wait3A_217 : memref<8x1024xf32, #tpu.memory_space<hbm>>) dst(%dma_wait3A_216 : memref<8x1024xf32, #tpu.memory_space<vmem>>)
      %dma_wait3A_218 = arith.constant 2 : i32
      %dma_wait3A_219 = arith.constant 0 : i32
      %dma_wait3A_220 = arith.constant 0 : i32
      %dma_wait3A_221 = tpu.memref_slice %arg9[%dma_wait3A_218, %dma_wait3A_219, %dma_wait3A_220] : memref<3x8x1024xf32, #tpu.memory_space<vmem>> -> memref<1x8x1024xf32, #tpu.memory_space<vmem>>
      %dma_wait3A_222 = tpu.memref_squeeze %dma_wait3A_221 : memref<1x8x1024xf32, #tpu.memory_space<vmem>> -> memref<8x1024xf32, #tpu.memory_space<vmem>>
      %dma_wait3A_223 = tpu.memref_slice %arg3[%multiple_of3A_14, %multiple_of3A_91] : memref<128x100000xf32, #tpu.memory_space<hbm>> -> memref<8x1024xf32, #tpu.memory_space<hbm>>
      %dma_wait3A_224 = arith.constant 0 : i32
      %dma_wait3A_225 = arith.constant 0 : i32
      %dma_wait3A_226 = tpu.memref_slice %arg9[%dma_wait3A_218, %dma_wait3A_224, %dma_wait3A_225] : memref<3x8x1024xf32, #tpu.memory_space<vmem>> -> memref<1x8x1024xf32, #tpu.memory_space<vmem>>
      %dma_wait3A_227 = tpu.memref_squeeze %dma_wait3A_226 : memref<1x8x1024xf32, #tpu.memory_space<vmem>> -> memref<8x1024xf32, #tpu.memory_space<vmem>>
      %dma_wait3A_228 = tpu.memref_slice %arg3[%multiple_of3A_14, %multiple_of3A_91] : memref<128x100000xf32, #tpu.memory_space<hbm>> -> memref<8x1024xf32, #tpu.memory_space<hbm>>
      tpu.wait_dma2 semaphore(%arg12 : memref<!tpu.dma_semaphore, #tpu.memory_space<semaphore_mem>>) src(%dma_wait3A_228 : memref<8x1024xf32, #tpu.memory_space<hbm>>) dst(%dma_wait3A_227 : memref<8x1024xf32, #tpu.memory_space<vmem>>)
      %scan3A_229 = arith.constant 0 : i32
      %scan3A_230 = arith.constant 64 : i32
      %scan3A_231 = arith.addi %scan3A_229, %scan3A_230 : i32
      %scan3A_232 = arith.constant 1 : i32
      %scan3A_233:8 = scf.for %scan3A_1563 = %scan3A_229 to %scan3A_231 step %scan3A_232 iter_args(%scan3A_1564 = %scan3A_179#0, %scan3A_1565 = %scan3A_179#1, %scan3A_1566 = %scan3A_179#2, %scan3A_1567 = %scan3A_179#3, %scan3A_1568 = %scan3A_179#4, %scan3A_1569 = %scan3A_179#5, %scan3A_1570 = %scan3A_179#6, %scan3A_1571 = %scan3A_179#7) -> (vector<16xf32>, vector<16xf32>, vector<16xf32>, vector<16xf32>, vector<16xf32>, vector<16xf32>, vector<16xf32>, vector<16xf32>)  : i32 {
        %mul3A_1572 = arith.constant 16 : i32
        %mul3A_1573 = arith.muli %scan3A_1563, %mul3A_1572 : i32
        %add3A_1574 = arith.constant 2048 : i32
        %add3A_1575 = arith.addi %add3A_1574, %mul3A_1573 : i32
        %get3A_1576 = arith.constant 0 : i32
        %get3A_1577 = arith.index_cast %get3A_1576 : i32 to index
        %get3A_1578 = arith.index_cast %add3A_1575 : i32 to index
        %get3A_1579 = tpu.vector_load %arg5[%get3A_1577, %get3A_1578] {strides = array<i32>} : memref<8x6272xf32, #tpu.memory_space<vmem>>, vector<1x16xf32>,
        %get3A_1580 = vector.shape_cast %get3A_1579 : vector<1x16xf32> to vector<16xf32>
        %mul3A_1581 = arith.constant 16 : i32
        %mul3A_1582 = arith.muli %scan3A_1563, %mul3A_1581 : i32
        %get3A_1583 = arith.constant 2 : i32
        %get3A_1584 = arith.constant 0 : i32
        %get3A_1585 = arith.index_cast %get3A_1583 : i32 to index
        %get3A_1586 = arith.index_cast %get3A_1584 : i32 to index
        %get3A_1587 = arith.index_cast %mul3A_1582 : i32 to index
        %get3A_1588 = tpu.vector_load %arg9[%get3A_1585, %get3A_1586, %get3A_1587] {strides = array<i32>} : memref<3x8x1024xf32, #tpu.memory_space<vmem>>, vector<1x1x16xf32>,
        %get3A_1589 = vector.shape_cast %get3A_1588 : vector<1x1x16xf32> to vector<16xf32>
        %add3A_1590 = arith.addf %get3A_1580, %get3A_1589 : vector<16xf32>
        %exp3A = math.exp %add3A_1590 : vector<16xf32>
        %mul3A_1591 = arith.constant 16 : i32
        %mul3A_1592 = arith.muli %scan3A_1563, %mul3A_1591 : i32
        %add3A_1593 = arith.constant 2048 : i32
        %add3A_1594 = arith.addi %add3A_1593, %mul3A_1592 : i32
        %swap3A_1595 = arith.constant 0 : i32
        %swap3A_1596 = arith.index_cast %swap3A_1595 : i32 to index
        %swap3A_1597 = arith.index_cast %add3A_1594 : i32 to index
        %swap3A_1598 = tpu.vector_load %arg5[%swap3A_1596, %swap3A_1597] {strides = array<i32>} : memref<8x6272xf32, #tpu.memory_space<vmem>>, vector<1x16xf32>,
        %swap3A_1599 = vector.shape_cast %swap3A_1598 : vector<1x16xf32> to vector<16xf32>
        %swap3A_1600 = vector.shape_cast %exp3A : vector<16xf32> to vector<1x16xf32>
        tpu.vector_store %arg5[%swap3A_1596, %swap3A_1597], %swap3A_1600 {strides = array<i32>} : memref<8x6272xf32, #tpu.memory_space<vmem>>, vector<1x16xf32>,
        %add3A_1601 = arith.addf %scan3A_1564, %exp3A : vector<16xf32>
        %mul3A_1602 = arith.constant 16 : i32
        %mul3A_1603 = arith.muli %scan3A_1563, %mul3A_1602 : i32
        %add3A_1604 = arith.constant 2048 : i32
        %add3A_1605 = arith.addi %add3A_1604, %mul3A_1603 : i32
        %get3A_1606 = arith.constant 1 : i32
        %get3A_1607 = arith.index_cast %get3A_1606 : i32 to index
        %get3A_1608 = arith.index_cast %add3A_1605 : i32 to index
        %get3A_1609 = tpu.vector_load %arg5[%get3A_1607, %get3A_1608] {strides = array<i32>} : memref<8x6272xf32, #tpu.memory_space<vmem>>, vector<1x16xf32>,
        %get3A_1610 = vector.shape_cast %get3A_1609 : vector<1x16xf32> to vector<16xf32>
        %mul3A_1611 = arith.constant 16 : i32
        %mul3A_1612 = arith.muli %scan3A_1563, %mul3A_1611 : i32
        %get3A_1613 = arith.constant 2 : i32
        %get3A_1614 = arith.constant 1 : i32
        %get3A_1615 = arith.index_cast %get3A_1613 : i32 to index
        %get3A_1616 = arith.index_cast %get3A_1614 : i32 to index
        %get3A_1617 = arith.index_cast %mul3A_1612 : i32 to index
        %get3A_1618 = tpu.vector_load %arg9[%get3A_1615, %get3A_1616, %get3A_1617] {strides = array<i32>} : memref<3x8x1024xf32, #tpu.memory_space<vmem>>, vector<1x1x16xf32>,
        %get3A_1619 = vector.shape_cast %get3A_1618 : vector<1x1x16xf32> to vector<16xf32>
        %add3A_1620 = arith.addf %get3A_1610, %get3A_1619 : vector<16xf32>
        %exp3A_1621 = math.exp %add3A_1620 : vector<16xf32>
        %mul3A_1622 = arith.constant 16 : i32
        %mul3A_1623 = arith.muli %scan3A_1563, %mul3A_1622 : i32
        %add3A_1624 = arith.constant 2048 : i32
        %add3A_1625 = arith.addi %add3A_1624, %mul3A_1623 : i32
        %swap3A_1626 = arith.constant 1 : i32
        %swap3A_1627 = arith.index_cast %swap3A_1626 : i32 to index
        %swap3A_1628 = arith.index_cast %add3A_1625 : i32 to index
        %swap3A_1629 = tpu.vector_load %arg5[%swap3A_1627, %swap3A_1628] {strides = array<i32>} : memref<8x6272xf32, #tpu.memory_space<vmem>>, vector<1x16xf32>,
        %swap3A_1630 = vector.shape_cast %swap3A_1629 : vector<1x16xf32> to vector<16xf32>
        %swap3A_1631 = vector.shape_cast %exp3A_1621 : vector<16xf32> to vector<1x16xf32>
        tpu.vector_store %arg5[%swap3A_1627, %swap3A_1628], %swap3A_1631 {strides = array<i32>} : memref<8x6272xf32, #tpu.memory_space<vmem>>, vector<1x16xf32>,
        %add3A_1632 = arith.addf %scan3A_1565, %exp3A_1621 : vector<16xf32>
        %mul3A_1633 = arith.constant 16 : i32
        %mul3A_1634 = arith.muli %scan3A_1563, %mul3A_1633 : i32
        %add3A_1635 = arith.constant 2048 : i32
        %add3A_1636 = arith.addi %add3A_1635, %mul3A_1634 : i32
        %get3A_1637 = arith.constant 2 : i32
        %get3A_1638 = arith.index_cast %get3A_1637 : i32 to index
        %get3A_1639 = arith.index_cast %add3A_1636 : i32 to index
        %get3A_1640 = tpu.vector_load %arg5[%get3A_1638, %get3A_1639] {strides = array<i32>} : memref<8x6272xf32, #tpu.memory_space<vmem>>, vector<1x16xf32>,
        %get3A_1641 = vector.shape_cast %get3A_1640 : vector<1x16xf32> to vector<16xf32>
        %mul3A_1642 = arith.constant 16 : i32
        %mul3A_1643 = arith.muli %scan3A_1563, %mul3A_1642 : i32
        %get3A_1644 = arith.constant 2 : i32
        %get3A_1645 = arith.constant 2 : i32
        %get3A_1646 = arith.index_cast %get3A_1644 : i32 to index
        %get3A_1647 = arith.index_cast %get3A_1645 : i32 to index
        %get3A_1648 = arith.index_cast %mul3A_1643 : i32 to index
        %get3A_1649 = tpu.vector_load %arg9[%get3A_1646, %get3A_1647, %get3A_1648] {strides = array<i32>} : memref<3x8x1024xf32, #tpu.memory_space<vmem>>, vector<1x1x16xf32>,
        %get3A_1650 = vector.shape_cast %get3A_1649 : vector<1x1x16xf32> to vector<16xf32>
        %add3A_1651 = arith.addf %get3A_1641, %get3A_1650 : vector<16xf32>
        %exp3A_1652 = math.exp %add3A_1651 : vector<16xf32>
        %mul3A_1653 = arith.constant 16 : i32
        %mul3A_1654 = arith.muli %scan3A_1563, %mul3A_1653 : i32
        %add3A_1655 = arith.constant 2048 : i32
        %add3A_1656 = arith.addi %add3A_1655, %mul3A_1654 : i32
        %swap3A_1657 = arith.constant 2 : i32
        %swap3A_1658 = arith.index_cast %swap3A_1657 : i32 to index
        %swap3A_1659 = arith.index_cast %add3A_1656 : i32 to index
        %swap3A_1660 = tpu.vector_load %arg5[%swap3A_1658, %swap3A_1659] {strides = array<i32>} : memref<8x6272xf32, #tpu.memory_space<vmem>>, vector<1x16xf32>,
        %swap3A_1661 = vector.shape_cast %swap3A_1660 : vector<1x16xf32> to vector<16xf32>
        %swap3A_1662 = vector.shape_cast %exp3A_1652 : vector<16xf32> to vector<1x16xf32>
        tpu.vector_store %arg5[%swap3A_1658, %swap3A_1659], %swap3A_1662 {strides = array<i32>} : memref<8x6272xf32, #tpu.memory_space<vmem>>, vector<1x16xf32>,
        %add3A_1663 = arith.addf %scan3A_1566, %exp3A_1652 : vector<16xf32>
        %mul3A_1664 = arith.constant 16 : i32
        %mul3A_1665 = arith.muli %scan3A_1563, %mul3A_1664 : i32
        %add3A_1666 = arith.constant 2048 : i32
        %add3A_1667 = arith.addi %add3A_1666, %mul3A_1665 : i32
        %get3A_1668 = arith.constant 3 : i32
        %get3A_1669 = arith.index_cast %get3A_1668 : i32 to index
        %get3A_1670 = arith.index_cast %add3A_1667 : i32 to index
        %get3A_1671 = tpu.vector_load %arg5[%get3A_1669, %get3A_1670] {strides = array<i32>} : memref<8x6272xf32, #tpu.memory_space<vmem>>, vector<1x16xf32>,
        %get3A_1672 = vector.shape_cast %get3A_1671 : vector<1x16xf32> to vector<16xf32>
        %mul3A_1673 = arith.constant 16 : i32
        %mul3A_1674 = arith.muli %scan3A_1563, %mul3A_1673 : i32
        %get3A_1675 = arith.constant 2 : i32
        %get3A_1676 = arith.constant 3 : i32
        %get3A_1677 = arith.index_cast %get3A_1675 : i32 to index
        %get3A_1678 = arith.index_cast %get3A_1676 : i32 to index
        %get3A_1679 = arith.index_cast %mul3A_1674 : i32 to index
        %get3A_1680 = tpu.vector_load %arg9[%get3A_1677, %get3A_1678, %get3A_1679] {strides = array<i32>} : memref<3x8x1024xf32, #tpu.memory_space<vmem>>, vector<1x1x16xf32>,
        %get3A_1681 = vector.shape_cast %get3A_1680 : vector<1x1x16xf32> to vector<16xf32>
        %add3A_1682 = arith.addf %get3A_1672, %get3A_1681 : vector<16xf32>
        %exp3A_1683 = math.exp %add3A_1682 : vector<16xf32>
        %mul3A_1684 = arith.constant 16 : i32
        %mul3A_1685 = arith.muli %scan3A_1563, %mul3A_1684 : i32
        %add3A_1686 = arith.constant 2048 : i32
        %add3A_1687 = arith.addi %add3A_1686, %mul3A_1685 : i32
        %swap3A_1688 = arith.constant 3 : i32
        %swap3A_1689 = arith.index_cast %swap3A_1688 : i32 to index
        %swap3A_1690 = arith.index_cast %add3A_1687 : i32 to index
        %swap3A_1691 = tpu.vector_load %arg5[%swap3A_1689, %swap3A_1690] {strides = array<i32>} : memref<8x6272xf32, #tpu.memory_space<vmem>>, vector<1x16xf32>,
        %swap3A_1692 = vector.shape_cast %swap3A_1691 : vector<1x16xf32> to vector<16xf32>
        %swap3A_1693 = vector.shape_cast %exp3A_1683 : vector<16xf32> to vector<1x16xf32>
        tpu.vector_store %arg5[%swap3A_1689, %swap3A_1690], %swap3A_1693 {strides = array<i32>} : memref<8x6272xf32, #tpu.memory_space<vmem>>, vector<1x16xf32>,
        %add3A_1694 = arith.addf %scan3A_1567, %exp3A_1683 : vector<16xf32>
        %mul3A_1695 = arith.constant 16 : i32
        %mul3A_1696 = arith.muli %scan3A_1563, %mul3A_1695 : i32
        %add3A_1697 = arith.constant 2048 : i32
        %add3A_1698 = arith.addi %add3A_1697, %mul3A_1696 : i32
        %get3A_1699 = arith.constant 4 : i32
        %get3A_1700 = arith.index_cast %get3A_1699 : i32 to index
        %get3A_1701 = arith.index_cast %add3A_1698 : i32 to index
        %get3A_1702 = tpu.vector_load %arg5[%get3A_1700, %get3A_1701] {strides = array<i32>} : memref<8x6272xf32, #tpu.memory_space<vmem>>, vector<1x16xf32>,
        %get3A_1703 = vector.shape_cast %get3A_1702 : vector<1x16xf32> to vector<16xf32>
        %mul3A_1704 = arith.constant 16 : i32
        %mul3A_1705 = arith.muli %scan3A_1563, %mul3A_1704 : i32
        %get3A_1706 = arith.constant 2 : i32
        %get3A_1707 = arith.constant 4 : i32
        %get3A_1708 = arith.index_cast %get3A_1706 : i32 to index
        %get3A_1709 = arith.index_cast %get3A_1707 : i32 to index
        %get3A_1710 = arith.index_cast %mul3A_1705 : i32 to index
        %get3A_1711 = tpu.vector_load %arg9[%get3A_1708, %get3A_1709, %get3A_1710] {strides = array<i32>} : memref<3x8x1024xf32, #tpu.memory_space<vmem>>, vector<1x1x16xf32>,
        %get3A_1712 = vector.shape_cast %get3A_1711 : vector<1x1x16xf32> to vector<16xf32>
        %add3A_1713 = arith.addf %get3A_1703, %get3A_1712 : vector<16xf32>
        %exp3A_1714 = math.exp %add3A_1713 : vector<16xf32>
        %mul3A_1715 = arith.constant 16 : i32
        %mul3A_1716 = arith.muli %scan3A_1563, %mul3A_1715 : i32
        %add3A_1717 = arith.constant 2048 : i32
        %add3A_1718 = arith.addi %add3A_1717, %mul3A_1716 : i32
        %swap3A_1719 = arith.constant 4 : i32
        %swap3A_1720 = arith.index_cast %swap3A_1719 : i32 to index
        %swap3A_1721 = arith.index_cast %add3A_1718 : i32 to index
        %swap3A_1722 = tpu.vector_load %arg5[%swap3A_1720, %swap3A_1721] {strides = array<i32>} : memref<8x6272xf32, #tpu.memory_space<vmem>>, vector<1x16xf32>,
        %swap3A_1723 = vector.shape_cast %swap3A_1722 : vector<1x16xf32> to vector<16xf32>
        %swap3A_1724 = vector.shape_cast %exp3A_1714 : vector<16xf32> to vector<1x16xf32>
        tpu.vector_store %arg5[%swap3A_1720, %swap3A_1721], %swap3A_1724 {strides = array<i32>} : memref<8x6272xf32, #tpu.memory_space<vmem>>, vector<1x16xf32>,
        %add3A_1725 = arith.addf %scan3A_1568, %exp3A_1714 : vector<16xf32>
        %mul3A_1726 = arith.constant 16 : i32
        %mul3A_1727 = arith.muli %scan3A_1563, %mul3A_1726 : i32
        %add3A_1728 = arith.constant 2048 : i32
        %add3A_1729 = arith.addi %add3A_1728, %mul3A_1727 : i32
        %get3A_1730 = arith.constant 5 : i32
        %get3A_1731 = arith.index_cast %get3A_1730 : i32 to index
        %get3A_1732 = arith.index_cast %add3A_1729 : i32 to index
        %get3A_1733 = tpu.vector_load %arg5[%get3A_1731, %get3A_1732] {strides = array<i32>} : memref<8x6272xf32, #tpu.memory_space<vmem>>, vector<1x16xf32>,
        %get3A_1734 = vector.shape_cast %get3A_1733 : vector<1x16xf32> to vector<16xf32>
        %mul3A_1735 = arith.constant 16 : i32
        %mul3A_1736 = arith.muli %scan3A_1563, %mul3A_1735 : i32
        %get3A_1737 = arith.constant 2 : i32
        %get3A_1738 = arith.constant 5 : i32
        %get3A_1739 = arith.index_cast %get3A_1737 : i32 to index
        %get3A_1740 = arith.index_cast %get3A_1738 : i32 to index
        %get3A_1741 = arith.index_cast %mul3A_1736 : i32 to index
        %get3A_1742 = tpu.vector_load %arg9[%get3A_1739, %get3A_1740, %get3A_1741] {strides = array<i32>} : memref<3x8x1024xf32, #tpu.memory_space<vmem>>, vector<1x1x16xf32>,
        %get3A_1743 = vector.shape_cast %get3A_1742 : vector<1x1x16xf32> to vector<16xf32>
        %add3A_1744 = arith.addf %get3A_1734, %get3A_1743 : vector<16xf32>
        %exp3A_1745 = math.exp %add3A_1744 : vector<16xf32>
        %mul3A_1746 = arith.constant 16 : i32
        %mul3A_1747 = arith.muli %scan3A_1563, %mul3A_1746 : i32
        %add3A_1748 = arith.constant 2048 : i32
        %add3A_1749 = arith.addi %add3A_1748, %mul3A_1747 : i32
        %swap3A_1750 = arith.constant 5 : i32
        %swap3A_1751 = arith.index_cast %swap3A_1750 : i32 to index
        %swap3A_1752 = arith.index_cast %add3A_1749 : i32 to index
        %swap3A_1753 = tpu.vector_load %arg5[%swap3A_1751, %swap3A_1752] {strides = array<i32>} : memref<8x6272xf32, #tpu.memory_space<vmem>>, vector<1x16xf32>,
        %swap3A_1754 = vector.shape_cast %swap3A_1753 : vector<1x16xf32> to vector<16xf32>
        %swap3A_1755 = vector.shape_cast %exp3A_1745 : vector<16xf32> to vector<1x16xf32>
        tpu.vector_store %arg5[%swap3A_1751, %swap3A_1752], %swap3A_1755 {strides = array<i32>} : memref<8x6272xf32, #tpu.memory_space<vmem>>, vector<1x16xf32>,
        %add3A_1756 = arith.addf %scan3A_1569, %exp3A_1745 : vector<16xf32>
        %mul3A_1757 = arith.constant 16 : i32
        %mul3A_1758 = arith.muli %scan3A_1563, %mul3A_1757 : i32
        %add3A_1759 = arith.constant 2048 : i32
        %add3A_1760 = arith.addi %add3A_1759, %mul3A_1758 : i32
        %get3A_1761 = arith.constant 6 : i32
        %get3A_1762 = arith.index_cast %get3A_1761 : i32 to index
        %get3A_1763 = arith.index_cast %add3A_1760 : i32 to index
        %get3A_1764 = tpu.vector_load %arg5[%get3A_1762, %get3A_1763] {strides = array<i32>} : memref<8x6272xf32, #tpu.memory_space<vmem>>, vector<1x16xf32>,
        %get3A_1765 = vector.shape_cast %get3A_1764 : vector<1x16xf32> to vector<16xf32>
        %mul3A_1766 = arith.constant 16 : i32
        %mul3A_1767 = arith.muli %scan3A_1563, %mul3A_1766 : i32
        %get3A_1768 = arith.constant 2 : i32
        %get3A_1769 = arith.constant 6 : i32
        %get3A_1770 = arith.index_cast %get3A_1768 : i32 to index
        %get3A_1771 = arith.index_cast %get3A_1769 : i32 to index
        %get3A_1772 = arith.index_cast %mul3A_1767 : i32 to index
        %get3A_1773 = tpu.vector_load %arg9[%get3A_1770, %get3A_1771, %get3A_1772] {strides = array<i32>} : memref<3x8x1024xf32, #tpu.memory_space<vmem>>, vector<1x1x16xf32>,
        %get3A_1774 = vector.shape_cast %get3A_1773 : vector<1x1x16xf32> to vector<16xf32>
        %add3A_1775 = arith.addf %get3A_1765, %get3A_1774 : vector<16xf32>
        %exp3A_1776 = math.exp %add3A_1775 : vector<16xf32>
        %mul3A_1777 = arith.constant 16 : i32
        %mul3A_1778 = arith.muli %scan3A_1563, %mul3A_1777 : i32
        %add3A_1779 = arith.constant 2048 : i32
        %add3A_1780 = arith.addi %add3A_1779, %mul3A_1778 : i32
        %swap3A_1781 = arith.constant 6 : i32
        %swap3A_1782 = arith.index_cast %swap3A_1781 : i32 to index
        %swap3A_1783 = arith.index_cast %add3A_1780 : i32 to index
        %swap3A_1784 = tpu.vector_load %arg5[%swap3A_1782, %swap3A_1783] {strides = array<i32>} : memref<8x6272xf32, #tpu.memory_space<vmem>>, vector<1x16xf32>,
        %swap3A_1785 = vector.shape_cast %swap3A_1784 : vector<1x16xf32> to vector<16xf32>
        %swap3A_1786 = vector.shape_cast %exp3A_1776 : vector<16xf32> to vector<1x16xf32>
        tpu.vector_store %arg5[%swap3A_1782, %swap3A_1783], %swap3A_1786 {strides = array<i32>} : memref<8x6272xf32, #tpu.memory_space<vmem>>, vector<1x16xf32>,
        %add3A_1787 = arith.addf %scan3A_1570, %exp3A_1776 : vector<16xf32>
        %mul3A_1788 = arith.constant 16 : i32
        %mul3A_1789 = arith.muli %scan3A_1563, %mul3A_1788 : i32
        %add3A_1790 = arith.constant 2048 : i32
        %add3A_1791 = arith.addi %add3A_1790, %mul3A_1789 : i32
        %get3A_1792 = arith.constant 7 : i32
        %get3A_1793 = arith.index_cast %get3A_1792 : i32 to index
        %get3A_1794 = arith.index_cast %add3A_1791 : i32 to index
        %get3A_1795 = tpu.vector_load %arg5[%get3A_1793, %get3A_1794] {strides = array<i32>} : memref<8x6272xf32, #tpu.memory_space<vmem>>, vector<1x16xf32>,
        %get3A_1796 = vector.shape_cast %get3A_1795 : vector<1x16xf32> to vector<16xf32>
        %mul3A_1797 = arith.constant 16 : i32
        %mul3A_1798 = arith.muli %scan3A_1563, %mul3A_1797 : i32
        %get3A_1799 = arith.constant 2 : i32
        %get3A_1800 = arith.constant 7 : i32
        %get3A_1801 = arith.index_cast %get3A_1799 : i32 to index
        %get3A_1802 = arith.index_cast %get3A_1800 : i32 to index
        %get3A_1803 = arith.index_cast %mul3A_1798 : i32 to index
        %get3A_1804 = tpu.vector_load %arg9[%get3A_1801, %get3A_1802, %get3A_1803] {strides = array<i32>} : memref<3x8x1024xf32, #tpu.memory_space<vmem>>, vector<1x1x16xf32>,
        %get3A_1805 = vector.shape_cast %get3A_1804 : vector<1x1x16xf32> to vector<16xf32>
        %add3A_1806 = arith.addf %get3A_1796, %get3A_1805 : vector<16xf32>
        %exp3A_1807 = math.exp %add3A_1806 : vector<16xf32>
        %mul3A_1808 = arith.constant 16 : i32
        %mul3A_1809 = arith.muli %scan3A_1563, %mul3A_1808 : i32
        %add3A_1810 = arith.constant 2048 : i32
        %add3A_1811 = arith.addi %add3A_1810, %mul3A_1809 : i32
        %swap3A_1812 = arith.constant 7 : i32
        %swap3A_1813 = arith.index_cast %swap3A_1812 : i32 to index
        %swap3A_1814 = arith.index_cast %add3A_1811 : i32 to index
        %swap3A_1815 = tpu.vector_load %arg5[%swap3A_1813, %swap3A_1814] {strides = array<i32>} : memref<8x6272xf32, #tpu.memory_space<vmem>>, vector<1x16xf32>,
        %swap3A_1816 = vector.shape_cast %swap3A_1815 : vector<1x16xf32> to vector<16xf32>
        %swap3A_1817 = vector.shape_cast %exp3A_1807 : vector<16xf32> to vector<1x16xf32>
        tpu.vector_store %arg5[%swap3A_1813, %swap3A_1814], %swap3A_1817 {strides = array<i32>} : memref<8x6272xf32, #tpu.memory_space<vmem>>, vector<1x16xf32>,
        %add3A_1818 = arith.addf %scan3A_1571, %exp3A_1807 : vector<16xf32>
        scf.yield %add3A_1601, %add3A_1632, %add3A_1663, %add3A_1694, %add3A_1725, %add3A_1756, %add3A_1787, %add3A_1818 : vector<16xf32>, vector<16xf32>, vector<16xf32>, vector<16xf32>, vector<16xf32>, vector<16xf32>, vector<16xf32>, vector<16xf32>
      }
      %scan3A_234 = arith.constant 64 : i32
      %mul3A_235 = arith.constant 1024 : i32
      %mul3A_236 = arith.muli %arg1, %mul3A_235 : i32
      %add3A_237 = arith.constant 81920 : i32
      %add3A_238 = arith.addi %add3A_237, %mul3A_236 : i32
      %multiple_of3A_239 = tpu.assume_multiple %add3A_238, 128 : i32
      %dma_start3A_240 = arith.constant 0 : i32
      %dma_start3A_241 = arith.constant 5120 : i32
      %dma_start3A_242 = tpu.memref_slice %arg5[%dma_start3A_240, %dma_start3A_241] : memref<8x6272xf32, #tpu.memory_space<vmem>> -> memref<8x1024xf32, #tpu.memory_space<vmem>>
      %dma_start3A_243 = tpu.memref_slice %arg2[%multiple_of3A_14, %multiple_of3A_239] : memref<128x100000xf32, #tpu.memory_space<hbm>> -> memref<8x1024xf32, #tpu.memory_space<hbm>>
      %dma_start3A_244 = arith.constant 0 : i32
      %dma_start3A_245 = arith.constant 5120 : i32
      %dma_start3A_246 = tpu.memref_slice %arg5[%dma_start3A_244, %dma_start3A_245] : memref<8x6272xf32, #tpu.memory_space<vmem>> -> memref<8x1024xf32, #tpu.memory_space<vmem>>
      %dma_start3A_247 = tpu.memref_slice %arg2[%multiple_of3A_14, %multiple_of3A_239] : memref<128x100000xf32, #tpu.memory_space<hbm>> -> memref<8x1024xf32, #tpu.memory_space<hbm>>
      tpu.enqueue_dma source(%dma_start3A_247 : memref<8x1024xf32, #tpu.memory_space<hbm>>) target(%dma_start3A_246 : memref<8x1024xf32, #tpu.memory_space<vmem>>) target_semaphore(%arg11 : memref<!tpu.dma_semaphore, #tpu.memory_space<semaphore_mem>>)
      %mul3A_248 = arith.constant 1024 : i32
      %mul3A_249 = arith.muli %arg1, %mul3A_248 : i32
      %add3A_250 = arith.constant 81920 : i32
      %add3A_251 = arith.addi %add3A_250, %mul3A_249 : i32
      %multiple_of3A_252 = tpu.assume_multiple %add3A_251, 128 : i32
      %dma_start3A_253 = arith.constant 2 : i32
      %dma_start3A_254 = arith.constant 0 : i32
      %dma_start3A_255 = arith.constant 0 : i32
      %dma_start3A_256 = tpu.memref_slice %arg9[%dma_start3A_253, %dma_start3A_254, %dma_start3A_255] : memref<3x8x1024xf32, #tpu.memory_space<vmem>> -> memref<1x8x1024xf32, #tpu.memory_space<vmem>>
      %dma_start3A_257 = tpu.memref_squeeze %dma_start3A_256 : memref<1x8x1024xf32, #tpu.memory_space<vmem>> -> memref<8x1024xf32, #tpu.memory_space<vmem>>
      %dma_start3A_258 = tpu.memref_slice %arg3[%multiple_of3A_14, %multiple_of3A_252] : memref<128x100000xf32, #tpu.memory_space<hbm>> -> memref<8x1024xf32, #tpu.memory_space<hbm>>
      %dma_start3A_259 = arith.constant 0 : i32
      %dma_start3A_260 = arith.constant 0 : i32
      %dma_start3A_261 = tpu.memref_slice %arg9[%dma_start3A_253, %dma_start3A_259, %dma_start3A_260] : memref<3x8x1024xf32, #tpu.memory_space<vmem>> -> memref<1x8x1024xf32, #tpu.memory_space<vmem>>
      %dma_start3A_262 = tpu.memref_squeeze %dma_start3A_261 : memref<1x8x1024xf32, #tpu.memory_space<vmem>> -> memref<8x1024xf32, #tpu.memory_space<vmem>>
      %dma_start3A_263 = tpu.memref_slice %arg3[%multiple_of3A_14, %multiple_of3A_252] : memref<128x100000xf32, #tpu.memory_space<hbm>> -> memref<8x1024xf32, #tpu.memory_space<hbm>>
      tpu.enqueue_dma source(%dma_start3A_263 : memref<8x1024xf32, #tpu.memory_space<hbm>>) target(%dma_start3A_262 : memref<8x1024xf32, #tpu.memory_space<vmem>>) target_semaphore(%arg12 : memref<!tpu.dma_semaphore, #tpu.memory_space<semaphore_mem>>)
      %dma_wait3A_264 = arith.constant 0 : i32
      %dma_wait3A_265 = arith.constant 3072 : i32
      %dma_wait3A_266 = tpu.memref_slice %arg5[%dma_wait3A_264, %dma_wait3A_265] : memref<8x6272xf32, #tpu.memory_space<vmem>> -> memref<8x1024xf32, #tpu.memory_space<vmem>>
      %dma_wait3A_267 = tpu.memref_slice %arg2[%multiple_of3A_14, %multiple_of3A_131] : memref<128x100000xf32, #tpu.memory_space<hbm>> -> memref<8x1024xf32, #tpu.memory_space<hbm>>
      %dma_wait3A_268 = arith.constant 0 : i32
      %dma_wait3A_269 = arith.constant 3072 : i32
      %dma_wait3A_270 = tpu.memref_slice %arg5[%dma_wait3A_268, %dma_wait3A_269] : memref<8x6272xf32, #tpu.memory_space<vmem>> -> memref<8x1024xf32, #tpu.memory_space<vmem>>
      %dma_wait3A_271 = tpu.memref_slice %arg2[%multiple_of3A_14, %multiple_of3A_131] : memref<128x100000xf32, #tpu.memory_space<hbm>> -> memref<8x1024xf32, #tpu.memory_space<hbm>>
      tpu.wait_dma2 semaphore(%arg11 : memref<!tpu.dma_semaphore, #tpu.memory_space<semaphore_mem>>) src(%dma_wait3A_271 : memref<8x1024xf32, #tpu.memory_space<hbm>>) dst(%dma_wait3A_270 : memref<8x1024xf32, #tpu.memory_space<vmem>>)
      %dma_wait3A_272 = arith.constant 0 : i32
      %dma_wait3A_273 = arith.constant 0 : i32
      %dma_wait3A_274 = arith.constant 0 : i32
      %dma_wait3A_275 = tpu.memref_slice %arg9[%dma_wait3A_272, %dma_wait3A_273, %dma_wait3A_274] : memref<3x8x1024xf32, #tpu.memory_space<vmem>> -> memref<1x8x1024xf32, #tpu.memory_space<vmem>>
      %dma_wait3A_276 = tpu.memref_squeeze %dma_wait3A_275 : memref<1x8x1024xf32, #tpu.memory_space<vmem>> -> memref<8x1024xf32, #tpu.memory_space<vmem>>
      %dma_wait3A_277 = tpu.memref_slice %arg3[%multiple_of3A_14, %multiple_of3A_144] : memref<128x100000xf32, #tpu.memory_space<hbm>> -> memref<8x1024xf32, #tpu.memory_space<hbm>>
      %dma_wait3A_278 = arith.constant 0 : i32
      %dma_wait3A_279 = arith.constant 0 : i32
      %dma_wait3A_280 = tpu.memref_slice %arg9[%dma_wait3A_272, %dma_wait3A_278, %dma_wait3A_279] : memref<3x8x1024xf32, #tpu.memory_space<vmem>> -> memref<1x8x1024xf32, #tpu.memory_space<vmem>>
      %dma_wait3A_281 = tpu.memref_squeeze %dma_wait3A_280 : memref<1x8x1024xf32, #tpu.memory_space<vmem>> -> memref<8x1024xf32, #tpu.memory_space<vmem>>
      %dma_wait3A_282 = tpu.memref_slice %arg3[%multiple_of3A_14, %multiple_of3A_144] : memref<128x100000xf32, #tpu.memory_space<hbm>> -> memref<8x1024xf32, #tpu.memory_space<hbm>>
      tpu.wait_dma2 semaphore(%arg12 : memref<!tpu.dma_semaphore, #tpu.memory_space<semaphore_mem>>) src(%dma_wait3A_282 : memref<8x1024xf32, #tpu.memory_space<hbm>>) dst(%dma_wait3A_281 : memref<8x1024xf32, #tpu.memory_space<vmem>>)
      %scan3A_283 = arith.constant 0 : i32
      %scan3A_284 = arith.constant 64 : i32
      %scan3A_285 = arith.addi %scan3A_283, %scan3A_284 : i32
      %scan3A_286 = arith.constant 1 : i32
      %scan3A_287:8 = scf.for %scan3A_1563 = %scan3A_283 to %scan3A_285 step %scan3A_286 iter_args(%scan3A_1564 = %scan3A_233#0, %scan3A_1565 = %scan3A_233#1, %scan3A_1566 = %scan3A_233#2, %scan3A_1567 = %scan3A_233#3, %scan3A_1568 = %scan3A_233#4, %scan3A_1569 = %scan3A_233#5, %scan3A_1570 = %scan3A_233#6, %scan3A_1571 = %scan3A_233#7) -> (vector<16xf32>, vector<16xf32>, vector<16xf32>, vector<16xf32>, vector<16xf32>, vector<16xf32>, vector<16xf32>, vector<16xf32>)  : i32 {
        %mul3A_1572 = arith.constant 16 : i32
        %mul3A_1573 = arith.muli %scan3A_1563, %mul3A_1572 : i32
        %add3A_1574 = arith.constant 3072 : i32
        %add3A_1575 = arith.addi %add3A_1574, %mul3A_1573 : i32
        %get3A_1576 = arith.constant 0 : i32
        %get3A_1577 = arith.index_cast %get3A_1576 : i32 to index
        %get3A_1578 = arith.index_cast %add3A_1575 : i32 to index
        %get3A_1579 = tpu.vector_load %arg5[%get3A_1577, %get3A_1578] {strides = array<i32>} : memref<8x6272xf32, #tpu.memory_space<vmem>>, vector<1x16xf32>,
        %get3A_1580 = vector.shape_cast %get3A_1579 : vector<1x16xf32> to vector<16xf32>
        %mul3A_1581 = arith.constant 16 : i32
        %mul3A_1582 = arith.muli %scan3A_1563, %mul3A_1581 : i32
        %get3A_1583 = arith.constant 0 : i32
        %get3A_1584 = arith.constant 0 : i32
        %get3A_1585 = arith.index_cast %get3A_1583 : i32 to index
        %get3A_1586 = arith.index_cast %get3A_1584 : i32 to index
        %get3A_1587 = arith.index_cast %mul3A_1582 : i32 to index
        %get3A_1588 = tpu.vector_load %arg9[%get3A_1585, %get3A_1586, %get3A_1587] {strides = array<i32>} : memref<3x8x1024xf32, #tpu.memory_space<vmem>>, vector<1x1x16xf32>,
        %get3A_1589 = vector.shape_cast %get3A_1588 : vector<1x1x16xf32> to vector<16xf32>
        %add3A_1590 = arith.addf %get3A_1580, %get3A_1589 : vector<16xf32>
        %exp3A = math.exp %add3A_1590 : vector<16xf32>
        %mul3A_1591 = arith.constant 16 : i32
        %mul3A_1592 = arith.muli %scan3A_1563, %mul3A_1591 : i32
        %add3A_1593 = arith.constant 3072 : i32
        %add3A_1594 = arith.addi %add3A_1593, %mul3A_1592 : i32
        %swap3A_1595 = arith.constant 0 : i32
        %swap3A_1596 = arith.index_cast %swap3A_1595 : i32 to index
        %swap3A_1597 = arith.index_cast %add3A_1594 : i32 to index
        %swap3A_1598 = tpu.vector_load %arg5[%swap3A_1596, %swap3A_1597] {strides = array<i32>} : memref<8x6272xf32, #tpu.memory_space<vmem>>, vector<1x16xf32>,
        %swap3A_1599 = vector.shape_cast %swap3A_1598 : vector<1x16xf32> to vector<16xf32>
        %swap3A_1600 = vector.shape_cast %exp3A : vector<16xf32> to vector<1x16xf32>
        tpu.vector_store %arg5[%swap3A_1596, %swap3A_1597], %swap3A_1600 {strides = array<i32>} : memref<8x6272xf32, #tpu.memory_space<vmem>>, vector<1x16xf32>,
        %add3A_1601 = arith.addf %scan3A_1564, %exp3A : vector<16xf32>
        %mul3A_1602 = arith.constant 16 : i32
        %mul3A_1603 = arith.muli %scan3A_1563, %mul3A_1602 : i32
        %add3A_1604 = arith.constant 3072 : i32
        %add3A_1605 = arith.addi %add3A_1604, %mul3A_1603 : i32
        %get3A_1606 = arith.constant 1 : i32
        %get3A_1607 = arith.index_cast %get3A_1606 : i32 to index
        %get3A_1608 = arith.index_cast %add3A_1605 : i32 to index
        %get3A_1609 = tpu.vector_load %arg5[%get3A_1607, %get3A_1608] {strides = array<i32>} : memref<8x6272xf32, #tpu.memory_space<vmem>>, vector<1x16xf32>,
        %get3A_1610 = vector.shape_cast %get3A_1609 : vector<1x16xf32> to vector<16xf32>
        %mul3A_1611 = arith.constant 16 : i32
        %mul3A_1612 = arith.muli %scan3A_1563, %mul3A_1611 : i32
        %get3A_1613 = arith.constant 0 : i32
        %get3A_1614 = arith.constant 1 : i32
        %get3A_1615 = arith.index_cast %get3A_1613 : i32 to index
        %get3A_1616 = arith.index_cast %get3A_1614 : i32 to index
        %get3A_1617 = arith.index_cast %mul3A_1612 : i32 to index
        %get3A_1618 = tpu.vector_load %arg9[%get3A_1615, %get3A_1616, %get3A_1617] {strides = array<i32>} : memref<3x8x1024xf32, #tpu.memory_space<vmem>>, vector<1x1x16xf32>,
        %get3A_1619 = vector.shape_cast %get3A_1618 : vector<1x1x16xf32> to vector<16xf32>
        %add3A_1620 = arith.addf %get3A_1610, %get3A_1619 : vector<16xf32>
        %exp3A_1621 = math.exp %add3A_1620 : vector<16xf32>
        %mul3A_1622 = arith.constant 16 : i32
        %mul3A_1623 = arith.muli %scan3A_1563, %mul3A_1622 : i32
        %add3A_1624 = arith.constant 3072 : i32
        %add3A_1625 = arith.addi %add3A_1624, %mul3A_1623 : i32
        %swap3A_1626 = arith.constant 1 : i32
        %swap3A_1627 = arith.index_cast %swap3A_1626 : i32 to index
        %swap3A_1628 = arith.index_cast %add3A_1625 : i32 to index
        %swap3A_1629 = tpu.vector_load %arg5[%swap3A_1627, %swap3A_1628] {strides = array<i32>} : memref<8x6272xf32, #tpu.memory_space<vmem>>, vector<1x16xf32>,
        %swap3A_1630 = vector.shape_cast %swap3A_1629 : vector<1x16xf32> to vector<16xf32>
        %swap3A_1631 = vector.shape_cast %exp3A_1621 : vector<16xf32> to vector<1x16xf32>
        tpu.vector_store %arg5[%swap3A_1627, %swap3A_1628], %swap3A_1631 {strides = array<i32>} : memref<8x6272xf32, #tpu.memory_space<vmem>>, vector<1x16xf32>,
        %add3A_1632 = arith.addf %scan3A_1565, %exp3A_1621 : vector<16xf32>
        %mul3A_1633 = arith.constant 16 : i32
        %mul3A_1634 = arith.muli %scan3A_1563, %mul3A_1633 : i32
        %add3A_1635 = arith.constant 3072 : i32
        %add3A_1636 = arith.addi %add3A_1635, %mul3A_1634 : i32
        %get3A_1637 = arith.constant 2 : i32
        %get3A_1638 = arith.index_cast %get3A_1637 : i32 to index
        %get3A_1639 = arith.index_cast %add3A_1636 : i32 to index
        %get3A_1640 = tpu.vector_load %arg5[%get3A_1638, %get3A_1639] {strides = array<i32>} : memref<8x6272xf32, #tpu.memory_space<vmem>>, vector<1x16xf32>,
        %get3A_1641 = vector.shape_cast %get3A_1640 : vector<1x16xf32> to vector<16xf32>
        %mul3A_1642 = arith.constant 16 : i32
        %mul3A_1643 = arith.muli %scan3A_1563, %mul3A_1642 : i32
        %get3A_1644 = arith.constant 0 : i32
        %get3A_1645 = arith.constant 2 : i32
        %get3A_1646 = arith.index_cast %get3A_1644 : i32 to index
        %get3A_1647 = arith.index_cast %get3A_1645 : i32 to index
        %get3A_1648 = arith.index_cast %mul3A_1643 : i32 to index
        %get3A_1649 = tpu.vector_load %arg9[%get3A_1646, %get3A_1647, %get3A_1648] {strides = array<i32>} : memref<3x8x1024xf32, #tpu.memory_space<vmem>>, vector<1x1x16xf32>,
        %get3A_1650 = vector.shape_cast %get3A_1649 : vector<1x1x16xf32> to vector<16xf32>
        %add3A_1651 = arith.addf %get3A_1641, %get3A_1650 : vector<16xf32>
        %exp3A_1652 = math.exp %add3A_1651 : vector<16xf32>
        %mul3A_1653 = arith.constant 16 : i32
        %mul3A_1654 = arith.muli %scan3A_1563, %mul3A_1653 : i32
        %add3A_1655 = arith.constant 3072 : i32
        %add3A_1656 = arith.addi %add3A_1655, %mul3A_1654 : i32
        %swap3A_1657 = arith.constant 2 : i32
        %swap3A_1658 = arith.index_cast %swap3A_1657 : i32 to index
        %swap3A_1659 = arith.index_cast %add3A_1656 : i32 to index
        %swap3A_1660 = tpu.vector_load %arg5[%swap3A_1658, %swap3A_1659] {strides = array<i32>} : memref<8x6272xf32, #tpu.memory_space<vmem>>, vector<1x16xf32>,
        %swap3A_1661 = vector.shape_cast %swap3A_1660 : vector<1x16xf32> to vector<16xf32>
        %swap3A_1662 = vector.shape_cast %exp3A_1652 : vector<16xf32> to vector<1x16xf32>
        tpu.vector_store %arg5[%swap3A_1658, %swap3A_1659], %swap3A_1662 {strides = array<i32>} : memref<8x6272xf32, #tpu.memory_space<vmem>>, vector<1x16xf32>,
        %add3A_1663 = arith.addf %scan3A_1566, %exp3A_1652 : vector<16xf32>
        %mul3A_1664 = arith.constant 16 : i32
        %mul3A_1665 = arith.muli %scan3A_1563, %mul3A_1664 : i32
        %add3A_1666 = arith.constant 3072 : i32
        %add3A_1667 = arith.addi %add3A_1666, %mul3A_1665 : i32
        %get3A_1668 = arith.constant 3 : i32
        %get3A_1669 = arith.index_cast %get3A_1668 : i32 to index
        %get3A_1670 = arith.index_cast %add3A_1667 : i32 to index
        %get3A_1671 = tpu.vector_load %arg5[%get3A_1669, %get3A_1670] {strides = array<i32>} : memref<8x6272xf32, #tpu.memory_space<vmem>>, vector<1x16xf32>,
        %get3A_1672 = vector.shape_cast %get3A_1671 : vector<1x16xf32> to vector<16xf32>
        %mul3A_1673 = arith.constant 16 : i32
        %mul3A_1674 = arith.muli %scan3A_1563, %mul3A_1673 : i32
        %get3A_1675 = arith.constant 0 : i32
        %get3A_1676 = arith.constant 3 : i32
        %get3A_1677 = arith.index_cast %get3A_1675 : i32 to index
        %get3A_1678 = arith.index_cast %get3A_1676 : i32 to index
        %get3A_1679 = arith.index_cast %mul3A_1674 : i32 to index
        %get3A_1680 = tpu.vector_load %arg9[%get3A_1677, %get3A_1678, %get3A_1679] {strides = array<i32>} : memref<3x8x1024xf32, #tpu.memory_space<vmem>>, vector<1x1x16xf32>,
        %get3A_1681 = vector.shape_cast %get3A_1680 : vector<1x1x16xf32> to vector<16xf32>
        %add3A_1682 = arith.addf %get3A_1672, %get3A_1681 : vector<16xf32>
        %exp3A_1683 = math.exp %add3A_1682 : vector<16xf32>
        %mul3A_1684 = arith.constant 16 : i32
        %mul3A_1685 = arith.muli %scan3A_1563, %mul3A_1684 : i32
        %add3A_1686 = arith.constant 3072 : i32
        %add3A_1687 = arith.addi %add3A_1686, %mul3A_1685 : i32
        %swap3A_1688 = arith.constant 3 : i32
        %swap3A_1689 = arith.index_cast %swap3A_1688 : i32 to index
        %swap3A_1690 = arith.index_cast %add3A_1687 : i32 to index
        %swap3A_1691 = tpu.vector_load %arg5[%swap3A_1689, %swap3A_1690] {strides = array<i32>} : memref<8x6272xf32, #tpu.memory_space<vmem>>, vector<1x16xf32>,
        %swap3A_1692 = vector.shape_cast %swap3A_1691 : vector<1x16xf32> to vector<16xf32>
        %swap3A_1693 = vector.shape_cast %exp3A_1683 : vector<16xf32> to vector<1x16xf32>
        tpu.vector_store %arg5[%swap3A_1689, %swap3A_1690], %swap3A_1693 {strides = array<i32>} : memref<8x6272xf32, #tpu.memory_space<vmem>>, vector<1x16xf32>,
        %add3A_1694 = arith.addf %scan3A_1567, %exp3A_1683 : vector<16xf32>
        %mul3A_1695 = arith.constant 16 : i32
        %mul3A_1696 = arith.muli %scan3A_1563, %mul3A_1695 : i32
        %add3A_1697 = arith.constant 3072 : i32
        %add3A_1698 = arith.addi %add3A_1697, %mul3A_1696 : i32
        %get3A_1699 = arith.constant 4 : i32
        %get3A_1700 = arith.index_cast %get3A_1699 : i32 to index
        %get3A_1701 = arith.index_cast %add3A_1698 : i32 to index
        %get3A_1702 = tpu.vector_load %arg5[%get3A_1700, %get3A_1701] {strides = array<i32>} : memref<8x6272xf32, #tpu.memory_space<vmem>>, vector<1x16xf32>,
        %get3A_1703 = vector.shape_cast %get3A_1702 : vector<1x16xf32> to vector<16xf32>
        %mul3A_1704 = arith.constant 16 : i32
        %mul3A_1705 = arith.muli %scan3A_1563, %mul3A_1704 : i32
        %get3A_1706 = arith.constant 0 : i32
        %get3A_1707 = arith.constant 4 : i32
        %get3A_1708 = arith.index_cast %get3A_1706 : i32 to index
        %get3A_1709 = arith.index_cast %get3A_1707 : i32 to index
        %get3A_1710 = arith.index_cast %mul3A_1705 : i32 to index
        %get3A_1711 = tpu.vector_load %arg9[%get3A_1708, %get3A_1709, %get3A_1710] {strides = array<i32>} : memref<3x8x1024xf32, #tpu.memory_space<vmem>>, vector<1x1x16xf32>,
        %get3A_1712 = vector.shape_cast %get3A_1711 : vector<1x1x16xf32> to vector<16xf32>
        %add3A_1713 = arith.addf %get3A_1703, %get3A_1712 : vector<16xf32>
        %exp3A_1714 = math.exp %add3A_1713 : vector<16xf32>
        %mul3A_1715 = arith.constant 16 : i32
        %mul3A_1716 = arith.muli %scan3A_1563, %mul3A_1715 : i32
        %add3A_1717 = arith.constant 3072 : i32
        %add3A_1718 = arith.addi %add3A_1717, %mul3A_1716 : i32
        %swap3A_1719 = arith.constant 4 : i32
        %swap3A_1720 = arith.index_cast %swap3A_1719 : i32 to index
        %swap3A_1721 = arith.index_cast %add3A_1718 : i32 to index
        %swap3A_1722 = tpu.vector_load %arg5[%swap3A_1720, %swap3A_1721] {strides = array<i32>} : memref<8x6272xf32, #tpu.memory_space<vmem>>, vector<1x16xf32>,
        %swap3A_1723 = vector.shape_cast %swap3A_1722 : vector<1x16xf32> to vector<16xf32>
        %swap3A_1724 = vector.shape_cast %exp3A_1714 : vector<16xf32> to vector<1x16xf32>
        tpu.vector_store %arg5[%swap3A_1720, %swap3A_1721], %swap3A_1724 {strides = array<i32>} : memref<8x6272xf32, #tpu.memory_space<vmem>>, vector<1x16xf32>,
        %add3A_1725 = arith.addf %scan3A_1568, %exp3A_1714 : vector<16xf32>
        %mul3A_1726 = arith.constant 16 : i32
        %mul3A_1727 = arith.muli %scan3A_1563, %mul3A_1726 : i32
        %add3A_1728 = arith.constant 3072 : i32
        %add3A_1729 = arith.addi %add3A_1728, %mul3A_1727 : i32
        %get3A_1730 = arith.constant 5 : i32
        %get3A_1731 = arith.index_cast %get3A_1730 : i32 to index
        %get3A_1732 = arith.index_cast %add3A_1729 : i32 to index
        %get3A_1733 = tpu.vector_load %arg5[%get3A_1731, %get3A_1732] {strides = array<i32>} : memref<8x6272xf32, #tpu.memory_space<vmem>>, vector<1x16xf32>,
        %get3A_1734 = vector.shape_cast %get3A_1733 : vector<1x16xf32> to vector<16xf32>
        %mul3A_1735 = arith.constant 16 : i32
        %mul3A_1736 = arith.muli %scan3A_1563, %mul3A_1735 : i32
        %get3A_1737 = arith.constant 0 : i32
        %get3A_1738 = arith.constant 5 : i32
        %get3A_1739 = arith.index_cast %get3A_1737 : i32 to index
        %get3A_1740 = arith.index_cast %get3A_1738 : i32 to index
        %get3A_1741 = arith.index_cast %mul3A_1736 : i32 to index
        %get3A_1742 = tpu.vector_load %arg9[%get3A_1739, %get3A_1740, %get3A_1741] {strides = array<i32>} : memref<3x8x1024xf32, #tpu.memory_space<vmem>>, vector<1x1x16xf32>,
        %get3A_1743 = vector.shape_cast %get3A_1742 : vector<1x1x16xf32> to vector<16xf32>
        %add3A_1744 = arith.addf %get3A_1734, %get3A_1743 : vector<16xf32>
        %exp3A_1745 = math.exp %add3A_1744 : vector<16xf32>
        %mul3A_1746 = arith.constant 16 : i32
        %mul3A_1747 = arith.muli %scan3A_1563, %mul3A_1746 : i32
        %add3A_1748 = arith.constant 3072 : i32
        %add3A_1749 = arith.addi %add3A_1748, %mul3A_1747 : i32
        %swap3A_1750 = arith.constant 5 : i32
        %swap3A_1751 = arith.index_cast %swap3A_1750 : i32 to index
        %swap3A_1752 = arith.index_cast %add3A_1749 : i32 to index
        %swap3A_1753 = tpu.vector_load %arg5[%swap3A_1751, %swap3A_1752] {strides = array<i32>} : memref<8x6272xf32, #tpu.memory_space<vmem>>, vector<1x16xf32>,
        %swap3A_1754 = vector.shape_cast %swap3A_1753 : vector<1x16xf32> to vector<16xf32>
        %swap3A_1755 = vector.shape_cast %exp3A_1745 : vector<16xf32> to vector<1x16xf32>
        tpu.vector_store %arg5[%swap3A_1751, %swap3A_1752], %swap3A_1755 {strides = array<i32>} : memref<8x6272xf32, #tpu.memory_space<vmem>>, vector<1x16xf32>,
        %add3A_1756 = arith.addf %scan3A_1569, %exp3A_1745 : vector<16xf32>
        %mul3A_1757 = arith.constant 16 : i32
        %mul3A_1758 = arith.muli %scan3A_1563, %mul3A_1757 : i32
        %add3A_1759 = arith.constant 3072 : i32
        %add3A_1760 = arith.addi %add3A_1759, %mul3A_1758 : i32
        %get3A_1761 = arith.constant 6 : i32
        %get3A_1762 = arith.index_cast %get3A_1761 : i32 to index
        %get3A_1763 = arith.index_cast %add3A_1760 : i32 to index
        %get3A_1764 = tpu.vector_load %arg5[%get3A_1762, %get3A_1763] {strides = array<i32>} : memref<8x6272xf32, #tpu.memory_space<vmem>>, vector<1x16xf32>,
        %get3A_1765 = vector.shape_cast %get3A_1764 : vector<1x16xf32> to vector<16xf32>
        %mul3A_1766 = arith.constant 16 : i32
        %mul3A_1767 = arith.muli %scan3A_1563, %mul3A_1766 : i32
        %get3A_1768 = arith.constant 0 : i32
        %get3A_1769 = arith.constant 6 : i32
        %get3A_1770 = arith.index_cast %get3A_1768 : i32 to index
        %get3A_1771 = arith.index_cast %get3A_1769 : i32 to index
        %get3A_1772 = arith.index_cast %mul3A_1767 : i32 to index
        %get3A_1773 = tpu.vector_load %arg9[%get3A_1770, %get3A_1771, %get3A_1772] {strides = array<i32>} : memref<3x8x1024xf32, #tpu.memory_space<vmem>>, vector<1x1x16xf32>,
        %get3A_1774 = vector.shape_cast %get3A_1773 : vector<1x1x16xf32> to vector<16xf32>
        %add3A_1775 = arith.addf %get3A_1765, %get3A_1774 : vector<16xf32>
        %exp3A_1776 = math.exp %add3A_1775 : vector<16xf32>
        %mul3A_1777 = arith.constant 16 : i32
        %mul3A_1778 = arith.muli %scan3A_1563, %mul3A_1777 : i32
        %add3A_1779 = arith.constant 3072 : i32
        %add3A_1780 = arith.addi %add3A_1779, %mul3A_1778 : i32
        %swap3A_1781 = arith.constant 6 : i32
        %swap3A_1782 = arith.index_cast %swap3A_1781 : i32 to index
        %swap3A_1783 = arith.index_cast %add3A_1780 : i32 to index
        %swap3A_1784 = tpu.vector_load %arg5[%swap3A_1782, %swap3A_1783] {strides = array<i32>} : memref<8x6272xf32, #tpu.memory_space<vmem>>, vector<1x16xf32>,
        %swap3A_1785 = vector.shape_cast %swap3A_1784 : vector<1x16xf32> to vector<16xf32>
        %swap3A_1786 = vector.shape_cast %exp3A_1776 : vector<16xf32> to vector<1x16xf32>
        tpu.vector_store %arg5[%swap3A_1782, %swap3A_1783], %swap3A_1786 {strides = array<i32>} : memref<8x6272xf32, #tpu.memory_space<vmem>>, vector<1x16xf32>,
        %add3A_1787 = arith.addf %scan3A_1570, %exp3A_1776 : vector<16xf32>
        %mul3A_1788 = arith.constant 16 : i32
        %mul3A_1789 = arith.muli %scan3A_1563, %mul3A_1788 : i32
        %add3A_1790 = arith.constant 3072 : i32
        %add3A_1791 = arith.addi %add3A_1790, %mul3A_1789 : i32
        %get3A_1792 = arith.constant 7 : i32
        %get3A_1793 = arith.index_cast %get3A_1792 : i32 to index
        %get3A_1794 = arith.index_cast %add3A_1791 : i32 to index
        %get3A_1795 = tpu.vector_load %arg5[%get3A_1793, %get3A_1794] {strides = array<i32>} : memref<8x6272xf32, #tpu.memory_space<vmem>>, vector<1x16xf32>,
        %get3A_1796 = vector.shape_cast %get3A_1795 : vector<1x16xf32> to vector<16xf32>
        %mul3A_1797 = arith.constant 16 : i32
        %mul3A_1798 = arith.muli %scan3A_1563, %mul3A_1797 : i32
        %get3A_1799 = arith.constant 0 : i32
        %get3A_1800 = arith.constant 7 : i32
        %get3A_1801 = arith.index_cast %get3A_1799 : i32 to index
        %get3A_1802 = arith.index_cast %get3A_1800 : i32 to index
        %get3A_1803 = arith.index_cast %mul3A_1798 : i32 to index
        %get3A_1804 = tpu.vector_load %arg9[%get3A_1801, %get3A_1802, %get3A_1803] {strides = array<i32>} : memref<3x8x1024xf32, #tpu.memory_space<vmem>>, vector<1x1x16xf32>,
        %get3A_1805 = vector.shape_cast %get3A_1804 : vector<1x1x16xf32> to vector<16xf32>
        %add3A_1806 = arith.addf %get3A_1796, %get3A_1805 : vector<16xf32>
        %exp3A_1807 = math.exp %add3A_1806 : vector<16xf32>
        %mul3A_1808 = arith.constant 16 : i32
        %mul3A_1809 = arith.muli %scan3A_1563, %mul3A_1808 : i32
        %add3A_1810 = arith.constant 3072 : i32
        %add3A_1811 = arith.addi %add3A_1810, %mul3A_1809 : i32
        %swap3A_1812 = arith.constant 7 : i32
        %swap3A_1813 = arith.index_cast %swap3A_1812 : i32 to index
        %swap3A_1814 = arith.index_cast %add3A_1811 : i32 to index
        %swap3A_1815 = tpu.vector_load %arg5[%swap3A_1813, %swap3A_1814] {strides = array<i32>} : memref<8x6272xf32, #tpu.memory_space<vmem>>, vector<1x16xf32>,
        %swap3A_1816 = vector.shape_cast %swap3A_1815 : vector<1x16xf32> to vector<16xf32>
        %swap3A_1817 = vector.shape_cast %exp3A_1807 : vector<16xf32> to vector<1x16xf32>
        tpu.vector_store %arg5[%swap3A_1813, %swap3A_1814], %swap3A_1817 {strides = array<i32>} : memref<8x6272xf32, #tpu.memory_space<vmem>>, vector<1x16xf32>,
        %add3A_1818 = arith.addf %scan3A_1571, %exp3A_1807 : vector<16xf32>
        scf.yield %add3A_1601, %add3A_1632, %add3A_1663, %add3A_1694, %add3A_1725, %add3A_1756, %add3A_1787, %add3A_1818 : vector<16xf32>, vector<16xf32>, vector<16xf32>, vector<16xf32>, vector<16xf32>, vector<16xf32>, vector<16xf32>, vector<16xf32>
      }
      %scan3A_288 = arith.constant 64 : i32
      %dma_wait3A_289 = arith.constant 0 : i32
      %dma_wait3A_290 = arith.constant 4096 : i32
      %dma_wait3A_291 = tpu.memref_slice %arg5[%dma_wait3A_289, %dma_wait3A_290] : memref<8x6272xf32, #tpu.memory_space<vmem>> -> memref<8x1024xf32, #tpu.memory_space<vmem>>
      %dma_wait3A_292 = tpu.memref_slice %arg2[%multiple_of3A_14, %multiple_of3A_185] : memref<128x100000xf32, #tpu.memory_space<hbm>> -> memref<8x1024xf32, #tpu.memory_space<hbm>>
      %dma_wait3A_293 = arith.constant 0 : i32
      %dma_wait3A_294 = arith.constant 4096 : i32
      %dma_wait3A_295 = tpu.memref_slice %arg5[%dma_wait3A_293, %dma_wait3A_294] : memref<8x6272xf32, #tpu.memory_space<vmem>> -> memref<8x1024xf32, #tpu.memory_space<vmem>>
      %dma_wait3A_296 = tpu.memref_slice %arg2[%multiple_of3A_14, %multiple_of3A_185] : memref<128x100000xf32, #tpu.memory_space<hbm>> -> memref<8x1024xf32, #tpu.memory_space<hbm>>
      tpu.wait_dma2 semaphore(%arg11 : memref<!tpu.dma_semaphore, #tpu.memory_space<semaphore_mem>>) src(%dma_wait3A_296 : memref<8x1024xf32, #tpu.memory_space<hbm>>) dst(%dma_wait3A_295 : memref<8x1024xf32, #tpu.memory_space<vmem>>)
      %dma_wait3A_297 = arith.constant 1 : i32
      %dma_wait3A_298 = arith.constant 0 : i32
      %dma_wait3A_299 = arith.constant 0 : i32
      %dma_wait3A_300 = tpu.memref_slice %arg9[%dma_wait3A_297, %dma_wait3A_298, %dma_wait3A_299] : memref<3x8x1024xf32, #tpu.memory_space<vmem>> -> memref<1x8x1024xf32, #tpu.memory_space<vmem>>
      %dma_wait3A_301 = tpu.memref_squeeze %dma_wait3A_300 : memref<1x8x1024xf32, #tpu.memory_space<vmem>> -> memref<8x1024xf32, #tpu.memory_space<vmem>>
      %dma_wait3A_302 = tpu.memref_slice %arg3[%multiple_of3A_14, %multiple_of3A_198] : memref<128x100000xf32, #tpu.memory_space<hbm>> -> memref<8x1024xf32, #tpu.memory_space<hbm>>
      %dma_wait3A_303 = arith.constant 0 : i32
      %dma_wait3A_304 = arith.constant 0 : i32
      %dma_wait3A_305 = tpu.memref_slice %arg9[%dma_wait3A_297, %dma_wait3A_303, %dma_wait3A_304] : memref<3x8x1024xf32, #tpu.memory_space<vmem>> -> memref<1x8x1024xf32, #tpu.memory_space<vmem>>
      %dma_wait3A_306 = tpu.memref_squeeze %dma_wait3A_305 : memref<1x8x1024xf32, #tpu.memory_space<vmem>> -> memref<8x1024xf32, #tpu.memory_space<vmem>>
      %dma_wait3A_307 = tpu.memref_slice %arg3[%multiple_of3A_14, %multiple_of3A_198] : memref<128x100000xf32, #tpu.memory_space<hbm>> -> memref<8x1024xf32, #tpu.memory_space<hbm>>
      tpu.wait_dma2 semaphore(%arg12 : memref<!tpu.dma_semaphore, #tpu.memory_space<semaphore_mem>>) src(%dma_wait3A_307 : memref<8x1024xf32, #tpu.memory_space<hbm>>) dst(%dma_wait3A_306 : memref<8x1024xf32, #tpu.memory_space<vmem>>)
      %scan3A_308 = arith.constant 0 : i32
      %scan3A_309 = arith.constant 64 : i32
      %scan3A_310 = arith.addi %scan3A_308, %scan3A_309 : i32
      %scan3A_311 = arith.constant 1 : i32
      %scan3A_312:8 = scf.for %scan3A_1563 = %scan3A_308 to %scan3A_310 step %scan3A_311 iter_args(%scan3A_1564 = %scan3A_287#0, %scan3A_1565 = %scan3A_287#1, %scan3A_1566 = %scan3A_287#2, %scan3A_1567 = %scan3A_287#3, %scan3A_1568 = %scan3A_287#4, %scan3A_1569 = %scan3A_287#5, %scan3A_1570 = %scan3A_287#6, %scan3A_1571 = %scan3A_287#7) -> (vector<16xf32>, vector<16xf32>, vector<16xf32>, vector<16xf32>, vector<16xf32>, vector<16xf32>, vector<16xf32>, vector<16xf32>)  : i32 {
        %mul3A_1572 = arith.constant 16 : i32
        %mul3A_1573 = arith.muli %scan3A_1563, %mul3A_1572 : i32
        %add3A_1574 = arith.constant 4096 : i32
        %add3A_1575 = arith.addi %add3A_1574, %mul3A_1573 : i32
        %get3A_1576 = arith.constant 0 : i32
        %get3A_1577 = arith.index_cast %get3A_1576 : i32 to index
        %get3A_1578 = arith.index_cast %add3A_1575 : i32 to index
        %get3A_1579 = tpu.vector_load %arg5[%get3A_1577, %get3A_1578] {strides = array<i32>} : memref<8x6272xf32, #tpu.memory_space<vmem>>, vector<1x16xf32>,
        %get3A_1580 = vector.shape_cast %get3A_1579 : vector<1x16xf32> to vector<16xf32>
        %mul3A_1581 = arith.constant 16 : i32
        %mul3A_1582 = arith.muli %scan3A_1563, %mul3A_1581 : i32
        %get3A_1583 = arith.constant 1 : i32
        %get3A_1584 = arith.constant 0 : i32
        %get3A_1585 = arith.index_cast %get3A_1583 : i32 to index
        %get3A_1586 = arith.index_cast %get3A_1584 : i32 to index
        %get3A_1587 = arith.index_cast %mul3A_1582 : i32 to index
        %get3A_1588 = tpu.vector_load %arg9[%get3A_1585, %get3A_1586, %get3A_1587] {strides = array<i32>} : memref<3x8x1024xf32, #tpu.memory_space<vmem>>, vector<1x1x16xf32>,
        %get3A_1589 = vector.shape_cast %get3A_1588 : vector<1x1x16xf32> to vector<16xf32>
        %add3A_1590 = arith.addf %get3A_1580, %get3A_1589 : vector<16xf32>
        %exp3A = math.exp %add3A_1590 : vector<16xf32>
        %mul3A_1591 = arith.constant 16 : i32
        %mul3A_1592 = arith.muli %scan3A_1563, %mul3A_1591 : i32
        %add3A_1593 = arith.constant 4096 : i32
        %add3A_1594 = arith.addi %add3A_1593, %mul3A_1592 : i32
        %swap3A_1595 = arith.constant 0 : i32
        %swap3A_1596 = arith.index_cast %swap3A_1595 : i32 to index
        %swap3A_1597 = arith.index_cast %add3A_1594 : i32 to index
        %swap3A_1598 = tpu.vector_load %arg5[%swap3A_1596, %swap3A_1597] {strides = array<i32>} : memref<8x6272xf32, #tpu.memory_space<vmem>>, vector<1x16xf32>,
        %swap3A_1599 = vector.shape_cast %swap3A_1598 : vector<1x16xf32> to vector<16xf32>
        %swap3A_1600 = vector.shape_cast %exp3A : vector<16xf32> to vector<1x16xf32>
        tpu.vector_store %arg5[%swap3A_1596, %swap3A_1597], %swap3A_1600 {strides = array<i32>} : memref<8x6272xf32, #tpu.memory_space<vmem>>, vector<1x16xf32>,
        %add3A_1601 = arith.addf %scan3A_1564, %exp3A : vector<16xf32>
        %mul3A_1602 = arith.constant 16 : i32
        %mul3A_1603 = arith.muli %scan3A_1563, %mul3A_1602 : i32
        %add3A_1604 = arith.constant 4096 : i32
        %add3A_1605 = arith.addi %add3A_1604, %mul3A_1603 : i32
        %get3A_1606 = arith.constant 1 : i32
        %get3A_1607 = arith.index_cast %get3A_1606 : i32 to index
        %get3A_1608 = arith.index_cast %add3A_1605 : i32 to index
        %get3A_1609 = tpu.vector_load %arg5[%get3A_1607, %get3A_1608] {strides = array<i32>} : memref<8x6272xf32, #tpu.memory_space<vmem>>, vector<1x16xf32>,
        %get3A_1610 = vector.shape_cast %get3A_1609 : vector<1x16xf32> to vector<16xf32>
        %mul3A_1611 = arith.constant 16 : i32
        %mul3A_1612 = arith.muli %scan3A_1563, %mul3A_1611 : i32
        %get3A_1613 = arith.constant 1 : i32
        %get3A_1614 = arith.constant 1 : i32
        %get3A_1615 = arith.index_cast %get3A_1613 : i32 to index
        %get3A_1616 = arith.index_cast %get3A_1614 : i32 to index
        %get3A_1617 = arith.index_cast %mul3A_1612 : i32 to index
        %get3A_1618 = tpu.vector_load %arg9[%get3A_1615, %get3A_1616, %get3A_1617] {strides = array<i32>} : memref<3x8x1024xf32, #tpu.memory_space<vmem>>, vector<1x1x16xf32>,
        %get3A_1619 = vector.shape_cast %get3A_1618 : vector<1x1x16xf32> to vector<16xf32>
        %add3A_1620 = arith.addf %get3A_1610, %get3A_1619 : vector<16xf32>
        %exp3A_1621 = math.exp %add3A_1620 : vector<16xf32>
        %mul3A_1622 = arith.constant 16 : i32
        %mul3A_1623 = arith.muli %scan3A_1563, %mul3A_1622 : i32
        %add3A_1624 = arith.constant 4096 : i32
        %add3A_1625 = arith.addi %add3A_1624, %mul3A_1623 : i32
        %swap3A_1626 = arith.constant 1 : i32
        %swap3A_1627 = arith.index_cast %swap3A_1626 : i32 to index
        %swap3A_1628 = arith.index_cast %add3A_1625 : i32 to index
        %swap3A_1629 = tpu.vector_load %arg5[%swap3A_1627, %swap3A_1628] {strides = array<i32>} : memref<8x6272xf32, #tpu.memory_space<vmem>>, vector<1x16xf32>,
        %swap3A_1630 = vector.shape_cast %swap3A_1629 : vector<1x16xf32> to vector<16xf32>
        %swap3A_1631 = vector.shape_cast %exp3A_1621 : vector<16xf32> to vector<1x16xf32>
        tpu.vector_store %arg5[%swap3A_1627, %swap3A_1628], %swap3A_1631 {strides = array<i32>} : memref<8x6272xf32, #tpu.memory_space<vmem>>, vector<1x16xf32>,
        %add3A_1632 = arith.addf %scan3A_1565, %exp3A_1621 : vector<16xf32>
        %mul3A_1633 = arith.constant 16 : i32
        %mul3A_1634 = arith.muli %scan3A_1563, %mul3A_1633 : i32
        %add3A_1635 = arith.constant 4096 : i32
        %add3A_1636 = arith.addi %add3A_1635, %mul3A_1634 : i32
        %get3A_1637 = arith.constant 2 : i32
        %get3A_1638 = arith.index_cast %get3A_1637 : i32 to index
        %get3A_1639 = arith.index_cast %add3A_1636 : i32 to index
        %get3A_1640 = tpu.vector_load %arg5[%get3A_1638, %get3A_1639] {strides = array<i32>} : memref<8x6272xf32, #tpu.memory_space<vmem>>, vector<1x16xf32>,
        %get3A_1641 = vector.shape_cast %get3A_1640 : vector<1x16xf32> to vector<16xf32>
        %mul3A_1642 = arith.constant 16 : i32
        %mul3A_1643 = arith.muli %scan3A_1563, %mul3A_1642 : i32
        %get3A_1644 = arith.constant 1 : i32
        %get3A_1645 = arith.constant 2 : i32
        %get3A_1646 = arith.index_cast %get3A_1644 : i32 to index
        %get3A_1647 = arith.index_cast %get3A_1645 : i32 to index
        %get3A_1648 = arith.index_cast %mul3A_1643 : i32 to index
        %get3A_1649 = tpu.vector_load %arg9[%get3A_1646, %get3A_1647, %get3A_1648] {strides = array<i32>} : memref<3x8x1024xf32, #tpu.memory_space<vmem>>, vector<1x1x16xf32>,
        %get3A_1650 = vector.shape_cast %get3A_1649 : vector<1x1x16xf32> to vector<16xf32>
        %add3A_1651 = arith.addf %get3A_1641, %get3A_1650 : vector<16xf32>
        %exp3A_1652 = math.exp %add3A_1651 : vector<16xf32>
        %mul3A_1653 = arith.constant 16 : i32
        %mul3A_1654 = arith.muli %scan3A_1563, %mul3A_1653 : i32
        %add3A_1655 = arith.constant 4096 : i32
        %add3A_1656 = arith.addi %add3A_1655, %mul3A_1654 : i32
        %swap3A_1657 = arith.constant 2 : i32
        %swap3A_1658 = arith.index_cast %swap3A_1657 : i32 to index
        %swap3A_1659 = arith.index_cast %add3A_1656 : i32 to index
        %swap3A_1660 = tpu.vector_load %arg5[%swap3A_1658, %swap3A_1659] {strides = array<i32>} : memref<8x6272xf32, #tpu.memory_space<vmem>>, vector<1x16xf32>,
        %swap3A_1661 = vector.shape_cast %swap3A_1660 : vector<1x16xf32> to vector<16xf32>
        %swap3A_1662 = vector.shape_cast %exp3A_1652 : vector<16xf32> to vector<1x16xf32>
        tpu.vector_store %arg5[%swap3A_1658, %swap3A_1659], %swap3A_1662 {strides = array<i32>} : memref<8x6272xf32, #tpu.memory_space<vmem>>, vector<1x16xf32>,
        %add3A_1663 = arith.addf %scan3A_1566, %exp3A_1652 : vector<16xf32>
        %mul3A_1664 = arith.constant 16 : i32
        %mul3A_1665 = arith.muli %scan3A_1563, %mul3A_1664 : i32
        %add3A_1666 = arith.constant 4096 : i32
        %add3A_1667 = arith.addi %add3A_1666, %mul3A_1665 : i32
        %get3A_1668 = arith.constant 3 : i32
        %get3A_1669 = arith.index_cast %get3A_1668 : i32 to index
        %get3A_1670 = arith.index_cast %add3A_1667 : i32 to index
        %get3A_1671 = tpu.vector_load %arg5[%get3A_1669, %get3A_1670] {strides = array<i32>} : memref<8x6272xf32, #tpu.memory_space<vmem>>, vector<1x16xf32>,
        %get3A_1672 = vector.shape_cast %get3A_1671 : vector<1x16xf32> to vector<16xf32>
        %mul3A_1673 = arith.constant 16 : i32
        %mul3A_1674 = arith.muli %scan3A_1563, %mul3A_1673 : i32
        %get3A_1675 = arith.constant 1 : i32
        %get3A_1676 = arith.constant 3 : i32
        %get3A_1677 = arith.index_cast %get3A_1675 : i32 to index
        %get3A_1678 = arith.index_cast %get3A_1676 : i32 to index
        %get3A_1679 = arith.index_cast %mul3A_1674 : i32 to index
        %get3A_1680 = tpu.vector_load %arg9[%get3A_1677, %get3A_1678, %get3A_1679] {strides = array<i32>} : memref<3x8x1024xf32, #tpu.memory_space<vmem>>, vector<1x1x16xf32>,
        %get3A_1681 = vector.shape_cast %get3A_1680 : vector<1x1x16xf32> to vector<16xf32>
        %add3A_1682 = arith.addf %get3A_1672, %get3A_1681 : vector<16xf32>
        %exp3A_1683 = math.exp %add3A_1682 : vector<16xf32>
        %mul3A_1684 = arith.constant 16 : i32
        %mul3A_1685 = arith.muli %scan3A_1563, %mul3A_1684 : i32
        %add3A_1686 = arith.constant 4096 : i32
        %add3A_1687 = arith.addi %add3A_1686, %mul3A_1685 : i32
        %swap3A_1688 = arith.constant 3 : i32
        %swap3A_1689 = arith.index_cast %swap3A_1688 : i32 to index
        %swap3A_1690 = arith.index_cast %add3A_1687 : i32 to index
        %swap3A_1691 = tpu.vector_load %arg5[%swap3A_1689, %swap3A_1690] {strides = array<i32>} : memref<8x6272xf32, #tpu.memory_space<vmem>>, vector<1x16xf32>,
        %swap3A_1692 = vector.shape_cast %swap3A_1691 : vector<1x16xf32> to vector<16xf32>
        %swap3A_1693 = vector.shape_cast %exp3A_1683 : vector<16xf32> to vector<1x16xf32>
        tpu.vector_store %arg5[%swap3A_1689, %swap3A_1690], %swap3A_1693 {strides = array<i32>} : memref<8x6272xf32, #tpu.memory_space<vmem>>, vector<1x16xf32>,
        %add3A_1694 = arith.addf %scan3A_1567, %exp3A_1683 : vector<16xf32>
        %mul3A_1695 = arith.constant 16 : i32
        %mul3A_1696 = arith.muli %scan3A_1563, %mul3A_1695 : i32
        %add3A_1697 = arith.constant 4096 : i32
        %add3A_1698 = arith.addi %add3A_1697, %mul3A_1696 : i32
        %get3A_1699 = arith.constant 4 : i32
        %get3A_1700 = arith.index_cast %get3A_1699 : i32 to index
        %get3A_1701 = arith.index_cast %add3A_1698 : i32 to index
        %get3A_1702 = tpu.vector_load %arg5[%get3A_1700, %get3A_1701] {strides = array<i32>} : memref<8x6272xf32, #tpu.memory_space<vmem>>, vector<1x16xf32>,
        %get3A_1703 = vector.shape_cast %get3A_1702 : vector<1x16xf32> to vector<16xf32>
        %mul3A_1704 = arith.constant 16 : i32
        %mul3A_1705 = arith.muli %scan3A_1563, %mul3A_1704 : i32
        %get3A_1706 = arith.constant 1 : i32
        %get3A_1707 = arith.constant 4 : i32
        %get3A_1708 = arith.index_cast %get3A_1706 : i32 to index
        %get3A_1709 = arith.index_cast %get3A_1707 : i32 to index
        %get3A_1710 = arith.index_cast %mul3A_1705 : i32 to index
        %get3A_1711 = tpu.vector_load %arg9[%get3A_1708, %get3A_1709, %get3A_1710] {strides = array<i32>} : memref<3x8x1024xf32, #tpu.memory_space<vmem>>, vector<1x1x16xf32>,
        %get3A_1712 = vector.shape_cast %get3A_1711 : vector<1x1x16xf32> to vector<16xf32>
        %add3A_1713 = arith.addf %get3A_1703, %get3A_1712 : vector<16xf32>
        %exp3A_1714 = math.exp %add3A_1713 : vector<16xf32>
        %mul3A_1715 = arith.constant 16 : i32
        %mul3A_1716 = arith.muli %scan3A_1563, %mul3A_1715 : i32
        %add3A_1717 = arith.constant 4096 : i32
        %add3A_1718 = arith.addi %add3A_1717, %mul3A_1716 : i32
        %swap3A_1719 = arith.constant 4 : i32
        %swap3A_1720 = arith.index_cast %swap3A_1719 : i32 to index
        %swap3A_1721 = arith.index_cast %add3A_1718 : i32 to index
        %swap3A_1722 = tpu.vector_load %arg5[%swap3A_1720, %swap3A_1721] {strides = array<i32>} : memref<8x6272xf32, #tpu.memory_space<vmem>>, vector<1x16xf32>,
        %swap3A_1723 = vector.shape_cast %swap3A_1722 : vector<1x16xf32> to vector<16xf32>
        %swap3A_1724 = vector.shape_cast %exp3A_1714 : vector<16xf32> to vector<1x16xf32>
        tpu.vector_store %arg5[%swap3A_1720, %swap3A_1721], %swap3A_1724 {strides = array<i32>} : memref<8x6272xf32, #tpu.memory_space<vmem>>, vector<1x16xf32>,
        %add3A_1725 = arith.addf %scan3A_1568, %exp3A_1714 : vector<16xf32>
        %mul3A_1726 = arith.constant 16 : i32
        %mul3A_1727 = arith.muli %scan3A_1563, %mul3A_1726 : i32
        %add3A_1728 = arith.constant 4096 : i32
        %add3A_1729 = arith.addi %add3A_1728, %mul3A_1727 : i32
        %get3A_1730 = arith.constant 5 : i32
        %get3A_1731 = arith.index_cast %get3A_1730 : i32 to index
        %get3A_1732 = arith.index_cast %add3A_1729 : i32 to index
        %get3A_1733 = tpu.vector_load %arg5[%get3A_1731, %get3A_1732] {strides = array<i32>} : memref<8x6272xf32, #tpu.memory_space<vmem>>, vector<1x16xf32>,
        %get3A_1734 = vector.shape_cast %get3A_1733 : vector<1x16xf32> to vector<16xf32>
        %mul3A_1735 = arith.constant 16 : i32
        %mul3A_1736 = arith.muli %scan3A_1563, %mul3A_1735 : i32
        %get3A_1737 = arith.constant 1 : i32
        %get3A_1738 = arith.constant 5 : i32
        %get3A_1739 = arith.index_cast %get3A_1737 : i32 to index
        %get3A_1740 = arith.index_cast %get3A_1738 : i32 to index
        %get3A_1741 = arith.index_cast %mul3A_1736 : i32 to index
        %get3A_1742 = tpu.vector_load %arg9[%get3A_1739, %get3A_1740, %get3A_1741] {strides = array<i32>} : memref<3x8x1024xf32, #tpu.memory_space<vmem>>, vector<1x1x16xf32>,
        %get3A_1743 = vector.shape_cast %get3A_1742 : vector<1x1x16xf32> to vector<16xf32>
        %add3A_1744 = arith.addf %get3A_1734, %get3A_1743 : vector<16xf32>
        %exp3A_1745 = math.exp %add3A_1744 : vector<16xf32>
        %mul3A_1746 = arith.constant 16 : i32
        %mul3A_1747 = arith.muli %scan3A_1563, %mul3A_1746 : i32
        %add3A_1748 = arith.constant 4096 : i32
        %add3A_1749 = arith.addi %add3A_1748, %mul3A_1747 : i32
        %swap3A_1750 = arith.constant 5 : i32
        %swap3A_1751 = arith.index_cast %swap3A_1750 : i32 to index
        %swap3A_1752 = arith.index_cast %add3A_1749 : i32 to index
        %swap3A_1753 = tpu.vector_load %arg5[%swap3A_1751, %swap3A_1752] {strides = array<i32>} : memref<8x6272xf32, #tpu.memory_space<vmem>>, vector<1x16xf32>,
        %swap3A_1754 = vector.shape_cast %swap3A_1753 : vector<1x16xf32> to vector<16xf32>
        %swap3A_1755 = vector.shape_cast %exp3A_1745 : vector<16xf32> to vector<1x16xf32>
        tpu.vector_store %arg5[%swap3A_1751, %swap3A_1752], %swap3A_1755 {strides = array<i32>} : memref<8x6272xf32, #tpu.memory_space<vmem>>, vector<1x16xf32>,
        %add3A_1756 = arith.addf %scan3A_1569, %exp3A_1745 : vector<16xf32>
        %mul3A_1757 = arith.constant 16 : i32
        %mul3A_1758 = arith.muli %scan3A_1563, %mul3A_1757 : i32
        %add3A_1759 = arith.constant 4096 : i32
        %add3A_1760 = arith.addi %add3A_1759, %mul3A_1758 : i32
        %get3A_1761 = arith.constant 6 : i32
        %get3A_1762 = arith.index_cast %get3A_1761 : i32 to index
        %get3A_1763 = arith.index_cast %add3A_1760 : i32 to index
        %get3A_1764 = tpu.vector_load %arg5[%get3A_1762, %get3A_1763] {strides = array<i32>} : memref<8x6272xf32, #tpu.memory_space<vmem>>, vector<1x16xf32>,
        %get3A_1765 = vector.shape_cast %get3A_1764 : vector<1x16xf32> to vector<16xf32>
        %mul3A_1766 = arith.constant 16 : i32
        %mul3A_1767 = arith.muli %scan3A_1563, %mul3A_1766 : i32
        %get3A_1768 = arith.constant 1 : i32
        %get3A_1769 = arith.constant 6 : i32
        %get3A_1770 = arith.index_cast %get3A_1768 : i32 to index
        %get3A_1771 = arith.index_cast %get3A_1769 : i32 to index
        %get3A_1772 = arith.index_cast %mul3A_1767 : i32 to index
        %get3A_1773 = tpu.vector_load %arg9[%get3A_1770, %get3A_1771, %get3A_1772] {strides = array<i32>} : memref<3x8x1024xf32, #tpu.memory_space<vmem>>, vector<1x1x16xf32>,
        %get3A_1774 = vector.shape_cast %get3A_1773 : vector<1x1x16xf32> to vector<16xf32>
        %add3A_1775 = arith.addf %get3A_1765, %get3A_1774 : vector<16xf32>
        %exp3A_1776 = math.exp %add3A_1775 : vector<16xf32>
        %mul3A_1777 = arith.constant 16 : i32
        %mul3A_1778 = arith.muli %scan3A_1563, %mul3A_1777 : i32
        %add3A_1779 = arith.constant 4096 : i32
        %add3A_1780 = arith.addi %add3A_1779, %mul3A_1778 : i32
        %swap3A_1781 = arith.constant 6 : i32
        %swap3A_1782 = arith.index_cast %swap3A_1781 : i32 to index
        %swap3A_1783 = arith.index_cast %add3A_1780 : i32 to index
        %swap3A_1784 = tpu.vector_load %arg5[%swap3A_1782, %swap3A_1783] {strides = array<i32>} : memref<8x6272xf32, #tpu.memory_space<vmem>>, vector<1x16xf32>,
        %swap3A_1785 = vector.shape_cast %swap3A_1784 : vector<1x16xf32> to vector<16xf32>
        %swap3A_1786 = vector.shape_cast %exp3A_1776 : vector<16xf32> to vector<1x16xf32>
        tpu.vector_store %arg5[%swap3A_1782, %swap3A_1783], %swap3A_1786 {strides = array<i32>} : memref<8x6272xf32, #tpu.memory_space<vmem>>, vector<1x16xf32>,
        %add3A_1787 = arith.addf %scan3A_1570, %exp3A_1776 : vector<16xf32>
        %mul3A_1788 = arith.constant 16 : i32
        %mul3A_1789 = arith.muli %scan3A_1563, %mul3A_1788 : i32
        %add3A_1790 = arith.constant 4096 : i32
        %add3A_1791 = arith.addi %add3A_1790, %mul3A_1789 : i32
        %get3A_1792 = arith.constant 7 : i32
        %get3A_1793 = arith.index_cast %get3A_1792 : i32 to index
        %get3A_1794 = arith.index_cast %add3A_1791 : i32 to index
        %get3A_1795 = tpu.vector_load %arg5[%get3A_1793, %get3A_1794] {strides = array<i32>} : memref<8x6272xf32, #tpu.memory_space<vmem>>, vector<1x16xf32>,
        %get3A_1796 = vector.shape_cast %get3A_1795 : vector<1x16xf32> to vector<16xf32>
        %mul3A_1797 = arith.constant 16 : i32
        %mul3A_1798 = arith.muli %scan3A_1563, %mul3A_1797 : i32
        %get3A_1799 = arith.constant 1 : i32
        %get3A_1800 = arith.constant 7 : i32
        %get3A_1801 = arith.index_cast %get3A_1799 : i32 to index
        %get3A_1802 = arith.index_cast %get3A_1800 : i32 to index
        %get3A_1803 = arith.index_cast %mul3A_1798 : i32 to index
        %get3A_1804 = tpu.vector_load %arg9[%get3A_1801, %get3A_1802, %get3A_1803] {strides = array<i32>} : memref<3x8x1024xf32, #tpu.memory_space<vmem>>, vector<1x1x16xf32>,
        %get3A_1805 = vector.shape_cast %get3A_1804 : vector<1x1x16xf32> to vector<16xf32>
        %add3A_1806 = arith.addf %get3A_1796, %get3A_1805 : vector<16xf32>
        %exp3A_1807 = math.exp %add3A_1806 : vector<16xf32>
        %mul3A_1808 = arith.constant 16 : i32
        %mul3A_1809 = arith.muli %scan3A_1563, %mul3A_1808 : i32
        %add3A_1810 = arith.constant 4096 : i32
        %add3A_1811 = arith.addi %add3A_1810, %mul3A_1809 : i32
        %swap3A_1812 = arith.constant 7 : i32
        %swap3A_1813 = arith.index_cast %swap3A_1812 : i32 to index
        %swap3A_1814 = arith.index_cast %add3A_1811 : i32 to index
        %swap3A_1815 = tpu.vector_load %arg5[%swap3A_1813, %swap3A_1814] {strides = array<i32>} : memref<8x6272xf32, #tpu.memory_space<vmem>>, vector<1x16xf32>,
        %swap3A_1816 = vector.shape_cast %swap3A_1815 : vector<1x16xf32> to vector<16xf32>
        %swap3A_1817 = vector.shape_cast %exp3A_1807 : vector<16xf32> to vector<1x16xf32>
        tpu.vector_store %arg5[%swap3A_1813, %swap3A_1814], %swap3A_1817 {strides = array<i32>} : memref<8x6272xf32, #tpu.memory_space<vmem>>, vector<1x16xf32>,
        %add3A_1818 = arith.addf %scan3A_1571, %exp3A_1807 : vector<16xf32>
        scf.yield %add3A_1601, %add3A_1632, %add3A_1663, %add3A_1694, %add3A_1725, %add3A_1756, %add3A_1787, %add3A_1818 : vector<16xf32>, vector<16xf32>, vector<16xf32>, vector<16xf32>, vector<16xf32>, vector<16xf32>, vector<16xf32>, vector<16xf32>
      }
      %scan3A_313 = arith.constant 64 : i32
      %dma_wait3A_314 = arith.constant 0 : i32
      %dma_wait3A_315 = arith.constant 5120 : i32
      %dma_wait3A_316 = tpu.memref_slice %arg5[%dma_wait3A_314, %dma_wait3A_315] : memref<8x6272xf32, #tpu.memory_space<vmem>> -> memref<8x1024xf32, #tpu.memory_space<vmem>>
      %dma_wait3A_317 = tpu.memref_slice %arg2[%multiple_of3A_14, %multiple_of3A_239] : memref<128x100000xf32, #tpu.memory_space<hbm>> -> memref<8x1024xf32, #tpu.memory_space<hbm>>
      %dma_wait3A_318 = arith.constant 0 : i32
      %dma_wait3A_319 = arith.constant 5120 : i32
      %dma_wait3A_320 = tpu.memref_slice %arg5[%dma_wait3A_318, %dma_wait3A_319] : memref<8x6272xf32, #tpu.memory_space<vmem>> -> memref<8x1024xf32, #tpu.memory_space<vmem>>
      %dma_wait3A_321 = tpu.memref_slice %arg2[%multiple_of3A_14, %multiple_of3A_239] : memref<128x100000xf32, #tpu.memory_space<hbm>> -> memref<8x1024xf32, #tpu.memory_space<hbm>>
      tpu.wait_dma2 semaphore(%arg11 : memref<!tpu.dma_semaphore, #tpu.memory_space<semaphore_mem>>) src(%dma_wait3A_321 : memref<8x1024xf32, #tpu.memory_space<hbm>>) dst(%dma_wait3A_320 : memref<8x1024xf32, #tpu.memory_space<vmem>>)
      %dma_wait3A_322 = arith.constant 2 : i32
      %dma_wait3A_323 = arith.constant 0 : i32
      %dma_wait3A_324 = arith.constant 0 : i32
      %dma_wait3A_325 = tpu.memref_slice %arg9[%dma_wait3A_322, %dma_wait3A_323, %dma_wait3A_324] : memref<3x8x1024xf32, #tpu.memory_space<vmem>> -> memref<1x8x1024xf32, #tpu.memory_space<vmem>>
      %dma_wait3A_326 = tpu.memref_squeeze %dma_wait3A_325 : memref<1x8x1024xf32, #tpu.memory_space<vmem>> -> memref<8x1024xf32, #tpu.memory_space<vmem>>
      %dma_wait3A_327 = tpu.memref_slice %arg3[%multiple_of3A_14, %multiple_of3A_252] : memref<128x100000xf32, #tpu.memory_space<hbm>> -> memref<8x1024xf32, #tpu.memory_space<hbm>>
      %dma_wait3A_328 = arith.constant 0 : i32
      %dma_wait3A_329 = arith.constant 0 : i32
      %dma_wait3A_330 = tpu.memref_slice %arg9[%dma_wait3A_322, %dma_wait3A_328, %dma_wait3A_329] : memref<3x8x1024xf32, #tpu.memory_space<vmem>> -> memref<1x8x1024xf32, #tpu.memory_space<vmem>>
      %dma_wait3A_331 = tpu.memref_squeeze %dma_wait3A_330 : memref<1x8x1024xf32, #tpu.memory_space<vmem>> -> memref<8x1024xf32, #tpu.memory_space<vmem>>
      %dma_wait3A_332 = tpu.memref_slice %arg3[%multiple_of3A_14, %multiple_of3A_252] : memref<128x100000xf32, #tpu.memory_space<hbm>> -> memref<8x1024xf32, #tpu.memory_space<hbm>>
      tpu.wait_dma2 semaphore(%arg12 : memref<!tpu.dma_semaphore, #tpu.memory_space<semaphore_mem>>) src(%dma_wait3A_332 : memref<8x1024xf32, #tpu.memory_space<hbm>>) dst(%dma_wait3A_331 : memref<8x1024xf32, #tpu.memory_space<vmem>>)
      %scan3A_333 = arith.constant 0 : i32
      %scan3A_334 = arith.constant 64 : i32
      %scan3A_335 = arith.addi %scan3A_333, %scan3A_334 : i32
      %scan3A_336 = arith.constant 1 : i32
      %scan3A_337:8 = scf.for %scan3A_1563 = %scan3A_333 to %scan3A_335 step %scan3A_336 iter_args(%scan3A_1564 = %scan3A_312#0, %scan3A_1565 = %scan3A_312#1, %scan3A_1566 = %scan3A_312#2, %scan3A_1567 = %scan3A_312#3, %scan3A_1568 = %scan3A_312#4, %scan3A_1569 = %scan3A_312#5, %scan3A_1570 = %scan3A_312#6, %scan3A_1571 = %scan3A_312#7) -> (vector<16xf32>, vector<16xf32>, vector<16xf32>, vector<16xf32>, vector<16xf32>, vector<16xf32>, vector<16xf32>, vector<16xf32>)  : i32 {
        %mul3A_1572 = arith.constant 16 : i32
        %mul3A_1573 = arith.muli %scan3A_1563, %mul3A_1572 : i32
        %add3A_1574 = arith.constant 5120 : i32
        %add3A_1575 = arith.addi %add3A_1574, %mul3A_1573 : i32
        %get3A_1576 = arith.constant 0 : i32
        %get3A_1577 = arith.index_cast %get3A_1576 : i32 to index
        %get3A_1578 = arith.index_cast %add3A_1575 : i32 to index
        %get3A_1579 = tpu.vector_load %arg5[%get3A_1577, %get3A_1578] {strides = array<i32>} : memref<8x6272xf32, #tpu.memory_space<vmem>>, vector<1x16xf32>,
        %get3A_1580 = vector.shape_cast %get3A_1579 : vector<1x16xf32> to vector<16xf32>
        %mul3A_1581 = arith.constant 16 : i32
        %mul3A_1582 = arith.muli %scan3A_1563, %mul3A_1581 : i32
        %get3A_1583 = arith.constant 2 : i32
        %get3A_1584 = arith.constant 0 : i32
        %get3A_1585 = arith.index_cast %get3A_1583 : i32 to index
        %get3A_1586 = arith.index_cast %get3A_1584 : i32 to index
        %get3A_1587 = arith.index_cast %mul3A_1582 : i32 to index
        %get3A_1588 = tpu.vector_load %arg9[%get3A_1585, %get3A_1586, %get3A_1587] {strides = array<i32>} : memref<3x8x1024xf32, #tpu.memory_space<vmem>>, vector<1x1x16xf32>,
        %get3A_1589 = vector.shape_cast %get3A_1588 : vector<1x1x16xf32> to vector<16xf32>
        %add3A_1590 = arith.addf %get3A_1580, %get3A_1589 : vector<16xf32>
        %exp3A = math.exp %add3A_1590 : vector<16xf32>
        %mul3A_1591 = arith.constant 16 : i32
        %mul3A_1592 = arith.muli %scan3A_1563, %mul3A_1591 : i32
        %add3A_1593 = arith.constant 5120 : i32
        %add3A_1594 = arith.addi %add3A_1593, %mul3A_1592 : i32
        %swap3A_1595 = arith.constant 0 : i32
        %swap3A_1596 = arith.index_cast %swap3A_1595 : i32 to index
        %swap3A_1597 = arith.index_cast %add3A_1594 : i32 to index
        %swap3A_1598 = tpu.vector_load %arg5[%swap3A_1596, %swap3A_1597] {strides = array<i32>} : memref<8x6272xf32, #tpu.memory_space<vmem>>, vector<1x16xf32>,
        %swap3A_1599 = vector.shape_cast %swap3A_1598 : vector<1x16xf32> to vector<16xf32>
        %swap3A_1600 = vector.shape_cast %exp3A : vector<16xf32> to vector<1x16xf32>
        tpu.vector_store %arg5[%swap3A_1596, %swap3A_1597], %swap3A_1600 {strides = array<i32>} : memref<8x6272xf32, #tpu.memory_space<vmem>>, vector<1x16xf32>,
        %add3A_1601 = arith.addf %scan3A_1564, %exp3A : vector<16xf32>
        %mul3A_1602 = arith.constant 16 : i32
        %mul3A_1603 = arith.muli %scan3A_1563, %mul3A_1602 : i32
        %add3A_1604 = arith.constant 5120 : i32
        %add3A_1605 = arith.addi %add3A_1604, %mul3A_1603 : i32
        %get3A_1606 = arith.constant 1 : i32
        %get3A_1607 = arith.index_cast %get3A_1606 : i32 to index
        %get3A_1608 = arith.index_cast %add3A_1605 : i32 to index
        %get3A_1609 = tpu.vector_load %arg5[%get3A_1607, %get3A_1608] {strides = array<i32>} : memref<8x6272xf32, #tpu.memory_space<vmem>>, vector<1x16xf32>,
        %get3A_1610 = vector.shape_cast %get3A_1609 : vector<1x16xf32> to vector<16xf32>
        %mul3A_1611 = arith.constant 16 : i32
        %mul3A_1612 = arith.muli %scan3A_1563, %mul3A_1611 : i32
        %get3A_1613 = arith.constant 2 : i32
        %get3A_1614 = arith.constant 1 : i32
        %get3A_1615 = arith.index_cast %get3A_1613 : i32 to index
        %get3A_1616 = arith.index_cast %get3A_1614 : i32 to index
        %get3A_1617 = arith.index_cast %mul3A_1612 : i32 to index
        %get3A_1618 = tpu.vector_load %arg9[%get3A_1615, %get3A_1616, %get3A_1617] {strides = array<i32>} : memref<3x8x1024xf32, #tpu.memory_space<vmem>>, vector<1x1x16xf32>,
        %get3A_1619 = vector.shape_cast %get3A_1618 : vector<1x1x16xf32> to vector<16xf32>
        %add3A_1620 = arith.addf %get3A_1610, %get3A_1619 : vector<16xf32>
        %exp3A_1621 = math.exp %add3A_1620 : vector<16xf32>
        %mul3A_1622 = arith.constant 16 : i32
        %mul3A_1623 = arith.muli %scan3A_1563, %mul3A_1622 : i32
        %add3A_1624 = arith.constant 5120 : i32
        %add3A_1625 = arith.addi %add3A_1624, %mul3A_1623 : i32
        %swap3A_1626 = arith.constant 1 : i32
        %swap3A_1627 = arith.index_cast %swap3A_1626 : i32 to index
        %swap3A_1628 = arith.index_cast %add3A_1625 : i32 to index
        %swap3A_1629 = tpu.vector_load %arg5[%swap3A_1627, %swap3A_1628] {strides = array<i32>} : memref<8x6272xf32, #tpu.memory_space<vmem>>, vector<1x16xf32>,
        %swap3A_1630 = vector.shape_cast %swap3A_1629 : vector<1x16xf32> to vector<16xf32>
        %swap3A_1631 = vector.shape_cast %exp3A_1621 : vector<16xf32> to vector<1x16xf32>
        tpu.vector_store %arg5[%swap3A_1627, %swap3A_1628], %swap3A_1631 {strides = array<i32>} : memref<8x6272xf32, #tpu.memory_space<vmem>>, vector<1x16xf32>,
        %add3A_1632 = arith.addf %scan3A_1565, %exp3A_1621 : vector<16xf32>
        %mul3A_1633 = arith.constant 16 : i32
        %mul3A_1634 = arith.muli %scan3A_1563, %mul3A_1633 : i32
        %add3A_1635 = arith.constant 5120 : i32
        %add3A_1636 = arith.addi %add3A_1635, %mul3A_1634 : i32
        %get3A_1637 = arith.constant 2 : i32
        %get3A_1638 = arith.index_cast %get3A_1637 : i32 to index
        %get3A_1639 = arith.index_cast %add3A_1636 : i32 to index
        %get3A_1640 = tpu.vector_load %arg5[%get3A_1638, %get3A_1639] {strides = array<i32>} : memref<8x6272xf32, #tpu.memory_space<vmem>>, vector<1x16xf32>,
        %get3A_1641 = vector.shape_cast %get3A_1640 : vector<1x16xf32> to vector<16xf32>
        %mul3A_1642 = arith.constant 16 : i32
        %mul3A_1643 = arith.muli %scan3A_1563, %mul3A_1642 : i32
        %get3A_1644 = arith.constant 2 : i32
        %get3A_1645 = arith.constant 2 : i32
        %get3A_1646 = arith.index_cast %get3A_1644 : i32 to index
        %get3A_1647 = arith.index_cast %get3A_1645 : i32 to index
        %get3A_1648 = arith.index_cast %mul3A_1643 : i32 to index
        %get3A_1649 = tpu.vector_load %arg9[%get3A_1646, %get3A_1647, %get3A_1648] {strides = array<i32>} : memref<3x8x1024xf32, #tpu.memory_space<vmem>>, vector<1x1x16xf32>,
        %get3A_1650 = vector.shape_cast %get3A_1649 : vector<1x1x16xf32> to vector<16xf32>
        %add3A_1651 = arith.addf %get3A_1641, %get3A_1650 : vector<16xf32>
        %exp3A_1652 = math.exp %add3A_1651 : vector<16xf32>
        %mul3A_1653 = arith.constant 16 : i32
        %mul3A_1654 = arith.muli %scan3A_1563, %mul3A_1653 : i32
        %add3A_1655 = arith.constant 5120 : i32
        %add3A_1656 = arith.addi %add3A_1655, %mul3A_1654 : i32
        %swap3A_1657 = arith.constant 2 : i32
        %swap3A_1658 = arith.index_cast %swap3A_1657 : i32 to index
        %swap3A_1659 = arith.index_cast %add3A_1656 : i32 to index
        %swap3A_1660 = tpu.vector_load %arg5[%swap3A_1658, %swap3A_1659] {strides = array<i32>} : memref<8x6272xf32, #tpu.memory_space<vmem>>, vector<1x16xf32>,
        %swap3A_1661 = vector.shape_cast %swap3A_1660 : vector<1x16xf32> to vector<16xf32>
        %swap3A_1662 = vector.shape_cast %exp3A_1652 : vector<16xf32> to vector<1x16xf32>
        tpu.vector_store %arg5[%swap3A_1658, %swap3A_1659], %swap3A_1662 {strides = array<i32>} : memref<8x6272xf32, #tpu.memory_space<vmem>>, vector<1x16xf32>,
        %add3A_1663 = arith.addf %scan3A_1566, %exp3A_1652 : vector<16xf32>
        %mul3A_1664 = arith.constant 16 : i32
        %mul3A_1665 = arith.muli %scan3A_1563, %mul3A_1664 : i32
        %add3A_1666 = arith.constant 5120 : i32
        %add3A_1667 = arith.addi %add3A_1666, %mul3A_1665 : i32
        %get3A_1668 = arith.constant 3 : i32
        %get3A_1669 = arith.index_cast %get3A_1668 : i32 to index
        %get3A_1670 = arith.index_cast %add3A_1667 : i32 to index
        %get3A_1671 = tpu.vector_load %arg5[%get3A_1669, %get3A_1670] {strides = array<i32>} : memref<8x6272xf32, #tpu.memory_space<vmem>>, vector<1x16xf32>,
        %get3A_1672 = vector.shape_cast %get3A_1671 : vector<1x16xf32> to vector<16xf32>
        %mul3A_1673 = arith.constant 16 : i32
        %mul3A_1674 = arith.muli %scan3A_1563, %mul3A_1673 : i32
        %get3A_1675 = arith.constant 2 : i32
        %get3A_1676 = arith.constant 3 : i32
        %get3A_1677 = arith.index_cast %get3A_1675 : i32 to index
        %get3A_1678 = arith.index_cast %get3A_1676 : i32 to index
        %get3A_1679 = arith.index_cast %mul3A_1674 : i32 to index
        %get3A_1680 = tpu.vector_load %arg9[%get3A_1677, %get3A_1678, %get3A_1679] {strides = array<i32>} : memref<3x8x1024xf32, #tpu.memory_space<vmem>>, vector<1x1x16xf32>,
        %get3A_1681 = vector.shape_cast %get3A_1680 : vector<1x1x16xf32> to vector<16xf32>
        %add3A_1682 = arith.addf %get3A_1672, %get3A_1681 : vector<16xf32>
        %exp3A_1683 = math.exp %add3A_1682 : vector<16xf32>
        %mul3A_1684 = arith.constant 16 : i32
        %mul3A_1685 = arith.muli %scan3A_1563, %mul3A_1684 : i32
        %add3A_1686 = arith.constant 5120 : i32
        %add3A_1687 = arith.addi %add3A_1686, %mul3A_1685 : i32
        %swap3A_1688 = arith.constant 3 : i32
        %swap3A_1689 = arith.index_cast %swap3A_1688 : i32 to index
        %swap3A_1690 = arith.index_cast %add3A_1687 : i32 to index
        %swap3A_1691 = tpu.vector_load %arg5[%swap3A_1689, %swap3A_1690] {strides = array<i32>} : memref<8x6272xf32, #tpu.memory_space<vmem>>, vector<1x16xf32>,
        %swap3A_1692 = vector.shape_cast %swap3A_1691 : vector<1x16xf32> to vector<16xf32>
        %swap3A_1693 = vector.shape_cast %exp3A_1683 : vector<16xf32> to vector<1x16xf32>
        tpu.vector_store %arg5[%swap3A_1689, %swap3A_1690], %swap3A_1693 {strides = array<i32>} : memref<8x6272xf32, #tpu.memory_space<vmem>>, vector<1x16xf32>,
        %add3A_1694 = arith.addf %scan3A_1567, %exp3A_1683 : vector<16xf32>
        %mul3A_1695 = arith.constant 16 : i32
        %mul3A_1696 = arith.muli %scan3A_1563, %mul3A_1695 : i32
        %add3A_1697 = arith.constant 5120 : i32
        %add3A_1698 = arith.addi %add3A_1697, %mul3A_1696 : i32
        %get3A_1699 = arith.constant 4 : i32
        %get3A_1700 = arith.index_cast %get3A_1699 : i32 to index
        %get3A_1701 = arith.index_cast %add3A_1698 : i32 to index
        %get3A_1702 = tpu.vector_load %arg5[%get3A_1700, %get3A_1701] {strides = array<i32>} : memref<8x6272xf32, #tpu.memory_space<vmem>>, vector<1x16xf32>,
        %get3A_1703 = vector.shape_cast %get3A_1702 : vector<1x16xf32> to vector<16xf32>
        %mul3A_1704 = arith.constant 16 : i32
        %mul3A_1705 = arith.muli %scan3A_1563, %mul3A_1704 : i32
        %get3A_1706 = arith.constant 2 : i32
        %get3A_1707 = arith.constant 4 : i32
        %get3A_1708 = arith.index_cast %get3A_1706 : i32 to index
        %get3A_1709 = arith.index_cast %get3A_1707 : i32 to index
        %get3A_1710 = arith.index_cast %mul3A_1705 : i32 to index
        %get3A_1711 = tpu.vector_load %arg9[%get3A_1708, %get3A_1709, %get3A_1710] {strides = array<i32>} : memref<3x8x1024xf32, #tpu.memory_space<vmem>>, vector<1x1x16xf32>,
        %get3A_1712 = vector.shape_cast %get3A_1711 : vector<1x1x16xf32> to vector<16xf32>
        %add3A_1713 = arith.addf %get3A_1703, %get3A_1712 : vector<16xf32>
        %exp3A_1714 = math.exp %add3A_1713 : vector<16xf32>
        %mul3A_1715 = arith.constant 16 : i32
        %mul3A_1716 = arith.muli %scan3A_1563, %mul3A_1715 : i32
        %add3A_1717 = arith.constant 5120 : i32
        %add3A_1718 = arith.addi %add3A_1717, %mul3A_1716 : i32
        %swap3A_1719 = arith.constant 4 : i32
        %swap3A_1720 = arith.index_cast %swap3A_1719 : i32 to index
        %swap3A_1721 = arith.index_cast %add3A_1718 : i32 to index
        %swap3A_1722 = tpu.vector_load %arg5[%swap3A_1720, %swap3A_1721] {strides = array<i32>} : memref<8x6272xf32, #tpu.memory_space<vmem>>, vector<1x16xf32>,
        %swap3A_1723 = vector.shape_cast %swap3A_1722 : vector<1x16xf32> to vector<16xf32>
        %swap3A_1724 = vector.shape_cast %exp3A_1714 : vector<16xf32> to vector<1x16xf32>
        tpu.vector_store %arg5[%swap3A_1720, %swap3A_1721], %swap3A_1724 {strides = array<i32>} : memref<8x6272xf32, #tpu.memory_space<vmem>>, vector<1x16xf32>,
        %add3A_1725 = arith.addf %scan3A_1568, %exp3A_1714 : vector<16xf32>
        %mul3A_1726 = arith.constant 16 : i32
        %mul3A_1727 = arith.muli %scan3A_1563, %mul3A_1726 : i32
        %add3A_1728 = arith.constant 5120 : i32
        %add3A_1729 = arith.addi %add3A_1728, %mul3A_1727 : i32
        %get3A_1730 = arith.constant 5 : i32
        %get3A_1731 = arith.index_cast %get3A_1730 : i32 to index
        %get3A_1732 = arith.index_cast %add3A_1729 : i32 to index
        %get3A_1733 = tpu.vector_load %arg5[%get3A_1731, %get3A_1732] {strides = array<i32>} : memref<8x6272xf32, #tpu.memory_space<vmem>>, vector<1x16xf32>,
        %get3A_1734 = vector.shape_cast %get3A_1733 : vector<1x16xf32> to vector<16xf32>
        %mul3A_1735 = arith.constant 16 : i32
        %mul3A_1736 = arith.muli %scan3A_1563, %mul3A_1735 : i32
        %get3A_1737 = arith.constant 2 : i32
        %get3A_1738 = arith.constant 5 : i32
        %get3A_1739 = arith.index_cast %get3A_1737 : i32 to index
        %get3A_1740 = arith.index_cast %get3A_1738 : i32 to index
        %get3A_1741 = arith.index_cast %mul3A_1736 : i32 to index
        %get3A_1742 = tpu.vector_load %arg9[%get3A_1739, %get3A_1740, %get3A_1741] {strides = array<i32>} : memref<3x8x1024xf32, #tpu.memory_space<vmem>>, vector<1x1x16xf32>,
        %get3A_1743 = vector.shape_cast %get3A_1742 : vector<1x1x16xf32> to vector<16xf32>
        %add3A_1744 = arith.addf %get3A_1734, %get3A_1743 : vector<16xf32>
        %exp3A_1745 = math.exp %add3A_1744 : vector<16xf32>
        %mul3A_1746 = arith.constant 16 : i32
        %mul3A_1747 = arith.muli %scan3A_1563, %mul3A_1746 : i32
        %add3A_1748 = arith.constant 5120 : i32
        %add3A_1749 = arith.addi %add3A_1748, %mul3A_1747 : i32
        %swap3A_1750 = arith.constant 5 : i32
        %swap3A_1751 = arith.index_cast %swap3A_1750 : i32 to index
        %swap3A_1752 = arith.index_cast %add3A_1749 : i32 to index
        %swap3A_1753 = tpu.vector_load %arg5[%swap3A_1751, %swap3A_1752] {strides = array<i32>} : memref<8x6272xf32, #tpu.memory_space<vmem>>, vector<1x16xf32>,
        %swap3A_1754 = vector.shape_cast %swap3A_1753 : vector<1x16xf32> to vector<16xf32>
        %swap3A_1755 = vector.shape_cast %exp3A_1745 : vector<16xf32> to vector<1x16xf32>
        tpu.vector_store %arg5[%swap3A_1751, %swap3A_1752], %swap3A_1755 {strides = array<i32>} : memref<8x6272xf32, #tpu.memory_space<vmem>>, vector<1x16xf32>,
        %add3A_1756 = arith.addf %scan3A_1569, %exp3A_1745 : vector<16xf32>
        %mul3A_1757 = arith.constant 16 : i32
        %mul3A_1758 = arith.muli %scan3A_1563, %mul3A_1757 : i32
        %add3A_1759 = arith.constant 5120 : i32
        %add3A_1760 = arith.addi %add3A_1759, %mul3A_1758 : i32
        %get3A_1761 = arith.constant 6 : i32
        %get3A_1762 = arith.index_cast %get3A_1761 : i32 to index
        %get3A_1763 = arith.index_cast %add3A_1760 : i32 to index
        %get3A_1764 = tpu.vector_load %arg5[%get3A_1762, %get3A_1763] {strides = array<i32>} : memref<8x6272xf32, #tpu.memory_space<vmem>>, vector<1x16xf32>,
        %get3A_1765 = vector.shape_cast %get3A_1764 : vector<1x16xf32> to vector<16xf32>
        %mul3A_1766 = arith.constant 16 : i32
        %mul3A_1767 = arith.muli %scan3A_1563, %mul3A_1766 : i32
        %get3A_1768 = arith.constant 2 : i32
        %get3A_1769 = arith.constant 6 : i32
        %get3A_1770 = arith.index_cast %get3A_1768 : i32 to index
        %get3A_1771 = arith.index_cast %get3A_1769 : i32 to index
        %get3A_1772 = arith.index_cast %mul3A_1767 : i32 to index
        %get3A_1773 = tpu.vector_load %arg9[%get3A_1770, %get3A_1771, %get3A_1772] {strides = array<i32>} : memref<3x8x1024xf32, #tpu.memory_space<vmem>>, vector<1x1x16xf32>,
        %get3A_1774 = vector.shape_cast %get3A_1773 : vector<1x1x16xf32> to vector<16xf32>
        %add3A_1775 = arith.addf %get3A_1765, %get3A_1774 : vector<16xf32>
        %exp3A_1776 = math.exp %add3A_1775 : vector<16xf32>
        %mul3A_1777 = arith.constant 16 : i32
        %mul3A_1778 = arith.muli %scan3A_1563, %mul3A_1777 : i32
        %add3A_1779 = arith.constant 5120 : i32
        %add3A_1780 = arith.addi %add3A_1779, %mul3A_1778 : i32
        %swap3A_1781 = arith.constant 6 : i32
        %swap3A_1782 = arith.index_cast %swap3A_1781 : i32 to index
        %swap3A_1783 = arith.index_cast %add3A_1780 : i32 to index
        %swap3A_1784 = tpu.vector_load %arg5[%swap3A_1782, %swap3A_1783] {strides = array<i32>} : memref<8x6272xf32, #tpu.memory_space<vmem>>, vector<1x16xf32>,
        %swap3A_1785 = vector.shape_cast %swap3A_1784 : vector<1x16xf32> to vector<16xf32>
        %swap3A_1786 = vector.shape_cast %exp3A_1776 : vector<16xf32> to vector<1x16xf32>
        tpu.vector_store %arg5[%swap3A_1782, %swap3A_1783], %swap3A_1786 {strides = array<i32>} : memref<8x6272xf32, #tpu.memory_space<vmem>>, vector<1x16xf32>,
        %add3A_1787 = arith.addf %scan3A_1570, %exp3A_1776 : vector<16xf32>
        %mul3A_1788 = arith.constant 16 : i32
        %mul3A_1789 = arith.muli %scan3A_1563, %mul3A_1788 : i32
        %add3A_1790 = arith.constant 5120 : i32
        %add3A_1791 = arith.addi %add3A_1790, %mul3A_1789 : i32
        %get3A_1792 = arith.constant 7 : i32
        %get3A_1793 = arith.index_cast %get3A_1792 : i32 to index
        %get3A_1794 = arith.index_cast %add3A_1791 : i32 to index
        %get3A_1795 = tpu.vector_load %arg5[%get3A_1793, %get3A_1794] {strides = array<i32>} : memref<8x6272xf32, #tpu.memory_space<vmem>>, vector<1x16xf32>,
        %get3A_1796 = vector.shape_cast %get3A_1795 : vector<1x16xf32> to vector<16xf32>
        %mul3A_1797 = arith.constant 16 : i32
        %mul3A_1798 = arith.muli %scan3A_1563, %mul3A_1797 : i32
        %get3A_1799 = arith.constant 2 : i32
        %get3A_1800 = arith.constant 7 : i32
        %get3A_1801 = arith.index_cast %get3A_1799 : i32 to index
        %get3A_1802 = arith.index_cast %get3A_1800 : i32 to index
        %get3A_1803 = arith.index_cast %mul3A_1798 : i32 to index
        %get3A_1804 = tpu.vector_load %arg9[%get3A_1801, %get3A_1802, %get3A_1803] {strides = array<i32>} : memref<3x8x1024xf32, #tpu.memory_space<vmem>>, vector<1x1x16xf32>,
        %get3A_1805 = vector.shape_cast %get3A_1804 : vector<1x1x16xf32> to vector<16xf32>
        %add3A_1806 = arith.addf %get3A_1796, %get3A_1805 : vector<16xf32>
        %exp3A_1807 = math.exp %add3A_1806 : vector<16xf32>
        %mul3A_1808 = arith.constant 16 : i32
        %mul3A_1809 = arith.muli %scan3A_1563, %mul3A_1808 : i32
        %add3A_1810 = arith.constant 5120 : i32
        %add3A_1811 = arith.addi %add3A_1810, %mul3A_1809 : i32
        %swap3A_1812 = arith.constant 7 : i32
        %swap3A_1813 = arith.index_cast %swap3A_1812 : i32 to index
        %swap3A_1814 = arith.index_cast %add3A_1811 : i32 to index
        %swap3A_1815 = tpu.vector_load %arg5[%swap3A_1813, %swap3A_1814] {strides = array<i32>} : memref<8x6272xf32, #tpu.memory_space<vmem>>, vector<1x16xf32>,
        %swap3A_1816 = vector.shape_cast %swap3A_1815 : vector<1x16xf32> to vector<16xf32>
        %swap3A_1817 = vector.shape_cast %exp3A_1807 : vector<16xf32> to vector<1x16xf32>
        tpu.vector_store %arg5[%swap3A_1813, %swap3A_1814], %swap3A_1817 {strides = array<i32>} : memref<8x6272xf32, #tpu.memory_space<vmem>>, vector<1x16xf32>,
        %add3A_1818 = arith.addf %scan3A_1571, %exp3A_1807 : vector<16xf32>
        scf.yield %add3A_1601, %add3A_1632, %add3A_1663, %add3A_1694, %add3A_1725, %add3A_1756, %add3A_1787, %add3A_1818 : vector<16xf32>, vector<16xf32>, vector<16xf32>, vector<16xf32>, vector<16xf32>, vector<16xf32>, vector<16xf32>, vector<16xf32>
      }
      %scan3A_338 = arith.constant 64 : i32
      %lt3A_339 = arith.constant 14 : i32
      %lt3A_340 = arith.cmpi slt, %arg1, %lt3A_339 : i32
      %convert_element_type3A_341 = arith.extui %lt3A_340 : i1 to i32
      %cond3A_342 = arith.constant 0 : i32
      %cond3A_343 = arith.cmpi ne, %convert_element_type3A_341, %cond3A_342 : i32
      scf.if %cond3A_343 {
        %dma_wait3A_1563 = arith.constant 0 : i32
        %dma_wait3A_1564 = arith.constant 6144 : i32
        %dma_wait3A_1565 = tpu.memref_slice %arg5[%dma_wait3A_1563, %dma_wait3A_1564] : memref<8x6272xf32, #tpu.memory_space<vmem>> -> memref<8x128xf32, #tpu.memory_space<vmem>>
        %dma_wait3A_1566 = tpu.memref_slice %arg2[%multiple_of3A_14, %multiple_of3A] : memref<128x100000xf32, #tpu.memory_space<hbm>> -> memref<8x128xf32, #tpu.memory_space<hbm>>
        %dma_wait3A_1567 = arith.constant 0 : i32
        %dma_wait3A_1568 = arith.constant 6144 : i32
        %dma_wait3A_1569 = tpu.memref_slice %arg5[%dma_wait3A_1567, %dma_wait3A_1568] : memref<8x6272xf32, #tpu.memory_space<vmem>> -> memref<8x128xf32, #tpu.memory_space<vmem>>
        %dma_wait3A_1570 = tpu.memref_slice %arg2[%multiple_of3A_14, %multiple_of3A] : memref<128x100000xf32, #tpu.memory_space<hbm>> -> memref<8x128xf32, #tpu.memory_space<hbm>>
        tpu.wait_dma2 semaphore(%arg14 : memref<!tpu.dma_semaphore, #tpu.memory_space<semaphore_mem>>) src(%dma_wait3A_1570 : memref<8x128xf32, #tpu.memory_space<hbm>>) dst(%dma_wait3A_1569 : memref<8x128xf32, #tpu.memory_space<vmem>>)
        %dma_wait3A_1571 = tpu.memref_slice %arg3[%multiple_of3A_14, %multiple_of3A] : memref<128x100000xf32, #tpu.memory_space<hbm>> -> memref<8x128xf32, #tpu.memory_space<hbm>>
        %dma_wait3A_1572 = tpu.memref_slice %arg3[%multiple_of3A_14, %multiple_of3A] : memref<128x100000xf32, #tpu.memory_space<hbm>> -> memref<8x128xf32, #tpu.memory_space<hbm>>
        tpu.wait_dma2 semaphore(%arg14 : memref<!tpu.dma_semaphore, #tpu.memory_space<semaphore_mem>>) src(%dma_wait3A_1572 : memref<8x128xf32, #tpu.memory_space<hbm>>) dst(%arg10 : memref<8x128xf32, #tpu.memory_space<vmem>>)
        %iota3A_1573 = tpu.iota {dimensions = array<i32: 0>} : vector<16xi32>
        %scan3A_1574 = arith.constant 0 : i32
        %scan3A_1575 = arith.constant 8 : i32
        %scan3A_1576 = arith.addi %scan3A_1574, %scan3A_1575 : i32
        %scan3A_1577 = arith.constant 1 : i32
        %scan3A_1578:8 = scf.for %scan3A_1612 = %scan3A_1574 to %scan3A_1576 step %scan3A_1577 iter_args(%scan3A_1613 = %broadcast_in_dim3A_2, %scan3A_1614 = %broadcast_in_dim3A_2, %scan3A_1615 = %broadcast_in_dim3A_2, %scan3A_1616 = %broadcast_in_dim3A_2, %scan3A_1617 = %broadcast_in_dim3A_2, %scan3A_1618 = %broadcast_in_dim3A_2, %scan3A_1619 = %broadcast_in_dim3A_2, %scan3A_1620 = %broadcast_in_dim3A_2) -> (vector<16xf32>, vector<16xf32>, vector<16xf32>, vector<16xf32>, vector<16xf32>, vector<16xf32>, vector<16xf32>, vector<16xf32>)  : i32 {
          %mul3A_1621 = arith.constant 16 : i32
          %mul3A_1622 = arith.muli %scan3A_1612, %mul3A_1621 : i32
          %add3A_1623 = arith.addi %multiple_of3A, %mul3A_1622 : i32
          %add3A_1624 = vector.broadcast %add3A_1623 : i32 to vector<16xi32>
          %add3A_1625 = arith.addi %add3A_1624, %iota3A_1573 : vector<16xi32>
          %lt3A_1626 = arith.constant 100000 : i32
          %lt3A_1627 = vector.broadcast %lt3A_1626 : i32 to vector<16xi32>
          %lt3A_1628 = arith.cmpi slt, %add3A_1625, %lt3A_1627 : vector<16xi32>
          %mul3A_1629 = arith.constant 16 : i32
          %mul3A_1630 = arith.muli %scan3A_1612, %mul3A_1629 : i32
          %add3A_1631 = arith.constant 6144 : i32
          %add3A_1632 = arith.addi %add3A_1631, %mul3A_1630 : i32
          %get3A_1633 = arith.constant 0 : i32
          %get3A_1634 = arith.index_cast %get3A_1633 : i32 to index
          %get3A_1635 = arith.index_cast %add3A_1632 : i32 to index
          %get3A_1636 = tpu.vector_load %arg5[%get3A_1634, %get3A_1635] {strides = array<i32>} : memref<8x6272xf32, #tpu.memory_space<vmem>>, vector<1x16xf32>,
          %get3A_1637 = vector.shape_cast %get3A_1636 : vector<1x16xf32> to vector<16xf32>
          %mul3A_1638 = arith.constant 16 : i32
          %mul3A_1639 = arith.muli %scan3A_1612, %mul3A_1638 : i32
          %get3A_1640 = arith.constant 0 : i32
          %get3A_1641 = arith.index_cast %get3A_1640 : i32 to index
          %get3A_1642 = arith.index_cast %mul3A_1639 : i32 to index
          %get3A_1643 = tpu.vector_load %arg10[%get3A_1641, %get3A_1642] {strides = array<i32>} : memref<8x128xf32, #tpu.memory_space<vmem>>, vector<1x16xf32>,
          %get3A_1644 = vector.shape_cast %get3A_1643 : vector<1x16xf32> to vector<16xf32>
          %add3A_1645 = arith.addf %get3A_1637, %get3A_1644 : vector<16xf32>
          %exp3A = math.exp %add3A_1645 : vector<16xf32>
          %mul3A_1646 = arith.constant 16 : i32
          %mul3A_1647 = arith.muli %scan3A_1612, %mul3A_1646 : i32
          %add3A_1648 = arith.constant 6144 : i32
          %add3A_1649 = arith.addi %add3A_1648, %mul3A_1647 : i32
          %swap3A_1650 = arith.constant 0 : i32
          %swap3A_1651 = arith.index_cast %swap3A_1650 : i32 to index
          %swap3A_1652 = arith.index_cast %add3A_1649 : i32 to index
          %swap3A_1653 = tpu.vector_load %arg5[%swap3A_1651, %swap3A_1652] {strides = array<i32>} : memref<8x6272xf32, #tpu.memory_space<vmem>>, vector<1x16xf32>,
          %swap3A_1654 = vector.shape_cast %swap3A_1653 : vector<1x16xf32> to vector<16xf32>
          %swap3A_1655 = vector.shape_cast %exp3A : vector<16xf32> to vector<1x16xf32>
          tpu.vector_store %arg5[%swap3A_1651, %swap3A_1652], %swap3A_1655 {strides = array<i32>} : memref<8x6272xf32, #tpu.memory_space<vmem>>, vector<1x16xf32>,
          %jit3A = arith.constant 0.000000e+00 : f32
          %broadcast_in_dim3A_1656 = vector.broadcast %jit3A : f32 to vector<16xf32>
          %select_n3A_1657 = arith.select %lt3A_1628, %exp3A, %broadcast_in_dim3A_1656 : vector<16xi1>, vector<16xf32>
          %add3A_1658 = arith.addf %scan3A_1613, %select_n3A_1657 : vector<16xf32>
          %mul3A_1659 = arith.constant 16 : i32
          %mul3A_1660 = arith.muli %scan3A_1612, %mul3A_1659 : i32
          %add3A_1661 = arith.constant 6144 : i32
          %add3A_1662 = arith.addi %add3A_1661, %mul3A_1660 : i32
          %get3A_1663 = arith.constant 1 : i32
          %get3A_1664 = arith.index_cast %get3A_1663 : i32 to index
          %get3A_1665 = arith.index_cast %add3A_1662 : i32 to index
          %get3A_1666 = tpu.vector_load %arg5[%get3A_1664, %get3A_1665] {strides = array<i32>} : memref<8x6272xf32, #tpu.memory_space<vmem>>, vector<1x16xf32>,
          %get3A_1667 = vector.shape_cast %get3A_1666 : vector<1x16xf32> to vector<16xf32>
          %mul3A_1668 = arith.constant 16 : i32
          %mul3A_1669 = arith.muli %scan3A_1612, %mul3A_1668 : i32
          %get3A_1670 = arith.constant 1 : i32
          %get3A_1671 = arith.index_cast %get3A_1670 : i32 to index
          %get3A_1672 = arith.index_cast %mul3A_1669 : i32 to index
          %get3A_1673 = tpu.vector_load %arg10[%get3A_1671, %get3A_1672] {strides = array<i32>} : memref<8x128xf32, #tpu.memory_space<vmem>>, vector<1x16xf32>,
          %get3A_1674 = vector.shape_cast %get3A_1673 : vector<1x16xf32> to vector<16xf32>
          %add3A_1675 = arith.addf %get3A_1667, %get3A_1674 : vector<16xf32>
          %exp3A_1676 = math.exp %add3A_1675 : vector<16xf32>
          %mul3A_1677 = arith.constant 16 : i32
          %mul3A_1678 = arith.muli %scan3A_1612, %mul3A_1677 : i32
          %add3A_1679 = arith.constant 6144 : i32
          %add3A_1680 = arith.addi %add3A_1679, %mul3A_1678 : i32
          %swap3A_1681 = arith.constant 1 : i32
          %swap3A_1682 = arith.index_cast %swap3A_1681 : i32 to index
          %swap3A_1683 = arith.index_cast %add3A_1680 : i32 to index
          %swap3A_1684 = tpu.vector_load %arg5[%swap3A_1682, %swap3A_1683] {strides = array<i32>} : memref<8x6272xf32, #tpu.memory_space<vmem>>, vector<1x16xf32>,
          %swap3A_1685 = vector.shape_cast %swap3A_1684 : vector<1x16xf32> to vector<16xf32>
          %swap3A_1686 = vector.shape_cast %exp3A_1676 : vector<16xf32> to vector<1x16xf32>
          tpu.vector_store %arg5[%swap3A_1682, %swap3A_1683], %swap3A_1686 {strides = array<i32>} : memref<8x6272xf32, #tpu.memory_space<vmem>>, vector<1x16xf32>,
          %jit3A_1687 = arith.constant 0.000000e+00 : f32
          %broadcast_in_dim3A_1688 = vector.broadcast %jit3A_1687 : f32 to vector<16xf32>
          %select_n3A_1689 = arith.select %lt3A_1628, %exp3A_1676, %broadcast_in_dim3A_1688 : vector<16xi1>, vector<16xf32>
          %add3A_1690 = arith.addf %scan3A_1614, %select_n3A_1689 : vector<16xf32>
          %mul3A_1691 = arith.constant 16 : i32
          %mul3A_1692 = arith.muli %scan3A_1612, %mul3A_1691 : i32
          %add3A_1693 = arith.constant 6144 : i32
          %add3A_1694 = arith.addi %add3A_1693, %mul3A_1692 : i32
          %get3A_1695 = arith.constant 2 : i32
          %get3A_1696 = arith.index_cast %get3A_1695 : i32 to index
          %get3A_1697 = arith.index_cast %add3A_1694 : i32 to index
          %get3A_1698 = tpu.vector_load %arg5[%get3A_1696, %get3A_1697] {strides = array<i32>} : memref<8x6272xf32, #tpu.memory_space<vmem>>, vector<1x16xf32>,
          %get3A_1699 = vector.shape_cast %get3A_1698 : vector<1x16xf32> to vector<16xf32>
          %mul3A_1700 = arith.constant 16 : i32
          %mul3A_1701 = arith.muli %scan3A_1612, %mul3A_1700 : i32
          %get3A_1702 = arith.constant 2 : i32
          %get3A_1703 = arith.index_cast %get3A_1702 : i32 to index
          %get3A_1704 = arith.index_cast %mul3A_1701 : i32 to index
          %get3A_1705 = tpu.vector_load %arg10[%get3A_1703, %get3A_1704] {strides = array<i32>} : memref<8x128xf32, #tpu.memory_space<vmem>>, vector<1x16xf32>,
          %get3A_1706 = vector.shape_cast %get3A_1705 : vector<1x16xf32> to vector<16xf32>
          %add3A_1707 = arith.addf %get3A_1699, %get3A_1706 : vector<16xf32>
          %exp3A_1708 = math.exp %add3A_1707 : vector<16xf32>
          %mul3A_1709 = arith.constant 16 : i32
          %mul3A_1710 = arith.muli %scan3A_1612, %mul3A_1709 : i32
          %add3A_1711 = arith.constant 6144 : i32
          %add3A_1712 = arith.addi %add3A_1711, %mul3A_1710 : i32
          %swap3A_1713 = arith.constant 2 : i32
          %swap3A_1714 = arith.index_cast %swap3A_1713 : i32 to index
          %swap3A_1715 = arith.index_cast %add3A_1712 : i32 to index
          %swap3A_1716 = tpu.vector_load %arg5[%swap3A_1714, %swap3A_1715] {strides = array<i32>} : memref<8x6272xf32, #tpu.memory_space<vmem>>, vector<1x16xf32>,
          %swap3A_1717 = vector.shape_cast %swap3A_1716 : vector<1x16xf32> to vector<16xf32>
          %swap3A_1718 = vector.shape_cast %exp3A_1708 : vector<16xf32> to vector<1x16xf32>
          tpu.vector_store %arg5[%swap3A_1714, %swap3A_1715], %swap3A_1718 {strides = array<i32>} : memref<8x6272xf32, #tpu.memory_space<vmem>>, vector<1x16xf32>,
          %jit3A_1719 = arith.constant 0.000000e+00 : f32
          %broadcast_in_dim3A_1720 = vector.broadcast %jit3A_1719 : f32 to vector<16xf32>
          %select_n3A_1721 = arith.select %lt3A_1628, %exp3A_1708, %broadcast_in_dim3A_1720 : vector<16xi1>, vector<16xf32>
          %add3A_1722 = arith.addf %scan3A_1615, %select_n3A_1721 : vector<16xf32>
          %mul3A_1723 = arith.constant 16 : i32
          %mul3A_1724 = arith.muli %scan3A_1612, %mul3A_1723 : i32
          %add3A_1725 = arith.constant 6144 : i32
          %add3A_1726 = arith.addi %add3A_1725, %mul3A_1724 : i32
          %get3A_1727 = arith.constant 3 : i32
          %get3A_1728 = arith.index_cast %get3A_1727 : i32 to index
          %get3A_1729 = arith.index_cast %add3A_1726 : i32 to index
          %get3A_1730 = tpu.vector_load %arg5[%get3A_1728, %get3A_1729] {strides = array<i32>} : memref<8x6272xf32, #tpu.memory_space<vmem>>, vector<1x16xf32>,
          %get3A_1731 = vector.shape_cast %get3A_1730 : vector<1x16xf32> to vector<16xf32>
          %mul3A_1732 = arith.constant 16 : i32
          %mul3A_1733 = arith.muli %scan3A_1612, %mul3A_1732 : i32
          %get3A_1734 = arith.constant 3 : i32
          %get3A_1735 = arith.index_cast %get3A_1734 : i32 to index
          %get3A_1736 = arith.index_cast %mul3A_1733 : i32 to index
          %get3A_1737 = tpu.vector_load %arg10[%get3A_1735, %get3A_1736] {strides = array<i32>} : memref<8x128xf32, #tpu.memory_space<vmem>>, vector<1x16xf32>,
          %get3A_1738 = vector.shape_cast %get3A_1737 : vector<1x16xf32> to vector<16xf32>
          %add3A_1739 = arith.addf %get3A_1731, %get3A_1738 : vector<16xf32>
          %exp3A_1740 = math.exp %add3A_1739 : vector<16xf32>
          %mul3A_1741 = arith.constant 16 : i32
          %mul3A_1742 = arith.muli %scan3A_1612, %mul3A_1741 : i32
          %add3A_1743 = arith.constant 6144 : i32
          %add3A_1744 = arith.addi %add3A_1743, %mul3A_1742 : i32
          %swap3A_1745 = arith.constant 3 : i32
          %swap3A_1746 = arith.index_cast %swap3A_1745 : i32 to index
          %swap3A_1747 = arith.index_cast %add3A_1744 : i32 to index
          %swap3A_1748 = tpu.vector_load %arg5[%swap3A_1746, %swap3A_1747] {strides = array<i32>} : memref<8x6272xf32, #tpu.memory_space<vmem>>, vector<1x16xf32>,
          %swap3A_1749 = vector.shape_cast %swap3A_1748 : vector<1x16xf32> to vector<16xf32>
          %swap3A_1750 = vector.shape_cast %exp3A_1740 : vector<16xf32> to vector<1x16xf32>
          tpu.vector_store %arg5[%swap3A_1746, %swap3A_1747], %swap3A_1750 {strides = array<i32>} : memref<8x6272xf32, #tpu.memory_space<vmem>>, vector<1x16xf32>,
          %jit3A_1751 = arith.constant 0.000000e+00 : f32
          %broadcast_in_dim3A_1752 = vector.broadcast %jit3A_1751 : f32 to vector<16xf32>
          %select_n3A_1753 = arith.select %lt3A_1628, %exp3A_1740, %broadcast_in_dim3A_1752 : vector<16xi1>, vector<16xf32>
          %add3A_1754 = arith.addf %scan3A_1616, %select_n3A_1753 : vector<16xf32>
          %mul3A_1755 = arith.constant 16 : i32
          %mul3A_1756 = arith.muli %scan3A_1612, %mul3A_1755 : i32
          %add3A_1757 = arith.constant 6144 : i32
          %add3A_1758 = arith.addi %add3A_1757, %mul3A_1756 : i32
          %get3A_1759 = arith.constant 4 : i32
          %get3A_1760 = arith.index_cast %get3A_1759 : i32 to index
          %get3A_1761 = arith.index_cast %add3A_1758 : i32 to index
          %get3A_1762 = tpu.vector_load %arg5[%get3A_1760, %get3A_1761] {strides = array<i32>} : memref<8x6272xf32, #tpu.memory_space<vmem>>, vector<1x16xf32>,
          %get3A_1763 = vector.shape_cast %get3A_1762 : vector<1x16xf32> to vector<16xf32>
          %mul3A_1764 = arith.constant 16 : i32
          %mul3A_1765 = arith.muli %scan3A_1612, %mul3A_1764 : i32
          %get3A_1766 = arith.constant 4 : i32
          %get3A_1767 = arith.index_cast %get3A_1766 : i32 to index
          %get3A_1768 = arith.index_cast %mul3A_1765 : i32 to index
          %get3A_1769 = tpu.vector_load %arg10[%get3A_1767, %get3A_1768] {strides = array<i32>} : memref<8x128xf32, #tpu.memory_space<vmem>>, vector<1x16xf32>,
          %get3A_1770 = vector.shape_cast %get3A_1769 : vector<1x16xf32> to vector<16xf32>
          %add3A_1771 = arith.addf %get3A_1763, %get3A_1770 : vector<16xf32>
          %exp3A_1772 = math.exp %add3A_1771 : vector<16xf32>
          %mul3A_1773 = arith.constant 16 : i32
          %mul3A_1774 = arith.muli %scan3A_1612, %mul3A_1773 : i32
          %add3A_1775 = arith.constant 6144 : i32
          %add3A_1776 = arith.addi %add3A_1775, %mul3A_1774 : i32
          %swap3A_1777 = arith.constant 4 : i32
          %swap3A_1778 = arith.index_cast %swap3A_1777 : i32 to index
          %swap3A_1779 = arith.index_cast %add3A_1776 : i32 to index
          %swap3A_1780 = tpu.vector_load %arg5[%swap3A_1778, %swap3A_1779] {strides = array<i32>} : memref<8x6272xf32, #tpu.memory_space<vmem>>, vector<1x16xf32>,
          %swap3A_1781 = vector.shape_cast %swap3A_1780 : vector<1x16xf32> to vector<16xf32>
          %swap3A_1782 = vector.shape_cast %exp3A_1772 : vector<16xf32> to vector<1x16xf32>
          tpu.vector_store %arg5[%swap3A_1778, %swap3A_1779], %swap3A_1782 {strides = array<i32>} : memref<8x6272xf32, #tpu.memory_space<vmem>>, vector<1x16xf32>,
          %jit3A_1783 = arith.constant 0.000000e+00 : f32
          %broadcast_in_dim3A_1784 = vector.broadcast %jit3A_1783 : f32 to vector<16xf32>
          %select_n3A_1785 = arith.select %lt3A_1628, %exp3A_1772, %broadcast_in_dim3A_1784 : vector<16xi1>, vector<16xf32>
          %add3A_1786 = arith.addf %scan3A_1617, %select_n3A_1785 : vector<16xf32>
          %mul3A_1787 = arith.constant 16 : i32
          %mul3A_1788 = arith.muli %scan3A_1612, %mul3A_1787 : i32
          %add3A_1789 = arith.constant 6144 : i32
          %add3A_1790 = arith.addi %add3A_1789, %mul3A_1788 : i32
          %get3A_1791 = arith.constant 5 : i32
          %get3A_1792 = arith.index_cast %get3A_1791 : i32 to index
          %get3A_1793 = arith.index_cast %add3A_1790 : i32 to index
          %get3A_1794 = tpu.vector_load %arg5[%get3A_1792, %get3A_1793] {strides = array<i32>} : memref<8x6272xf32, #tpu.memory_space<vmem>>, vector<1x16xf32>,
          %get3A_1795 = vector.shape_cast %get3A_1794 : vector<1x16xf32> to vector<16xf32>
          %mul3A_1796 = arith.constant 16 : i32
          %mul3A_1797 = arith.muli %scan3A_1612, %mul3A_1796 : i32
          %get3A_1798 = arith.constant 5 : i32
          %get3A_1799 = arith.index_cast %get3A_1798 : i32 to index
          %get3A_1800 = arith.index_cast %mul3A_1797 : i32 to index
          %get3A_1801 = tpu.vector_load %arg10[%get3A_1799, %get3A_1800] {strides = array<i32>} : memref<8x128xf32, #tpu.memory_space<vmem>>, vector<1x16xf32>,
          %get3A_1802 = vector.shape_cast %get3A_1801 : vector<1x16xf32> to vector<16xf32>
          %add3A_1803 = arith.addf %get3A_1795, %get3A_1802 : vector<16xf32>
          %exp3A_1804 = math.exp %add3A_1803 : vector<16xf32>
          %mul3A_1805 = arith.constant 16 : i32
          %mul3A_1806 = arith.muli %scan3A_1612, %mul3A_1805 : i32
          %add3A_1807 = arith.constant 6144 : i32
          %add3A_1808 = arith.addi %add3A_1807, %mul3A_1806 : i32
          %swap3A_1809 = arith.constant 5 : i32
          %swap3A_1810 = arith.index_cast %swap3A_1809 : i32 to index
          %swap3A_1811 = arith.index_cast %add3A_1808 : i32 to index
          %swap3A_1812 = tpu.vector_load %arg5[%swap3A_1810, %swap3A_1811] {strides = array<i32>} : memref<8x6272xf32, #tpu.memory_space<vmem>>, vector<1x16xf32>,
          %swap3A_1813 = vector.shape_cast %swap3A_1812 : vector<1x16xf32> to vector<16xf32>
          %swap3A_1814 = vector.shape_cast %exp3A_1804 : vector<16xf32> to vector<1x16xf32>
          tpu.vector_store %arg5[%swap3A_1810, %swap3A_1811], %swap3A_1814 {strides = array<i32>} : memref<8x6272xf32, #tpu.memory_space<vmem>>, vector<1x16xf32>,
          %jit3A_1815 = arith.constant 0.000000e+00 : f32
          %broadcast_in_dim3A_1816 = vector.broadcast %jit3A_1815 : f32 to vector<16xf32>
          %select_n3A_1817 = arith.select %lt3A_1628, %exp3A_1804, %broadcast_in_dim3A_1816 : vector<16xi1>, vector<16xf32>
          %add3A_1818 = arith.addf %scan3A_1618, %select_n3A_1817 : vector<16xf32>
          %mul3A_1819 = arith.constant 16 : i32
          %mul3A_1820 = arith.muli %scan3A_1612, %mul3A_1819 : i32
          %add3A_1821 = arith.constant 6144 : i32
          %add3A_1822 = arith.addi %add3A_1821, %mul3A_1820 : i32
          %get3A_1823 = arith.constant 6 : i32
          %get3A_1824 = arith.index_cast %get3A_1823 : i32 to index
          %get3A_1825 = arith.index_cast %add3A_1822 : i32 to index
          %get3A_1826 = tpu.vector_load %arg5[%get3A_1824, %get3A_1825] {strides = array<i32>} : memref<8x6272xf32, #tpu.memory_space<vmem>>, vector<1x16xf32>,
          %get3A_1827 = vector.shape_cast %get3A_1826 : vector<1x16xf32> to vector<16xf32>
          %mul3A_1828 = arith.constant 16 : i32
          %mul3A_1829 = arith.muli %scan3A_1612, %mul3A_1828 : i32
          %get3A_1830 = arith.constant 6 : i32
          %get3A_1831 = arith.index_cast %get3A_1830 : i32 to index
          %get3A_1832 = arith.index_cast %mul3A_1829 : i32 to index
          %get3A_1833 = tpu.vector_load %arg10[%get3A_1831, %get3A_1832] {strides = array<i32>} : memref<8x128xf32, #tpu.memory_space<vmem>>, vector<1x16xf32>,
          %get3A_1834 = vector.shape_cast %get3A_1833 : vector<1x16xf32> to vector<16xf32>
          %add3A_1835 = arith.addf %get3A_1827, %get3A_1834 : vector<16xf32>
          %exp3A_1836 = math.exp %add3A_1835 : vector<16xf32>
          %mul3A_1837 = arith.constant 16 : i32
          %mul3A_1838 = arith.muli %scan3A_1612, %mul3A_1837 : i32
          %add3A_1839 = arith.constant 6144 : i32
          %add3A_1840 = arith.addi %add3A_1839, %mul3A_1838 : i32
          %swap3A_1841 = arith.constant 6 : i32
          %swap3A_1842 = arith.index_cast %swap3A_1841 : i32 to index
          %swap3A_1843 = arith.index_cast %add3A_1840 : i32 to index
          %swap3A_1844 = tpu.vector_load %arg5[%swap3A_1842, %swap3A_1843] {strides = array<i32>} : memref<8x6272xf32, #tpu.memory_space<vmem>>, vector<1x16xf32>,
          %swap3A_1845 = vector.shape_cast %swap3A_1844 : vector<1x16xf32> to vector<16xf32>
          %swap3A_1846 = vector.shape_cast %exp3A_1836 : vector<16xf32> to vector<1x16xf32>
          tpu.vector_store %arg5[%swap3A_1842, %swap3A_1843], %swap3A_1846 {strides = array<i32>} : memref<8x6272xf32, #tpu.memory_space<vmem>>, vector<1x16xf32>,
          %jit3A_1847 = arith.constant 0.000000e+00 : f32
          %broadcast_in_dim3A_1848 = vector.broadcast %jit3A_1847 : f32 to vector<16xf32>
          %select_n3A_1849 = arith.select %lt3A_1628, %exp3A_1836, %broadcast_in_dim3A_1848 : vector<16xi1>, vector<16xf32>
          %add3A_1850 = arith.addf %scan3A_1619, %select_n3A_1849 : vector<16xf32>
          %mul3A_1851 = arith.constant 16 : i32
          %mul3A_1852 = arith.muli %scan3A_1612, %mul3A_1851 : i32
          %add3A_1853 = arith.constant 6144 : i32
          %add3A_1854 = arith.addi %add3A_1853, %mul3A_1852 : i32
          %get3A_1855 = arith.constant 7 : i32
          %get3A_1856 = arith.index_cast %get3A_1855 : i32 to index
          %get3A_1857 = arith.index_cast %add3A_1854 : i32 to index
          %get3A_1858 = tpu.vector_load %arg5[%get3A_1856, %get3A_1857] {strides = array<i32>} : memref<8x6272xf32, #tpu.memory_space<vmem>>, vector<1x16xf32>,
          %get3A_1859 = vector.shape_cast %get3A_1858 : vector<1x16xf32> to vector<16xf32>
          %mul3A_1860 = arith.constant 16 : i32
          %mul3A_1861 = arith.muli %scan3A_1612, %mul3A_1860 : i32
          %get3A_1862 = arith.constant 7 : i32
          %get3A_1863 = arith.index_cast %get3A_1862 : i32 to index
          %get3A_1864 = arith.index_cast %mul3A_1861 : i32 to index
          %get3A_1865 = tpu.vector_load %arg10[%get3A_1863, %get3A_1864] {strides = array<i32>} : memref<8x128xf32, #tpu.memory_space<vmem>>, vector<1x16xf32>,
          %get3A_1866 = vector.shape_cast %get3A_1865 : vector<1x16xf32> to vector<16xf32>
          %add3A_1867 = arith.addf %get3A_1859, %get3A_1866 : vector<16xf32>
          %exp3A_1868 = math.exp %add3A_1867 : vector<16xf32>
          %mul3A_1869 = arith.constant 16 : i32
          %mul3A_1870 = arith.muli %scan3A_1612, %mul3A_1869 : i32
          %add3A_1871 = arith.constant 6144 : i32
          %add3A_1872 = arith.addi %add3A_1871, %mul3A_1870 : i32
          %swap3A_1873 = arith.constant 7 : i32
          %swap3A_1874 = arith.index_cast %swap3A_1873 : i32 to index
          %swap3A_1875 = arith.index_cast %add3A_1872 : i32 to index
          %swap3A_1876 = tpu.vector_load %arg5[%swap3A_1874, %swap3A_1875] {strides = array<i32>} : memref<8x6272xf32, #tpu.memory_space<vmem>>, vector<1x16xf32>,
          %swap3A_1877 = vector.shape_cast %swap3A_1876 : vector<1x16xf32> to vector<16xf32>
          %swap3A_1878 = vector.shape_cast %exp3A_1868 : vector<16xf32> to vector<1x16xf32>
          tpu.vector_store %arg5[%swap3A_1874, %swap3A_1875], %swap3A_1878 {strides = array<i32>} : memref<8x6272xf32, #tpu.memory_space<vmem>>, vector<1x16xf32>,
          %jit3A_1879 = arith.constant 0.000000e+00 : f32
          %broadcast_in_dim3A_1880 = vector.broadcast %jit3A_1879 : f32 to vector<16xf32>
          %select_n3A_1881 = arith.select %lt3A_1628, %exp3A_1868, %broadcast_in_dim3A_1880 : vector<16xi1>, vector<16xf32>
          %add3A_1882 = arith.addf %scan3A_1620, %select_n3A_1881 : vector<16xf32>
          scf.yield %add3A_1658, %add3A_1690, %add3A_1722, %add3A_1754, %add3A_1786, %add3A_1818, %add3A_1850, %add3A_1882 : vector<16xf32>, vector<16xf32>, vector<16xf32>, vector<16xf32>, vector<16xf32>, vector<16xf32>, vector<16xf32>, vector<16xf32>
        }
        %scan3A_1579 = arith.constant 8 : i32
        %swap3A_1580 = arith.constant 0 : index
        %swap3A_1581 = tpu.vector_load %arg8[%swap3A_1580] {strides = array<i32>} : memref<128xf32, #tpu.memory_space<vmem>>, vector<16xf32>,
        %swap3A_1582 = vector.shape_cast %swap3A_1581 : vector<16xf32> to vector<16xf32>
        %swap3A_1583 = vector.shape_cast %scan3A_1578#0 : vector<16xf32> to vector<16xf32>
        tpu.vector_store %arg8[%swap3A_1580], %swap3A_1583 {strides = array<i32>} : memref<128xf32, #tpu.memory_space<vmem>>, vector<16xf32>,
        %swap3A_1584 = arith.constant 16 : index
        %swap3A_1585 = tpu.vector_load %arg8[%swap3A_1584] {strides = array<i32>} : memref<128xf32, #tpu.memory_space<vmem>>, vector<16xf32>,
        %swap3A_1586 = vector.shape_cast %swap3A_1585 : vector<16xf32> to vector<16xf32>
        %swap3A_1587 = vector.shape_cast %scan3A_1578#1 : vector<16xf32> to vector<16xf32>
        tpu.vector_store %arg8[%swap3A_1584], %swap3A_1587 {strides = array<i32>} : memref<128xf32, #tpu.memory_space<vmem>>, vector<16xf32>,
        %swap3A_1588 = arith.constant 32 : index
        %swap3A_1589 = tpu.vector_load %arg8[%swap3A_1588] {strides = array<i32>} : memref<128xf32, #tpu.memory_space<vmem>>, vector<16xf32>,
        %swap3A_1590 = vector.shape_cast %swap3A_1589 : vector<16xf32> to vector<16xf32>
        %swap3A_1591 = vector.shape_cast %scan3A_1578#2 : vector<16xf32> to vector<16xf32>
        tpu.vector_store %arg8[%swap3A_1588], %swap3A_1591 {strides = array<i32>} : memref<128xf32, #tpu.memory_space<vmem>>, vector<16xf32>,
        %swap3A_1592 = arith.constant 48 : index
        %swap3A_1593 = tpu.vector_load %arg8[%swap3A_1592] {strides = array<i32>} : memref<128xf32, #tpu.memory_space<vmem>>, vector<16xf32>,
        %swap3A_1594 = vector.shape_cast %swap3A_1593 : vector<16xf32> to vector<16xf32>
        %swap3A_1595 = vector.shape_cast %scan3A_1578#3 : vector<16xf32> to vector<16xf32>
        tpu.vector_store %arg8[%swap3A_1592], %swap3A_1595 {strides = array<i32>} : memref<128xf32, #tpu.memory_space<vmem>>, vector<16xf32>,
        %swap3A_1596 = arith.constant 64 : index
        %swap3A_1597 = tpu.vector_load %arg8[%swap3A_1596] {strides = array<i32>} : memref<128xf32, #tpu.memory_space<vmem>>, vector<16xf32>,
        %swap3A_1598 = vector.shape_cast %swap3A_1597 : vector<16xf32> to vector<16xf32>
        %swap3A_1599 = vector.shape_cast %scan3A_1578#4 : vector<16xf32> to vector<16xf32>
        tpu.vector_store %arg8[%swap3A_1596], %swap3A_1599 {strides = array<i32>} : memref<128xf32, #tpu.memory_space<vmem>>, vector<16xf32>,
        %swap3A_1600 = arith.constant 80 : index
        %swap3A_1601 = tpu.vector_load %arg8[%swap3A_1600] {strides = array<i32>} : memref<128xf32, #tpu.memory_space<vmem>>, vector<16xf32>,
        %swap3A_1602 = vector.shape_cast %swap3A_1601 : vector<16xf32> to vector<16xf32>
        %swap3A_1603 = vector.shape_cast %scan3A_1578#5 : vector<16xf32> to vector<16xf32>
        tpu.vector_store %arg8[%swap3A_1600], %swap3A_1603 {strides = array<i32>} : memref<128xf32, #tpu.memory_space<vmem>>, vector<16xf32>,
        %swap3A_1604 = arith.constant 96 : index
        %swap3A_1605 = tpu.vector_load %arg8[%swap3A_1604] {strides = array<i32>} : memref<128xf32, #tpu.memory_space<vmem>>, vector<16xf32>,
        %swap3A_1606 = vector.shape_cast %swap3A_1605 : vector<16xf32> to vector<16xf32>
        %swap3A_1607 = vector.shape_cast %scan3A_1578#6 : vector<16xf32> to vector<16xf32>
        tpu.vector_store %arg8[%swap3A_1604], %swap3A_1607 {strides = array<i32>} : memref<128xf32, #tpu.memory_space<vmem>>, vector<16xf32>,
        %swap3A_1608 = arith.constant 112 : index
        %swap3A_1609 = tpu.vector_load %arg8[%swap3A_1608] {strides = array<i32>} : memref<128xf32, #tpu.memory_space<vmem>>, vector<16xf32>,
        %swap3A_1610 = vector.shape_cast %swap3A_1609 : vector<16xf32> to vector<16xf32>
        %swap3A_1611 = vector.shape_cast %scan3A_1578#7 : vector<16xf32> to vector<16xf32>
        tpu.vector_store %arg8[%swap3A_1608], %swap3A_1611 {strides = array<i32>} : memref<128xf32, #tpu.memory_space<vmem>>, vector<16xf32>,
      } else {
      }
      %ge3A = arith.constant 14 : i32
      %ge3A_344 = arith.cmpi sge, %arg1, %ge3A : i32
      %convert_element_type3A_345 = arith.extui %ge3A_344 : i1 to i32
      %cond3A_346 = arith.constant 0 : i32
      %cond3A_347 = arith.cmpi ne, %convert_element_type3A_345, %cond3A_346 : i32
      scf.if %cond3A_347 {
        %swap3A_1563 = arith.constant 0 : index
        %swap3A_1564 = tpu.vector_load %arg8[%swap3A_1563] {strides = array<i32>} : memref<128xf32, #tpu.memory_space<vmem>>, vector<16xf32>,
        %swap3A_1565 = vector.shape_cast %swap3A_1564 : vector<16xf32> to vector<16xf32>
        %swap3A_1566 = vector.shape_cast %broadcast_in_dim3A_2 : vector<16xf32> to vector<16xf32>
        tpu.vector_store %arg8[%swap3A_1563], %swap3A_1566 {strides = array<i32>} : memref<128xf32, #tpu.memory_space<vmem>>, vector<16xf32>,
        %swap3A_1567 = arith.constant 16 : index
        %swap3A_1568 = tpu.vector_load %arg8[%swap3A_1567] {strides = array<i32>} : memref<128xf32, #tpu.memory_space<vmem>>, vector<16xf32>,
        %swap3A_1569 = vector.shape_cast %swap3A_1568 : vector<16xf32> to vector<16xf32>
        %swap3A_1570 = vector.shape_cast %broadcast_in_dim3A_2 : vector<16xf32> to vector<16xf32>
        tpu.vector_store %arg8[%swap3A_1567], %swap3A_1570 {strides = array<i32>} : memref<128xf32, #tpu.memory_space<vmem>>, vector<16xf32>,
        %swap3A_1571 = arith.constant 32 : index
        %swap3A_1572 = tpu.vector_load %arg8[%swap3A_1571] {strides = array<i32>} : memref<128xf32, #tpu.memory_space<vmem>>, vector<16xf32>,
        %swap3A_1573 = vector.shape_cast %swap3A_1572 : vector<16xf32> to vector<16xf32>
        %swap3A_1574 = vector.shape_cast %broadcast_in_dim3A_2 : vector<16xf32> to vector<16xf32>
        tpu.vector_store %arg8[%swap3A_1571], %swap3A_1574 {strides = array<i32>} : memref<128xf32, #tpu.memory_space<vmem>>, vector<16xf32>,
        %swap3A_1575 = arith.constant 48 : index
        %swap3A_1576 = tpu.vector_load %arg8[%swap3A_1575] {strides = array<i32>} : memref<128xf32, #tpu.memory_space<vmem>>, vector<16xf32>,
        %swap3A_1577 = vector.shape_cast %swap3A_1576 : vector<16xf32> to vector<16xf32>
        %swap3A_1578 = vector.shape_cast %broadcast_in_dim3A_2 : vector<16xf32> to vector<16xf32>
        tpu.vector_store %arg8[%swap3A_1575], %swap3A_1578 {strides = array<i32>} : memref<128xf32, #tpu.memory_space<vmem>>, vector<16xf32>,
        %swap3A_1579 = arith.constant 64 : index
        %swap3A_1580 = tpu.vector_load %arg8[%swap3A_1579] {strides = array<i32>} : memref<128xf32, #tpu.memory_space<vmem>>, vector<16xf32>,
        %swap3A_1581 = vector.shape_cast %swap3A_1580 : vector<16xf32> to vector<16xf32>
        %swap3A_1582 = vector.shape_cast %broadcast_in_dim3A_2 : vector<16xf32> to vector<16xf32>
        tpu.vector_store %arg8[%swap3A_1579], %swap3A_1582 {strides = array<i32>} : memref<128xf32, #tpu.memory_space<vmem>>, vector<16xf32>,
        %swap3A_1583 = arith.constant 80 : index
        %swap3A_1584 = tpu.vector_load %arg8[%swap3A_1583] {strides = array<i32>} : memref<128xf32, #tpu.memory_space<vmem>>, vector<16xf32>,
        %swap3A_1585 = vector.shape_cast %swap3A_1584 : vector<16xf32> to vector<16xf32>
        %swap3A_1586 = vector.shape_cast %broadcast_in_dim3A_2 : vector<16xf32> to vector<16xf32>
        tpu.vector_store %arg8[%swap3A_1583], %swap3A_1586 {strides = array<i32>} : memref<128xf32, #tpu.memory_space<vmem>>, vector<16xf32>,
        %swap3A_1587 = arith.constant 96 : index
        %swap3A_1588 = tpu.vector_load %arg8[%swap3A_1587] {strides = array<i32>} : memref<128xf32, #tpu.memory_space<vmem>>, vector<16xf32>,
        %swap3A_1589 = vector.shape_cast %swap3A_1588 : vector<16xf32> to vector<16xf32>
        %swap3A_1590 = vector.shape_cast %broadcast_in_dim3A_2 : vector<16xf32> to vector<16xf32>
        tpu.vector_store %arg8[%swap3A_1587], %swap3A_1590 {strides = array<i32>} : memref<128xf32, #tpu.memory_space<vmem>>, vector<16xf32>,
        %swap3A_1591 = arith.constant 112 : index
        %swap3A_1592 = tpu.vector_load %arg8[%swap3A_1591] {strides = array<i32>} : memref<128xf32, #tpu.memory_space<vmem>>, vector<16xf32>,
        %swap3A_1593 = vector.shape_cast %swap3A_1592 : vector<16xf32> to vector<16xf32>
        %swap3A_1594 = vector.shape_cast %broadcast_in_dim3A_2 : vector<16xf32> to vector<16xf32>
        tpu.vector_store %arg8[%swap3A_1591], %swap3A_1594 {strides = array<i32>} : memref<128xf32, #tpu.memory_space<vmem>>, vector<16xf32>,
      } else {
      }
      %get3A = arith.constant 0 : index
      %get3A_348 = tpu.vector_load %arg8[%get3A] {strides = array<i32>} : memref<128xf32, #tpu.memory_space<vmem>>, vector<16xf32>,
      %get3A_349 = vector.shape_cast %get3A_348 : vector<16xf32> to vector<16xf32>
      %add3A_350 = arith.addf %get3A_349, %scan3A_337#0 : vector<16xf32>
      %swap3A = arith.constant 0 : index
      %swap3A_351 = tpu.vector_load %arg8[%swap3A] {strides = array<i32>} : memref<128xf32, #tpu.memory_space<vmem>>, vector<16xf32>,
      %swap3A_352 = vector.shape_cast %swap3A_351 : vector<16xf32> to vector<16xf32>
      %swap3A_353 = vector.shape_cast %add3A_350 : vector<16xf32> to vector<16xf32>
      tpu.vector_store %arg8[%swap3A], %swap3A_353 {strides = array<i32>} : memref<128xf32, #tpu.memory_space<vmem>>, vector<16xf32>,
      %get3A_354 = arith.constant 16 : index
      %get3A_355 = tpu.vector_load %arg8[%get3A_354] {strides = array<i32>} : memref<128xf32, #tpu.memory_space<vmem>>, vector<16xf32>,
      %get3A_356 = vector.shape_cast %get3A_355 : vector<16xf32> to vector<16xf32>
      %add3A_357 = arith.addf %get3A_356, %scan3A_337#1 : vector<16xf32>
      %swap3A_358 = arith.constant 16 : index
      %swap3A_359 = tpu.vector_load %arg8[%swap3A_358] {strides = array<i32>} : memref<128xf32, #tpu.memory_space<vmem>>, vector<16xf32>,
      %swap3A_360 = vector.shape_cast %swap3A_359 : vector<16xf32> to vector<16xf32>
      %swap3A_361 = vector.shape_cast %add3A_357 : vector<16xf32> to vector<16xf32>
      tpu.vector_store %arg8[%swap3A_358], %swap3A_361 {strides = array<i32>} : memref<128xf32, #tpu.memory_space<vmem>>, vector<16xf32>,
      %get3A_362 = arith.constant 32 : index
      %get3A_363 = tpu.vector_load %arg8[%get3A_362] {strides = array<i32>} : memref<128xf32, #tpu.memory_space<vmem>>, vector<16xf32>,
      %get3A_364 = vector.shape_cast %get3A_363 : vector<16xf32> to vector<16xf32>
      %add3A_365 = arith.addf %get3A_364, %scan3A_337#2 : vector<16xf32>
      %swap3A_366 = arith.constant 32 : index
      %swap3A_367 = tpu.vector_load %arg8[%swap3A_366] {strides = array<i32>} : memref<128xf32, #tpu.memory_space<vmem>>, vector<16xf32>,
      %swap3A_368 = vector.shape_cast %swap3A_367 : vector<16xf32> to vector<16xf32>
      %swap3A_369 = vector.shape_cast %add3A_365 : vector<16xf32> to vector<16xf32>
      tpu.vector_store %arg8[%swap3A_366], %swap3A_369 {strides = array<i32>} : memref<128xf32, #tpu.memory_space<vmem>>, vector<16xf32>,
      %get3A_370 = arith.constant 48 : index
      %get3A_371 = tpu.vector_load %arg8[%get3A_370] {strides = array<i32>} : memref<128xf32, #tpu.memory_space<vmem>>, vector<16xf32>,
      %get3A_372 = vector.shape_cast %get3A_371 : vector<16xf32> to vector<16xf32>
      %add3A_373 = arith.addf %get3A_372, %scan3A_337#3 : vector<16xf32>
      %swap3A_374 = arith.constant 48 : index
      %swap3A_375 = tpu.vector_load %arg8[%swap3A_374] {strides = array<i32>} : memref<128xf32, #tpu.memory_space<vmem>>, vector<16xf32>,
      %swap3A_376 = vector.shape_cast %swap3A_375 : vector<16xf32> to vector<16xf32>
      %swap3A_377 = vector.shape_cast %add3A_373 : vector<16xf32> to vector<16xf32>
      tpu.vector_store %arg8[%swap3A_374], %swap3A_377 {strides = array<i32>} : memref<128xf32, #tpu.memory_space<vmem>>, vector<16xf32>,
      %get3A_378 = arith.constant 64 : index
      %get3A_379 = tpu.vector_load %arg8[%get3A_378] {strides = array<i32>} : memref<128xf32, #tpu.memory_space<vmem>>, vector<16xf32>,
      %get3A_380 = vector.shape_cast %get3A_379 : vector<16xf32> to vector<16xf32>
      %add3A_381 = arith.addf %get3A_380, %scan3A_337#4 : vector<16xf32>
      %swap3A_382 = arith.constant 64 : index
      %swap3A_383 = tpu.vector_load %arg8[%swap3A_382] {strides = array<i32>} : memref<128xf32, #tpu.memory_space<vmem>>, vector<16xf32>,
      %swap3A_384 = vector.shape_cast %swap3A_383 : vector<16xf32> to vector<16xf32>
      %swap3A_385 = vector.shape_cast %add3A_381 : vector<16xf32> to vector<16xf32>
      tpu.vector_store %arg8[%swap3A_382], %swap3A_385 {strides = array<i32>} : memref<128xf32, #tpu.memory_space<vmem>>, vector<16xf32>,
      %get3A_386 = arith.constant 80 : index
      %get3A_387 = tpu.vector_load %arg8[%get3A_386] {strides = array<i32>} : memref<128xf32, #tpu.memory_space<vmem>>, vector<16xf32>,
      %get3A_388 = vector.shape_cast %get3A_387 : vector<16xf32> to vector<16xf32>
      %add3A_389 = arith.addf %get3A_388, %scan3A_337#5 : vector<16xf32>
      %swap3A_390 = arith.constant 80 : index
      %swap3A_391 = tpu.vector_load %arg8[%swap3A_390] {strides = array<i32>} : memref<128xf32, #tpu.memory_space<vmem>>, vector<16xf32>,
      %swap3A_392 = vector.shape_cast %swap3A_391 : vector<16xf32> to vector<16xf32>
      %swap3A_393 = vector.shape_cast %add3A_389 : vector<16xf32> to vector<16xf32>
      tpu.vector_store %arg8[%swap3A_390], %swap3A_393 {strides = array<i32>} : memref<128xf32, #tpu.memory_space<vmem>>, vector<16xf32>,
      %get3A_394 = arith.constant 96 : index
      %get3A_395 = tpu.vector_load %arg8[%get3A_394] {strides = array<i32>} : memref<128xf32, #tpu.memory_space<vmem>>, vector<16xf32>,
      %get3A_396 = vector.shape_cast %get3A_395 : vector<16xf32> to vector<16xf32>
      %add3A_397 = arith.addf %get3A_396, %scan3A_337#6 : vector<16xf32>
      %swap3A_398 = arith.constant 96 : index
      %swap3A_399 = tpu.vector_load %arg8[%swap3A_398] {strides = array<i32>} : memref<128xf32, #tpu.memory_space<vmem>>, vector<16xf32>,
      %swap3A_400 = vector.shape_cast %swap3A_399 : vector<16xf32> to vector<16xf32>
      %swap3A_401 = vector.shape_cast %add3A_397 : vector<16xf32> to vector<16xf32>
      tpu.vector_store %arg8[%swap3A_398], %swap3A_401 {strides = array<i32>} : memref<128xf32, #tpu.memory_space<vmem>>, vector<16xf32>,
      %get3A_402 = arith.constant 112 : index
      %get3A_403 = tpu.vector_load %arg8[%get3A_402] {strides = array<i32>} : memref<128xf32, #tpu.memory_space<vmem>>, vector<16xf32>,
      %get3A_404 = vector.shape_cast %get3A_403 : vector<16xf32> to vector<16xf32>
      %add3A_405 = arith.addf %get3A_404, %scan3A_337#7 : vector<16xf32>
      %swap3A_406 = arith.constant 112 : index
      %swap3A_407 = tpu.vector_load %arg8[%swap3A_406] {strides = array<i32>} : memref<128xf32, #tpu.memory_space<vmem>>, vector<16xf32>,
      %swap3A_408 = vector.shape_cast %swap3A_407 : vector<16xf32> to vector<16xf32>
      %swap3A_409 = vector.shape_cast %add3A_405 : vector<16xf32> to vector<16xf32>
      tpu.vector_store %arg8[%swap3A_406], %swap3A_409 {strides = array<i32>} : memref<128xf32, #tpu.memory_space<vmem>>, vector<16xf32>,
      %rem3A = arith.constant 2 : i32
      %rem3A_410 = arith.remsi %scan3A_8, %rem3A : i32
      %mul3A_411 = arith.constant 2048 : i32
      %mul3A_412 = arith.muli %rem3A_410, %mul3A_411 : i32
      %mul3A_413 = arith.constant 8 : i32
      %mul3A_414 = arith.muli %arg1, %mul3A_413 : i32
      %mul3A_415 = arith.constant 16 : i32
      %mul3A_416 = arith.muli %mul3A_414, %mul3A_415 : i32
      %add3A_417 = arith.addi %mul3A_412, %mul3A_416 : i32
      "tpu.region"() ({
        %run_scoped3A = tpu.sem_alloc : memref<!tpu.dma_semaphore, #tpu.memory_space<semaphore_mem>>
        %dma_start3A_1563 = tpu.memref_slice %arg6[%add3A_417] : memref<4096xf32, #tpu.memory_space<vmem_shared>> -> memref<128xf32, #tpu.memory_space<vmem_shared>>
        %dma_start3A_1564 = tpu.memref_slice %arg6[%add3A_417] : memref<4096xf32, #tpu.memory_space<vmem_shared>> -> memref<128xf32, #tpu.memory_space<vmem_shared>>
        tpu.enqueue_dma source(%arg8 : memref<128xf32, #tpu.memory_space<vmem>>) target(%dma_start3A_1564 : memref<128xf32, #tpu.memory_space<vmem_shared>>) target_semaphore(%run_scoped3A : memref<!tpu.dma_semaphore, #tpu.memory_space<semaphore_mem>>)
        %dma_wait3A_1565 = tpu.memref_slice %arg6[%add3A_417] : memref<4096xf32, #tpu.memory_space<vmem_shared>> -> memref<128xf32, #tpu.memory_space<vmem_shared>>
        %dma_wait3A_1566 = tpu.memref_slice %arg6[%add3A_417] : memref<4096xf32, #tpu.memory_space<vmem_shared>> -> memref<128xf32, #tpu.memory_space<vmem_shared>>
        tpu.wait_dma2 semaphore(%run_scoped3A : memref<!tpu.dma_semaphore, #tpu.memory_space<semaphore_mem>>) src(%arg8 : memref<128xf32, #tpu.memory_space<vmem>>) dst(%dma_wait3A_1566 : memref<128xf32, #tpu.memory_space<vmem_shared>>)
        tpu.yield
      }) : () -> ()
      %barrier3A = arith.constant 0 : index
      tpu.barrier barrier_id(%barrier3A)
      "tpu.region"() ({
        %run_scoped3A = tpu.sem_alloc : memref<!tpu.dma_semaphore, #tpu.memory_space<semaphore_mem>>
        %dma_start3A_1563 = tpu.memref_slice %arg6[%mul3A_412] : memref<4096xf32, #tpu.memory_space<vmem_shared>> -> memref<2048xf32, #tpu.memory_space<vmem_shared>>
        %dma_start3A_1564 = tpu.memref_slice %arg6[%mul3A_412] : memref<4096xf32, #tpu.memory_space<vmem_shared>> -> memref<2048xf32, #tpu.memory_space<vmem_shared>>
        tpu.enqueue_dma source(%dma_start3A_1564 : memref<2048xf32, #tpu.memory_space<vmem_shared>>) target(%arg7 : memref<2048xf32, #tpu.memory_space<vmem>>) target_semaphore(%run_scoped3A : memref<!tpu.dma_semaphore, #tpu.memory_space<semaphore_mem>>)
        %dma_wait3A_1565 = tpu.memref_slice %arg6[%mul3A_412] : memref<4096xf32, #tpu.memory_space<vmem_shared>> -> memref<2048xf32, #tpu.memory_space<vmem_shared>>
        %dma_wait3A_1566 = tpu.memref_slice %arg6[%mul3A_412] : memref<4096xf32, #tpu.memory_space<vmem_shared>> -> memref<2048xf32, #tpu.memory_space<vmem_shared>>
        tpu.wait_dma2 semaphore(%run_scoped3A : memref<!tpu.dma_semaphore, #tpu.memory_space<semaphore_mem>>) src(%dma_wait3A_1566 : memref<2048xf32, #tpu.memory_space<vmem_shared>>) dst(%arg7 : memref<2048xf32, #tpu.memory_space<vmem>>)
        tpu.yield
      }) : () -> ()
      %iota3A = tpu.iota {dimensions = array<i32: 0>} : vector<16xi32>
      %get3A_418 = arith.constant 0 : index
      %get3A_419 = tpu.vector_load %arg7[%get3A_418] {strides = array<i32>} : memref<2048xf32, #tpu.memory_space<vmem>>, vector<16xf32>,
      %get3A_420 = vector.shape_cast %get3A_419 : vector<16xf32> to vector<16xf32>
      %get3A_421 = arith.constant 128 : index
      %get3A_422 = tpu.vector_load %arg7[%get3A_421] {strides = array<i32>} : memref<2048xf32, #tpu.memory_space<vmem>>, vector<16xf32>,
      %get3A_423 = vector.shape_cast %get3A_422 : vector<16xf32> to vector<16xf32>
      %add3A_424 = arith.addf %get3A_420, %get3A_423 : vector<16xf32>
      %get3A_425 = arith.constant 256 : index
      %get3A_426 = tpu.vector_load %arg7[%get3A_425] {strides = array<i32>} : memref<2048xf32, #tpu.memory_space<vmem>>, vector<16xf32>,
      %get3A_427 = vector.shape_cast %get3A_426 : vector<16xf32> to vector<16xf32>
      %add3A_428 = arith.addf %add3A_424, %get3A_427 : vector<16xf32>
      %get3A_429 = arith.constant 384 : index
      %get3A_430 = tpu.vector_load %arg7[%get3A_429] {strides = array<i32>} : memref<2048xf32, #tpu.memory_space<vmem>>, vector<16xf32>,
      %get3A_431 = vector.shape_cast %get3A_430 : vector<16xf32> to vector<16xf32>
      %add3A_432 = arith.addf %add3A_428, %get3A_431 : vector<16xf32>
      %get3A_433 = arith.constant 512 : index
      %get3A_434 = tpu.vector_load %arg7[%get3A_433] {strides = array<i32>} : memref<2048xf32, #tpu.memory_space<vmem>>, vector<16xf32>,
      %get3A_435 = vector.shape_cast %get3A_434 : vector<16xf32> to vector<16xf32>
      %add3A_436 = arith.addf %add3A_432, %get3A_435 : vector<16xf32>
      %get3A_437 = arith.constant 640 : index
      %get3A_438 = tpu.vector_load %arg7[%get3A_437] {strides = array<i32>} : memref<2048xf32, #tpu.memory_space<vmem>>, vector<16xf32>,
      %get3A_439 = vector.shape_cast %get3A_438 : vector<16xf32> to vector<16xf32>
      %add3A_440 = arith.addf %add3A_436, %get3A_439 : vector<16xf32>
      %get3A_441 = arith.constant 768 : index
      %get3A_442 = tpu.vector_load %arg7[%get3A_441] {strides = array<i32>} : memref<2048xf32, #tpu.memory_space<vmem>>, vector<16xf32>,
      %get3A_443 = vector.shape_cast %get3A_442 : vector<16xf32> to vector<16xf32>
      %add3A_444 = arith.addf %add3A_440, %get3A_443 : vector<16xf32>
      %get3A_445 = arith.constant 896 : index
      %get3A_446 = tpu.vector_load %arg7[%get3A_445] {strides = array<i32>} : memref<2048xf32, #tpu.memory_space<vmem>>, vector<16xf32>,
      %get3A_447 = vector.shape_cast %get3A_446 : vector<16xf32> to vector<16xf32>
      %add3A_448 = arith.addf %add3A_444, %get3A_447 : vector<16xf32>
      %get3A_449 = arith.constant 1024 : index
      %get3A_450 = tpu.vector_load %arg7[%get3A_449] {strides = array<i32>} : memref<2048xf32, #tpu.memory_space<vmem>>, vector<16xf32>,
      %get3A_451 = vector.shape_cast %get3A_450 : vector<16xf32> to vector<16xf32>
      %add3A_452 = arith.addf %add3A_448, %get3A_451 : vector<16xf32>
      %get3A_453 = arith.constant 1152 : index
      %get3A_454 = tpu.vector_load %arg7[%get3A_453] {strides = array<i32>} : memref<2048xf32, #tpu.memory_space<vmem>>, vector<16xf32>,
      %get3A_455 = vector.shape_cast %get3A_454 : vector<16xf32> to vector<16xf32>
      %add3A_456 = arith.addf %add3A_452, %get3A_455 : vector<16xf32>
      %get3A_457 = arith.constant 1280 : index
      %get3A_458 = tpu.vector_load %arg7[%get3A_457] {strides = array<i32>} : memref<2048xf32, #tpu.memory_space<vmem>>, vector<16xf32>,
      %get3A_459 = vector.shape_cast %get3A_458 : vector<16xf32> to vector<16xf32>
      %add3A_460 = arith.addf %add3A_456, %get3A_459 : vector<16xf32>
      %get3A_461 = arith.constant 1408 : index
      %get3A_462 = tpu.vector_load %arg7[%get3A_461] {strides = array<i32>} : memref<2048xf32, #tpu.memory_space<vmem>>, vector<16xf32>,
      %get3A_463 = vector.shape_cast %get3A_462 : vector<16xf32> to vector<16xf32>
      %add3A_464 = arith.addf %add3A_460, %get3A_463 : vector<16xf32>
      %get3A_465 = arith.constant 1536 : index
      %get3A_466 = tpu.vector_load %arg7[%get3A_465] {strides = array<i32>} : memref<2048xf32, #tpu.memory_space<vmem>>, vector<16xf32>,
      %get3A_467 = vector.shape_cast %get3A_466 : vector<16xf32> to vector<16xf32>
      %add3A_468 = arith.addf %add3A_464, %get3A_467 : vector<16xf32>
      %get3A_469 = arith.constant 1664 : index
      %get3A_470 = tpu.vector_load %arg7[%get3A_469] {strides = array<i32>} : memref<2048xf32, #tpu.memory_space<vmem>>, vector<16xf32>,
      %get3A_471 = vector.shape_cast %get3A_470 : vector<16xf32> to vector<16xf32>
      %add3A_472 = arith.addf %add3A_468, %get3A_471 : vector<16xf32>
      %get3A_473 = arith.constant 1792 : index
      %get3A_474 = tpu.vector_load %arg7[%get3A_473] {strides = array<i32>} : memref<2048xf32, #tpu.memory_space<vmem>>, vector<16xf32>,
      %get3A_475 = vector.shape_cast %get3A_474 : vector<16xf32> to vector<16xf32>
      %add3A_476 = arith.addf %add3A_472, %get3A_475 : vector<16xf32>
      %get3A_477 = arith.constant 1920 : index
      %get3A_478 = tpu.vector_load %arg7[%get3A_477] {strides = array<i32>} : memref<2048xf32, #tpu.memory_space<vmem>>, vector<16xf32>,
      %get3A_479 = vector.shape_cast %get3A_478 : vector<16xf32> to vector<16xf32>
      %add3A_480 = arith.addf %add3A_476, %get3A_479 : vector<16xf32>
      %xor3A = arith.constant 1 : i32
      %xor3A_481 = vector.broadcast %xor3A : i32 to vector<16xi32>
      %xor3A_482 = arith.xori %iota3A, %xor3A_481 : vector<16xi32>
      %lt3A_483 = arith.constant 0 : i32
      %lt3A_484 = vector.broadcast %lt3A_483 : i32 to vector<16xi32>
      %lt3A_485 = arith.cmpi slt, %xor3A_482, %lt3A_484 : vector<16xi32>
      %add3A_486 = arith.constant 16 : i32
      %add3A_487 = vector.broadcast %add3A_486 : i32 to vector<16xi32>
      %add3A_488 = arith.addi %xor3A_482, %add3A_487 : vector<16xi32>
      %select_n3A = arith.select %lt3A_485, %add3A_488, %xor3A_482 : vector<16xi1>, vector<16xi32>
      %broadcast_in_dim3A_489 = vector.shape_cast %select_n3A : vector<16xi32> to vector<16x1xi32>
      %gather3A = vector.shape_cast %broadcast_in_dim3A_489 : vector<16x1xi32> to vector<16xi32>
      %gather3A_490 = tpu.dynamic_gather %add3A_480[%gather3A] in [0] : vector<16xf32>, vector<16xi32> -> vector<16xf32>
      %add3A_491 = arith.addf %add3A_480, %gather3A_490 : vector<16xf32>
      %xor3A_492 = arith.constant 2 : i32
      %xor3A_493 = vector.broadcast %xor3A_492 : i32 to vector<16xi32>
      %xor3A_494 = arith.xori %iota3A, %xor3A_493 : vector<16xi32>
      %lt3A_495 = arith.constant 0 : i32
      %lt3A_496 = vector.broadcast %lt3A_495 : i32 to vector<16xi32>
      %lt3A_497 = arith.cmpi slt, %xor3A_494, %lt3A_496 : vector<16xi32>
      %add3A_498 = arith.constant 16 : i32
      %add3A_499 = vector.broadcast %add3A_498 : i32 to vector<16xi32>
      %add3A_500 = arith.addi %xor3A_494, %add3A_499 : vector<16xi32>
      %select_n3A_501 = arith.select %lt3A_497, %add3A_500, %xor3A_494 : vector<16xi1>, vector<16xi32>
      %broadcast_in_dim3A_502 = vector.shape_cast %select_n3A_501 : vector<16xi32> to vector<16x1xi32>
      %gather3A_503 = vector.shape_cast %broadcast_in_dim3A_502 : vector<16x1xi32> to vector<16xi32>
      %gather3A_504 = tpu.dynamic_gather %add3A_491[%gather3A_503] in [0] : vector<16xf32>, vector<16xi32> -> vector<16xf32>
      %add3A_505 = arith.addf %add3A_491, %gather3A_504 : vector<16xf32>
      %xor3A_506 = arith.constant 4 : i32
      %xor3A_507 = vector.broadcast %xor3A_506 : i32 to vector<16xi32>
      %xor3A_508 = arith.xori %iota3A, %xor3A_507 : vector<16xi32>
      %lt3A_509 = arith.constant 0 : i32
      %lt3A_510 = vector.broadcast %lt3A_509 : i32 to vector<16xi32>
      %lt3A_511 = arith.cmpi slt, %xor3A_508, %lt3A_510 : vector<16xi32>
      %add3A_512 = arith.constant 16 : i32
      %add3A_513 = vector.broadcast %add3A_512 : i32 to vector<16xi32>
      %add3A_514 = arith.addi %xor3A_508, %add3A_513 : vector<16xi32>
      %select_n3A_515 = arith.select %lt3A_511, %add3A_514, %xor3A_508 : vector<16xi1>, vector<16xi32>
      %broadcast_in_dim3A_516 = vector.shape_cast %select_n3A_515 : vector<16xi32> to vector<16x1xi32>
      %gather3A_517 = vector.shape_cast %broadcast_in_dim3A_516 : vector<16x1xi32> to vector<16xi32>
      %gather3A_518 = tpu.dynamic_gather %add3A_505[%gather3A_517] in [0] : vector<16xf32>, vector<16xi32> -> vector<16xf32>
      %add3A_519 = arith.addf %add3A_505, %gather3A_518 : vector<16xf32>
      %xor3A_520 = arith.constant 8 : i32
      %xor3A_521 = vector.broadcast %xor3A_520 : i32 to vector<16xi32>
      %xor3A_522 = arith.xori %iota3A, %xor3A_521 : vector<16xi32>
      %lt3A_523 = arith.constant 0 : i32
      %lt3A_524 = vector.broadcast %lt3A_523 : i32 to vector<16xi32>
      %lt3A_525 = arith.cmpi slt, %xor3A_522, %lt3A_524 : vector<16xi32>
      %add3A_526 = arith.constant 16 : i32
      %add3A_527 = vector.broadcast %add3A_526 : i32 to vector<16xi32>
      %add3A_528 = arith.addi %xor3A_522, %add3A_527 : vector<16xi32>
      %select_n3A_529 = arith.select %lt3A_525, %add3A_528, %xor3A_522 : vector<16xi1>, vector<16xi32>
      %broadcast_in_dim3A_530 = vector.shape_cast %select_n3A_529 : vector<16xi32> to vector<16x1xi32>
      %gather3A_531 = vector.shape_cast %broadcast_in_dim3A_530 : vector<16x1xi32> to vector<16xi32>
      %gather3A_532 = tpu.dynamic_gather %add3A_519[%gather3A_531] in [0] : vector<16xf32>, vector<16xi32> -> vector<16xf32>
      %add3A_533 = arith.addf %add3A_519, %gather3A_532 : vector<16xf32>
      %div3A = arith.constant 1.000000e+00 : f32
      %div3A_534 = vector.broadcast %div3A : f32 to vector<16xf32>
      %div3A_535 = arith.divf %div3A_534, %add3A_533 : vector<16xf32>
      %get3A_536 = arith.constant 16 : index
      %get3A_537 = tpu.vector_load %arg7[%get3A_536] {strides = array<i32>} : memref<2048xf32, #tpu.memory_space<vmem>>, vector<16xf32>,
      %get3A_538 = vector.shape_cast %get3A_537 : vector<16xf32> to vector<16xf32>
      %get3A_539 = arith.constant 144 : index
      %get3A_540 = tpu.vector_load %arg7[%get3A_539] {strides = array<i32>} : memref<2048xf32, #tpu.memory_space<vmem>>, vector<16xf32>,
      %get3A_541 = vector.shape_cast %get3A_540 : vector<16xf32> to vector<16xf32>
      %add3A_542 = arith.addf %get3A_538, %get3A_541 : vector<16xf32>
      %get3A_543 = arith.constant 272 : index
      %get3A_544 = tpu.vector_load %arg7[%get3A_543] {strides = array<i32>} : memref<2048xf32, #tpu.memory_space<vmem>>, vector<16xf32>,
      %get3A_545 = vector.shape_cast %get3A_544 : vector<16xf32> to vector<16xf32>
      %add3A_546 = arith.addf %add3A_542, %get3A_545 : vector<16xf32>
      %get3A_547 = arith.constant 400 : index
      %get3A_548 = tpu.vector_load %arg7[%get3A_547] {strides = array<i32>} : memref<2048xf32, #tpu.memory_space<vmem>>, vector<16xf32>,
      %get3A_549 = vector.shape_cast %get3A_548 : vector<16xf32> to vector<16xf32>
      %add3A_550 = arith.addf %add3A_546, %get3A_549 : vector<16xf32>
      %get3A_551 = arith.constant 528 : index
      %get3A_552 = tpu.vector_load %arg7[%get3A_551] {strides = array<i32>} : memref<2048xf32, #tpu.memory_space<vmem>>, vector<16xf32>,
      %get3A_553 = vector.shape_cast %get3A_552 : vector<16xf32> to vector<16xf32>
      %add3A_554 = arith.addf %add3A_550, %get3A_553 : vector<16xf32>
      %get3A_555 = arith.constant 656 : index
      %get3A_556 = tpu.vector_load %arg7[%get3A_555] {strides = array<i32>} : memref<2048xf32, #tpu.memory_space<vmem>>, vector<16xf32>,
      %get3A_557 = vector.shape_cast %get3A_556 : vector<16xf32> to vector<16xf32>
      %add3A_558 = arith.addf %add3A_554, %get3A_557 : vector<16xf32>
      %get3A_559 = arith.constant 784 : index
      %get3A_560 = tpu.vector_load %arg7[%get3A_559] {strides = array<i32>} : memref<2048xf32, #tpu.memory_space<vmem>>, vector<16xf32>,
      %get3A_561 = vector.shape_cast %get3A_560 : vector<16xf32> to vector<16xf32>
      %add3A_562 = arith.addf %add3A_558, %get3A_561 : vector<16xf32>
      %get3A_563 = arith.constant 912 : index
      %get3A_564 = tpu.vector_load %arg7[%get3A_563] {strides = array<i32>} : memref<2048xf32, #tpu.memory_space<vmem>>, vector<16xf32>,
      %get3A_565 = vector.shape_cast %get3A_564 : vector<16xf32> to vector<16xf32>
      %add3A_566 = arith.addf %add3A_562, %get3A_565 : vector<16xf32>
      %get3A_567 = arith.constant 1040 : index
      %get3A_568 = tpu.vector_load %arg7[%get3A_567] {strides = array<i32>} : memref<2048xf32, #tpu.memory_space<vmem>>, vector<16xf32>,
      %get3A_569 = vector.shape_cast %get3A_568 : vector<16xf32> to vector<16xf32>
      %add3A_570 = arith.addf %add3A_566, %get3A_569 : vector<16xf32>
      %get3A_571 = arith.constant 1168 : index
      %get3A_572 = tpu.vector_load %arg7[%get3A_571] {strides = array<i32>} : memref<2048xf32, #tpu.memory_space<vmem>>, vector<16xf32>,
      %get3A_573 = vector.shape_cast %get3A_572 : vector<16xf32> to vector<16xf32>
      %add3A_574 = arith.addf %add3A_570, %get3A_573 : vector<16xf32>
      %get3A_575 = arith.constant 1296 : index
      %get3A_576 = tpu.vector_load %arg7[%get3A_575] {strides = array<i32>} : memref<2048xf32, #tpu.memory_space<vmem>>, vector<16xf32>,
      %get3A_577 = vector.shape_cast %get3A_576 : vector<16xf32> to vector<16xf32>
      %add3A_578 = arith.addf %add3A_574, %get3A_577 : vector<16xf32>
      %get3A_579 = arith.constant 1424 : index
      %get3A_580 = tpu.vector_load %arg7[%get3A_579] {strides = array<i32>} : memref<2048xf32, #tpu.memory_space<vmem>>, vector<16xf32>,
      %get3A_581 = vector.shape_cast %get3A_580 : vector<16xf32> to vector<16xf32>
      %add3A_582 = arith.addf %add3A_578, %get3A_581 : vector<16xf32>
      %get3A_583 = arith.constant 1552 : index
      %get3A_584 = tpu.vector_load %arg7[%get3A_583] {strides = array<i32>} : memref<2048xf32, #tpu.memory_space<vmem>>, vector<16xf32>,
      %get3A_585 = vector.shape_cast %get3A_584 : vector<16xf32> to vector<16xf32>
      %add3A_586 = arith.addf %add3A_582, %get3A_585 : vector<16xf32>
      %get3A_587 = arith.constant 1680 : index
      %get3A_588 = tpu.vector_load %arg7[%get3A_587] {strides = array<i32>} : memref<2048xf32, #tpu.memory_space<vmem>>, vector<16xf32>,
      %get3A_589 = vector.shape_cast %get3A_588 : vector<16xf32> to vector<16xf32>
      %add3A_590 = arith.addf %add3A_586, %get3A_589 : vector<16xf32>
      %get3A_591 = arith.constant 1808 : index
      %get3A_592 = tpu.vector_load %arg7[%get3A_591] {strides = array<i32>} : memref<2048xf32, #tpu.memory_space<vmem>>, vector<16xf32>,
      %get3A_593 = vector.shape_cast %get3A_592 : vector<16xf32> to vector<16xf32>
      %add3A_594 = arith.addf %add3A_590, %get3A_593 : vector<16xf32>
      %get3A_595 = arith.constant 1936 : index
      %get3A_596 = tpu.vector_load %arg7[%get3A_595] {strides = array<i32>} : memref<2048xf32, #tpu.memory_space<vmem>>, vector<16xf32>,
      %get3A_597 = vector.shape_cast %get3A_596 : vector<16xf32> to vector<16xf32>
      %add3A_598 = arith.addf %add3A_594, %get3A_597 : vector<16xf32>
      %xor3A_599 = arith.constant 1 : i32
      %xor3A_600 = vector.broadcast %xor3A_599 : i32 to vector<16xi32>
      %xor3A_601 = arith.xori %iota3A, %xor3A_600 : vector<16xi32>
      %lt3A_602 = arith.constant 0 : i32
      %lt3A_603 = vector.broadcast %lt3A_602 : i32 to vector<16xi32>
      %lt3A_604 = arith.cmpi slt, %xor3A_601, %lt3A_603 : vector<16xi32>
      %add3A_605 = arith.constant 16 : i32
      %add3A_606 = vector.broadcast %add3A_605 : i32 to vector<16xi32>
      %add3A_607 = arith.addi %xor3A_601, %add3A_606 : vector<16xi32>
      %select_n3A_608 = arith.select %lt3A_604, %add3A_607, %xor3A_601 : vector<16xi1>, vector<16xi32>
      %broadcast_in_dim3A_609 = vector.shape_cast %select_n3A_608 : vector<16xi32> to vector<16x1xi32>
      %gather3A_610 = vector.shape_cast %broadcast_in_dim3A_609 : vector<16x1xi32> to vector<16xi32>
      %gather3A_611 = tpu.dynamic_gather %add3A_598[%gather3A_610] in [0] : vector<16xf32>, vector<16xi32> -> vector<16xf32>
      %add3A_612 = arith.addf %add3A_598, %gather3A_611 : vector<16xf32>
      %xor3A_613 = arith.constant 2 : i32
      %xor3A_614 = vector.broadcast %xor3A_613 : i32 to vector<16xi32>
      %xor3A_615 = arith.xori %iota3A, %xor3A_614 : vector<16xi32>
      %lt3A_616 = arith.constant 0 : i32
      %lt3A_617 = vector.broadcast %lt3A_616 : i32 to vector<16xi32>
      %lt3A_618 = arith.cmpi slt, %xor3A_615, %lt3A_617 : vector<16xi32>
      %add3A_619 = arith.constant 16 : i32
      %add3A_620 = vector.broadcast %add3A_619 : i32 to vector<16xi32>
      %add3A_621 = arith.addi %xor3A_615, %add3A_620 : vector<16xi32>
      %select_n3A_622 = arith.select %lt3A_618, %add3A_621, %xor3A_615 : vector<16xi1>, vector<16xi32>
      %broadcast_in_dim3A_623 = vector.shape_cast %select_n3A_622 : vector<16xi32> to vector<16x1xi32>
      %gather3A_624 = vector.shape_cast %broadcast_in_dim3A_623 : vector<16x1xi32> to vector<16xi32>
      %gather3A_625 = tpu.dynamic_gather %add3A_612[%gather3A_624] in [0] : vector<16xf32>, vector<16xi32> -> vector<16xf32>
      %add3A_626 = arith.addf %add3A_612, %gather3A_625 : vector<16xf32>
      %xor3A_627 = arith.constant 4 : i32
      %xor3A_628 = vector.broadcast %xor3A_627 : i32 to vector<16xi32>
      %xor3A_629 = arith.xori %iota3A, %xor3A_628 : vector<16xi32>
      %lt3A_630 = arith.constant 0 : i32
      %lt3A_631 = vector.broadcast %lt3A_630 : i32 to vector<16xi32>
      %lt3A_632 = arith.cmpi slt, %xor3A_629, %lt3A_631 : vector<16xi32>
      %add3A_633 = arith.constant 16 : i32
      %add3A_634 = vector.broadcast %add3A_633 : i32 to vector<16xi32>
      %add3A_635 = arith.addi %xor3A_629, %add3A_634 : vector<16xi32>
      %select_n3A_636 = arith.select %lt3A_632, %add3A_635, %xor3A_629 : vector<16xi1>, vector<16xi32>
      %broadcast_in_dim3A_637 = vector.shape_cast %select_n3A_636 : vector<16xi32> to vector<16x1xi32>
      %gather3A_638 = vector.shape_cast %broadcast_in_dim3A_637 : vector<16x1xi32> to vector<16xi32>
      %gather3A_639 = tpu.dynamic_gather %add3A_626[%gather3A_638] in [0] : vector<16xf32>, vector<16xi32> -> vector<16xf32>
      %add3A_640 = arith.addf %add3A_626, %gather3A_639 : vector<16xf32>
      %xor3A_641 = arith.constant 8 : i32
      %xor3A_642 = vector.broadcast %xor3A_641 : i32 to vector<16xi32>
      %xor3A_643 = arith.xori %iota3A, %xor3A_642 : vector<16xi32>
      %lt3A_644 = arith.constant 0 : i32
      %lt3A_645 = vector.broadcast %lt3A_644 : i32 to vector<16xi32>
      %lt3A_646 = arith.cmpi slt, %xor3A_643, %lt3A_645 : vector<16xi32>
      %add3A_647 = arith.constant 16 : i32
      %add3A_648 = vector.broadcast %add3A_647 : i32 to vector<16xi32>
      %add3A_649 = arith.addi %xor3A_643, %add3A_648 : vector<16xi32>
      %select_n3A_650 = arith.select %lt3A_646, %add3A_649, %xor3A_643 : vector<16xi1>, vector<16xi32>
      %broadcast_in_dim3A_651 = vector.shape_cast %select_n3A_650 : vector<16xi32> to vector<16x1xi32>
      %gather3A_652 = vector.shape_cast %broadcast_in_dim3A_651 : vector<16x1xi32> to vector<16xi32>
      %gather3A_653 = tpu.dynamic_gather %add3A_640[%gather3A_652] in [0] : vector<16xf32>, vector<16xi32> -> vector<16xf32>
      %add3A_654 = arith.addf %add3A_640, %gather3A_653 : vector<16xf32>
      %div3A_655 = arith.constant 1.000000e+00 : f32
      %div3A_656 = vector.broadcast %div3A_655 : f32 to vector<16xf32>
      %div3A_657 = arith.divf %div3A_656, %add3A_654 : vector<16xf32>
      %get3A_658 = arith.constant 32 : index
      %get3A_659 = tpu.vector_load %arg7[%get3A_658] {strides = array<i32>} : memref<2048xf32, #tpu.memory_space<vmem>>, vector<16xf32>,
      %get3A_660 = vector.shape_cast %get3A_659 : vector<16xf32> to vector<16xf32>
      %get3A_661 = arith.constant 160 : index
      %get3A_662 = tpu.vector_load %arg7[%get3A_661] {strides = array<i32>} : memref<2048xf32, #tpu.memory_space<vmem>>, vector<16xf32>,
      %get3A_663 = vector.shape_cast %get3A_662 : vector<16xf32> to vector<16xf32>
      %add3A_664 = arith.addf %get3A_660, %get3A_663 : vector<16xf32>
      %get3A_665 = arith.constant 288 : index
      %get3A_666 = tpu.vector_load %arg7[%get3A_665] {strides = array<i32>} : memref<2048xf32, #tpu.memory_space<vmem>>, vector<16xf32>,
      %get3A_667 = vector.shape_cast %get3A_666 : vector<16xf32> to vector<16xf32>
      %add3A_668 = arith.addf %add3A_664, %get3A_667 : vector<16xf32>
      %get3A_669 = arith.constant 416 : index
      %get3A_670 = tpu.vector_load %arg7[%get3A_669] {strides = array<i32>} : memref<2048xf32, #tpu.memory_space<vmem>>, vector<16xf32>,
      %get3A_671 = vector.shape_cast %get3A_670 : vector<16xf32> to vector<16xf32>
      %add3A_672 = arith.addf %add3A_668, %get3A_671 : vector<16xf32>
      %get3A_673 = arith.constant 544 : index
      %get3A_674 = tpu.vector_load %arg7[%get3A_673] {strides = array<i32>} : memref<2048xf32, #tpu.memory_space<vmem>>, vector<16xf32>,
      %get3A_675 = vector.shape_cast %get3A_674 : vector<16xf32> to vector<16xf32>
      %add3A_676 = arith.addf %add3A_672, %get3A_675 : vector<16xf32>
      %get3A_677 = arith.constant 672 : index
      %get3A_678 = tpu.vector_load %arg7[%get3A_677] {strides = array<i32>} : memref<2048xf32, #tpu.memory_space<vmem>>, vector<16xf32>,
      %get3A_679 = vector.shape_cast %get3A_678 : vector<16xf32> to vector<16xf32>
      %add3A_680 = arith.addf %add3A_676, %get3A_679 : vector<16xf32>
      %get3A_681 = arith.constant 800 : index
      %get3A_682 = tpu.vector_load %arg7[%get3A_681] {strides = array<i32>} : memref<2048xf32, #tpu.memory_space<vmem>>, vector<16xf32>,
      %get3A_683 = vector.shape_cast %get3A_682 : vector<16xf32> to vector<16xf32>
      %add3A_684 = arith.addf %add3A_680, %get3A_683 : vector<16xf32>
      %get3A_685 = arith.constant 928 : index
      %get3A_686 = tpu.vector_load %arg7[%get3A_685] {strides = array<i32>} : memref<2048xf32, #tpu.memory_space<vmem>>, vector<16xf32>,
      %get3A_687 = vector.shape_cast %get3A_686 : vector<16xf32> to vector<16xf32>
      %add3A_688 = arith.addf %add3A_684, %get3A_687 : vector<16xf32>
      %get3A_689 = arith.constant 1056 : index
      %get3A_690 = tpu.vector_load %arg7[%get3A_689] {strides = array<i32>} : memref<2048xf32, #tpu.memory_space<vmem>>, vector<16xf32>,
      %get3A_691 = vector.shape_cast %get3A_690 : vector<16xf32> to vector<16xf32>
      %add3A_692 = arith.addf %add3A_688, %get3A_691 : vector<16xf32>
      %get3A_693 = arith.constant 1184 : index
      %get3A_694 = tpu.vector_load %arg7[%get3A_693] {strides = array<i32>} : memref<2048xf32, #tpu.memory_space<vmem>>, vector<16xf32>,
      %get3A_695 = vector.shape_cast %get3A_694 : vector<16xf32> to vector<16xf32>
      %add3A_696 = arith.addf %add3A_692, %get3A_695 : vector<16xf32>
      %get3A_697 = arith.constant 1312 : index
      %get3A_698 = tpu.vector_load %arg7[%get3A_697] {strides = array<i32>} : memref<2048xf32, #tpu.memory_space<vmem>>, vector<16xf32>,
      %get3A_699 = vector.shape_cast %get3A_698 : vector<16xf32> to vector<16xf32>
      %add3A_700 = arith.addf %add3A_696, %get3A_699 : vector<16xf32>
      %get3A_701 = arith.constant 1440 : index
      %get3A_702 = tpu.vector_load %arg7[%get3A_701] {strides = array<i32>} : memref<2048xf32, #tpu.memory_space<vmem>>, vector<16xf32>,
      %get3A_703 = vector.shape_cast %get3A_702 : vector<16xf32> to vector<16xf32>
      %add3A_704 = arith.addf %add3A_700, %get3A_703 : vector<16xf32>
      %get3A_705 = arith.constant 1568 : index
      %get3A_706 = tpu.vector_load %arg7[%get3A_705] {strides = array<i32>} : memref<2048xf32, #tpu.memory_space<vmem>>, vector<16xf32>,
      %get3A_707 = vector.shape_cast %get3A_706 : vector<16xf32> to vector<16xf32>
      %add3A_708 = arith.addf %add3A_704, %get3A_707 : vector<16xf32>
      %get3A_709 = arith.constant 1696 : index
      %get3A_710 = tpu.vector_load %arg7[%get3A_709] {strides = array<i32>} : memref<2048xf32, #tpu.memory_space<vmem>>, vector<16xf32>,
      %get3A_711 = vector.shape_cast %get3A_710 : vector<16xf32> to vector<16xf32>
      %add3A_712 = arith.addf %add3A_708, %get3A_711 : vector<16xf32>
      %get3A_713 = arith.constant 1824 : index
      %get3A_714 = tpu.vector_load %arg7[%get3A_713] {strides = array<i32>} : memref<2048xf32, #tpu.memory_space<vmem>>, vector<16xf32>,
      %get3A_715 = vector.shape_cast %get3A_714 : vector<16xf32> to vector<16xf32>
      %add3A_716 = arith.addf %add3A_712, %get3A_715 : vector<16xf32>
      %get3A_717 = arith.constant 1952 : index
      %get3A_718 = tpu.vector_load %arg7[%get3A_717] {strides = array<i32>} : memref<2048xf32, #tpu.memory_space<vmem>>, vector<16xf32>,
      %get3A_719 = vector.shape_cast %get3A_718 : vector<16xf32> to vector<16xf32>
      %add3A_720 = arith.addf %add3A_716, %get3A_719 : vector<16xf32>
      %xor3A_721 = arith.constant 1 : i32
      %xor3A_722 = vector.broadcast %xor3A_721 : i32 to vector<16xi32>
      %xor3A_723 = arith.xori %iota3A, %xor3A_722 : vector<16xi32>
      %lt3A_724 = arith.constant 0 : i32
      %lt3A_725 = vector.broadcast %lt3A_724 : i32 to vector<16xi32>
      %lt3A_726 = arith.cmpi slt, %xor3A_723, %lt3A_725 : vector<16xi32>
      %add3A_727 = arith.constant 16 : i32
      %add3A_728 = vector.broadcast %add3A_727 : i32 to vector<16xi32>
      %add3A_729 = arith.addi %xor3A_723, %add3A_728 : vector<16xi32>
      %select_n3A_730 = arith.select %lt3A_726, %add3A_729, %xor3A_723 : vector<16xi1>, vector<16xi32>
      %broadcast_in_dim3A_731 = vector.shape_cast %select_n3A_730 : vector<16xi32> to vector<16x1xi32>
      %gather3A_732 = vector.shape_cast %broadcast_in_dim3A_731 : vector<16x1xi32> to vector<16xi32>
      %gather3A_733 = tpu.dynamic_gather %add3A_720[%gather3A_732] in [0] : vector<16xf32>, vector<16xi32> -> vector<16xf32>
      %add3A_734 = arith.addf %add3A_720, %gather3A_733 : vector<16xf32>
      %xor3A_735 = arith.constant 2 : i32
      %xor3A_736 = vector.broadcast %xor3A_735 : i32 to vector<16xi32>
      %xor3A_737 = arith.xori %iota3A, %xor3A_736 : vector<16xi32>
      %lt3A_738 = arith.constant 0 : i32
      %lt3A_739 = vector.broadcast %lt3A_738 : i32 to vector<16xi32>
      %lt3A_740 = arith.cmpi slt, %xor3A_737, %lt3A_739 : vector<16xi32>
      %add3A_741 = arith.constant 16 : i32
      %add3A_742 = vector.broadcast %add3A_741 : i32 to vector<16xi32>
      %add3A_743 = arith.addi %xor3A_737, %add3A_742 : vector<16xi32>
      %select_n3A_744 = arith.select %lt3A_740, %add3A_743, %xor3A_737 : vector<16xi1>, vector<16xi32>
      %broadcast_in_dim3A_745 = vector.shape_cast %select_n3A_744 : vector<16xi32> to vector<16x1xi32>
      %gather3A_746 = vector.shape_cast %broadcast_in_dim3A_745 : vector<16x1xi32> to vector<16xi32>
      %gather3A_747 = tpu.dynamic_gather %add3A_734[%gather3A_746] in [0] : vector<16xf32>, vector<16xi32> -> vector<16xf32>
      %add3A_748 = arith.addf %add3A_734, %gather3A_747 : vector<16xf32>
      %xor3A_749 = arith.constant 4 : i32
      %xor3A_750 = vector.broadcast %xor3A_749 : i32 to vector<16xi32>
      %xor3A_751 = arith.xori %iota3A, %xor3A_750 : vector<16xi32>
      %lt3A_752 = arith.constant 0 : i32
      %lt3A_753 = vector.broadcast %lt3A_752 : i32 to vector<16xi32>
      %lt3A_754 = arith.cmpi slt, %xor3A_751, %lt3A_753 : vector<16xi32>
      %add3A_755 = arith.constant 16 : i32
      %add3A_756 = vector.broadcast %add3A_755 : i32 to vector<16xi32>
      %add3A_757 = arith.addi %xor3A_751, %add3A_756 : vector<16xi32>
      %select_n3A_758 = arith.select %lt3A_754, %add3A_757, %xor3A_751 : vector<16xi1>, vector<16xi32>
      %broadcast_in_dim3A_759 = vector.shape_cast %select_n3A_758 : vector<16xi32> to vector<16x1xi32>
      %gather3A_760 = vector.shape_cast %broadcast_in_dim3A_759 : vector<16x1xi32> to vector<16xi32>
      %gather3A_761 = tpu.dynamic_gather %add3A_748[%gather3A_760] in [0] : vector<16xf32>, vector<16xi32> -> vector<16xf32>
      %add3A_762 = arith.addf %add3A_748, %gather3A_761 : vector<16xf32>
      %xor3A_763 = arith.constant 8 : i32
      %xor3A_764 = vector.broadcast %xor3A_763 : i32 to vector<16xi32>
      %xor3A_765 = arith.xori %iota3A, %xor3A_764 : vector<16xi32>
      %lt3A_766 = arith.constant 0 : i32
      %lt3A_767 = vector.broadcast %lt3A_766 : i32 to vector<16xi32>
      %lt3A_768 = arith.cmpi slt, %xor3A_765, %lt3A_767 : vector<16xi32>
      %add3A_769 = arith.constant 16 : i32
      %add3A_770 = vector.broadcast %add3A_769 : i32 to vector<16xi32>
      %add3A_771 = arith.addi %xor3A_765, %add3A_770 : vector<16xi32>
      %select_n3A_772 = arith.select %lt3A_768, %add3A_771, %xor3A_765 : vector<16xi1>, vector<16xi32>
      %broadcast_in_dim3A_773 = vector.shape_cast %select_n3A_772 : vector<16xi32> to vector<16x1xi32>
      %gather3A_774 = vector.shape_cast %broadcast_in_dim3A_773 : vector<16x1xi32> to vector<16xi32>
      %gather3A_775 = tpu.dynamic_gather %add3A_762[%gather3A_774] in [0] : vector<16xf32>, vector<16xi32> -> vector<16xf32>
      %add3A_776 = arith.addf %add3A_762, %gather3A_775 : vector<16xf32>
      %div3A_777 = arith.constant 1.000000e+00 : f32
      %div3A_778 = vector.broadcast %div3A_777 : f32 to vector<16xf32>
      %div3A_779 = arith.divf %div3A_778, %add3A_776 : vector<16xf32>
      %get3A_780 = arith.constant 48 : index
      %get3A_781 = tpu.vector_load %arg7[%get3A_780] {strides = array<i32>} : memref<2048xf32, #tpu.memory_space<vmem>>, vector<16xf32>,
      %get3A_782 = vector.shape_cast %get3A_781 : vector<16xf32> to vector<16xf32>
      %get3A_783 = arith.constant 176 : index
      %get3A_784 = tpu.vector_load %arg7[%get3A_783] {strides = array<i32>} : memref<2048xf32, #tpu.memory_space<vmem>>, vector<16xf32>,
      %get3A_785 = vector.shape_cast %get3A_784 : vector<16xf32> to vector<16xf32>
      %add3A_786 = arith.addf %get3A_782, %get3A_785 : vector<16xf32>
      %get3A_787 = arith.constant 304 : index
      %get3A_788 = tpu.vector_load %arg7[%get3A_787] {strides = array<i32>} : memref<2048xf32, #tpu.memory_space<vmem>>, vector<16xf32>,
      %get3A_789 = vector.shape_cast %get3A_788 : vector<16xf32> to vector<16xf32>
      %add3A_790 = arith.addf %add3A_786, %get3A_789 : vector<16xf32>
      %get3A_791 = arith.constant 432 : index
      %get3A_792 = tpu.vector_load %arg7[%get3A_791] {strides = array<i32>} : memref<2048xf32, #tpu.memory_space<vmem>>, vector<16xf32>,
      %get3A_793 = vector.shape_cast %get3A_792 : vector<16xf32> to vector<16xf32>
      %add3A_794 = arith.addf %add3A_790, %get3A_793 : vector<16xf32>
      %get3A_795 = arith.constant 560 : index
      %get3A_796 = tpu.vector_load %arg7[%get3A_795] {strides = array<i32>} : memref<2048xf32, #tpu.memory_space<vmem>>, vector<16xf32>,
      %get3A_797 = vector.shape_cast %get3A_796 : vector<16xf32> to vector<16xf32>
      %add3A_798 = arith.addf %add3A_794, %get3A_797 : vector<16xf32>
      %get3A_799 = arith.constant 688 : index
      %get3A_800 = tpu.vector_load %arg7[%get3A_799] {strides = array<i32>} : memref<2048xf32, #tpu.memory_space<vmem>>, vector<16xf32>,
      %get3A_801 = vector.shape_cast %get3A_800 : vector<16xf32> to vector<16xf32>
      %add3A_802 = arith.addf %add3A_798, %get3A_801 : vector<16xf32>
      %get3A_803 = arith.constant 816 : index
      %get3A_804 = tpu.vector_load %arg7[%get3A_803] {strides = array<i32>} : memref<2048xf32, #tpu.memory_space<vmem>>, vector<16xf32>,
      %get3A_805 = vector.shape_cast %get3A_804 : vector<16xf32> to vector<16xf32>
      %add3A_806 = arith.addf %add3A_802, %get3A_805 : vector<16xf32>
      %get3A_807 = arith.constant 944 : index
      %get3A_808 = tpu.vector_load %arg7[%get3A_807] {strides = array<i32>} : memref<2048xf32, #tpu.memory_space<vmem>>, vector<16xf32>,
      %get3A_809 = vector.shape_cast %get3A_808 : vector<16xf32> to vector<16xf32>
      %add3A_810 = arith.addf %add3A_806, %get3A_809 : vector<16xf32>
      %get3A_811 = arith.constant 1072 : index
      %get3A_812 = tpu.vector_load %arg7[%get3A_811] {strides = array<i32>} : memref<2048xf32, #tpu.memory_space<vmem>>, vector<16xf32>,
      %get3A_813 = vector.shape_cast %get3A_812 : vector<16xf32> to vector<16xf32>
      %add3A_814 = arith.addf %add3A_810, %get3A_813 : vector<16xf32>
      %get3A_815 = arith.constant 1200 : index
      %get3A_816 = tpu.vector_load %arg7[%get3A_815] {strides = array<i32>} : memref<2048xf32, #tpu.memory_space<vmem>>, vector<16xf32>,
      %get3A_817 = vector.shape_cast %get3A_816 : vector<16xf32> to vector<16xf32>
      %add3A_818 = arith.addf %add3A_814, %get3A_817 : vector<16xf32>
      %get3A_819 = arith.constant 1328 : index
      %get3A_820 = tpu.vector_load %arg7[%get3A_819] {strides = array<i32>} : memref<2048xf32, #tpu.memory_space<vmem>>, vector<16xf32>,
      %get3A_821 = vector.shape_cast %get3A_820 : vector<16xf32> to vector<16xf32>
      %add3A_822 = arith.addf %add3A_818, %get3A_821 : vector<16xf32>
      %get3A_823 = arith.constant 1456 : index
      %get3A_824 = tpu.vector_load %arg7[%get3A_823] {strides = array<i32>} : memref<2048xf32, #tpu.memory_space<vmem>>, vector<16xf32>,
      %get3A_825 = vector.shape_cast %get3A_824 : vector<16xf32> to vector<16xf32>
      %add3A_826 = arith.addf %add3A_822, %get3A_825 : vector<16xf32>
      %get3A_827 = arith.constant 1584 : index
      %get3A_828 = tpu.vector_load %arg7[%get3A_827] {strides = array<i32>} : memref<2048xf32, #tpu.memory_space<vmem>>, vector<16xf32>,
      %get3A_829 = vector.shape_cast %get3A_828 : vector<16xf32> to vector<16xf32>
      %add3A_830 = arith.addf %add3A_826, %get3A_829 : vector<16xf32>
      %get3A_831 = arith.constant 1712 : index
      %get3A_832 = tpu.vector_load %arg7[%get3A_831] {strides = array<i32>} : memref<2048xf32, #tpu.memory_space<vmem>>, vector<16xf32>,
      %get3A_833 = vector.shape_cast %get3A_832 : vector<16xf32> to vector<16xf32>
      %add3A_834 = arith.addf %add3A_830, %get3A_833 : vector<16xf32>
      %get3A_835 = arith.constant 1840 : index
      %get3A_836 = tpu.vector_load %arg7[%get3A_835] {strides = array<i32>} : memref<2048xf32, #tpu.memory_space<vmem>>, vector<16xf32>,
      %get3A_837 = vector.shape_cast %get3A_836 : vector<16xf32> to vector<16xf32>
      %add3A_838 = arith.addf %add3A_834, %get3A_837 : vector<16xf32>
      %get3A_839 = arith.constant 1968 : index
      %get3A_840 = tpu.vector_load %arg7[%get3A_839] {strides = array<i32>} : memref<2048xf32, #tpu.memory_space<vmem>>, vector<16xf32>,
      %get3A_841 = vector.shape_cast %get3A_840 : vector<16xf32> to vector<16xf32>
      %add3A_842 = arith.addf %add3A_838, %get3A_841 : vector<16xf32>
      %xor3A_843 = arith.constant 1 : i32
      %xor3A_844 = vector.broadcast %xor3A_843 : i32 to vector<16xi32>
      %xor3A_845 = arith.xori %iota3A, %xor3A_844 : vector<16xi32>
      %lt3A_846 = arith.constant 0 : i32
      %lt3A_847 = vector.broadcast %lt3A_846 : i32 to vector<16xi32>
      %lt3A_848 = arith.cmpi slt, %xor3A_845, %lt3A_847 : vector<16xi32>
      %add3A_849 = arith.constant 16 : i32
      %add3A_850 = vector.broadcast %add3A_849 : i32 to vector<16xi32>
      %add3A_851 = arith.addi %xor3A_845, %add3A_850 : vector<16xi32>
      %select_n3A_852 = arith.select %lt3A_848, %add3A_851, %xor3A_845 : vector<16xi1>, vector<16xi32>
      %broadcast_in_dim3A_853 = vector.shape_cast %select_n3A_852 : vector<16xi32> to vector<16x1xi32>
      %gather3A_854 = vector.shape_cast %broadcast_in_dim3A_853 : vector<16x1xi32> to vector<16xi32>
      %gather3A_855 = tpu.dynamic_gather %add3A_842[%gather3A_854] in [0] : vector<16xf32>, vector<16xi32> -> vector<16xf32>
      %add3A_856 = arith.addf %add3A_842, %gather3A_855 : vector<16xf32>
      %xor3A_857 = arith.constant 2 : i32
      %xor3A_858 = vector.broadcast %xor3A_857 : i32 to vector<16xi32>
      %xor3A_859 = arith.xori %iota3A, %xor3A_858 : vector<16xi32>
      %lt3A_860 = arith.constant 0 : i32
      %lt3A_861 = vector.broadcast %lt3A_860 : i32 to vector<16xi32>
      %lt3A_862 = arith.cmpi slt, %xor3A_859, %lt3A_861 : vector<16xi32>
      %add3A_863 = arith.constant 16 : i32
      %add3A_864 = vector.broadcast %add3A_863 : i32 to vector<16xi32>
      %add3A_865 = arith.addi %xor3A_859, %add3A_864 : vector<16xi32>
      %select_n3A_866 = arith.select %lt3A_862, %add3A_865, %xor3A_859 : vector<16xi1>, vector<16xi32>
      %broadcast_in_dim3A_867 = vector.shape_cast %select_n3A_866 : vector<16xi32> to vector<16x1xi32>
      %gather3A_868 = vector.shape_cast %broadcast_in_dim3A_867 : vector<16x1xi32> to vector<16xi32>
      %gather3A_869 = tpu.dynamic_gather %add3A_856[%gather3A_868] in [0] : vector<16xf32>, vector<16xi32> -> vector<16xf32>
      %add3A_870 = arith.addf %add3A_856, %gather3A_869 : vector<16xf32>
      %xor3A_871 = arith.constant 4 : i32
      %xor3A_872 = vector.broadcast %xor3A_871 : i32 to vector<16xi32>
      %xor3A_873 = arith.xori %iota3A, %xor3A_872 : vector<16xi32>
      %lt3A_874 = arith.constant 0 : i32
      %lt3A_875 = vector.broadcast %lt3A_874 : i32 to vector<16xi32>
      %lt3A_876 = arith.cmpi slt, %xor3A_873, %lt3A_875 : vector<16xi32>
      %add3A_877 = arith.constant 16 : i32
      %add3A_878 = vector.broadcast %add3A_877 : i32 to vector<16xi32>
      %add3A_879 = arith.addi %xor3A_873, %add3A_878 : vector<16xi32>
      %select_n3A_880 = arith.select %lt3A_876, %add3A_879, %xor3A_873 : vector<16xi1>, vector<16xi32>
      %broadcast_in_dim3A_881 = vector.shape_cast %select_n3A_880 : vector<16xi32> to vector<16x1xi32>
      %gather3A_882 = vector.shape_cast %broadcast_in_dim3A_881 : vector<16x1xi32> to vector<16xi32>
      %gather3A_883 = tpu.dynamic_gather %add3A_870[%gather3A_882] in [0] : vector<16xf32>, vector<16xi32> -> vector<16xf32>
      %add3A_884 = arith.addf %add3A_870, %gather3A_883 : vector<16xf32>
      %xor3A_885 = arith.constant 8 : i32
      %xor3A_886 = vector.broadcast %xor3A_885 : i32 to vector<16xi32>
      %xor3A_887 = arith.xori %iota3A, %xor3A_886 : vector<16xi32>
      %lt3A_888 = arith.constant 0 : i32
      %lt3A_889 = vector.broadcast %lt3A_888 : i32 to vector<16xi32>
      %lt3A_890 = arith.cmpi slt, %xor3A_887, %lt3A_889 : vector<16xi32>
      %add3A_891 = arith.constant 16 : i32
      %add3A_892 = vector.broadcast %add3A_891 : i32 to vector<16xi32>
      %add3A_893 = arith.addi %xor3A_887, %add3A_892 : vector<16xi32>
      %select_n3A_894 = arith.select %lt3A_890, %add3A_893, %xor3A_887 : vector<16xi1>, vector<16xi32>
      %broadcast_in_dim3A_895 = vector.shape_cast %select_n3A_894 : vector<16xi32> to vector<16x1xi32>
      %gather3A_896 = vector.shape_cast %broadcast_in_dim3A_895 : vector<16x1xi32> to vector<16xi32>
      %gather3A_897 = tpu.dynamic_gather %add3A_884[%gather3A_896] in [0] : vector<16xf32>, vector<16xi32> -> vector<16xf32>
      %add3A_898 = arith.addf %add3A_884, %gather3A_897 : vector<16xf32>
      %div3A_899 = arith.constant 1.000000e+00 : f32
      %div3A_900 = vector.broadcast %div3A_899 : f32 to vector<16xf32>
      %div3A_901 = arith.divf %div3A_900, %add3A_898 : vector<16xf32>
      %get3A_902 = arith.constant 64 : index
      %get3A_903 = tpu.vector_load %arg7[%get3A_902] {strides = array<i32>} : memref<2048xf32, #tpu.memory_space<vmem>>, vector<16xf32>,
      %get3A_904 = vector.shape_cast %get3A_903 : vector<16xf32> to vector<16xf32>
      %get3A_905 = arith.constant 192 : index
      %get3A_906 = tpu.vector_load %arg7[%get3A_905] {strides = array<i32>} : memref<2048xf32, #tpu.memory_space<vmem>>, vector<16xf32>,
      %get3A_907 = vector.shape_cast %get3A_906 : vector<16xf32> to vector<16xf32>
      %add3A_908 = arith.addf %get3A_904, %get3A_907 : vector<16xf32>
      %get3A_909 = arith.constant 320 : index
      %get3A_910 = tpu.vector_load %arg7[%get3A_909] {strides = array<i32>} : memref<2048xf32, #tpu.memory_space<vmem>>, vector<16xf32>,
      %get3A_911 = vector.shape_cast %get3A_910 : vector<16xf32> to vector<16xf32>
      %add3A_912 = arith.addf %add3A_908, %get3A_911 : vector<16xf32>
      %get3A_913 = arith.constant 448 : index
      %get3A_914 = tpu.vector_load %arg7[%get3A_913] {strides = array<i32>} : memref<2048xf32, #tpu.memory_space<vmem>>, vector<16xf32>,
      %get3A_915 = vector.shape_cast %get3A_914 : vector<16xf32> to vector<16xf32>
      %add3A_916 = arith.addf %add3A_912, %get3A_915 : vector<16xf32>
      %get3A_917 = arith.constant 576 : index
      %get3A_918 = tpu.vector_load %arg7[%get3A_917] {strides = array<i32>} : memref<2048xf32, #tpu.memory_space<vmem>>, vector<16xf32>,
      %get3A_919 = vector.shape_cast %get3A_918 : vector<16xf32> to vector<16xf32>
      %add3A_920 = arith.addf %add3A_916, %get3A_919 : vector<16xf32>
      %get3A_921 = arith.constant 704 : index
      %get3A_922 = tpu.vector_load %arg7[%get3A_921] {strides = array<i32>} : memref<2048xf32, #tpu.memory_space<vmem>>, vector<16xf32>,
      %get3A_923 = vector.shape_cast %get3A_922 : vector<16xf32> to vector<16xf32>
      %add3A_924 = arith.addf %add3A_920, %get3A_923 : vector<16xf32>
      %get3A_925 = arith.constant 832 : index
      %get3A_926 = tpu.vector_load %arg7[%get3A_925] {strides = array<i32>} : memref<2048xf32, #tpu.memory_space<vmem>>, vector<16xf32>,
      %get3A_927 = vector.shape_cast %get3A_926 : vector<16xf32> to vector<16xf32>
      %add3A_928 = arith.addf %add3A_924, %get3A_927 : vector<16xf32>
      %get3A_929 = arith.constant 960 : index
      %get3A_930 = tpu.vector_load %arg7[%get3A_929] {strides = array<i32>} : memref<2048xf32, #tpu.memory_space<vmem>>, vector<16xf32>,
      %get3A_931 = vector.shape_cast %get3A_930 : vector<16xf32> to vector<16xf32>
      %add3A_932 = arith.addf %add3A_928, %get3A_931 : vector<16xf32>
      %get3A_933 = arith.constant 1088 : index
      %get3A_934 = tpu.vector_load %arg7[%get3A_933] {strides = array<i32>} : memref<2048xf32, #tpu.memory_space<vmem>>, vector<16xf32>,
      %get3A_935 = vector.shape_cast %get3A_934 : vector<16xf32> to vector<16xf32>
      %add3A_936 = arith.addf %add3A_932, %get3A_935 : vector<16xf32>
      %get3A_937 = arith.constant 1216 : index
      %get3A_938 = tpu.vector_load %arg7[%get3A_937] {strides = array<i32>} : memref<2048xf32, #tpu.memory_space<vmem>>, vector<16xf32>,
      %get3A_939 = vector.shape_cast %get3A_938 : vector<16xf32> to vector<16xf32>
      %add3A_940 = arith.addf %add3A_936, %get3A_939 : vector<16xf32>
      %get3A_941 = arith.constant 1344 : index
      %get3A_942 = tpu.vector_load %arg7[%get3A_941] {strides = array<i32>} : memref<2048xf32, #tpu.memory_space<vmem>>, vector<16xf32>,
      %get3A_943 = vector.shape_cast %get3A_942 : vector<16xf32> to vector<16xf32>
      %add3A_944 = arith.addf %add3A_940, %get3A_943 : vector<16xf32>
      %get3A_945 = arith.constant 1472 : index
      %get3A_946 = tpu.vector_load %arg7[%get3A_945] {strides = array<i32>} : memref<2048xf32, #tpu.memory_space<vmem>>, vector<16xf32>,
      %get3A_947 = vector.shape_cast %get3A_946 : vector<16xf32> to vector<16xf32>
      %add3A_948 = arith.addf %add3A_944, %get3A_947 : vector<16xf32>
      %get3A_949 = arith.constant 1600 : index
      %get3A_950 = tpu.vector_load %arg7[%get3A_949] {strides = array<i32>} : memref<2048xf32, #tpu.memory_space<vmem>>, vector<16xf32>,
      %get3A_951 = vector.shape_cast %get3A_950 : vector<16xf32> to vector<16xf32>
      %add3A_952 = arith.addf %add3A_948, %get3A_951 : vector<16xf32>
      %get3A_953 = arith.constant 1728 : index
      %get3A_954 = tpu.vector_load %arg7[%get3A_953] {strides = array<i32>} : memref<2048xf32, #tpu.memory_space<vmem>>, vector<16xf32>,
      %get3A_955 = vector.shape_cast %get3A_954 : vector<16xf32> to vector<16xf32>
      %add3A_956 = arith.addf %add3A_952, %get3A_955 : vector<16xf32>
      %get3A_957 = arith.constant 1856 : index
      %get3A_958 = tpu.vector_load %arg7[%get3A_957] {strides = array<i32>} : memref<2048xf32, #tpu.memory_space<vmem>>, vector<16xf32>,
      %get3A_959 = vector.shape_cast %get3A_958 : vector<16xf32> to vector<16xf32>
      %add3A_960 = arith.addf %add3A_956, %get3A_959 : vector<16xf32>
      %get3A_961 = arith.constant 1984 : index
      %get3A_962 = tpu.vector_load %arg7[%get3A_961] {strides = array<i32>} : memref<2048xf32, #tpu.memory_space<vmem>>, vector<16xf32>,
      %get3A_963 = vector.shape_cast %get3A_962 : vector<16xf32> to vector<16xf32>
      %add3A_964 = arith.addf %add3A_960, %get3A_963 : vector<16xf32>
      %xor3A_965 = arith.constant 1 : i32
      %xor3A_966 = vector.broadcast %xor3A_965 : i32 to vector<16xi32>
      %xor3A_967 = arith.xori %iota3A, %xor3A_966 : vector<16xi32>
      %lt3A_968 = arith.constant 0 : i32
      %lt3A_969 = vector.broadcast %lt3A_968 : i32 to vector<16xi32>
      %lt3A_970 = arith.cmpi slt, %xor3A_967, %lt3A_969 : vector<16xi32>
      %add3A_971 = arith.constant 16 : i32
      %add3A_972 = vector.broadcast %add3A_971 : i32 to vector<16xi32>
      %add3A_973 = arith.addi %xor3A_967, %add3A_972 : vector<16xi32>
      %select_n3A_974 = arith.select %lt3A_970, %add3A_973, %xor3A_967 : vector<16xi1>, vector<16xi32>
      %broadcast_in_dim3A_975 = vector.shape_cast %select_n3A_974 : vector<16xi32> to vector<16x1xi32>
      %gather3A_976 = vector.shape_cast %broadcast_in_dim3A_975 : vector<16x1xi32> to vector<16xi32>
      %gather3A_977 = tpu.dynamic_gather %add3A_964[%gather3A_976] in [0] : vector<16xf32>, vector<16xi32> -> vector<16xf32>
      %add3A_978 = arith.addf %add3A_964, %gather3A_977 : vector<16xf32>
      %xor3A_979 = arith.constant 2 : i32
      %xor3A_980 = vector.broadcast %xor3A_979 : i32 to vector<16xi32>
      %xor3A_981 = arith.xori %iota3A, %xor3A_980 : vector<16xi32>
      %lt3A_982 = arith.constant 0 : i32
      %lt3A_983 = vector.broadcast %lt3A_982 : i32 to vector<16xi32>
      %lt3A_984 = arith.cmpi slt, %xor3A_981, %lt3A_983 : vector<16xi32>
      %add3A_985 = arith.constant 16 : i32
      %add3A_986 = vector.broadcast %add3A_985 : i32 to vector<16xi32>
      %add3A_987 = arith.addi %xor3A_981, %add3A_986 : vector<16xi32>
      %select_n3A_988 = arith.select %lt3A_984, %add3A_987, %xor3A_981 : vector<16xi1>, vector<16xi32>
      %broadcast_in_dim3A_989 = vector.shape_cast %select_n3A_988 : vector<16xi32> to vector<16x1xi32>
      %gather3A_990 = vector.shape_cast %broadcast_in_dim3A_989 : vector<16x1xi32> to vector<16xi32>
      %gather3A_991 = tpu.dynamic_gather %add3A_978[%gather3A_990] in [0] : vector<16xf32>, vector<16xi32> -> vector<16xf32>
      %add3A_992 = arith.addf %add3A_978, %gather3A_991 : vector<16xf32>
      %xor3A_993 = arith.constant 4 : i32
      %xor3A_994 = vector.broadcast %xor3A_993 : i32 to vector<16xi32>
      %xor3A_995 = arith.xori %iota3A, %xor3A_994 : vector<16xi32>
      %lt3A_996 = arith.constant 0 : i32
      %lt3A_997 = vector.broadcast %lt3A_996 : i32 to vector<16xi32>
      %lt3A_998 = arith.cmpi slt, %xor3A_995, %lt3A_997 : vector<16xi32>
      %add3A_999 = arith.constant 16 : i32
      %add3A_1000 = vector.broadcast %add3A_999 : i32 to vector<16xi32>
      %add3A_1001 = arith.addi %xor3A_995, %add3A_1000 : vector<16xi32>
      %select_n3A_1002 = arith.select %lt3A_998, %add3A_1001, %xor3A_995 : vector<16xi1>, vector<16xi32>
      %broadcast_in_dim3A_1003 = vector.shape_cast %select_n3A_1002 : vector<16xi32> to vector<16x1xi32>
      %gather3A_1004 = vector.shape_cast %broadcast_in_dim3A_1003 : vector<16x1xi32> to vector<16xi32>
      %gather3A_1005 = tpu.dynamic_gather %add3A_992[%gather3A_1004] in [0] : vector<16xf32>, vector<16xi32> -> vector<16xf32>
      %add3A_1006 = arith.addf %add3A_992, %gather3A_1005 : vector<16xf32>
      %xor3A_1007 = arith.constant 8 : i32
      %xor3A_1008 = vector.broadcast %xor3A_1007 : i32 to vector<16xi32>
      %xor3A_1009 = arith.xori %iota3A, %xor3A_1008 : vector<16xi32>
      %lt3A_1010 = arith.constant 0 : i32
      %lt3A_1011 = vector.broadcast %lt3A_1010 : i32 to vector<16xi32>
      %lt3A_1012 = arith.cmpi slt, %xor3A_1009, %lt3A_1011 : vector<16xi32>
      %add3A_1013 = arith.constant 16 : i32
      %add3A_1014 = vector.broadcast %add3A_1013 : i32 to vector<16xi32>
      %add3A_1015 = arith.addi %xor3A_1009, %add3A_1014 : vector<16xi32>
      %select_n3A_1016 = arith.select %lt3A_1012, %add3A_1015, %xor3A_1009 : vector<16xi1>, vector<16xi32>
      %broadcast_in_dim3A_1017 = vector.shape_cast %select_n3A_1016 : vector<16xi32> to vector<16x1xi32>
      %gather3A_1018 = vector.shape_cast %broadcast_in_dim3A_1017 : vector<16x1xi32> to vector<16xi32>
      %gather3A_1019 = tpu.dynamic_gather %add3A_1006[%gather3A_1018] in [0] : vector<16xf32>, vector<16xi32> -> vector<16xf32>
      %add3A_1020 = arith.addf %add3A_1006, %gather3A_1019 : vector<16xf32>
      %div3A_1021 = arith.constant 1.000000e+00 : f32
      %div3A_1022 = vector.broadcast %div3A_1021 : f32 to vector<16xf32>
      %div3A_1023 = arith.divf %div3A_1022, %add3A_1020 : vector<16xf32>
      %get3A_1024 = arith.constant 80 : index
      %get3A_1025 = tpu.vector_load %arg7[%get3A_1024] {strides = array<i32>} : memref<2048xf32, #tpu.memory_space<vmem>>, vector<16xf32>,
      %get3A_1026 = vector.shape_cast %get3A_1025 : vector<16xf32> to vector<16xf32>
      %get3A_1027 = arith.constant 208 : index
      %get3A_1028 = tpu.vector_load %arg7[%get3A_1027] {strides = array<i32>} : memref<2048xf32, #tpu.memory_space<vmem>>, vector<16xf32>,
      %get3A_1029 = vector.shape_cast %get3A_1028 : vector<16xf32> to vector<16xf32>
      %add3A_1030 = arith.addf %get3A_1026, %get3A_1029 : vector<16xf32>
      %get3A_1031 = arith.constant 336 : index
      %get3A_1032 = tpu.vector_load %arg7[%get3A_1031] {strides = array<i32>} : memref<2048xf32, #tpu.memory_space<vmem>>, vector<16xf32>,
      %get3A_1033 = vector.shape_cast %get3A_1032 : vector<16xf32> to vector<16xf32>
      %add3A_1034 = arith.addf %add3A_1030, %get3A_1033 : vector<16xf32>
      %get3A_1035 = arith.constant 464 : index
      %get3A_1036 = tpu.vector_load %arg7[%get3A_1035] {strides = array<i32>} : memref<2048xf32, #tpu.memory_space<vmem>>, vector<16xf32>,
      %get3A_1037 = vector.shape_cast %get3A_1036 : vector<16xf32> to vector<16xf32>
      %add3A_1038 = arith.addf %add3A_1034, %get3A_1037 : vector<16xf32>
      %get3A_1039 = arith.constant 592 : index
      %get3A_1040 = tpu.vector_load %arg7[%get3A_1039] {strides = array<i32>} : memref<2048xf32, #tpu.memory_space<vmem>>, vector<16xf32>,
      %get3A_1041 = vector.shape_cast %get3A_1040 : vector<16xf32> to vector<16xf32>
      %add3A_1042 = arith.addf %add3A_1038, %get3A_1041 : vector<16xf32>
      %get3A_1043 = arith.constant 720 : index
      %get3A_1044 = tpu.vector_load %arg7[%get3A_1043] {strides = array<i32>} : memref<2048xf32, #tpu.memory_space<vmem>>, vector<16xf32>,
      %get3A_1045 = vector.shape_cast %get3A_1044 : vector<16xf32> to vector<16xf32>
      %add3A_1046 = arith.addf %add3A_1042, %get3A_1045 : vector<16xf32>
      %get3A_1047 = arith.constant 848 : index
      %get3A_1048 = tpu.vector_load %arg7[%get3A_1047] {strides = array<i32>} : memref<2048xf32, #tpu.memory_space<vmem>>, vector<16xf32>,
      %get3A_1049 = vector.shape_cast %get3A_1048 : vector<16xf32> to vector<16xf32>
      %add3A_1050 = arith.addf %add3A_1046, %get3A_1049 : vector<16xf32>
      %get3A_1051 = arith.constant 976 : index
      %get3A_1052 = tpu.vector_load %arg7[%get3A_1051] {strides = array<i32>} : memref<2048xf32, #tpu.memory_space<vmem>>, vector<16xf32>,
      %get3A_1053 = vector.shape_cast %get3A_1052 : vector<16xf32> to vector<16xf32>
      %add3A_1054 = arith.addf %add3A_1050, %get3A_1053 : vector<16xf32>
      %get3A_1055 = arith.constant 1104 : index
      %get3A_1056 = tpu.vector_load %arg7[%get3A_1055] {strides = array<i32>} : memref<2048xf32, #tpu.memory_space<vmem>>, vector<16xf32>,
      %get3A_1057 = vector.shape_cast %get3A_1056 : vector<16xf32> to vector<16xf32>
      %add3A_1058 = arith.addf %add3A_1054, %get3A_1057 : vector<16xf32>
      %get3A_1059 = arith.constant 1232 : index
      %get3A_1060 = tpu.vector_load %arg7[%get3A_1059] {strides = array<i32>} : memref<2048xf32, #tpu.memory_space<vmem>>, vector<16xf32>,
      %get3A_1061 = vector.shape_cast %get3A_1060 : vector<16xf32> to vector<16xf32>
      %add3A_1062 = arith.addf %add3A_1058, %get3A_1061 : vector<16xf32>
      %get3A_1063 = arith.constant 1360 : index
      %get3A_1064 = tpu.vector_load %arg7[%get3A_1063] {strides = array<i32>} : memref<2048xf32, #tpu.memory_space<vmem>>, vector<16xf32>,
      %get3A_1065 = vector.shape_cast %get3A_1064 : vector<16xf32> to vector<16xf32>
      %add3A_1066 = arith.addf %add3A_1062, %get3A_1065 : vector<16xf32>
      %get3A_1067 = arith.constant 1488 : index
      %get3A_1068 = tpu.vector_load %arg7[%get3A_1067] {strides = array<i32>} : memref<2048xf32, #tpu.memory_space<vmem>>, vector<16xf32>,
      %get3A_1069 = vector.shape_cast %get3A_1068 : vector<16xf32> to vector<16xf32>
      %add3A_1070 = arith.addf %add3A_1066, %get3A_1069 : vector<16xf32>
      %get3A_1071 = arith.constant 1616 : index
      %get3A_1072 = tpu.vector_load %arg7[%get3A_1071] {strides = array<i32>} : memref<2048xf32, #tpu.memory_space<vmem>>, vector<16xf32>,
      %get3A_1073 = vector.shape_cast %get3A_1072 : vector<16xf32> to vector<16xf32>
      %add3A_1074 = arith.addf %add3A_1070, %get3A_1073 : vector<16xf32>
      %get3A_1075 = arith.constant 1744 : index
      %get3A_1076 = tpu.vector_load %arg7[%get3A_1075] {strides = array<i32>} : memref<2048xf32, #tpu.memory_space<vmem>>, vector<16xf32>,
      %get3A_1077 = vector.shape_cast %get3A_1076 : vector<16xf32> to vector<16xf32>
      %add3A_1078 = arith.addf %add3A_1074, %get3A_1077 : vector<16xf32>
      %get3A_1079 = arith.constant 1872 : index
      %get3A_1080 = tpu.vector_load %arg7[%get3A_1079] {strides = array<i32>} : memref<2048xf32, #tpu.memory_space<vmem>>, vector<16xf32>,
      %get3A_1081 = vector.shape_cast %get3A_1080 : vector<16xf32> to vector<16xf32>
      %add3A_1082 = arith.addf %add3A_1078, %get3A_1081 : vector<16xf32>
      %get3A_1083 = arith.constant 2000 : index
      %get3A_1084 = tpu.vector_load %arg7[%get3A_1083] {strides = array<i32>} : memref<2048xf32, #tpu.memory_space<vmem>>, vector<16xf32>,
      %get3A_1085 = vector.shape_cast %get3A_1084 : vector<16xf32> to vector<16xf32>
      %add3A_1086 = arith.addf %add3A_1082, %get3A_1085 : vector<16xf32>
      %xor3A_1087 = arith.constant 1 : i32
      %xor3A_1088 = vector.broadcast %xor3A_1087 : i32 to vector<16xi32>
      %xor3A_1089 = arith.xori %iota3A, %xor3A_1088 : vector<16xi32>
      %lt3A_1090 = arith.constant 0 : i32
      %lt3A_1091 = vector.broadcast %lt3A_1090 : i32 to vector<16xi32>
      %lt3A_1092 = arith.cmpi slt, %xor3A_1089, %lt3A_1091 : vector<16xi32>
      %add3A_1093 = arith.constant 16 : i32
      %add3A_1094 = vector.broadcast %add3A_1093 : i32 to vector<16xi32>
      %add3A_1095 = arith.addi %xor3A_1089, %add3A_1094 : vector<16xi32>
      %select_n3A_1096 = arith.select %lt3A_1092, %add3A_1095, %xor3A_1089 : vector<16xi1>, vector<16xi32>
      %broadcast_in_dim3A_1097 = vector.shape_cast %select_n3A_1096 : vector<16xi32> to vector<16x1xi32>
      %gather3A_1098 = vector.shape_cast %broadcast_in_dim3A_1097 : vector<16x1xi32> to vector<16xi32>
      %gather3A_1099 = tpu.dynamic_gather %add3A_1086[%gather3A_1098] in [0] : vector<16xf32>, vector<16xi32> -> vector<16xf32>
      %add3A_1100 = arith.addf %add3A_1086, %gather3A_1099 : vector<16xf32>
      %xor3A_1101 = arith.constant 2 : i32
      %xor3A_1102 = vector.broadcast %xor3A_1101 : i32 to vector<16xi32>
      %xor3A_1103 = arith.xori %iota3A, %xor3A_1102 : vector<16xi32>
      %lt3A_1104 = arith.constant 0 : i32
      %lt3A_1105 = vector.broadcast %lt3A_1104 : i32 to vector<16xi32>
      %lt3A_1106 = arith.cmpi slt, %xor3A_1103, %lt3A_1105 : vector<16xi32>
      %add3A_1107 = arith.constant 16 : i32
      %add3A_1108 = vector.broadcast %add3A_1107 : i32 to vector<16xi32>
      %add3A_1109 = arith.addi %xor3A_1103, %add3A_1108 : vector<16xi32>
      %select_n3A_1110 = arith.select %lt3A_1106, %add3A_1109, %xor3A_1103 : vector<16xi1>, vector<16xi32>
      %broadcast_in_dim3A_1111 = vector.shape_cast %select_n3A_1110 : vector<16xi32> to vector<16x1xi32>
      %gather3A_1112 = vector.shape_cast %broadcast_in_dim3A_1111 : vector<16x1xi32> to vector<16xi32>
      %gather3A_1113 = tpu.dynamic_gather %add3A_1100[%gather3A_1112] in [0] : vector<16xf32>, vector<16xi32> -> vector<16xf32>
      %add3A_1114 = arith.addf %add3A_1100, %gather3A_1113 : vector<16xf32>
      %xor3A_1115 = arith.constant 4 : i32
      %xor3A_1116 = vector.broadcast %xor3A_1115 : i32 to vector<16xi32>
      %xor3A_1117 = arith.xori %iota3A, %xor3A_1116 : vector<16xi32>
      %lt3A_1118 = arith.constant 0 : i32
      %lt3A_1119 = vector.broadcast %lt3A_1118 : i32 to vector<16xi32>
      %lt3A_1120 = arith.cmpi slt, %xor3A_1117, %lt3A_1119 : vector<16xi32>
      %add3A_1121 = arith.constant 16 : i32
      %add3A_1122 = vector.broadcast %add3A_1121 : i32 to vector<16xi32>
      %add3A_1123 = arith.addi %xor3A_1117, %add3A_1122 : vector<16xi32>
      %select_n3A_1124 = arith.select %lt3A_1120, %add3A_1123, %xor3A_1117 : vector<16xi1>, vector<16xi32>
      %broadcast_in_dim3A_1125 = vector.shape_cast %select_n3A_1124 : vector<16xi32> to vector<16x1xi32>
      %gather3A_1126 = vector.shape_cast %broadcast_in_dim3A_1125 : vector<16x1xi32> to vector<16xi32>
      %gather3A_1127 = tpu.dynamic_gather %add3A_1114[%gather3A_1126] in [0] : vector<16xf32>, vector<16xi32> -> vector<16xf32>
      %add3A_1128 = arith.addf %add3A_1114, %gather3A_1127 : vector<16xf32>
      %xor3A_1129 = arith.constant 8 : i32
      %xor3A_1130 = vector.broadcast %xor3A_1129 : i32 to vector<16xi32>
      %xor3A_1131 = arith.xori %iota3A, %xor3A_1130 : vector<16xi32>
      %lt3A_1132 = arith.constant 0 : i32
      %lt3A_1133 = vector.broadcast %lt3A_1132 : i32 to vector<16xi32>
      %lt3A_1134 = arith.cmpi slt, %xor3A_1131, %lt3A_1133 : vector<16xi32>
      %add3A_1135 = arith.constant 16 : i32
      %add3A_1136 = vector.broadcast %add3A_1135 : i32 to vector<16xi32>
      %add3A_1137 = arith.addi %xor3A_1131, %add3A_1136 : vector<16xi32>
      %select_n3A_1138 = arith.select %lt3A_1134, %add3A_1137, %xor3A_1131 : vector<16xi1>, vector<16xi32>
      %broadcast_in_dim3A_1139 = vector.shape_cast %select_n3A_1138 : vector<16xi32> to vector<16x1xi32>
      %gather3A_1140 = vector.shape_cast %broadcast_in_dim3A_1139 : vector<16x1xi32> to vector<16xi32>
      %gather3A_1141 = tpu.dynamic_gather %add3A_1128[%gather3A_1140] in [0] : vector<16xf32>, vector<16xi32> -> vector<16xf32>
      %add3A_1142 = arith.addf %add3A_1128, %gather3A_1141 : vector<16xf32>
      %div3A_1143 = arith.constant 1.000000e+00 : f32
      %div3A_1144 = vector.broadcast %div3A_1143 : f32 to vector<16xf32>
      %div3A_1145 = arith.divf %div3A_1144, %add3A_1142 : vector<16xf32>
      %get3A_1146 = arith.constant 96 : index
      %get3A_1147 = tpu.vector_load %arg7[%get3A_1146] {strides = array<i32>} : memref<2048xf32, #tpu.memory_space<vmem>>, vector<16xf32>,
      %get3A_1148 = vector.shape_cast %get3A_1147 : vector<16xf32> to vector<16xf32>
      %get3A_1149 = arith.constant 224 : index
      %get3A_1150 = tpu.vector_load %arg7[%get3A_1149] {strides = array<i32>} : memref<2048xf32, #tpu.memory_space<vmem>>, vector<16xf32>,
      %get3A_1151 = vector.shape_cast %get3A_1150 : vector<16xf32> to vector<16xf32>
      %add3A_1152 = arith.addf %get3A_1148, %get3A_1151 : vector<16xf32>
      %get3A_1153 = arith.constant 352 : index
      %get3A_1154 = tpu.vector_load %arg7[%get3A_1153] {strides = array<i32>} : memref<2048xf32, #tpu.memory_space<vmem>>, vector<16xf32>,
      %get3A_1155 = vector.shape_cast %get3A_1154 : vector<16xf32> to vector<16xf32>
      %add3A_1156 = arith.addf %add3A_1152, %get3A_1155 : vector<16xf32>
      %get3A_1157 = arith.constant 480 : index
      %get3A_1158 = tpu.vector_load %arg7[%get3A_1157] {strides = array<i32>} : memref<2048xf32, #tpu.memory_space<vmem>>, vector<16xf32>,
      %get3A_1159 = vector.shape_cast %get3A_1158 : vector<16xf32> to vector<16xf32>
      %add3A_1160 = arith.addf %add3A_1156, %get3A_1159 : vector<16xf32>
      %get3A_1161 = arith.constant 608 : index
      %get3A_1162 = tpu.vector_load %arg7[%get3A_1161] {strides = array<i32>} : memref<2048xf32, #tpu.memory_space<vmem>>, vector<16xf32>,
      %get3A_1163 = vector.shape_cast %get3A_1162 : vector<16xf32> to vector<16xf32>
      %add3A_1164 = arith.addf %add3A_1160, %get3A_1163 : vector<16xf32>
      %get3A_1165 = arith.constant 736 : index
      %get3A_1166 = tpu.vector_load %arg7[%get3A_1165] {strides = array<i32>} : memref<2048xf32, #tpu.memory_space<vmem>>, vector<16xf32>,
      %get3A_1167 = vector.shape_cast %get3A_1166 : vector<16xf32> to vector<16xf32>
      %add3A_1168 = arith.addf %add3A_1164, %get3A_1167 : vector<16xf32>
      %get3A_1169 = arith.constant 864 : index
      %get3A_1170 = tpu.vector_load %arg7[%get3A_1169] {strides = array<i32>} : memref<2048xf32, #tpu.memory_space<vmem>>, vector<16xf32>,
      %get3A_1171 = vector.shape_cast %get3A_1170 : vector<16xf32> to vector<16xf32>
      %add3A_1172 = arith.addf %add3A_1168, %get3A_1171 : vector<16xf32>
      %get3A_1173 = arith.constant 992 : index
      %get3A_1174 = tpu.vector_load %arg7[%get3A_1173] {strides = array<i32>} : memref<2048xf32, #tpu.memory_space<vmem>>, vector<16xf32>,
      %get3A_1175 = vector.shape_cast %get3A_1174 : vector<16xf32> to vector<16xf32>
      %add3A_1176 = arith.addf %add3A_1172, %get3A_1175 : vector<16xf32>
      %get3A_1177 = arith.constant 1120 : index
      %get3A_1178 = tpu.vector_load %arg7[%get3A_1177] {strides = array<i32>} : memref<2048xf32, #tpu.memory_space<vmem>>, vector<16xf32>,
      %get3A_1179 = vector.shape_cast %get3A_1178 : vector<16xf32> to vector<16xf32>
      %add3A_1180 = arith.addf %add3A_1176, %get3A_1179 : vector<16xf32>
      %get3A_1181 = arith.constant 1248 : index
      %get3A_1182 = tpu.vector_load %arg7[%get3A_1181] {strides = array<i32>} : memref<2048xf32, #tpu.memory_space<vmem>>, vector<16xf32>,
      %get3A_1183 = vector.shape_cast %get3A_1182 : vector<16xf32> to vector<16xf32>
      %add3A_1184 = arith.addf %add3A_1180, %get3A_1183 : vector<16xf32>
      %get3A_1185 = arith.constant 1376 : index
      %get3A_1186 = tpu.vector_load %arg7[%get3A_1185] {strides = array<i32>} : memref<2048xf32, #tpu.memory_space<vmem>>, vector<16xf32>,
      %get3A_1187 = vector.shape_cast %get3A_1186 : vector<16xf32> to vector<16xf32>
      %add3A_1188 = arith.addf %add3A_1184, %get3A_1187 : vector<16xf32>
      %get3A_1189 = arith.constant 1504 : index
      %get3A_1190 = tpu.vector_load %arg7[%get3A_1189] {strides = array<i32>} : memref<2048xf32, #tpu.memory_space<vmem>>, vector<16xf32>,
      %get3A_1191 = vector.shape_cast %get3A_1190 : vector<16xf32> to vector<16xf32>
      %add3A_1192 = arith.addf %add3A_1188, %get3A_1191 : vector<16xf32>
      %get3A_1193 = arith.constant 1632 : index
      %get3A_1194 = tpu.vector_load %arg7[%get3A_1193] {strides = array<i32>} : memref<2048xf32, #tpu.memory_space<vmem>>, vector<16xf32>,
      %get3A_1195 = vector.shape_cast %get3A_1194 : vector<16xf32> to vector<16xf32>
      %add3A_1196 = arith.addf %add3A_1192, %get3A_1195 : vector<16xf32>
      %get3A_1197 = arith.constant 1760 : index
      %get3A_1198 = tpu.vector_load %arg7[%get3A_1197] {strides = array<i32>} : memref<2048xf32, #tpu.memory_space<vmem>>, vector<16xf32>,
      %get3A_1199 = vector.shape_cast %get3A_1198 : vector<16xf32> to vector<16xf32>
      %add3A_1200 = arith.addf %add3A_1196, %get3A_1199 : vector<16xf32>
      %get3A_1201 = arith.constant 1888 : index
      %get3A_1202 = tpu.vector_load %arg7[%get3A_1201] {strides = array<i32>} : memref<2048xf32, #tpu.memory_space<vmem>>, vector<16xf32>,
      %get3A_1203 = vector.shape_cast %get3A_1202 : vector<16xf32> to vector<16xf32>
      %add3A_1204 = arith.addf %add3A_1200, %get3A_1203 : vector<16xf32>
      %get3A_1205 = arith.constant 2016 : index
      %get3A_1206 = tpu.vector_load %arg7[%get3A_1205] {strides = array<i32>} : memref<2048xf32, #tpu.memory_space<vmem>>, vector<16xf32>,
      %get3A_1207 = vector.shape_cast %get3A_1206 : vector<16xf32> to vector<16xf32>
      %add3A_1208 = arith.addf %add3A_1204, %get3A_1207 : vector<16xf32>
      %xor3A_1209 = arith.constant 1 : i32
      %xor3A_1210 = vector.broadcast %xor3A_1209 : i32 to vector<16xi32>
      %xor3A_1211 = arith.xori %iota3A, %xor3A_1210 : vector<16xi32>
      %lt3A_1212 = arith.constant 0 : i32
      %lt3A_1213 = vector.broadcast %lt3A_1212 : i32 to vector<16xi32>
      %lt3A_1214 = arith.cmpi slt, %xor3A_1211, %lt3A_1213 : vector<16xi32>
      %add3A_1215 = arith.constant 16 : i32
      %add3A_1216 = vector.broadcast %add3A_1215 : i32 to vector<16xi32>
      %add3A_1217 = arith.addi %xor3A_1211, %add3A_1216 : vector<16xi32>
      %select_n3A_1218 = arith.select %lt3A_1214, %add3A_1217, %xor3A_1211 : vector<16xi1>, vector<16xi32>
      %broadcast_in_dim3A_1219 = vector.shape_cast %select_n3A_1218 : vector<16xi32> to vector<16x1xi32>
      %gather3A_1220 = vector.shape_cast %broadcast_in_dim3A_1219 : vector<16x1xi32> to vector<16xi32>
      %gather3A_1221 = tpu.dynamic_gather %add3A_1208[%gather3A_1220] in [0] : vector<16xf32>, vector<16xi32> -> vector<16xf32>
      %add3A_1222 = arith.addf %add3A_1208, %gather3A_1221 : vector<16xf32>
      %xor3A_1223 = arith.constant 2 : i32
      %xor3A_1224 = vector.broadcast %xor3A_1223 : i32 to vector<16xi32>
      %xor3A_1225 = arith.xori %iota3A, %xor3A_1224 : vector<16xi32>
      %lt3A_1226 = arith.constant 0 : i32
      %lt3A_1227 = vector.broadcast %lt3A_1226 : i32 to vector<16xi32>
      %lt3A_1228 = arith.cmpi slt, %xor3A_1225, %lt3A_1227 : vector<16xi32>
      %add3A_1229 = arith.constant 16 : i32
      %add3A_1230 = vector.broadcast %add3A_1229 : i32 to vector<16xi32>
      %add3A_1231 = arith.addi %xor3A_1225, %add3A_1230 : vector<16xi32>
      %select_n3A_1232 = arith.select %lt3A_1228, %add3A_1231, %xor3A_1225 : vector<16xi1>, vector<16xi32>
      %broadcast_in_dim3A_1233 = vector.shape_cast %select_n3A_1232 : vector<16xi32> to vector<16x1xi32>
      %gather3A_1234 = vector.shape_cast %broadcast_in_dim3A_1233 : vector<16x1xi32> to vector<16xi32>
      %gather3A_1235 = tpu.dynamic_gather %add3A_1222[%gather3A_1234] in [0] : vector<16xf32>, vector<16xi32> -> vector<16xf32>
      %add3A_1236 = arith.addf %add3A_1222, %gather3A_1235 : vector<16xf32>
      %xor3A_1237 = arith.constant 4 : i32
      %xor3A_1238 = vector.broadcast %xor3A_1237 : i32 to vector<16xi32>
      %xor3A_1239 = arith.xori %iota3A, %xor3A_1238 : vector<16xi32>
      %lt3A_1240 = arith.constant 0 : i32
      %lt3A_1241 = vector.broadcast %lt3A_1240 : i32 to vector<16xi32>
      %lt3A_1242 = arith.cmpi slt, %xor3A_1239, %lt3A_1241 : vector<16xi32>
      %add3A_1243 = arith.constant 16 : i32
      %add3A_1244 = vector.broadcast %add3A_1243 : i32 to vector<16xi32>
      %add3A_1245 = arith.addi %xor3A_1239, %add3A_1244 : vector<16xi32>
      %select_n3A_1246 = arith.select %lt3A_1242, %add3A_1245, %xor3A_1239 : vector<16xi1>, vector<16xi32>
      %broadcast_in_dim3A_1247 = vector.shape_cast %select_n3A_1246 : vector<16xi32> to vector<16x1xi32>
      %gather3A_1248 = vector.shape_cast %broadcast_in_dim3A_1247 : vector<16x1xi32> to vector<16xi32>
      %gather3A_1249 = tpu.dynamic_gather %add3A_1236[%gather3A_1248] in [0] : vector<16xf32>, vector<16xi32> -> vector<16xf32>
      %add3A_1250 = arith.addf %add3A_1236, %gather3A_1249 : vector<16xf32>
      %xor3A_1251 = arith.constant 8 : i32
      %xor3A_1252 = vector.broadcast %xor3A_1251 : i32 to vector<16xi32>
      %xor3A_1253 = arith.xori %iota3A, %xor3A_1252 : vector<16xi32>
      %lt3A_1254 = arith.constant 0 : i32
      %lt3A_1255 = vector.broadcast %lt3A_1254 : i32 to vector<16xi32>
      %lt3A_1256 = arith.cmpi slt, %xor3A_1253, %lt3A_1255 : vector<16xi32>
      %add3A_1257 = arith.constant 16 : i32
      %add3A_1258 = vector.broadcast %add3A_1257 : i32 to vector<16xi32>
      %add3A_1259 = arith.addi %xor3A_1253, %add3A_1258 : vector<16xi32>
      %select_n3A_1260 = arith.select %lt3A_1256, %add3A_1259, %xor3A_1253 : vector<16xi1>, vector<16xi32>
      %broadcast_in_dim3A_1261 = vector.shape_cast %select_n3A_1260 : vector<16xi32> to vector<16x1xi32>
      %gather3A_1262 = vector.shape_cast %broadcast_in_dim3A_1261 : vector<16x1xi32> to vector<16xi32>
      %gather3A_1263 = tpu.dynamic_gather %add3A_1250[%gather3A_1262] in [0] : vector<16xf32>, vector<16xi32> -> vector<16xf32>
      %add3A_1264 = arith.addf %add3A_1250, %gather3A_1263 : vector<16xf32>
      %div3A_1265 = arith.constant 1.000000e+00 : f32
      %div3A_1266 = vector.broadcast %div3A_1265 : f32 to vector<16xf32>
      %div3A_1267 = arith.divf %div3A_1266, %add3A_1264 : vector<16xf32>
      %get3A_1268 = arith.constant 112 : index
      %get3A_1269 = tpu.vector_load %arg7[%get3A_1268] {strides = array<i32>} : memref<2048xf32, #tpu.memory_space<vmem>>, vector<16xf32>,
      %get3A_1270 = vector.shape_cast %get3A_1269 : vector<16xf32> to vector<16xf32>
      %get3A_1271 = arith.constant 240 : index
      %get3A_1272 = tpu.vector_load %arg7[%get3A_1271] {strides = array<i32>} : memref<2048xf32, #tpu.memory_space<vmem>>, vector<16xf32>,
      %get3A_1273 = vector.shape_cast %get3A_1272 : vector<16xf32> to vector<16xf32>
      %add3A_1274 = arith.addf %get3A_1270, %get3A_1273 : vector<16xf32>
      %get3A_1275 = arith.constant 368 : index
      %get3A_1276 = tpu.vector_load %arg7[%get3A_1275] {strides = array<i32>} : memref<2048xf32, #tpu.memory_space<vmem>>, vector<16xf32>,
      %get3A_1277 = vector.shape_cast %get3A_1276 : vector<16xf32> to vector<16xf32>
      %add3A_1278 = arith.addf %add3A_1274, %get3A_1277 : vector<16xf32>
      %get3A_1279 = arith.constant 496 : index
      %get3A_1280 = tpu.vector_load %arg7[%get3A_1279] {strides = array<i32>} : memref<2048xf32, #tpu.memory_space<vmem>>, vector<16xf32>,
      %get3A_1281 = vector.shape_cast %get3A_1280 : vector<16xf32> to vector<16xf32>
      %add3A_1282 = arith.addf %add3A_1278, %get3A_1281 : vector<16xf32>
      %get3A_1283 = arith.constant 624 : index
      %get3A_1284 = tpu.vector_load %arg7[%get3A_1283] {strides = array<i32>} : memref<2048xf32, #tpu.memory_space<vmem>>, vector<16xf32>,
      %get3A_1285 = vector.shape_cast %get3A_1284 : vector<16xf32> to vector<16xf32>
      %add3A_1286 = arith.addf %add3A_1282, %get3A_1285 : vector<16xf32>
      %get3A_1287 = arith.constant 752 : index
      %get3A_1288 = tpu.vector_load %arg7[%get3A_1287] {strides = array<i32>} : memref<2048xf32, #tpu.memory_space<vmem>>, vector<16xf32>,
      %get3A_1289 = vector.shape_cast %get3A_1288 : vector<16xf32> to vector<16xf32>
      %add3A_1290 = arith.addf %add3A_1286, %get3A_1289 : vector<16xf32>
      %get3A_1291 = arith.constant 880 : index
      %get3A_1292 = tpu.vector_load %arg7[%get3A_1291] {strides = array<i32>} : memref<2048xf32, #tpu.memory_space<vmem>>, vector<16xf32>,
      %get3A_1293 = vector.shape_cast %get3A_1292 : vector<16xf32> to vector<16xf32>
      %add3A_1294 = arith.addf %add3A_1290, %get3A_1293 : vector<16xf32>
      %get3A_1295 = arith.constant 1008 : index
      %get3A_1296 = tpu.vector_load %arg7[%get3A_1295] {strides = array<i32>} : memref<2048xf32, #tpu.memory_space<vmem>>, vector<16xf32>,
      %get3A_1297 = vector.shape_cast %get3A_1296 : vector<16xf32> to vector<16xf32>
      %add3A_1298 = arith.addf %add3A_1294, %get3A_1297 : vector<16xf32>
      %get3A_1299 = arith.constant 1136 : index
      %get3A_1300 = tpu.vector_load %arg7[%get3A_1299] {strides = array<i32>} : memref<2048xf32, #tpu.memory_space<vmem>>, vector<16xf32>,
      %get3A_1301 = vector.shape_cast %get3A_1300 : vector<16xf32> to vector<16xf32>
      %add3A_1302 = arith.addf %add3A_1298, %get3A_1301 : vector<16xf32>
      %get3A_1303 = arith.constant 1264 : index
      %get3A_1304 = tpu.vector_load %arg7[%get3A_1303] {strides = array<i32>} : memref<2048xf32, #tpu.memory_space<vmem>>, vector<16xf32>,
      %get3A_1305 = vector.shape_cast %get3A_1304 : vector<16xf32> to vector<16xf32>
      %add3A_1306 = arith.addf %add3A_1302, %get3A_1305 : vector<16xf32>
      %get3A_1307 = arith.constant 1392 : index
      %get3A_1308 = tpu.vector_load %arg7[%get3A_1307] {strides = array<i32>} : memref<2048xf32, #tpu.memory_space<vmem>>, vector<16xf32>,
      %get3A_1309 = vector.shape_cast %get3A_1308 : vector<16xf32> to vector<16xf32>
      %add3A_1310 = arith.addf %add3A_1306, %get3A_1309 : vector<16xf32>
      %get3A_1311 = arith.constant 1520 : index
      %get3A_1312 = tpu.vector_load %arg7[%get3A_1311] {strides = array<i32>} : memref<2048xf32, #tpu.memory_space<vmem>>, vector<16xf32>,
      %get3A_1313 = vector.shape_cast %get3A_1312 : vector<16xf32> to vector<16xf32>
      %add3A_1314 = arith.addf %add3A_1310, %get3A_1313 : vector<16xf32>
      %get3A_1315 = arith.constant 1648 : index
      %get3A_1316 = tpu.vector_load %arg7[%get3A_1315] {strides = array<i32>} : memref<2048xf32, #tpu.memory_space<vmem>>, vector<16xf32>,
      %get3A_1317 = vector.shape_cast %get3A_1316 : vector<16xf32> to vector<16xf32>
      %add3A_1318 = arith.addf %add3A_1314, %get3A_1317 : vector<16xf32>
      %get3A_1319 = arith.constant 1776 : index
      %get3A_1320 = tpu.vector_load %arg7[%get3A_1319] {strides = array<i32>} : memref<2048xf32, #tpu.memory_space<vmem>>, vector<16xf32>,
      %get3A_1321 = vector.shape_cast %get3A_1320 : vector<16xf32> to vector<16xf32>
      %add3A_1322 = arith.addf %add3A_1318, %get3A_1321 : vector<16xf32>
      %get3A_1323 = arith.constant 1904 : index
      %get3A_1324 = tpu.vector_load %arg7[%get3A_1323] {strides = array<i32>} : memref<2048xf32, #tpu.memory_space<vmem>>, vector<16xf32>,
      %get3A_1325 = vector.shape_cast %get3A_1324 : vector<16xf32> to vector<16xf32>
      %add3A_1326 = arith.addf %add3A_1322, %get3A_1325 : vector<16xf32>
      %get3A_1327 = arith.constant 2032 : index
      %get3A_1328 = tpu.vector_load %arg7[%get3A_1327] {strides = array<i32>} : memref<2048xf32, #tpu.memory_space<vmem>>, vector<16xf32>,
      %get3A_1329 = vector.shape_cast %get3A_1328 : vector<16xf32> to vector<16xf32>
      %add3A_1330 = arith.addf %add3A_1326, %get3A_1329 : vector<16xf32>
      %xor3A_1331 = arith.constant 1 : i32
      %xor3A_1332 = vector.broadcast %xor3A_1331 : i32 to vector<16xi32>
      %xor3A_1333 = arith.xori %iota3A, %xor3A_1332 : vector<16xi32>
      %lt3A_1334 = arith.constant 0 : i32
      %lt3A_1335 = vector.broadcast %lt3A_1334 : i32 to vector<16xi32>
      %lt3A_1336 = arith.cmpi slt, %xor3A_1333, %lt3A_1335 : vector<16xi32>
      %add3A_1337 = arith.constant 16 : i32
      %add3A_1338 = vector.broadcast %add3A_1337 : i32 to vector<16xi32>
      %add3A_1339 = arith.addi %xor3A_1333, %add3A_1338 : vector<16xi32>
      %select_n3A_1340 = arith.select %lt3A_1336, %add3A_1339, %xor3A_1333 : vector<16xi1>, vector<16xi32>
      %broadcast_in_dim3A_1341 = vector.shape_cast %select_n3A_1340 : vector<16xi32> to vector<16x1xi32>
      %gather3A_1342 = vector.shape_cast %broadcast_in_dim3A_1341 : vector<16x1xi32> to vector<16xi32>
      %gather3A_1343 = tpu.dynamic_gather %add3A_1330[%gather3A_1342] in [0] : vector<16xf32>, vector<16xi32> -> vector<16xf32>
      %add3A_1344 = arith.addf %add3A_1330, %gather3A_1343 : vector<16xf32>
      %xor3A_1345 = arith.constant 2 : i32
      %xor3A_1346 = vector.broadcast %xor3A_1345 : i32 to vector<16xi32>
      %xor3A_1347 = arith.xori %iota3A, %xor3A_1346 : vector<16xi32>
      %lt3A_1348 = arith.constant 0 : i32
      %lt3A_1349 = vector.broadcast %lt3A_1348 : i32 to vector<16xi32>
      %lt3A_1350 = arith.cmpi slt, %xor3A_1347, %lt3A_1349 : vector<16xi32>
      %add3A_1351 = arith.constant 16 : i32
      %add3A_1352 = vector.broadcast %add3A_1351 : i32 to vector<16xi32>
      %add3A_1353 = arith.addi %xor3A_1347, %add3A_1352 : vector<16xi32>
      %select_n3A_1354 = arith.select %lt3A_1350, %add3A_1353, %xor3A_1347 : vector<16xi1>, vector<16xi32>
      %broadcast_in_dim3A_1355 = vector.shape_cast %select_n3A_1354 : vector<16xi32> to vector<16x1xi32>
      %gather3A_1356 = vector.shape_cast %broadcast_in_dim3A_1355 : vector<16x1xi32> to vector<16xi32>
      %gather3A_1357 = tpu.dynamic_gather %add3A_1344[%gather3A_1356] in [0] : vector<16xf32>, vector<16xi32> -> vector<16xf32>
      %add3A_1358 = arith.addf %add3A_1344, %gather3A_1357 : vector<16xf32>
      %xor3A_1359 = arith.constant 4 : i32
      %xor3A_1360 = vector.broadcast %xor3A_1359 : i32 to vector<16xi32>
      %xor3A_1361 = arith.xori %iota3A, %xor3A_1360 : vector<16xi32>
      %lt3A_1362 = arith.constant 0 : i32
      %lt3A_1363 = vector.broadcast %lt3A_1362 : i32 to vector<16xi32>
      %lt3A_1364 = arith.cmpi slt, %xor3A_1361, %lt3A_1363 : vector<16xi32>
      %add3A_1365 = arith.constant 16 : i32
      %add3A_1366 = vector.broadcast %add3A_1365 : i32 to vector<16xi32>
      %add3A_1367 = arith.addi %xor3A_1361, %add3A_1366 : vector<16xi32>
      %select_n3A_1368 = arith.select %lt3A_1364, %add3A_1367, %xor3A_1361 : vector<16xi1>, vector<16xi32>
      %broadcast_in_dim3A_1369 = vector.shape_cast %select_n3A_1368 : vector<16xi32> to vector<16x1xi32>
      %gather3A_1370 = vector.shape_cast %broadcast_in_dim3A_1369 : vector<16x1xi32> to vector<16xi32>
      %gather3A_1371 = tpu.dynamic_gather %add3A_1358[%gather3A_1370] in [0] : vector<16xf32>, vector<16xi32> -> vector<16xf32>
      %add3A_1372 = arith.addf %add3A_1358, %gather3A_1371 : vector<16xf32>
      %xor3A_1373 = arith.constant 8 : i32
      %xor3A_1374 = vector.broadcast %xor3A_1373 : i32 to vector<16xi32>
      %xor3A_1375 = arith.xori %iota3A, %xor3A_1374 : vector<16xi32>
      %lt3A_1376 = arith.constant 0 : i32
      %lt3A_1377 = vector.broadcast %lt3A_1376 : i32 to vector<16xi32>
      %lt3A_1378 = arith.cmpi slt, %xor3A_1375, %lt3A_1377 : vector<16xi32>
      %add3A_1379 = arith.constant 16 : i32
      %add3A_1380 = vector.broadcast %add3A_1379 : i32 to vector<16xi32>
      %add3A_1381 = arith.addi %xor3A_1375, %add3A_1380 : vector<16xi32>
      %select_n3A_1382 = arith.select %lt3A_1378, %add3A_1381, %xor3A_1375 : vector<16xi1>, vector<16xi32>
      %broadcast_in_dim3A_1383 = vector.shape_cast %select_n3A_1382 : vector<16xi32> to vector<16x1xi32>
      %gather3A_1384 = vector.shape_cast %broadcast_in_dim3A_1383 : vector<16x1xi32> to vector<16xi32>
      %gather3A_1385 = tpu.dynamic_gather %add3A_1372[%gather3A_1384] in [0] : vector<16xf32>, vector<16xi32> -> vector<16xf32>
      %add3A_1386 = arith.addf %add3A_1372, %gather3A_1385 : vector<16xf32>
      %div3A_1387 = arith.constant 1.000000e+00 : f32
      %div3A_1388 = vector.broadcast %div3A_1387 : f32 to vector<16xf32>
      %div3A_1389 = arith.divf %div3A_1388, %add3A_1386 : vector<16xf32>
      %scan3A_1390 = arith.constant 0 : i32
      %scan3A_1391 = arith.constant 0 : i32
      %scan3A_1392 = arith.constant 64 : i32
      %scan3A_1393 = arith.addi %scan3A_1391, %scan3A_1392 : i32
      %scan3A_1394 = arith.constant 1 : i32
      %scan3A_1395 = scf.for %scan3A_1563 = %scan3A_1391 to %scan3A_1393 step %scan3A_1394 iter_args(%scan3A_1564 = %scan3A_1390) -> (i32)  : i32 {
        %mul3A_1565 = arith.constant 16 : i32
        %mul3A_1566 = arith.muli %scan3A_1563, %mul3A_1565 : i32
        %add3A_1567 = arith.constant 0 : i32
        %add3A_1568 = arith.addi %add3A_1567, %mul3A_1566 : i32
        %get3A_1569 = arith.constant 0 : i32
        %get3A_1570 = arith.index_cast %get3A_1569 : i32 to index
        %get3A_1571 = arith.index_cast %add3A_1568 : i32 to index
        %get3A_1572 = tpu.vector_load %arg5[%get3A_1570, %get3A_1571] {strides = array<i32>} : memref<8x6272xf32, #tpu.memory_space<vmem>>, vector<1x16xf32>,
        %get3A_1573 = vector.shape_cast %get3A_1572 : vector<1x16xf32> to vector<16xf32>
        %mul3A_1574 = arith.mulf %get3A_1573, %div3A_535 : vector<16xf32>
        %mul3A_1575 = arith.constant 16 : i32
        %mul3A_1576 = arith.muli %scan3A_1563, %mul3A_1575 : i32
        %add3A_1577 = arith.constant 0 : i32
        %add3A_1578 = arith.addi %add3A_1577, %mul3A_1576 : i32
        %swap3A_1579 = arith.constant 0 : i32
        %swap3A_1580 = arith.index_cast %swap3A_1579 : i32 to index
        %swap3A_1581 = arith.index_cast %add3A_1578 : i32 to index
        %swap3A_1582 = tpu.vector_load %arg5[%swap3A_1580, %swap3A_1581] {strides = array<i32>} : memref<8x6272xf32, #tpu.memory_space<vmem>>, vector<1x16xf32>,
        %swap3A_1583 = vector.shape_cast %swap3A_1582 : vector<1x16xf32> to vector<16xf32>
        %swap3A_1584 = vector.shape_cast %mul3A_1574 : vector<16xf32> to vector<1x16xf32>
        tpu.vector_store %arg5[%swap3A_1580, %swap3A_1581], %swap3A_1584 {strides = array<i32>} : memref<8x6272xf32, #tpu.memory_space<vmem>>, vector<1x16xf32>,
        %mul3A_1585 = arith.constant 16 : i32
        %mul3A_1586 = arith.muli %scan3A_1563, %mul3A_1585 : i32
        %add3A_1587 = arith.constant 0 : i32
        %add3A_1588 = arith.addi %add3A_1587, %mul3A_1586 : i32
        %get3A_1589 = arith.constant 1 : i32
        %get3A_1590 = arith.index_cast %get3A_1589 : i32 to index
        %get3A_1591 = arith.index_cast %add3A_1588 : i32 to index
        %get3A_1592 = tpu.vector_load %arg5[%get3A_1590, %get3A_1591] {strides = array<i32>} : memref<8x6272xf32, #tpu.memory_space<vmem>>, vector<1x16xf32>,
        %get3A_1593 = vector.shape_cast %get3A_1592 : vector<1x16xf32> to vector<16xf32>
        %mul3A_1594 = arith.mulf %get3A_1593, %div3A_657 : vector<16xf32>
        %mul3A_1595 = arith.constant 16 : i32
        %mul3A_1596 = arith.muli %scan3A_1563, %mul3A_1595 : i32
        %add3A_1597 = arith.constant 0 : i32
        %add3A_1598 = arith.addi %add3A_1597, %mul3A_1596 : i32
        %swap3A_1599 = arith.constant 1 : i32
        %swap3A_1600 = arith.index_cast %swap3A_1599 : i32 to index
        %swap3A_1601 = arith.index_cast %add3A_1598 : i32 to index
        %swap3A_1602 = tpu.vector_load %arg5[%swap3A_1600, %swap3A_1601] {strides = array<i32>} : memref<8x6272xf32, #tpu.memory_space<vmem>>, vector<1x16xf32>,
        %swap3A_1603 = vector.shape_cast %swap3A_1602 : vector<1x16xf32> to vector<16xf32>
        %swap3A_1604 = vector.shape_cast %mul3A_1594 : vector<16xf32> to vector<1x16xf32>
        tpu.vector_store %arg5[%swap3A_1600, %swap3A_1601], %swap3A_1604 {strides = array<i32>} : memref<8x6272xf32, #tpu.memory_space<vmem>>, vector<1x16xf32>,
        %mul3A_1605 = arith.constant 16 : i32
        %mul3A_1606 = arith.muli %scan3A_1563, %mul3A_1605 : i32
        %add3A_1607 = arith.constant 0 : i32
        %add3A_1608 = arith.addi %add3A_1607, %mul3A_1606 : i32
        %get3A_1609 = arith.constant 2 : i32
        %get3A_1610 = arith.index_cast %get3A_1609 : i32 to index
        %get3A_1611 = arith.index_cast %add3A_1608 : i32 to index
        %get3A_1612 = tpu.vector_load %arg5[%get3A_1610, %get3A_1611] {strides = array<i32>} : memref<8x6272xf32, #tpu.memory_space<vmem>>, vector<1x16xf32>,
        %get3A_1613 = vector.shape_cast %get3A_1612 : vector<1x16xf32> to vector<16xf32>
        %mul3A_1614 = arith.mulf %get3A_1613, %div3A_779 : vector<16xf32>
        %mul3A_1615 = arith.constant 16 : i32
        %mul3A_1616 = arith.muli %scan3A_1563, %mul3A_1615 : i32
        %add3A_1617 = arith.constant 0 : i32
        %add3A_1618 = arith.addi %add3A_1617, %mul3A_1616 : i32
        %swap3A_1619 = arith.constant 2 : i32
        %swap3A_1620 = arith.index_cast %swap3A_1619 : i32 to index
        %swap3A_1621 = arith.index_cast %add3A_1618 : i32 to index
        %swap3A_1622 = tpu.vector_load %arg5[%swap3A_1620, %swap3A_1621] {strides = array<i32>} : memref<8x6272xf32, #tpu.memory_space<vmem>>, vector<1x16xf32>,
        %swap3A_1623 = vector.shape_cast %swap3A_1622 : vector<1x16xf32> to vector<16xf32>
        %swap3A_1624 = vector.shape_cast %mul3A_1614 : vector<16xf32> to vector<1x16xf32>
        tpu.vector_store %arg5[%swap3A_1620, %swap3A_1621], %swap3A_1624 {strides = array<i32>} : memref<8x6272xf32, #tpu.memory_space<vmem>>, vector<1x16xf32>,
        %mul3A_1625 = arith.constant 16 : i32
        %mul3A_1626 = arith.muli %scan3A_1563, %mul3A_1625 : i32
        %add3A_1627 = arith.constant 0 : i32
        %add3A_1628 = arith.addi %add3A_1627, %mul3A_1626 : i32
        %get3A_1629 = arith.constant 3 : i32
        %get3A_1630 = arith.index_cast %get3A_1629 : i32 to index
        %get3A_1631 = arith.index_cast %add3A_1628 : i32 to index
        %get3A_1632 = tpu.vector_load %arg5[%get3A_1630, %get3A_1631] {strides = array<i32>} : memref<8x6272xf32, #tpu.memory_space<vmem>>, vector<1x16xf32>,
        %get3A_1633 = vector.shape_cast %get3A_1632 : vector<1x16xf32> to vector<16xf32>
        %mul3A_1634 = arith.mulf %get3A_1633, %div3A_901 : vector<16xf32>
        %mul3A_1635 = arith.constant 16 : i32
        %mul3A_1636 = arith.muli %scan3A_1563, %mul3A_1635 : i32
        %add3A_1637 = arith.constant 0 : i32
        %add3A_1638 = arith.addi %add3A_1637, %mul3A_1636 : i32
        %swap3A_1639 = arith.constant 3 : i32
        %swap3A_1640 = arith.index_cast %swap3A_1639 : i32 to index
        %swap3A_1641 = arith.index_cast %add3A_1638 : i32 to index
        %swap3A_1642 = tpu.vector_load %arg5[%swap3A_1640, %swap3A_1641] {strides = array<i32>} : memref<8x6272xf32, #tpu.memory_space<vmem>>, vector<1x16xf32>,
        %swap3A_1643 = vector.shape_cast %swap3A_1642 : vector<1x16xf32> to vector<16xf32>
        %swap3A_1644 = vector.shape_cast %mul3A_1634 : vector<16xf32> to vector<1x16xf32>
        tpu.vector_store %arg5[%swap3A_1640, %swap3A_1641], %swap3A_1644 {strides = array<i32>} : memref<8x6272xf32, #tpu.memory_space<vmem>>, vector<1x16xf32>,
        %mul3A_1645 = arith.constant 16 : i32
        %mul3A_1646 = arith.muli %scan3A_1563, %mul3A_1645 : i32
        %add3A_1647 = arith.constant 0 : i32
        %add3A_1648 = arith.addi %add3A_1647, %mul3A_1646 : i32
        %get3A_1649 = arith.constant 4 : i32
        %get3A_1650 = arith.index_cast %get3A_1649 : i32 to index
        %get3A_1651 = arith.index_cast %add3A_1648 : i32 to index
        %get3A_1652 = tpu.vector_load %arg5[%get3A_1650, %get3A_1651] {strides = array<i32>} : memref<8x6272xf32, #tpu.memory_space<vmem>>, vector<1x16xf32>,
        %get3A_1653 = vector.shape_cast %get3A_1652 : vector<1x16xf32> to vector<16xf32>
        %mul3A_1654 = arith.mulf %get3A_1653, %div3A_1023 : vector<16xf32>
        %mul3A_1655 = arith.constant 16 : i32
        %mul3A_1656 = arith.muli %scan3A_1563, %mul3A_1655 : i32
        %add3A_1657 = arith.constant 0 : i32
        %add3A_1658 = arith.addi %add3A_1657, %mul3A_1656 : i32
        %swap3A_1659 = arith.constant 4 : i32
        %swap3A_1660 = arith.index_cast %swap3A_1659 : i32 to index
        %swap3A_1661 = arith.index_cast %add3A_1658 : i32 to index
        %swap3A_1662 = tpu.vector_load %arg5[%swap3A_1660, %swap3A_1661] {strides = array<i32>} : memref<8x6272xf32, #tpu.memory_space<vmem>>, vector<1x16xf32>,
        %swap3A_1663 = vector.shape_cast %swap3A_1662 : vector<1x16xf32> to vector<16xf32>
        %swap3A_1664 = vector.shape_cast %mul3A_1654 : vector<16xf32> to vector<1x16xf32>
        tpu.vector_store %arg5[%swap3A_1660, %swap3A_1661], %swap3A_1664 {strides = array<i32>} : memref<8x6272xf32, #tpu.memory_space<vmem>>, vector<1x16xf32>,
        %mul3A_1665 = arith.constant 16 : i32
        %mul3A_1666 = arith.muli %scan3A_1563, %mul3A_1665 : i32
        %add3A_1667 = arith.constant 0 : i32
        %add3A_1668 = arith.addi %add3A_1667, %mul3A_1666 : i32
        %get3A_1669 = arith.constant 5 : i32
        %get3A_1670 = arith.index_cast %get3A_1669 : i32 to index
        %get3A_1671 = arith.index_cast %add3A_1668 : i32 to index
        %get3A_1672 = tpu.vector_load %arg5[%get3A_1670, %get3A_1671] {strides = array<i32>} : memref<8x6272xf32, #tpu.memory_space<vmem>>, vector<1x16xf32>,
        %get3A_1673 = vector.shape_cast %get3A_1672 : vector<1x16xf32> to vector<16xf32>
        %mul3A_1674 = arith.mulf %get3A_1673, %div3A_1145 : vector<16xf32>
        %mul3A_1675 = arith.constant 16 : i32
        %mul3A_1676 = arith.muli %scan3A_1563, %mul3A_1675 : i32
        %add3A_1677 = arith.constant 0 : i32
        %add3A_1678 = arith.addi %add3A_1677, %mul3A_1676 : i32
        %swap3A_1679 = arith.constant 5 : i32
        %swap3A_1680 = arith.index_cast %swap3A_1679 : i32 to index
        %swap3A_1681 = arith.index_cast %add3A_1678 : i32 to index
        %swap3A_1682 = tpu.vector_load %arg5[%swap3A_1680, %swap3A_1681] {strides = array<i32>} : memref<8x6272xf32, #tpu.memory_space<vmem>>, vector<1x16xf32>,
        %swap3A_1683 = vector.shape_cast %swap3A_1682 : vector<1x16xf32> to vector<16xf32>
        %swap3A_1684 = vector.shape_cast %mul3A_1674 : vector<16xf32> to vector<1x16xf32>
        tpu.vector_store %arg5[%swap3A_1680, %swap3A_1681], %swap3A_1684 {strides = array<i32>} : memref<8x6272xf32, #tpu.memory_space<vmem>>, vector<1x16xf32>,
        %mul3A_1685 = arith.constant 16 : i32
        %mul3A_1686 = arith.muli %scan3A_1563, %mul3A_1685 : i32
        %add3A_1687 = arith.constant 0 : i32
        %add3A_1688 = arith.addi %add3A_1687, %mul3A_1686 : i32
        %get3A_1689 = arith.constant 6 : i32
        %get3A_1690 = arith.index_cast %get3A_1689 : i32 to index
        %get3A_1691 = arith.index_cast %add3A_1688 : i32 to index
        %get3A_1692 = tpu.vector_load %arg5[%get3A_1690, %get3A_1691] {strides = array<i32>} : memref<8x6272xf32, #tpu.memory_space<vmem>>, vector<1x16xf32>,
        %get3A_1693 = vector.shape_cast %get3A_1692 : vector<1x16xf32> to vector<16xf32>
        %mul3A_1694 = arith.mulf %get3A_1693, %div3A_1267 : vector<16xf32>
        %mul3A_1695 = arith.constant 16 : i32
        %mul3A_1696 = arith.muli %scan3A_1563, %mul3A_1695 : i32
        %add3A_1697 = arith.constant 0 : i32
        %add3A_1698 = arith.addi %add3A_1697, %mul3A_1696 : i32
        %swap3A_1699 = arith.constant 6 : i32
        %swap3A_1700 = arith.index_cast %swap3A_1699 : i32 to index
        %swap3A_1701 = arith.index_cast %add3A_1698 : i32 to index
        %swap3A_1702 = tpu.vector_load %arg5[%swap3A_1700, %swap3A_1701] {strides = array<i32>} : memref<8x6272xf32, #tpu.memory_space<vmem>>, vector<1x16xf32>,
        %swap3A_1703 = vector.shape_cast %swap3A_1702 : vector<1x16xf32> to vector<16xf32>
        %swap3A_1704 = vector.shape_cast %mul3A_1694 : vector<16xf32> to vector<1x16xf32>
        tpu.vector_store %arg5[%swap3A_1700, %swap3A_1701], %swap3A_1704 {strides = array<i32>} : memref<8x6272xf32, #tpu.memory_space<vmem>>, vector<1x16xf32>,
        %mul3A_1705 = arith.constant 16 : i32
        %mul3A_1706 = arith.muli %scan3A_1563, %mul3A_1705 : i32
        %add3A_1707 = arith.constant 0 : i32
        %add3A_1708 = arith.addi %add3A_1707, %mul3A_1706 : i32
        %get3A_1709 = arith.constant 7 : i32
        %get3A_1710 = arith.index_cast %get3A_1709 : i32 to index
        %get3A_1711 = arith.index_cast %add3A_1708 : i32 to index
        %get3A_1712 = tpu.vector_load %arg5[%get3A_1710, %get3A_1711] {strides = array<i32>} : memref<8x6272xf32, #tpu.memory_space<vmem>>, vector<1x16xf32>,
        %get3A_1713 = vector.shape_cast %get3A_1712 : vector<1x16xf32> to vector<16xf32>
        %mul3A_1714 = arith.mulf %get3A_1713, %div3A_1389 : vector<16xf32>
        %mul3A_1715 = arith.constant 16 : i32
        %mul3A_1716 = arith.muli %scan3A_1563, %mul3A_1715 : i32
        %add3A_1717 = arith.constant 0 : i32
        %add3A_1718 = arith.addi %add3A_1717, %mul3A_1716 : i32
        %swap3A_1719 = arith.constant 7 : i32
        %swap3A_1720 = arith.index_cast %swap3A_1719 : i32 to index
        %swap3A_1721 = arith.index_cast %add3A_1718 : i32 to index
        %swap3A_1722 = tpu.vector_load %arg5[%swap3A_1720, %swap3A_1721] {strides = array<i32>} : memref<8x6272xf32, #tpu.memory_space<vmem>>, vector<1x16xf32>,
        %swap3A_1723 = vector.shape_cast %swap3A_1722 : vector<1x16xf32> to vector<16xf32>
        %swap3A_1724 = vector.shape_cast %mul3A_1714 : vector<16xf32> to vector<1x16xf32>
        tpu.vector_store %arg5[%swap3A_1720, %swap3A_1721], %swap3A_1724 {strides = array<i32>} : memref<8x6272xf32, #tpu.memory_space<vmem>>, vector<1x16xf32>,
        %scan3A_1725 = arith.constant 0 : i32
        scf.yield %scan3A_1725 : i32
      }
      %scan3A_1396 = arith.constant 64 : i32
      %mul3A_1397 = arith.constant 1024 : i32
      %mul3A_1398 = arith.muli %arg1, %mul3A_1397 : i32
      %add3A_1399 = arith.constant 0 : i32
      %add3A_1400 = arith.addi %add3A_1399, %mul3A_1398 : i32
      %multiple_of3A_1401 = tpu.assume_multiple %add3A_1400, 128 : i32
      %dma_start3A_1402 = arith.constant 0 : i32
      %dma_start3A_1403 = arith.constant 0 : i32
      %dma_start3A_1404 = tpu.memref_slice %arg5[%dma_start3A_1402, %dma_start3A_1403] : memref<8x6272xf32, #tpu.memory_space<vmem>> -> memref<8x1024xf32, #tpu.memory_space<vmem>>
      %dma_start3A_1405 = tpu.memref_slice %arg4[%multiple_of3A_14, %multiple_of3A_1401] : memref<128x100000xf32, #tpu.memory_space<hbm>> -> memref<8x1024xf32, #tpu.memory_space<hbm>>
      %dma_start3A_1406 = tpu.memref_slice %arg4[%multiple_of3A_14, %multiple_of3A_1401] : memref<128x100000xf32, #tpu.memory_space<hbm>> -> memref<8x1024xf32, #tpu.memory_space<hbm>>
      %dma_start3A_1407 = arith.constant 0 : i32
      %dma_start3A_1408 = arith.constant 0 : i32
      %dma_start3A_1409 = tpu.memref_slice %arg5[%dma_start3A_1407, %dma_start3A_1408] : memref<8x6272xf32, #tpu.memory_space<vmem>> -> memref<8x1024xf32, #tpu.memory_space<vmem>>
      tpu.enqueue_dma source(%dma_start3A_1409 : memref<8x1024xf32, #tpu.memory_space<vmem>>) target(%dma_start3A_1406 : memref<8x1024xf32, #tpu.memory_space<hbm>>) target_semaphore(%arg13 : memref<!tpu.dma_semaphore, #tpu.memory_space<semaphore_mem>>)
      %scan3A_1410 = arith.constant 0 : i32
      %scan3A_1411 = arith.constant 0 : i32
      %scan3A_1412 = arith.constant 64 : i32
      %scan3A_1413 = arith.addi %scan3A_1411, %scan3A_1412 : i32
      %scan3A_1414 = arith.constant 1 : i32
      %scan3A_1415 = scf.for %scan3A_1563 = %scan3A_1411 to %scan3A_1413 step %scan3A_1414 iter_args(%scan3A_1564 = %scan3A_1410) -> (i32)  : i32 {
        %mul3A_1565 = arith.constant 16 : i32
        %mul3A_1566 = arith.muli %scan3A_1563, %mul3A_1565 : i32
        %add3A_1567 = arith.constant 1024 : i32
        %add3A_1568 = arith.addi %add3A_1567, %mul3A_1566 : i32
        %get3A_1569 = arith.constant 0 : i32
        %get3A_1570 = arith.index_cast %get3A_1569 : i32 to index
        %get3A_1571 = arith.index_cast %add3A_1568 : i32 to index
        %get3A_1572 = tpu.vector_load %arg5[%get3A_1570, %get3A_1571] {strides = array<i32>} : memref<8x6272xf32, #tpu.memory_space<vmem>>, vector<1x16xf32>,
        %get3A_1573 = vector.shape_cast %get3A_1572 : vector<1x16xf32> to vector<16xf32>
        %mul3A_1574 = arith.mulf %get3A_1573, %div3A_535 : vector<16xf32>
        %mul3A_1575 = arith.constant 16 : i32
        %mul3A_1576 = arith.muli %scan3A_1563, %mul3A_1575 : i32
        %add3A_1577 = arith.constant 1024 : i32
        %add3A_1578 = arith.addi %add3A_1577, %mul3A_1576 : i32
        %swap3A_1579 = arith.constant 0 : i32
        %swap3A_1580 = arith.index_cast %swap3A_1579 : i32 to index
        %swap3A_1581 = arith.index_cast %add3A_1578 : i32 to index
        %swap3A_1582 = tpu.vector_load %arg5[%swap3A_1580, %swap3A_1581] {strides = array<i32>} : memref<8x6272xf32, #tpu.memory_space<vmem>>, vector<1x16xf32>,
        %swap3A_1583 = vector.shape_cast %swap3A_1582 : vector<1x16xf32> to vector<16xf32>
        %swap3A_1584 = vector.shape_cast %mul3A_1574 : vector<16xf32> to vector<1x16xf32>
        tpu.vector_store %arg5[%swap3A_1580, %swap3A_1581], %swap3A_1584 {strides = array<i32>} : memref<8x6272xf32, #tpu.memory_space<vmem>>, vector<1x16xf32>,
        %mul3A_1585 = arith.constant 16 : i32
        %mul3A_1586 = arith.muli %scan3A_1563, %mul3A_1585 : i32
        %add3A_1587 = arith.constant 1024 : i32
        %add3A_1588 = arith.addi %add3A_1587, %mul3A_1586 : i32
        %get3A_1589 = arith.constant 1 : i32
        %get3A_1590 = arith.index_cast %get3A_1589 : i32 to index
        %get3A_1591 = arith.index_cast %add3A_1588 : i32 to index
        %get3A_1592 = tpu.vector_load %arg5[%get3A_1590, %get3A_1591] {strides = array<i32>} : memref<8x6272xf32, #tpu.memory_space<vmem>>, vector<1x16xf32>,
        %get3A_1593 = vector.shape_cast %get3A_1592 : vector<1x16xf32> to vector<16xf32>
        %mul3A_1594 = arith.mulf %get3A_1593, %div3A_657 : vector<16xf32>
        %mul3A_1595 = arith.constant 16 : i32
        %mul3A_1596 = arith.muli %scan3A_1563, %mul3A_1595 : i32
        %add3A_1597 = arith.constant 1024 : i32
        %add3A_1598 = arith.addi %add3A_1597, %mul3A_1596 : i32
        %swap3A_1599 = arith.constant 1 : i32
        %swap3A_1600 = arith.index_cast %swap3A_1599 : i32 to index
        %swap3A_1601 = arith.index_cast %add3A_1598 : i32 to index
        %swap3A_1602 = tpu.vector_load %arg5[%swap3A_1600, %swap3A_1601] {strides = array<i32>} : memref<8x6272xf32, #tpu.memory_space<vmem>>, vector<1x16xf32>,
        %swap3A_1603 = vector.shape_cast %swap3A_1602 : vector<1x16xf32> to vector<16xf32>
        %swap3A_1604 = vector.shape_cast %mul3A_1594 : vector<16xf32> to vector<1x16xf32>
        tpu.vector_store %arg5[%swap3A_1600, %swap3A_1601], %swap3A_1604 {strides = array<i32>} : memref<8x6272xf32, #tpu.memory_space<vmem>>, vector<1x16xf32>,
        %mul3A_1605 = arith.constant 16 : i32
        %mul3A_1606 = arith.muli %scan3A_1563, %mul3A_1605 : i32
        %add3A_1607 = arith.constant 1024 : i32
        %add3A_1608 = arith.addi %add3A_1607, %mul3A_1606 : i32
        %get3A_1609 = arith.constant 2 : i32
        %get3A_1610 = arith.index_cast %get3A_1609 : i32 to index
        %get3A_1611 = arith.index_cast %add3A_1608 : i32 to index
        %get3A_1612 = tpu.vector_load %arg5[%get3A_1610, %get3A_1611] {strides = array<i32>} : memref<8x6272xf32, #tpu.memory_space<vmem>>, vector<1x16xf32>,
        %get3A_1613 = vector.shape_cast %get3A_1612 : vector<1x16xf32> to vector<16xf32>
        %mul3A_1614 = arith.mulf %get3A_1613, %div3A_779 : vector<16xf32>
        %mul3A_1615 = arith.constant 16 : i32
        %mul3A_1616 = arith.muli %scan3A_1563, %mul3A_1615 : i32
        %add3A_1617 = arith.constant 1024 : i32
        %add3A_1618 = arith.addi %add3A_1617, %mul3A_1616 : i32
        %swap3A_1619 = arith.constant 2 : i32
        %swap3A_1620 = arith.index_cast %swap3A_1619 : i32 to index
        %swap3A_1621 = arith.index_cast %add3A_1618 : i32 to index
        %swap3A_1622 = tpu.vector_load %arg5[%swap3A_1620, %swap3A_1621] {strides = array<i32>} : memref<8x6272xf32, #tpu.memory_space<vmem>>, vector<1x16xf32>,
        %swap3A_1623 = vector.shape_cast %swap3A_1622 : vector<1x16xf32> to vector<16xf32>
        %swap3A_1624 = vector.shape_cast %mul3A_1614 : vector<16xf32> to vector<1x16xf32>
        tpu.vector_store %arg5[%swap3A_1620, %swap3A_1621], %swap3A_1624 {strides = array<i32>} : memref<8x6272xf32, #tpu.memory_space<vmem>>, vector<1x16xf32>,
        %mul3A_1625 = arith.constant 16 : i32
        %mul3A_1626 = arith.muli %scan3A_1563, %mul3A_1625 : i32
        %add3A_1627 = arith.constant 1024 : i32
        %add3A_1628 = arith.addi %add3A_1627, %mul3A_1626 : i32
        %get3A_1629 = arith.constant 3 : i32
        %get3A_1630 = arith.index_cast %get3A_1629 : i32 to index
        %get3A_1631 = arith.index_cast %add3A_1628 : i32 to index
        %get3A_1632 = tpu.vector_load %arg5[%get3A_1630, %get3A_1631] {strides = array<i32>} : memref<8x6272xf32, #tpu.memory_space<vmem>>, vector<1x16xf32>,
        %get3A_1633 = vector.shape_cast %get3A_1632 : vector<1x16xf32> to vector<16xf32>
        %mul3A_1634 = arith.mulf %get3A_1633, %div3A_901 : vector<16xf32>
        %mul3A_1635 = arith.constant 16 : i32
        %mul3A_1636 = arith.muli %scan3A_1563, %mul3A_1635 : i32
        %add3A_1637 = arith.constant 1024 : i32
        %add3A_1638 = arith.addi %add3A_1637, %mul3A_1636 : i32
        %swap3A_1639 = arith.constant 3 : i32
        %swap3A_1640 = arith.index_cast %swap3A_1639 : i32 to index
        %swap3A_1641 = arith.index_cast %add3A_1638 : i32 to index
        %swap3A_1642 = tpu.vector_load %arg5[%swap3A_1640, %swap3A_1641] {strides = array<i32>} : memref<8x6272xf32, #tpu.memory_space<vmem>>, vector<1x16xf32>,
        %swap3A_1643 = vector.shape_cast %swap3A_1642 : vector<1x16xf32> to vector<16xf32>
        %swap3A_1644 = vector.shape_cast %mul3A_1634 : vector<16xf32> to vector<1x16xf32>
        tpu.vector_store %arg5[%swap3A_1640, %swap3A_1641], %swap3A_1644 {strides = array<i32>} : memref<8x6272xf32, #tpu.memory_space<vmem>>, vector<1x16xf32>,
        %mul3A_1645 = arith.constant 16 : i32
        %mul3A_1646 = arith.muli %scan3A_1563, %mul3A_1645 : i32
        %add3A_1647 = arith.constant 1024 : i32
        %add3A_1648 = arith.addi %add3A_1647, %mul3A_1646 : i32
        %get3A_1649 = arith.constant 4 : i32
        %get3A_1650 = arith.index_cast %get3A_1649 : i32 to index
        %get3A_1651 = arith.index_cast %add3A_1648 : i32 to index
        %get3A_1652 = tpu.vector_load %arg5[%get3A_1650, %get3A_1651] {strides = array<i32>} : memref<8x6272xf32, #tpu.memory_space<vmem>>, vector<1x16xf32>,
        %get3A_1653 = vector.shape_cast %get3A_1652 : vector<1x16xf32> to vector<16xf32>
        %mul3A_1654 = arith.mulf %get3A_1653, %div3A_1023 : vector<16xf32>
        %mul3A_1655 = arith.constant 16 : i32
        %mul3A_1656 = arith.muli %scan3A_1563, %mul3A_1655 : i32
        %add3A_1657 = arith.constant 1024 : i32
        %add3A_1658 = arith.addi %add3A_1657, %mul3A_1656 : i32
        %swap3A_1659 = arith.constant 4 : i32
        %swap3A_1660 = arith.index_cast %swap3A_1659 : i32 to index
        %swap3A_1661 = arith.index_cast %add3A_1658 : i32 to index
        %swap3A_1662 = tpu.vector_load %arg5[%swap3A_1660, %swap3A_1661] {strides = array<i32>} : memref<8x6272xf32, #tpu.memory_space<vmem>>, vector<1x16xf32>,
        %swap3A_1663 = vector.shape_cast %swap3A_1662 : vector<1x16xf32> to vector<16xf32>
        %swap3A_1664 = vector.shape_cast %mul3A_1654 : vector<16xf32> to vector<1x16xf32>
        tpu.vector_store %arg5[%swap3A_1660, %swap3A_1661], %swap3A_1664 {strides = array<i32>} : memref<8x6272xf32, #tpu.memory_space<vmem>>, vector<1x16xf32>,
        %mul3A_1665 = arith.constant 16 : i32
        %mul3A_1666 = arith.muli %scan3A_1563, %mul3A_1665 : i32
        %add3A_1667 = arith.constant 1024 : i32
        %add3A_1668 = arith.addi %add3A_1667, %mul3A_1666 : i32
        %get3A_1669 = arith.constant 5 : i32
        %get3A_1670 = arith.index_cast %get3A_1669 : i32 to index
        %get3A_1671 = arith.index_cast %add3A_1668 : i32 to index
        %get3A_1672 = tpu.vector_load %arg5[%get3A_1670, %get3A_1671] {strides = array<i32>} : memref<8x6272xf32, #tpu.memory_space<vmem>>, vector<1x16xf32>,
        %get3A_1673 = vector.shape_cast %get3A_1672 : vector<1x16xf32> to vector<16xf32>
        %mul3A_1674 = arith.mulf %get3A_1673, %div3A_1145 : vector<16xf32>
        %mul3A_1675 = arith.constant 16 : i32
        %mul3A_1676 = arith.muli %scan3A_1563, %mul3A_1675 : i32
        %add3A_1677 = arith.constant 1024 : i32
        %add3A_1678 = arith.addi %add3A_1677, %mul3A_1676 : i32
        %swap3A_1679 = arith.constant 5 : i32
        %swap3A_1680 = arith.index_cast %swap3A_1679 : i32 to index
        %swap3A_1681 = arith.index_cast %add3A_1678 : i32 to index
        %swap3A_1682 = tpu.vector_load %arg5[%swap3A_1680, %swap3A_1681] {strides = array<i32>} : memref<8x6272xf32, #tpu.memory_space<vmem>>, vector<1x16xf32>,
        %swap3A_1683 = vector.shape_cast %swap3A_1682 : vector<1x16xf32> to vector<16xf32>
        %swap3A_1684 = vector.shape_cast %mul3A_1674 : vector<16xf32> to vector<1x16xf32>
        tpu.vector_store %arg5[%swap3A_1680, %swap3A_1681], %swap3A_1684 {strides = array<i32>} : memref<8x6272xf32, #tpu.memory_space<vmem>>, vector<1x16xf32>,
        %mul3A_1685 = arith.constant 16 : i32
        %mul3A_1686 = arith.muli %scan3A_1563, %mul3A_1685 : i32
        %add3A_1687 = arith.constant 1024 : i32
        %add3A_1688 = arith.addi %add3A_1687, %mul3A_1686 : i32
        %get3A_1689 = arith.constant 6 : i32
        %get3A_1690 = arith.index_cast %get3A_1689 : i32 to index
        %get3A_1691 = arith.index_cast %add3A_1688 : i32 to index
        %get3A_1692 = tpu.vector_load %arg5[%get3A_1690, %get3A_1691] {strides = array<i32>} : memref<8x6272xf32, #tpu.memory_space<vmem>>, vector<1x16xf32>,
        %get3A_1693 = vector.shape_cast %get3A_1692 : vector<1x16xf32> to vector<16xf32>
        %mul3A_1694 = arith.mulf %get3A_1693, %div3A_1267 : vector<16xf32>
        %mul3A_1695 = arith.constant 16 : i32
        %mul3A_1696 = arith.muli %scan3A_1563, %mul3A_1695 : i32
        %add3A_1697 = arith.constant 1024 : i32
        %add3A_1698 = arith.addi %add3A_1697, %mul3A_1696 : i32
        %swap3A_1699 = arith.constant 6 : i32
        %swap3A_1700 = arith.index_cast %swap3A_1699 : i32 to index
        %swap3A_1701 = arith.index_cast %add3A_1698 : i32 to index
        %swap3A_1702 = tpu.vector_load %arg5[%swap3A_1700, %swap3A_1701] {strides = array<i32>} : memref<8x6272xf32, #tpu.memory_space<vmem>>, vector<1x16xf32>,
        %swap3A_1703 = vector.shape_cast %swap3A_1702 : vector<1x16xf32> to vector<16xf32>
        %swap3A_1704 = vector.shape_cast %mul3A_1694 : vector<16xf32> to vector<1x16xf32>
        tpu.vector_store %arg5[%swap3A_1700, %swap3A_1701], %swap3A_1704 {strides = array<i32>} : memref<8x6272xf32, #tpu.memory_space<vmem>>, vector<1x16xf32>,
        %mul3A_1705 = arith.constant 16 : i32
        %mul3A_1706 = arith.muli %scan3A_1563, %mul3A_1705 : i32
        %add3A_1707 = arith.constant 1024 : i32
        %add3A_1708 = arith.addi %add3A_1707, %mul3A_1706 : i32
        %get3A_1709 = arith.constant 7 : i32
        %get3A_1710 = arith.index_cast %get3A_1709 : i32 to index
        %get3A_1711 = arith.index_cast %add3A_1708 : i32 to index
        %get3A_1712 = tpu.vector_load %arg5[%get3A_1710, %get3A_1711] {strides = array<i32>} : memref<8x6272xf32, #tpu.memory_space<vmem>>, vector<1x16xf32>,
        %get3A_1713 = vector.shape_cast %get3A_1712 : vector<1x16xf32> to vector<16xf32>
        %mul3A_1714 = arith.mulf %get3A_1713, %div3A_1389 : vector<16xf32>
        %mul3A_1715 = arith.constant 16 : i32
        %mul3A_1716 = arith.muli %scan3A_1563, %mul3A_1715 : i32
        %add3A_1717 = arith.constant 1024 : i32
        %add3A_1718 = arith.addi %add3A_1717, %mul3A_1716 : i32
        %swap3A_1719 = arith.constant 7 : i32
        %swap3A_1720 = arith.index_cast %swap3A_1719 : i32 to index
        %swap3A_1721 = arith.index_cast %add3A_1718 : i32 to index
        %swap3A_1722 = tpu.vector_load %arg5[%swap3A_1720, %swap3A_1721] {strides = array<i32>} : memref<8x6272xf32, #tpu.memory_space<vmem>>, vector<1x16xf32>,
        %swap3A_1723 = vector.shape_cast %swap3A_1722 : vector<1x16xf32> to vector<16xf32>
        %swap3A_1724 = vector.shape_cast %mul3A_1714 : vector<16xf32> to vector<1x16xf32>
        tpu.vector_store %arg5[%swap3A_1720, %swap3A_1721], %swap3A_1724 {strides = array<i32>} : memref<8x6272xf32, #tpu.memory_space<vmem>>, vector<1x16xf32>,
        %scan3A_1725 = arith.constant 0 : i32
        scf.yield %scan3A_1725 : i32
      }
      %scan3A_1416 = arith.constant 64 : i32
      %mul3A_1417 = arith.constant 1024 : i32
      %mul3A_1418 = arith.muli %arg1, %mul3A_1417 : i32
      %add3A_1419 = arith.constant 16384 : i32
      %add3A_1420 = arith.addi %add3A_1419, %mul3A_1418 : i32
      %multiple_of3A_1421 = tpu.assume_multiple %add3A_1420, 128 : i32
      %dma_start3A_1422 = arith.constant 0 : i32
      %dma_start3A_1423 = arith.constant 1024 : i32
      %dma_start3A_1424 = tpu.memref_slice %arg5[%dma_start3A_1422, %dma_start3A_1423] : memref<8x6272xf32, #tpu.memory_space<vmem>> -> memref<8x1024xf32, #tpu.memory_space<vmem>>
      %dma_start3A_1425 = tpu.memref_slice %arg4[%multiple_of3A_14, %multiple_of3A_1421] : memref<128x100000xf32, #tpu.memory_space<hbm>> -> memref<8x1024xf32, #tpu.memory_space<hbm>>
      %dma_start3A_1426 = tpu.memref_slice %arg4[%multiple_of3A_14, %multiple_of3A_1421] : memref<128x100000xf32, #tpu.memory_space<hbm>> -> memref<8x1024xf32, #tpu.memory_space<hbm>>
      %dma_start3A_1427 = arith.constant 0 : i32
      %dma_start3A_1428 = arith.constant 1024 : i32
      %dma_start3A_1429 = tpu.memref_slice %arg5[%dma_start3A_1427, %dma_start3A_1428] : memref<8x6272xf32, #tpu.memory_space<vmem>> -> memref<8x1024xf32, #tpu.memory_space<vmem>>
      tpu.enqueue_dma source(%dma_start3A_1429 : memref<8x1024xf32, #tpu.memory_space<vmem>>) target(%dma_start3A_1426 : memref<8x1024xf32, #tpu.memory_space<hbm>>) target_semaphore(%arg13 : memref<!tpu.dma_semaphore, #tpu.memory_space<semaphore_mem>>)
      %scan3A_1430 = arith.constant 0 : i32
      %scan3A_1431 = arith.constant 0 : i32
      %scan3A_1432 = arith.constant 64 : i32
      %scan3A_1433 = arith.addi %scan3A_1431, %scan3A_1432 : i32
      %scan3A_1434 = arith.constant 1 : i32
      %scan3A_1435 = scf.for %scan3A_1563 = %scan3A_1431 to %scan3A_1433 step %scan3A_1434 iter_args(%scan3A_1564 = %scan3A_1430) -> (i32)  : i32 {
        %mul3A_1565 = arith.constant 16 : i32
        %mul3A_1566 = arith.muli %scan3A_1563, %mul3A_1565 : i32
        %add3A_1567 = arith.constant 2048 : i32
        %add3A_1568 = arith.addi %add3A_1567, %mul3A_1566 : i32
        %get3A_1569 = arith.constant 0 : i32
        %get3A_1570 = arith.index_cast %get3A_1569 : i32 to index
        %get3A_1571 = arith.index_cast %add3A_1568 : i32 to index
        %get3A_1572 = tpu.vector_load %arg5[%get3A_1570, %get3A_1571] {strides = array<i32>} : memref<8x6272xf32, #tpu.memory_space<vmem>>, vector<1x16xf32>,
        %get3A_1573 = vector.shape_cast %get3A_1572 : vector<1x16xf32> to vector<16xf32>
        %mul3A_1574 = arith.mulf %get3A_1573, %div3A_535 : vector<16xf32>
        %mul3A_1575 = arith.constant 16 : i32
        %mul3A_1576 = arith.muli %scan3A_1563, %mul3A_1575 : i32
        %add3A_1577 = arith.constant 2048 : i32
        %add3A_1578 = arith.addi %add3A_1577, %mul3A_1576 : i32
        %swap3A_1579 = arith.constant 0 : i32
        %swap3A_1580 = arith.index_cast %swap3A_1579 : i32 to index
        %swap3A_1581 = arith.index_cast %add3A_1578 : i32 to index
        %swap3A_1582 = tpu.vector_load %arg5[%swap3A_1580, %swap3A_1581] {strides = array<i32>} : memref<8x6272xf32, #tpu.memory_space<vmem>>, vector<1x16xf32>,
        %swap3A_1583 = vector.shape_cast %swap3A_1582 : vector<1x16xf32> to vector<16xf32>
        %swap3A_1584 = vector.shape_cast %mul3A_1574 : vector<16xf32> to vector<1x16xf32>
        tpu.vector_store %arg5[%swap3A_1580, %swap3A_1581], %swap3A_1584 {strides = array<i32>} : memref<8x6272xf32, #tpu.memory_space<vmem>>, vector<1x16xf32>,
        %mul3A_1585 = arith.constant 16 : i32
        %mul3A_1586 = arith.muli %scan3A_1563, %mul3A_1585 : i32
        %add3A_1587 = arith.constant 2048 : i32
        %add3A_1588 = arith.addi %add3A_1587, %mul3A_1586 : i32
        %get3A_1589 = arith.constant 1 : i32
        %get3A_1590 = arith.index_cast %get3A_1589 : i32 to index
        %get3A_1591 = arith.index_cast %add3A_1588 : i32 to index
        %get3A_1592 = tpu.vector_load %arg5[%get3A_1590, %get3A_1591] {strides = array<i32>} : memref<8x6272xf32, #tpu.memory_space<vmem>>, vector<1x16xf32>,
        %get3A_1593 = vector.shape_cast %get3A_1592 : vector<1x16xf32> to vector<16xf32>
        %mul3A_1594 = arith.mulf %get3A_1593, %div3A_657 : vector<16xf32>
        %mul3A_1595 = arith.constant 16 : i32
        %mul3A_1596 = arith.muli %scan3A_1563, %mul3A_1595 : i32
        %add3A_1597 = arith.constant 2048 : i32
        %add3A_1598 = arith.addi %add3A_1597, %mul3A_1596 : i32
        %swap3A_1599 = arith.constant 1 : i32
        %swap3A_1600 = arith.index_cast %swap3A_1599 : i32 to index
        %swap3A_1601 = arith.index_cast %add3A_1598 : i32 to index
        %swap3A_1602 = tpu.vector_load %arg5[%swap3A_1600, %swap3A_1601] {strides = array<i32>} : memref<8x6272xf32, #tpu.memory_space<vmem>>, vector<1x16xf32>,
        %swap3A_1603 = vector.shape_cast %swap3A_1602 : vector<1x16xf32> to vector<16xf32>
        %swap3A_1604 = vector.shape_cast %mul3A_1594 : vector<16xf32> to vector<1x16xf32>
        tpu.vector_store %arg5[%swap3A_1600, %swap3A_1601], %swap3A_1604 {strides = array<i32>} : memref<8x6272xf32, #tpu.memory_space<vmem>>, vector<1x16xf32>,
        %mul3A_1605 = arith.constant 16 : i32
        %mul3A_1606 = arith.muli %scan3A_1563, %mul3A_1605 : i32
        %add3A_1607 = arith.constant 2048 : i32
        %add3A_1608 = arith.addi %add3A_1607, %mul3A_1606 : i32
        %get3A_1609 = arith.constant 2 : i32
        %get3A_1610 = arith.index_cast %get3A_1609 : i32 to index
        %get3A_1611 = arith.index_cast %add3A_1608 : i32 to index
        %get3A_1612 = tpu.vector_load %arg5[%get3A_1610, %get3A_1611] {strides = array<i32>} : memref<8x6272xf32, #tpu.memory_space<vmem>>, vector<1x16xf32>,
        %get3A_1613 = vector.shape_cast %get3A_1612 : vector<1x16xf32> to vector<16xf32>
        %mul3A_1614 = arith.mulf %get3A_1613, %div3A_779 : vector<16xf32>
        %mul3A_1615 = arith.constant 16 : i32
        %mul3A_1616 = arith.muli %scan3A_1563, %mul3A_1615 : i32
        %add3A_1617 = arith.constant 2048 : i32
        %add3A_1618 = arith.addi %add3A_1617, %mul3A_1616 : i32
        %swap3A_1619 = arith.constant 2 : i32
        %swap3A_1620 = arith.index_cast %swap3A_1619 : i32 to index
        %swap3A_1621 = arith.index_cast %add3A_1618 : i32 to index
        %swap3A_1622 = tpu.vector_load %arg5[%swap3A_1620, %swap3A_1621] {strides = array<i32>} : memref<8x6272xf32, #tpu.memory_space<vmem>>, vector<1x16xf32>,
        %swap3A_1623 = vector.shape_cast %swap3A_1622 : vector<1x16xf32> to vector<16xf32>
        %swap3A_1624 = vector.shape_cast %mul3A_1614 : vector<16xf32> to vector<1x16xf32>
        tpu.vector_store %arg5[%swap3A_1620, %swap3A_1621], %swap3A_1624 {strides = array<i32>} : memref<8x6272xf32, #tpu.memory_space<vmem>>, vector<1x16xf32>,
        %mul3A_1625 = arith.constant 16 : i32
        %mul3A_1626 = arith.muli %scan3A_1563, %mul3A_1625 : i32
        %add3A_1627 = arith.constant 2048 : i32
        %add3A_1628 = arith.addi %add3A_1627, %mul3A_1626 : i32
        %get3A_1629 = arith.constant 3 : i32
        %get3A_1630 = arith.index_cast %get3A_1629 : i32 to index
        %get3A_1631 = arith.index_cast %add3A_1628 : i32 to index
        %get3A_1632 = tpu.vector_load %arg5[%get3A_1630, %get3A_1631] {strides = array<i32>} : memref<8x6272xf32, #tpu.memory_space<vmem>>, vector<1x16xf32>,
        %get3A_1633 = vector.shape_cast %get3A_1632 : vector<1x16xf32> to vector<16xf32>
        %mul3A_1634 = arith.mulf %get3A_1633, %div3A_901 : vector<16xf32>
        %mul3A_1635 = arith.constant 16 : i32
        %mul3A_1636 = arith.muli %scan3A_1563, %mul3A_1635 : i32
        %add3A_1637 = arith.constant 2048 : i32
        %add3A_1638 = arith.addi %add3A_1637, %mul3A_1636 : i32
        %swap3A_1639 = arith.constant 3 : i32
        %swap3A_1640 = arith.index_cast %swap3A_1639 : i32 to index
        %swap3A_1641 = arith.index_cast %add3A_1638 : i32 to index
        %swap3A_1642 = tpu.vector_load %arg5[%swap3A_1640, %swap3A_1641] {strides = array<i32>} : memref<8x6272xf32, #tpu.memory_space<vmem>>, vector<1x16xf32>,
        %swap3A_1643 = vector.shape_cast %swap3A_1642 : vector<1x16xf32> to vector<16xf32>
        %swap3A_1644 = vector.shape_cast %mul3A_1634 : vector<16xf32> to vector<1x16xf32>
        tpu.vector_store %arg5[%swap3A_1640, %swap3A_1641], %swap3A_1644 {strides = array<i32>} : memref<8x6272xf32, #tpu.memory_space<vmem>>, vector<1x16xf32>,
        %mul3A_1645 = arith.constant 16 : i32
        %mul3A_1646 = arith.muli %scan3A_1563, %mul3A_1645 : i32
        %add3A_1647 = arith.constant 2048 : i32
        %add3A_1648 = arith.addi %add3A_1647, %mul3A_1646 : i32
        %get3A_1649 = arith.constant 4 : i32
        %get3A_1650 = arith.index_cast %get3A_1649 : i32 to index
        %get3A_1651 = arith.index_cast %add3A_1648 : i32 to index
        %get3A_1652 = tpu.vector_load %arg5[%get3A_1650, %get3A_1651] {strides = array<i32>} : memref<8x6272xf32, #tpu.memory_space<vmem>>, vector<1x16xf32>,
        %get3A_1653 = vector.shape_cast %get3A_1652 : vector<1x16xf32> to vector<16xf32>
        %mul3A_1654 = arith.mulf %get3A_1653, %div3A_1023 : vector<16xf32>
        %mul3A_1655 = arith.constant 16 : i32
        %mul3A_1656 = arith.muli %scan3A_1563, %mul3A_1655 : i32
        %add3A_1657 = arith.constant 2048 : i32
        %add3A_1658 = arith.addi %add3A_1657, %mul3A_1656 : i32
        %swap3A_1659 = arith.constant 4 : i32
        %swap3A_1660 = arith.index_cast %swap3A_1659 : i32 to index
        %swap3A_1661 = arith.index_cast %add3A_1658 : i32 to index
        %swap3A_1662 = tpu.vector_load %arg5[%swap3A_1660, %swap3A_1661] {strides = array<i32>} : memref<8x6272xf32, #tpu.memory_space<vmem>>, vector<1x16xf32>,
        %swap3A_1663 = vector.shape_cast %swap3A_1662 : vector<1x16xf32> to vector<16xf32>
        %swap3A_1664 = vector.shape_cast %mul3A_1654 : vector<16xf32> to vector<1x16xf32>
        tpu.vector_store %arg5[%swap3A_1660, %swap3A_1661], %swap3A_1664 {strides = array<i32>} : memref<8x6272xf32, #tpu.memory_space<vmem>>, vector<1x16xf32>,
        %mul3A_1665 = arith.constant 16 : i32
        %mul3A_1666 = arith.muli %scan3A_1563, %mul3A_1665 : i32
        %add3A_1667 = arith.constant 2048 : i32
        %add3A_1668 = arith.addi %add3A_1667, %mul3A_1666 : i32
        %get3A_1669 = arith.constant 5 : i32
        %get3A_1670 = arith.index_cast %get3A_1669 : i32 to index
        %get3A_1671 = arith.index_cast %add3A_1668 : i32 to index
        %get3A_1672 = tpu.vector_load %arg5[%get3A_1670, %get3A_1671] {strides = array<i32>} : memref<8x6272xf32, #tpu.memory_space<vmem>>, vector<1x16xf32>,
        %get3A_1673 = vector.shape_cast %get3A_1672 : vector<1x16xf32> to vector<16xf32>
        %mul3A_1674 = arith.mulf %get3A_1673, %div3A_1145 : vector<16xf32>
        %mul3A_1675 = arith.constant 16 : i32
        %mul3A_1676 = arith.muli %scan3A_1563, %mul3A_1675 : i32
        %add3A_1677 = arith.constant 2048 : i32
        %add3A_1678 = arith.addi %add3A_1677, %mul3A_1676 : i32
        %swap3A_1679 = arith.constant 5 : i32
        %swap3A_1680 = arith.index_cast %swap3A_1679 : i32 to index
        %swap3A_1681 = arith.index_cast %add3A_1678 : i32 to index
        %swap3A_1682 = tpu.vector_load %arg5[%swap3A_1680, %swap3A_1681] {strides = array<i32>} : memref<8x6272xf32, #tpu.memory_space<vmem>>, vector<1x16xf32>,
        %swap3A_1683 = vector.shape_cast %swap3A_1682 : vector<1x16xf32> to vector<16xf32>
        %swap3A_1684 = vector.shape_cast %mul3A_1674 : vector<16xf32> to vector<1x16xf32>
        tpu.vector_store %arg5[%swap3A_1680, %swap3A_1681], %swap3A_1684 {strides = array<i32>} : memref<8x6272xf32, #tpu.memory_space<vmem>>, vector<1x16xf32>,
        %mul3A_1685 = arith.constant 16 : i32
        %mul3A_1686 = arith.muli %scan3A_1563, %mul3A_1685 : i32
        %add3A_1687 = arith.constant 2048 : i32
        %add3A_1688 = arith.addi %add3A_1687, %mul3A_1686 : i32
        %get3A_1689 = arith.constant 6 : i32
        %get3A_1690 = arith.index_cast %get3A_1689 : i32 to index
        %get3A_1691 = arith.index_cast %add3A_1688 : i32 to index
        %get3A_1692 = tpu.vector_load %arg5[%get3A_1690, %get3A_1691] {strides = array<i32>} : memref<8x6272xf32, #tpu.memory_space<vmem>>, vector<1x16xf32>,
        %get3A_1693 = vector.shape_cast %get3A_1692 : vector<1x16xf32> to vector<16xf32>
        %mul3A_1694 = arith.mulf %get3A_1693, %div3A_1267 : vector<16xf32>
        %mul3A_1695 = arith.constant 16 : i32
        %mul3A_1696 = arith.muli %scan3A_1563, %mul3A_1695 : i32
        %add3A_1697 = arith.constant 2048 : i32
        %add3A_1698 = arith.addi %add3A_1697, %mul3A_1696 : i32
        %swap3A_1699 = arith.constant 6 : i32
        %swap3A_1700 = arith.index_cast %swap3A_1699 : i32 to index
        %swap3A_1701 = arith.index_cast %add3A_1698 : i32 to index
        %swap3A_1702 = tpu.vector_load %arg5[%swap3A_1700, %swap3A_1701] {strides = array<i32>} : memref<8x6272xf32, #tpu.memory_space<vmem>>, vector<1x16xf32>,
        %swap3A_1703 = vector.shape_cast %swap3A_1702 : vector<1x16xf32> to vector<16xf32>
        %swap3A_1704 = vector.shape_cast %mul3A_1694 : vector<16xf32> to vector<1x16xf32>
        tpu.vector_store %arg5[%swap3A_1700, %swap3A_1701], %swap3A_1704 {strides = array<i32>} : memref<8x6272xf32, #tpu.memory_space<vmem>>, vector<1x16xf32>,
        %mul3A_1705 = arith.constant 16 : i32
        %mul3A_1706 = arith.muli %scan3A_1563, %mul3A_1705 : i32
        %add3A_1707 = arith.constant 2048 : i32
        %add3A_1708 = arith.addi %add3A_1707, %mul3A_1706 : i32
        %get3A_1709 = arith.constant 7 : i32
        %get3A_1710 = arith.index_cast %get3A_1709 : i32 to index
        %get3A_1711 = arith.index_cast %add3A_1708 : i32 to index
        %get3A_1712 = tpu.vector_load %arg5[%get3A_1710, %get3A_1711] {strides = array<i32>} : memref<8x6272xf32, #tpu.memory_space<vmem>>, vector<1x16xf32>,
        %get3A_1713 = vector.shape_cast %get3A_1712 : vector<1x16xf32> to vector<16xf32>
        %mul3A_1714 = arith.mulf %get3A_1713, %div3A_1389 : vector<16xf32>
        %mul3A_1715 = arith.constant 16 : i32
        %mul3A_1716 = arith.muli %scan3A_1563, %mul3A_1715 : i32
        %add3A_1717 = arith.constant 2048 : i32
        %add3A_1718 = arith.addi %add3A_1717, %mul3A_1716 : i32
        %swap3A_1719 = arith.constant 7 : i32
        %swap3A_1720 = arith.index_cast %swap3A_1719 : i32 to index
        %swap3A_1721 = arith.index_cast %add3A_1718 : i32 to index
        %swap3A_1722 = tpu.vector_load %arg5[%swap3A_1720, %swap3A_1721] {strides = array<i32>} : memref<8x6272xf32, #tpu.memory_space<vmem>>, vector<1x16xf32>,
        %swap3A_1723 = vector.shape_cast %swap3A_1722 : vector<1x16xf32> to vector<16xf32>
        %swap3A_1724 = vector.shape_cast %mul3A_1714 : vector<16xf32> to vector<1x16xf32>
        tpu.vector_store %arg5[%swap3A_1720, %swap3A_1721], %swap3A_1724 {strides = array<i32>} : memref<8x6272xf32, #tpu.memory_space<vmem>>, vector<1x16xf32>,
        %scan3A_1725 = arith.constant 0 : i32
        scf.yield %scan3A_1725 : i32
      }
      %scan3A_1436 = arith.constant 64 : i32
      %mul3A_1437 = arith.constant 1024 : i32
      %mul3A_1438 = arith.muli %arg1, %mul3A_1437 : i32
      %add3A_1439 = arith.constant 32768 : i32
      %add3A_1440 = arith.addi %add3A_1439, %mul3A_1438 : i32
      %multiple_of3A_1441 = tpu.assume_multiple %add3A_1440, 128 : i32
      %dma_start3A_1442 = arith.constant 0 : i32
      %dma_start3A_1443 = arith.constant 2048 : i32
      %dma_start3A_1444 = tpu.memref_slice %arg5[%dma_start3A_1442, %dma_start3A_1443] : memref<8x6272xf32, #tpu.memory_space<vmem>> -> memref<8x1024xf32, #tpu.memory_space<vmem>>
      %dma_start3A_1445 = tpu.memref_slice %arg4[%multiple_of3A_14, %multiple_of3A_1441] : memref<128x100000xf32, #tpu.memory_space<hbm>> -> memref<8x1024xf32, #tpu.memory_space<hbm>>
      %dma_start3A_1446 = tpu.memref_slice %arg4[%multiple_of3A_14, %multiple_of3A_1441] : memref<128x100000xf32, #tpu.memory_space<hbm>> -> memref<8x1024xf32, #tpu.memory_space<hbm>>
      %dma_start3A_1447 = arith.constant 0 : i32
      %dma_start3A_1448 = arith.constant 2048 : i32
      %dma_start3A_1449 = tpu.memref_slice %arg5[%dma_start3A_1447, %dma_start3A_1448] : memref<8x6272xf32, #tpu.memory_space<vmem>> -> memref<8x1024xf32, #tpu.memory_space<vmem>>
      tpu.enqueue_dma source(%dma_start3A_1449 : memref<8x1024xf32, #tpu.memory_space<vmem>>) target(%dma_start3A_1446 : memref<8x1024xf32, #tpu.memory_space<hbm>>) target_semaphore(%arg13 : memref<!tpu.dma_semaphore, #tpu.memory_space<semaphore_mem>>)
      %scan3A_1450 = arith.constant 0 : i32
      %scan3A_1451 = arith.constant 0 : i32
      %scan3A_1452 = arith.constant 64 : i32
      %scan3A_1453 = arith.addi %scan3A_1451, %scan3A_1452 : i32
      %scan3A_1454 = arith.constant 1 : i32
      %scan3A_1455 = scf.for %scan3A_1563 = %scan3A_1451 to %scan3A_1453 step %scan3A_1454 iter_args(%scan3A_1564 = %scan3A_1450) -> (i32)  : i32 {
        %mul3A_1565 = arith.constant 16 : i32
        %mul3A_1566 = arith.muli %scan3A_1563, %mul3A_1565 : i32
        %add3A_1567 = arith.constant 3072 : i32
        %add3A_1568 = arith.addi %add3A_1567, %mul3A_1566 : i32
        %get3A_1569 = arith.constant 0 : i32
        %get3A_1570 = arith.index_cast %get3A_1569 : i32 to index
        %get3A_1571 = arith.index_cast %add3A_1568 : i32 to index
        %get3A_1572 = tpu.vector_load %arg5[%get3A_1570, %get3A_1571] {strides = array<i32>} : memref<8x6272xf32, #tpu.memory_space<vmem>>, vector<1x16xf32>,
        %get3A_1573 = vector.shape_cast %get3A_1572 : vector<1x16xf32> to vector<16xf32>
        %mul3A_1574 = arith.mulf %get3A_1573, %div3A_535 : vector<16xf32>
        %mul3A_1575 = arith.constant 16 : i32
        %mul3A_1576 = arith.muli %scan3A_1563, %mul3A_1575 : i32
        %add3A_1577 = arith.constant 3072 : i32
        %add3A_1578 = arith.addi %add3A_1577, %mul3A_1576 : i32
        %swap3A_1579 = arith.constant 0 : i32
        %swap3A_1580 = arith.index_cast %swap3A_1579 : i32 to index
        %swap3A_1581 = arith.index_cast %add3A_1578 : i32 to index
        %swap3A_1582 = tpu.vector_load %arg5[%swap3A_1580, %swap3A_1581] {strides = array<i32>} : memref<8x6272xf32, #tpu.memory_space<vmem>>, vector<1x16xf32>,
        %swap3A_1583 = vector.shape_cast %swap3A_1582 : vector<1x16xf32> to vector<16xf32>
        %swap3A_1584 = vector.shape_cast %mul3A_1574 : vector<16xf32> to vector<1x16xf32>
        tpu.vector_store %arg5[%swap3A_1580, %swap3A_1581], %swap3A_1584 {strides = array<i32>} : memref<8x6272xf32, #tpu.memory_space<vmem>>, vector<1x16xf32>,
        %mul3A_1585 = arith.constant 16 : i32
        %mul3A_1586 = arith.muli %scan3A_1563, %mul3A_1585 : i32
        %add3A_1587 = arith.constant 3072 : i32
        %add3A_1588 = arith.addi %add3A_1587, %mul3A_1586 : i32
        %get3A_1589 = arith.constant 1 : i32
        %get3A_1590 = arith.index_cast %get3A_1589 : i32 to index
        %get3A_1591 = arith.index_cast %add3A_1588 : i32 to index
        %get3A_1592 = tpu.vector_load %arg5[%get3A_1590, %get3A_1591] {strides = array<i32>} : memref<8x6272xf32, #tpu.memory_space<vmem>>, vector<1x16xf32>,
        %get3A_1593 = vector.shape_cast %get3A_1592 : vector<1x16xf32> to vector<16xf32>
        %mul3A_1594 = arith.mulf %get3A_1593, %div3A_657 : vector<16xf32>
        %mul3A_1595 = arith.constant 16 : i32
        %mul3A_1596 = arith.muli %scan3A_1563, %mul3A_1595 : i32
        %add3A_1597 = arith.constant 3072 : i32
        %add3A_1598 = arith.addi %add3A_1597, %mul3A_1596 : i32
        %swap3A_1599 = arith.constant 1 : i32
        %swap3A_1600 = arith.index_cast %swap3A_1599 : i32 to index
        %swap3A_1601 = arith.index_cast %add3A_1598 : i32 to index
        %swap3A_1602 = tpu.vector_load %arg5[%swap3A_1600, %swap3A_1601] {strides = array<i32>} : memref<8x6272xf32, #tpu.memory_space<vmem>>, vector<1x16xf32>,
        %swap3A_1603 = vector.shape_cast %swap3A_1602 : vector<1x16xf32> to vector<16xf32>
        %swap3A_1604 = vector.shape_cast %mul3A_1594 : vector<16xf32> to vector<1x16xf32>
        tpu.vector_store %arg5[%swap3A_1600, %swap3A_1601], %swap3A_1604 {strides = array<i32>} : memref<8x6272xf32, #tpu.memory_space<vmem>>, vector<1x16xf32>,
        %mul3A_1605 = arith.constant 16 : i32
        %mul3A_1606 = arith.muli %scan3A_1563, %mul3A_1605 : i32
        %add3A_1607 = arith.constant 3072 : i32
        %add3A_1608 = arith.addi %add3A_1607, %mul3A_1606 : i32
        %get3A_1609 = arith.constant 2 : i32
        %get3A_1610 = arith.index_cast %get3A_1609 : i32 to index
        %get3A_1611 = arith.index_cast %add3A_1608 : i32 to index
        %get3A_1612 = tpu.vector_load %arg5[%get3A_1610, %get3A_1611] {strides = array<i32>} : memref<8x6272xf32, #tpu.memory_space<vmem>>, vector<1x16xf32>,
        %get3A_1613 = vector.shape_cast %get3A_1612 : vector<1x16xf32> to vector<16xf32>
        %mul3A_1614 = arith.mulf %get3A_1613, %div3A_779 : vector<16xf32>
        %mul3A_1615 = arith.constant 16 : i32
        %mul3A_1616 = arith.muli %scan3A_1563, %mul3A_1615 : i32
        %add3A_1617 = arith.constant 3072 : i32
        %add3A_1618 = arith.addi %add3A_1617, %mul3A_1616 : i32
        %swap3A_1619 = arith.constant 2 : i32
        %swap3A_1620 = arith.index_cast %swap3A_1619 : i32 to index
        %swap3A_1621 = arith.index_cast %add3A_1618 : i32 to index
        %swap3A_1622 = tpu.vector_load %arg5[%swap3A_1620, %swap3A_1621] {strides = array<i32>} : memref<8x6272xf32, #tpu.memory_space<vmem>>, vector<1x16xf32>,
        %swap3A_1623 = vector.shape_cast %swap3A_1622 : vector<1x16xf32> to vector<16xf32>
        %swap3A_1624 = vector.shape_cast %mul3A_1614 : vector<16xf32> to vector<1x16xf32>
        tpu.vector_store %arg5[%swap3A_1620, %swap3A_1621], %swap3A_1624 {strides = array<i32>} : memref<8x6272xf32, #tpu.memory_space<vmem>>, vector<1x16xf32>,
        %mul3A_1625 = arith.constant 16 : i32
        %mul3A_1626 = arith.muli %scan3A_1563, %mul3A_1625 : i32
        %add3A_1627 = arith.constant 3072 : i32
        %add3A_1628 = arith.addi %add3A_1627, %mul3A_1626 : i32
        %get3A_1629 = arith.constant 3 : i32
        %get3A_1630 = arith.index_cast %get3A_1629 : i32 to index
        %get3A_1631 = arith.index_cast %add3A_1628 : i32 to index
        %get3A_1632 = tpu.vector_load %arg5[%get3A_1630, %get3A_1631] {strides = array<i32>} : memref<8x6272xf32, #tpu.memory_space<vmem>>, vector<1x16xf32>,
        %get3A_1633 = vector.shape_cast %get3A_1632 : vector<1x16xf32> to vector<16xf32>
        %mul3A_1634 = arith.mulf %get3A_1633, %div3A_901 : vector<16xf32>
        %mul3A_1635 = arith.constant 16 : i32
        %mul3A_1636 = arith.muli %scan3A_1563, %mul3A_1635 : i32
        %add3A_1637 = arith.constant 3072 : i32
        %add3A_1638 = arith.addi %add3A_1637, %mul3A_1636 : i32
        %swap3A_1639 = arith.constant 3 : i32
        %swap3A_1640 = arith.index_cast %swap3A_1639 : i32 to index
        %swap3A_1641 = arith.index_cast %add3A_1638 : i32 to index
        %swap3A_1642 = tpu.vector_load %arg5[%swap3A_1640, %swap3A_1641] {strides = array<i32>} : memref<8x6272xf32, #tpu.memory_space<vmem>>, vector<1x16xf32>,
        %swap3A_1643 = vector.shape_cast %swap3A_1642 : vector<1x16xf32> to vector<16xf32>
        %swap3A_1644 = vector.shape_cast %mul3A_1634 : vector<16xf32> to vector<1x16xf32>
        tpu.vector_store %arg5[%swap3A_1640, %swap3A_1641], %swap3A_1644 {strides = array<i32>} : memref<8x6272xf32, #tpu.memory_space<vmem>>, vector<1x16xf32>,
        %mul3A_1645 = arith.constant 16 : i32
        %mul3A_1646 = arith.muli %scan3A_1563, %mul3A_1645 : i32
        %add3A_1647 = arith.constant 3072 : i32
        %add3A_1648 = arith.addi %add3A_1647, %mul3A_1646 : i32
        %get3A_1649 = arith.constant 4 : i32
        %get3A_1650 = arith.index_cast %get3A_1649 : i32 to index
        %get3A_1651 = arith.index_cast %add3A_1648 : i32 to index
        %get3A_1652 = tpu.vector_load %arg5[%get3A_1650, %get3A_1651] {strides = array<i32>} : memref<8x6272xf32, #tpu.memory_space<vmem>>, vector<1x16xf32>,
        %get3A_1653 = vector.shape_cast %get3A_1652 : vector<1x16xf32> to vector<16xf32>
        %mul3A_1654 = arith.mulf %get3A_1653, %div3A_1023 : vector<16xf32>
        %mul3A_1655 = arith.constant 16 : i32
        %mul3A_1656 = arith.muli %scan3A_1563, %mul3A_1655 : i32
        %add3A_1657 = arith.constant 3072 : i32
        %add3A_1658 = arith.addi %add3A_1657, %mul3A_1656 : i32
        %swap3A_1659 = arith.constant 4 : i32
        %swap3A_1660 = arith.index_cast %swap3A_1659 : i32 to index
        %swap3A_1661 = arith.index_cast %add3A_1658 : i32 to index
        %swap3A_1662 = tpu.vector_load %arg5[%swap3A_1660, %swap3A_1661] {strides = array<i32>} : memref<8x6272xf32, #tpu.memory_space<vmem>>, vector<1x16xf32>,
        %swap3A_1663 = vector.shape_cast %swap3A_1662 : vector<1x16xf32> to vector<16xf32>
        %swap3A_1664 = vector.shape_cast %mul3A_1654 : vector<16xf32> to vector<1x16xf32>
        tpu.vector_store %arg5[%swap3A_1660, %swap3A_1661], %swap3A_1664 {strides = array<i32>} : memref<8x6272xf32, #tpu.memory_space<vmem>>, vector<1x16xf32>,
        %mul3A_1665 = arith.constant 16 : i32
        %mul3A_1666 = arith.muli %scan3A_1563, %mul3A_1665 : i32
        %add3A_1667 = arith.constant 3072 : i32
        %add3A_1668 = arith.addi %add3A_1667, %mul3A_1666 : i32
        %get3A_1669 = arith.constant 5 : i32
        %get3A_1670 = arith.index_cast %get3A_1669 : i32 to index
        %get3A_1671 = arith.index_cast %add3A_1668 : i32 to index
        %get3A_1672 = tpu.vector_load %arg5[%get3A_1670, %get3A_1671] {strides = array<i32>} : memref<8x6272xf32, #tpu.memory_space<vmem>>, vector<1x16xf32>,
        %get3A_1673 = vector.shape_cast %get3A_1672 : vector<1x16xf32> to vector<16xf32>
        %mul3A_1674 = arith.mulf %get3A_1673, %div3A_1145 : vector<16xf32>
        %mul3A_1675 = arith.constant 16 : i32
        %mul3A_1676 = arith.muli %scan3A_1563, %mul3A_1675 : i32
        %add3A_1677 = arith.constant 3072 : i32
        %add3A_1678 = arith.addi %add3A_1677, %mul3A_1676 : i32
        %swap3A_1679 = arith.constant 5 : i32
        %swap3A_1680 = arith.index_cast %swap3A_1679 : i32 to index
        %swap3A_1681 = arith.index_cast %add3A_1678 : i32 to index
        %swap3A_1682 = tpu.vector_load %arg5[%swap3A_1680, %swap3A_1681] {strides = array<i32>} : memref<8x6272xf32, #tpu.memory_space<vmem>>, vector<1x16xf32>,
        %swap3A_1683 = vector.shape_cast %swap3A_1682 : vector<1x16xf32> to vector<16xf32>
        %swap3A_1684 = vector.shape_cast %mul3A_1674 : vector<16xf32> to vector<1x16xf32>
        tpu.vector_store %arg5[%swap3A_1680, %swap3A_1681], %swap3A_1684 {strides = array<i32>} : memref<8x6272xf32, #tpu.memory_space<vmem>>, vector<1x16xf32>,
        %mul3A_1685 = arith.constant 16 : i32
        %mul3A_1686 = arith.muli %scan3A_1563, %mul3A_1685 : i32
        %add3A_1687 = arith.constant 3072 : i32
        %add3A_1688 = arith.addi %add3A_1687, %mul3A_1686 : i32
        %get3A_1689 = arith.constant 6 : i32
        %get3A_1690 = arith.index_cast %get3A_1689 : i32 to index
        %get3A_1691 = arith.index_cast %add3A_1688 : i32 to index
        %get3A_1692 = tpu.vector_load %arg5[%get3A_1690, %get3A_1691] {strides = array<i32>} : memref<8x6272xf32, #tpu.memory_space<vmem>>, vector<1x16xf32>,
        %get3A_1693 = vector.shape_cast %get3A_1692 : vector<1x16xf32> to vector<16xf32>
        %mul3A_1694 = arith.mulf %get3A_1693, %div3A_1267 : vector<16xf32>
        %mul3A_1695 = arith.constant 16 : i32
        %mul3A_1696 = arith.muli %scan3A_1563, %mul3A_1695 : i32
        %add3A_1697 = arith.constant 3072 : i32
        %add3A_1698 = arith.addi %add3A_1697, %mul3A_1696 : i32
        %swap3A_1699 = arith.constant 6 : i32
        %swap3A_1700 = arith.index_cast %swap3A_1699 : i32 to index
        %swap3A_1701 = arith.index_cast %add3A_1698 : i32 to index
        %swap3A_1702 = tpu.vector_load %arg5[%swap3A_1700, %swap3A_1701] {strides = array<i32>} : memref<8x6272xf32, #tpu.memory_space<vmem>>, vector<1x16xf32>,
        %swap3A_1703 = vector.shape_cast %swap3A_1702 : vector<1x16xf32> to vector<16xf32>
        %swap3A_1704 = vector.shape_cast %mul3A_1694 : vector<16xf32> to vector<1x16xf32>
        tpu.vector_store %arg5[%swap3A_1700, %swap3A_1701], %swap3A_1704 {strides = array<i32>} : memref<8x6272xf32, #tpu.memory_space<vmem>>, vector<1x16xf32>,
        %mul3A_1705 = arith.constant 16 : i32
        %mul3A_1706 = arith.muli %scan3A_1563, %mul3A_1705 : i32
        %add3A_1707 = arith.constant 3072 : i32
        %add3A_1708 = arith.addi %add3A_1707, %mul3A_1706 : i32
        %get3A_1709 = arith.constant 7 : i32
        %get3A_1710 = arith.index_cast %get3A_1709 : i32 to index
        %get3A_1711 = arith.index_cast %add3A_1708 : i32 to index
        %get3A_1712 = tpu.vector_load %arg5[%get3A_1710, %get3A_1711] {strides = array<i32>} : memref<8x6272xf32, #tpu.memory_space<vmem>>, vector<1x16xf32>,
        %get3A_1713 = vector.shape_cast %get3A_1712 : vector<1x16xf32> to vector<16xf32>
        %mul3A_1714 = arith.mulf %get3A_1713, %div3A_1389 : vector<16xf32>
        %mul3A_1715 = arith.constant 16 : i32
        %mul3A_1716 = arith.muli %scan3A_1563, %mul3A_1715 : i32
        %add3A_1717 = arith.constant 3072 : i32
        %add3A_1718 = arith.addi %add3A_1717, %mul3A_1716 : i32
        %swap3A_1719 = arith.constant 7 : i32
        %swap3A_1720 = arith.index_cast %swap3A_1719 : i32 to index
        %swap3A_1721 = arith.index_cast %add3A_1718 : i32 to index
        %swap3A_1722 = tpu.vector_load %arg5[%swap3A_1720, %swap3A_1721] {strides = array<i32>} : memref<8x6272xf32, #tpu.memory_space<vmem>>, vector<1x16xf32>,
        %swap3A_1723 = vector.shape_cast %swap3A_1722 : vector<1x16xf32> to vector<16xf32>
        %swap3A_1724 = vector.shape_cast %mul3A_1714 : vector<16xf32> to vector<1x16xf32>
        tpu.vector_store %arg5[%swap3A_1720, %swap3A_1721], %swap3A_1724 {strides = array<i32>} : memref<8x6272xf32, #tpu.memory_space<vmem>>, vector<1x16xf32>,
        %scan3A_1725 = arith.constant 0 : i32
        scf.yield %scan3A_1725 : i32
      }
      %scan3A_1456 = arith.constant 64 : i32
      %mul3A_1457 = arith.constant 1024 : i32
      %mul3A_1458 = arith.muli %arg1, %mul3A_1457 : i32
      %add3A_1459 = arith.constant 49152 : i32
      %add3A_1460 = arith.addi %add3A_1459, %mul3A_1458 : i32
      %multiple_of3A_1461 = tpu.assume_multiple %add3A_1460, 128 : i32
      %dma_start3A_1462 = arith.constant 0 : i32
      %dma_start3A_1463 = arith.constant 3072 : i32
      %dma_start3A_1464 = tpu.memref_slice %arg5[%dma_start3A_1462, %dma_start3A_1463] : memref<8x6272xf32, #tpu.memory_space<vmem>> -> memref<8x1024xf32, #tpu.memory_space<vmem>>
      %dma_start3A_1465 = tpu.memref_slice %arg4[%multiple_of3A_14, %multiple_of3A_1461] : memref<128x100000xf32, #tpu.memory_space<hbm>> -> memref<8x1024xf32, #tpu.memory_space<hbm>>
      %dma_start3A_1466 = tpu.memref_slice %arg4[%multiple_of3A_14, %multiple_of3A_1461] : memref<128x100000xf32, #tpu.memory_space<hbm>> -> memref<8x1024xf32, #tpu.memory_space<hbm>>
      %dma_start3A_1467 = arith.constant 0 : i32
      %dma_start3A_1468 = arith.constant 3072 : i32
      %dma_start3A_1469 = tpu.memref_slice %arg5[%dma_start3A_1467, %dma_start3A_1468] : memref<8x6272xf32, #tpu.memory_space<vmem>> -> memref<8x1024xf32, #tpu.memory_space<vmem>>
      tpu.enqueue_dma source(%dma_start3A_1469 : memref<8x1024xf32, #tpu.memory_space<vmem>>) target(%dma_start3A_1466 : memref<8x1024xf32, #tpu.memory_space<hbm>>) target_semaphore(%arg13 : memref<!tpu.dma_semaphore, #tpu.memory_space<semaphore_mem>>)
      %scan3A_1470 = arith.constant 0 : i32
      %scan3A_1471 = arith.constant 0 : i32
      %scan3A_1472 = arith.constant 64 : i32
      %scan3A_1473 = arith.addi %scan3A_1471, %scan3A_1472 : i32
      %scan3A_1474 = arith.constant 1 : i32
      %scan3A_1475 = scf.for %scan3A_1563 = %scan3A_1471 to %scan3A_1473 step %scan3A_1474 iter_args(%scan3A_1564 = %scan3A_1470) -> (i32)  : i32 {
        %mul3A_1565 = arith.constant 16 : i32
        %mul3A_1566 = arith.muli %scan3A_1563, %mul3A_1565 : i32
        %add3A_1567 = arith.constant 4096 : i32
        %add3A_1568 = arith.addi %add3A_1567, %mul3A_1566 : i32
        %get3A_1569 = arith.constant 0 : i32
        %get3A_1570 = arith.index_cast %get3A_1569 : i32 to index
        %get3A_1571 = arith.index_cast %add3A_1568 : i32 to index
        %get3A_1572 = tpu.vector_load %arg5[%get3A_1570, %get3A_1571] {strides = array<i32>} : memref<8x6272xf32, #tpu.memory_space<vmem>>, vector<1x16xf32>,
        %get3A_1573 = vector.shape_cast %get3A_1572 : vector<1x16xf32> to vector<16xf32>
        %mul3A_1574 = arith.mulf %get3A_1573, %div3A_535 : vector<16xf32>
        %mul3A_1575 = arith.constant 16 : i32
        %mul3A_1576 = arith.muli %scan3A_1563, %mul3A_1575 : i32
        %add3A_1577 = arith.constant 4096 : i32
        %add3A_1578 = arith.addi %add3A_1577, %mul3A_1576 : i32
        %swap3A_1579 = arith.constant 0 : i32
        %swap3A_1580 = arith.index_cast %swap3A_1579 : i32 to index
        %swap3A_1581 = arith.index_cast %add3A_1578 : i32 to index
        %swap3A_1582 = tpu.vector_load %arg5[%swap3A_1580, %swap3A_1581] {strides = array<i32>} : memref<8x6272xf32, #tpu.memory_space<vmem>>, vector<1x16xf32>,
        %swap3A_1583 = vector.shape_cast %swap3A_1582 : vector<1x16xf32> to vector<16xf32>
        %swap3A_1584 = vector.shape_cast %mul3A_1574 : vector<16xf32> to vector<1x16xf32>
        tpu.vector_store %arg5[%swap3A_1580, %swap3A_1581], %swap3A_1584 {strides = array<i32>} : memref<8x6272xf32, #tpu.memory_space<vmem>>, vector<1x16xf32>,
        %mul3A_1585 = arith.constant 16 : i32
        %mul3A_1586 = arith.muli %scan3A_1563, %mul3A_1585 : i32
        %add3A_1587 = arith.constant 4096 : i32
        %add3A_1588 = arith.addi %add3A_1587, %mul3A_1586 : i32
        %get3A_1589 = arith.constant 1 : i32
        %get3A_1590 = arith.index_cast %get3A_1589 : i32 to index
        %get3A_1591 = arith.index_cast %add3A_1588 : i32 to index
        %get3A_1592 = tpu.vector_load %arg5[%get3A_1590, %get3A_1591] {strides = array<i32>} : memref<8x6272xf32, #tpu.memory_space<vmem>>, vector<1x16xf32>,
        %get3A_1593 = vector.shape_cast %get3A_1592 : vector<1x16xf32> to vector<16xf32>
        %mul3A_1594 = arith.mulf %get3A_1593, %div3A_657 : vector<16xf32>
        %mul3A_1595 = arith.constant 16 : i32
        %mul3A_1596 = arith.muli %scan3A_1563, %mul3A_1595 : i32
        %add3A_1597 = arith.constant 4096 : i32
        %add3A_1598 = arith.addi %add3A_1597, %mul3A_1596 : i32
        %swap3A_1599 = arith.constant 1 : i32
        %swap3A_1600 = arith.index_cast %swap3A_1599 : i32 to index
        %swap3A_1601 = arith.index_cast %add3A_1598 : i32 to index
        %swap3A_1602 = tpu.vector_load %arg5[%swap3A_1600, %swap3A_1601] {strides = array<i32>} : memref<8x6272xf32, #tpu.memory_space<vmem>>, vector<1x16xf32>,
        %swap3A_1603 = vector.shape_cast %swap3A_1602 : vector<1x16xf32> to vector<16xf32>
        %swap3A_1604 = vector.shape_cast %mul3A_1594 : vector<16xf32> to vector<1x16xf32>
        tpu.vector_store %arg5[%swap3A_1600, %swap3A_1601], %swap3A_1604 {strides = array<i32>} : memref<8x6272xf32, #tpu.memory_space<vmem>>, vector<1x16xf32>,
        %mul3A_1605 = arith.constant 16 : i32
        %mul3A_1606 = arith.muli %scan3A_1563, %mul3A_1605 : i32
        %add3A_1607 = arith.constant 4096 : i32
        %add3A_1608 = arith.addi %add3A_1607, %mul3A_1606 : i32
        %get3A_1609 = arith.constant 2 : i32
        %get3A_1610 = arith.index_cast %get3A_1609 : i32 to index
        %get3A_1611 = arith.index_cast %add3A_1608 : i32 to index
        %get3A_1612 = tpu.vector_load %arg5[%get3A_1610, %get3A_1611] {strides = array<i32>} : memref<8x6272xf32, #tpu.memory_space<vmem>>, vector<1x16xf32>,
        %get3A_1613 = vector.shape_cast %get3A_1612 : vector<1x16xf32> to vector<16xf32>
        %mul3A_1614 = arith.mulf %get3A_1613, %div3A_779 : vector<16xf32>
        %mul3A_1615 = arith.constant 16 : i32
        %mul3A_1616 = arith.muli %scan3A_1563, %mul3A_1615 : i32
        %add3A_1617 = arith.constant 4096 : i32
        %add3A_1618 = arith.addi %add3A_1617, %mul3A_1616 : i32
        %swap3A_1619 = arith.constant 2 : i32
        %swap3A_1620 = arith.index_cast %swap3A_1619 : i32 to index
        %swap3A_1621 = arith.index_cast %add3A_1618 : i32 to index
        %swap3A_1622 = tpu.vector_load %arg5[%swap3A_1620, %swap3A_1621] {strides = array<i32>} : memref<8x6272xf32, #tpu.memory_space<vmem>>, vector<1x16xf32>,
        %swap3A_1623 = vector.shape_cast %swap3A_1622 : vector<1x16xf32> to vector<16xf32>
        %swap3A_1624 = vector.shape_cast %mul3A_1614 : vector<16xf32> to vector<1x16xf32>
        tpu.vector_store %arg5[%swap3A_1620, %swap3A_1621], %swap3A_1624 {strides = array<i32>} : memref<8x6272xf32, #tpu.memory_space<vmem>>, vector<1x16xf32>,
        %mul3A_1625 = arith.constant 16 : i32
        %mul3A_1626 = arith.muli %scan3A_1563, %mul3A_1625 : i32
        %add3A_1627 = arith.constant 4096 : i32
        %add3A_1628 = arith.addi %add3A_1627, %mul3A_1626 : i32
        %get3A_1629 = arith.constant 3 : i32
        %get3A_1630 = arith.index_cast %get3A_1629 : i32 to index
        %get3A_1631 = arith.index_cast %add3A_1628 : i32 to index
        %get3A_1632 = tpu.vector_load %arg5[%get3A_1630, %get3A_1631] {strides = array<i32>} : memref<8x6272xf32, #tpu.memory_space<vmem>>, vector<1x16xf32>,
        %get3A_1633 = vector.shape_cast %get3A_1632 : vector<1x16xf32> to vector<16xf32>
        %mul3A_1634 = arith.mulf %get3A_1633, %div3A_901 : vector<16xf32>
        %mul3A_1635 = arith.constant 16 : i32
        %mul3A_1636 = arith.muli %scan3A_1563, %mul3A_1635 : i32
        %add3A_1637 = arith.constant 4096 : i32
        %add3A_1638 = arith.addi %add3A_1637, %mul3A_1636 : i32
        %swap3A_1639 = arith.constant 3 : i32
        %swap3A_1640 = arith.index_cast %swap3A_1639 : i32 to index
        %swap3A_1641 = arith.index_cast %add3A_1638 : i32 to index
        %swap3A_1642 = tpu.vector_load %arg5[%swap3A_1640, %swap3A_1641] {strides = array<i32>} : memref<8x6272xf32, #tpu.memory_space<vmem>>, vector<1x16xf32>,
        %swap3A_1643 = vector.shape_cast %swap3A_1642 : vector<1x16xf32> to vector<16xf32>
        %swap3A_1644 = vector.shape_cast %mul3A_1634 : vector<16xf32> to vector<1x16xf32>
        tpu.vector_store %arg5[%swap3A_1640, %swap3A_1641], %swap3A_1644 {strides = array<i32>} : memref<8x6272xf32, #tpu.memory_space<vmem>>, vector<1x16xf32>,
        %mul3A_1645 = arith.constant 16 : i32
        %mul3A_1646 = arith.muli %scan3A_1563, %mul3A_1645 : i32
        %add3A_1647 = arith.constant 4096 : i32
        %add3A_1648 = arith.addi %add3A_1647, %mul3A_1646 : i32
        %get3A_1649 = arith.constant 4 : i32
        %get3A_1650 = arith.index_cast %get3A_1649 : i32 to index
        %get3A_1651 = arith.index_cast %add3A_1648 : i32 to index
        %get3A_1652 = tpu.vector_load %arg5[%get3A_1650, %get3A_1651] {strides = array<i32>} : memref<8x6272xf32, #tpu.memory_space<vmem>>, vector<1x16xf32>,
        %get3A_1653 = vector.shape_cast %get3A_1652 : vector<1x16xf32> to vector<16xf32>
        %mul3A_1654 = arith.mulf %get3A_1653, %div3A_1023 : vector<16xf32>
        %mul3A_1655 = arith.constant 16 : i32
        %mul3A_1656 = arith.muli %scan3A_1563, %mul3A_1655 : i32
        %add3A_1657 = arith.constant 4096 : i32
        %add3A_1658 = arith.addi %add3A_1657, %mul3A_1656 : i32
        %swap3A_1659 = arith.constant 4 : i32
        %swap3A_1660 = arith.index_cast %swap3A_1659 : i32 to index
        %swap3A_1661 = arith.index_cast %add3A_1658 : i32 to index
        %swap3A_1662 = tpu.vector_load %arg5[%swap3A_1660, %swap3A_1661] {strides = array<i32>} : memref<8x6272xf32, #tpu.memory_space<vmem>>, vector<1x16xf32>,
        %swap3A_1663 = vector.shape_cast %swap3A_1662 : vector<1x16xf32> to vector<16xf32>
        %swap3A_1664 = vector.shape_cast %mul3A_1654 : vector<16xf32> to vector<1x16xf32>
        tpu.vector_store %arg5[%swap3A_1660, %swap3A_1661], %swap3A_1664 {strides = array<i32>} : memref<8x6272xf32, #tpu.memory_space<vmem>>, vector<1x16xf32>,
        %mul3A_1665 = arith.constant 16 : i32
        %mul3A_1666 = arith.muli %scan3A_1563, %mul3A_1665 : i32
        %add3A_1667 = arith.constant 4096 : i32
        %add3A_1668 = arith.addi %add3A_1667, %mul3A_1666 : i32
        %get3A_1669 = arith.constant 5 : i32
        %get3A_1670 = arith.index_cast %get3A_1669 : i32 to index
        %get3A_1671 = arith.index_cast %add3A_1668 : i32 to index
        %get3A_1672 = tpu.vector_load %arg5[%get3A_1670, %get3A_1671] {strides = array<i32>} : memref<8x6272xf32, #tpu.memory_space<vmem>>, vector<1x16xf32>,
        %get3A_1673 = vector.shape_cast %get3A_1672 : vector<1x16xf32> to vector<16xf32>
        %mul3A_1674 = arith.mulf %get3A_1673, %div3A_1145 : vector<16xf32>
        %mul3A_1675 = arith.constant 16 : i32
        %mul3A_1676 = arith.muli %scan3A_1563, %mul3A_1675 : i32
        %add3A_1677 = arith.constant 4096 : i32
        %add3A_1678 = arith.addi %add3A_1677, %mul3A_1676 : i32
        %swap3A_1679 = arith.constant 5 : i32
        %swap3A_1680 = arith.index_cast %swap3A_1679 : i32 to index
        %swap3A_1681 = arith.index_cast %add3A_1678 : i32 to index
        %swap3A_1682 = tpu.vector_load %arg5[%swap3A_1680, %swap3A_1681] {strides = array<i32>} : memref<8x6272xf32, #tpu.memory_space<vmem>>, vector<1x16xf32>,
        %swap3A_1683 = vector.shape_cast %swap3A_1682 : vector<1x16xf32> to vector<16xf32>
        %swap3A_1684 = vector.shape_cast %mul3A_1674 : vector<16xf32> to vector<1x16xf32>
        tpu.vector_store %arg5[%swap3A_1680, %swap3A_1681], %swap3A_1684 {strides = array<i32>} : memref<8x6272xf32, #tpu.memory_space<vmem>>, vector<1x16xf32>,
        %mul3A_1685 = arith.constant 16 : i32
        %mul3A_1686 = arith.muli %scan3A_1563, %mul3A_1685 : i32
        %add3A_1687 = arith.constant 4096 : i32
        %add3A_1688 = arith.addi %add3A_1687, %mul3A_1686 : i32
        %get3A_1689 = arith.constant 6 : i32
        %get3A_1690 = arith.index_cast %get3A_1689 : i32 to index
        %get3A_1691 = arith.index_cast %add3A_1688 : i32 to index
        %get3A_1692 = tpu.vector_load %arg5[%get3A_1690, %get3A_1691] {strides = array<i32>} : memref<8x6272xf32, #tpu.memory_space<vmem>>, vector<1x16xf32>,
        %get3A_1693 = vector.shape_cast %get3A_1692 : vector<1x16xf32> to vector<16xf32>
        %mul3A_1694 = arith.mulf %get3A_1693, %div3A_1267 : vector<16xf32>
        %mul3A_1695 = arith.constant 16 : i32
        %mul3A_1696 = arith.muli %scan3A_1563, %mul3A_1695 : i32
        %add3A_1697 = arith.constant 4096 : i32
        %add3A_1698 = arith.addi %add3A_1697, %mul3A_1696 : i32
        %swap3A_1699 = arith.constant 6 : i32
        %swap3A_1700 = arith.index_cast %swap3A_1699 : i32 to index
        %swap3A_1701 = arith.index_cast %add3A_1698 : i32 to index
        %swap3A_1702 = tpu.vector_load %arg5[%swap3A_1700, %swap3A_1701] {strides = array<i32>} : memref<8x6272xf32, #tpu.memory_space<vmem>>, vector<1x16xf32>,
        %swap3A_1703 = vector.shape_cast %swap3A_1702 : vector<1x16xf32> to vector<16xf32>
        %swap3A_1704 = vector.shape_cast %mul3A_1694 : vector<16xf32> to vector<1x16xf32>
        tpu.vector_store %arg5[%swap3A_1700, %swap3A_1701], %swap3A_1704 {strides = array<i32>} : memref<8x6272xf32, #tpu.memory_space<vmem>>, vector<1x16xf32>,
        %mul3A_1705 = arith.constant 16 : i32
        %mul3A_1706 = arith.muli %scan3A_1563, %mul3A_1705 : i32
        %add3A_1707 = arith.constant 4096 : i32
        %add3A_1708 = arith.addi %add3A_1707, %mul3A_1706 : i32
        %get3A_1709 = arith.constant 7 : i32
        %get3A_1710 = arith.index_cast %get3A_1709 : i32 to index
        %get3A_1711 = arith.index_cast %add3A_1708 : i32 to index
        %get3A_1712 = tpu.vector_load %arg5[%get3A_1710, %get3A_1711] {strides = array<i32>} : memref<8x6272xf32, #tpu.memory_space<vmem>>, vector<1x16xf32>,
        %get3A_1713 = vector.shape_cast %get3A_1712 : vector<1x16xf32> to vector<16xf32>
        %mul3A_1714 = arith.mulf %get3A_1713, %div3A_1389 : vector<16xf32>
        %mul3A_1715 = arith.constant 16 : i32
        %mul3A_1716 = arith.muli %scan3A_1563, %mul3A_1715 : i32
        %add3A_1717 = arith.constant 4096 : i32
        %add3A_1718 = arith.addi %add3A_1717, %mul3A_1716 : i32
        %swap3A_1719 = arith.constant 7 : i32
        %swap3A_1720 = arith.index_cast %swap3A_1719 : i32 to index
        %swap3A_1721 = arith.index_cast %add3A_1718 : i32 to index
        %swap3A_1722 = tpu.vector_load %arg5[%swap3A_1720, %swap3A_1721] {strides = array<i32>} : memref<8x6272xf32, #tpu.memory_space<vmem>>, vector<1x16xf32>,
        %swap3A_1723 = vector.shape_cast %swap3A_1722 : vector<1x16xf32> to vector<16xf32>
        %swap3A_1724 = vector.shape_cast %mul3A_1714 : vector<16xf32> to vector<1x16xf32>
        tpu.vector_store %arg5[%swap3A_1720, %swap3A_1721], %swap3A_1724 {strides = array<i32>} : memref<8x6272xf32, #tpu.memory_space<vmem>>, vector<1x16xf32>,
        %scan3A_1725 = arith.constant 0 : i32
        scf.yield %scan3A_1725 : i32
      }
      %scan3A_1476 = arith.constant 64 : i32
      %mul3A_1477 = arith.constant 1024 : i32
      %mul3A_1478 = arith.muli %arg1, %mul3A_1477 : i32
      %add3A_1479 = arith.constant 65536 : i32
      %add3A_1480 = arith.addi %add3A_1479, %mul3A_1478 : i32
      %multiple_of3A_1481 = tpu.assume_multiple %add3A_1480, 128 : i32
      %dma_start3A_1482 = arith.constant 0 : i32
      %dma_start3A_1483 = arith.constant 4096 : i32
      %dma_start3A_1484 = tpu.memref_slice %arg5[%dma_start3A_1482, %dma_start3A_1483] : memref<8x6272xf32, #tpu.memory_space<vmem>> -> memref<8x1024xf32, #tpu.memory_space<vmem>>
      %dma_start3A_1485 = tpu.memref_slice %arg4[%multiple_of3A_14, %multiple_of3A_1481] : memref<128x100000xf32, #tpu.memory_space<hbm>> -> memref<8x1024xf32, #tpu.memory_space<hbm>>
      %dma_start3A_1486 = tpu.memref_slice %arg4[%multiple_of3A_14, %multiple_of3A_1481] : memref<128x100000xf32, #tpu.memory_space<hbm>> -> memref<8x1024xf32, #tpu.memory_space<hbm>>
      %dma_start3A_1487 = arith.constant 0 : i32
      %dma_start3A_1488 = arith.constant 4096 : i32
      %dma_start3A_1489 = tpu.memref_slice %arg5[%dma_start3A_1487, %dma_start3A_1488] : memref<8x6272xf32, #tpu.memory_space<vmem>> -> memref<8x1024xf32, #tpu.memory_space<vmem>>
      tpu.enqueue_dma source(%dma_start3A_1489 : memref<8x1024xf32, #tpu.memory_space<vmem>>) target(%dma_start3A_1486 : memref<8x1024xf32, #tpu.memory_space<hbm>>) target_semaphore(%arg13 : memref<!tpu.dma_semaphore, #tpu.memory_space<semaphore_mem>>)
      %scan3A_1490 = arith.constant 0 : i32
      %scan3A_1491 = arith.constant 0 : i32
      %scan3A_1492 = arith.constant 64 : i32
      %scan3A_1493 = arith.addi %scan3A_1491, %scan3A_1492 : i32
      %scan3A_1494 = arith.constant 1 : i32
      %scan3A_1495 = scf.for %scan3A_1563 = %scan3A_1491 to %scan3A_1493 step %scan3A_1494 iter_args(%scan3A_1564 = %scan3A_1490) -> (i32)  : i32 {
        %mul3A_1565 = arith.constant 16 : i32
        %mul3A_1566 = arith.muli %scan3A_1563, %mul3A_1565 : i32
        %add3A_1567 = arith.constant 5120 : i32
        %add3A_1568 = arith.addi %add3A_1567, %mul3A_1566 : i32
        %get3A_1569 = arith.constant 0 : i32
        %get3A_1570 = arith.index_cast %get3A_1569 : i32 to index
        %get3A_1571 = arith.index_cast %add3A_1568 : i32 to index
        %get3A_1572 = tpu.vector_load %arg5[%get3A_1570, %get3A_1571] {strides = array<i32>} : memref<8x6272xf32, #tpu.memory_space<vmem>>, vector<1x16xf32>,
        %get3A_1573 = vector.shape_cast %get3A_1572 : vector<1x16xf32> to vector<16xf32>
        %mul3A_1574 = arith.mulf %get3A_1573, %div3A_535 : vector<16xf32>
        %mul3A_1575 = arith.constant 16 : i32
        %mul3A_1576 = arith.muli %scan3A_1563, %mul3A_1575 : i32
        %add3A_1577 = arith.constant 5120 : i32
        %add3A_1578 = arith.addi %add3A_1577, %mul3A_1576 : i32
        %swap3A_1579 = arith.constant 0 : i32
        %swap3A_1580 = arith.index_cast %swap3A_1579 : i32 to index
        %swap3A_1581 = arith.index_cast %add3A_1578 : i32 to index
        %swap3A_1582 = tpu.vector_load %arg5[%swap3A_1580, %swap3A_1581] {strides = array<i32>} : memref<8x6272xf32, #tpu.memory_space<vmem>>, vector<1x16xf32>,
        %swap3A_1583 = vector.shape_cast %swap3A_1582 : vector<1x16xf32> to vector<16xf32>
        %swap3A_1584 = vector.shape_cast %mul3A_1574 : vector<16xf32> to vector<1x16xf32>
        tpu.vector_store %arg5[%swap3A_1580, %swap3A_1581], %swap3A_1584 {strides = array<i32>} : memref<8x6272xf32, #tpu.memory_space<vmem>>, vector<1x16xf32>,
        %mul3A_1585 = arith.constant 16 : i32
        %mul3A_1586 = arith.muli %scan3A_1563, %mul3A_1585 : i32
        %add3A_1587 = arith.constant 5120 : i32
        %add3A_1588 = arith.addi %add3A_1587, %mul3A_1586 : i32
        %get3A_1589 = arith.constant 1 : i32
        %get3A_1590 = arith.index_cast %get3A_1589 : i32 to index
        %get3A_1591 = arith.index_cast %add3A_1588 : i32 to index
        %get3A_1592 = tpu.vector_load %arg5[%get3A_1590, %get3A_1591] {strides = array<i32>} : memref<8x6272xf32, #tpu.memory_space<vmem>>, vector<1x16xf32>,
        %get3A_1593 = vector.shape_cast %get3A_1592 : vector<1x16xf32> to vector<16xf32>
        %mul3A_1594 = arith.mulf %get3A_1593, %div3A_657 : vector<16xf32>
        %mul3A_1595 = arith.constant 16 : i32
        %mul3A_1596 = arith.muli %scan3A_1563, %mul3A_1595 : i32
        %add3A_1597 = arith.constant 5120 : i32
        %add3A_1598 = arith.addi %add3A_1597, %mul3A_1596 : i32
        %swap3A_1599 = arith.constant 1 : i32
        %swap3A_1600 = arith.index_cast %swap3A_1599 : i32 to index
        %swap3A_1601 = arith.index_cast %add3A_1598 : i32 to index
        %swap3A_1602 = tpu.vector_load %arg5[%swap3A_1600, %swap3A_1601] {strides = array<i32>} : memref<8x6272xf32, #tpu.memory_space<vmem>>, vector<1x16xf32>,
        %swap3A_1603 = vector.shape_cast %swap3A_1602 : vector<1x16xf32> to vector<16xf32>
        %swap3A_1604 = vector.shape_cast %mul3A_1594 : vector<16xf32> to vector<1x16xf32>
        tpu.vector_store %arg5[%swap3A_1600, %swap3A_1601], %swap3A_1604 {strides = array<i32>} : memref<8x6272xf32, #tpu.memory_space<vmem>>, vector<1x16xf32>,
        %mul3A_1605 = arith.constant 16 : i32
        %mul3A_1606 = arith.muli %scan3A_1563, %mul3A_1605 : i32
        %add3A_1607 = arith.constant 5120 : i32
        %add3A_1608 = arith.addi %add3A_1607, %mul3A_1606 : i32
        %get3A_1609 = arith.constant 2 : i32
        %get3A_1610 = arith.index_cast %get3A_1609 : i32 to index
        %get3A_1611 = arith.index_cast %add3A_1608 : i32 to index
        %get3A_1612 = tpu.vector_load %arg5[%get3A_1610, %get3A_1611] {strides = array<i32>} : memref<8x6272xf32, #tpu.memory_space<vmem>>, vector<1x16xf32>,
        %get3A_1613 = vector.shape_cast %get3A_1612 : vector<1x16xf32> to vector<16xf32>
        %mul3A_1614 = arith.mulf %get3A_1613, %div3A_779 : vector<16xf32>
        %mul3A_1615 = arith.constant 16 : i32
        %mul3A_1616 = arith.muli %scan3A_1563, %mul3A_1615 : i32
        %add3A_1617 = arith.constant 5120 : i32
        %add3A_1618 = arith.addi %add3A_1617, %mul3A_1616 : i32
        %swap3A_1619 = arith.constant 2 : i32
        %swap3A_1620 = arith.index_cast %swap3A_1619 : i32 to index
        %swap3A_1621 = arith.index_cast %add3A_1618 : i32 to index
        %swap3A_1622 = tpu.vector_load %arg5[%swap3A_1620, %swap3A_1621] {strides = array<i32>} : memref<8x6272xf32, #tpu.memory_space<vmem>>, vector<1x16xf32>,
        %swap3A_1623 = vector.shape_cast %swap3A_1622 : vector<1x16xf32> to vector<16xf32>
        %swap3A_1624 = vector.shape_cast %mul3A_1614 : vector<16xf32> to vector<1x16xf32>
        tpu.vector_store %arg5[%swap3A_1620, %swap3A_1621], %swap3A_1624 {strides = array<i32>} : memref<8x6272xf32, #tpu.memory_space<vmem>>, vector<1x16xf32>,
        %mul3A_1625 = arith.constant 16 : i32
        %mul3A_1626 = arith.muli %scan3A_1563, %mul3A_1625 : i32
        %add3A_1627 = arith.constant 5120 : i32
        %add3A_1628 = arith.addi %add3A_1627, %mul3A_1626 : i32
        %get3A_1629 = arith.constant 3 : i32
        %get3A_1630 = arith.index_cast %get3A_1629 : i32 to index
        %get3A_1631 = arith.index_cast %add3A_1628 : i32 to index
        %get3A_1632 = tpu.vector_load %arg5[%get3A_1630, %get3A_1631] {strides = array<i32>} : memref<8x6272xf32, #tpu.memory_space<vmem>>, vector<1x16xf32>,
        %get3A_1633 = vector.shape_cast %get3A_1632 : vector<1x16xf32> to vector<16xf32>
        %mul3A_1634 = arith.mulf %get3A_1633, %div3A_901 : vector<16xf32>
        %mul3A_1635 = arith.constant 16 : i32
        %mul3A_1636 = arith.muli %scan3A_1563, %mul3A_1635 : i32
        %add3A_1637 = arith.constant 5120 : i32
        %add3A_1638 = arith.addi %add3A_1637, %mul3A_1636 : i32
        %swap3A_1639 = arith.constant 3 : i32
        %swap3A_1640 = arith.index_cast %swap3A_1639 : i32 to index
        %swap3A_1641 = arith.index_cast %add3A_1638 : i32 to index
        %swap3A_1642 = tpu.vector_load %arg5[%swap3A_1640, %swap3A_1641] {strides = array<i32>} : memref<8x6272xf32, #tpu.memory_space<vmem>>, vector<1x16xf32>,
        %swap3A_1643 = vector.shape_cast %swap3A_1642 : vector<1x16xf32> to vector<16xf32>
        %swap3A_1644 = vector.shape_cast %mul3A_1634 : vector<16xf32> to vector<1x16xf32>
        tpu.vector_store %arg5[%swap3A_1640, %swap3A_1641], %swap3A_1644 {strides = array<i32>} : memref<8x6272xf32, #tpu.memory_space<vmem>>, vector<1x16xf32>,
        %mul3A_1645 = arith.constant 16 : i32
        %mul3A_1646 = arith.muli %scan3A_1563, %mul3A_1645 : i32
        %add3A_1647 = arith.constant 5120 : i32
        %add3A_1648 = arith.addi %add3A_1647, %mul3A_1646 : i32
        %get3A_1649 = arith.constant 4 : i32
        %get3A_1650 = arith.index_cast %get3A_1649 : i32 to index
        %get3A_1651 = arith.index_cast %add3A_1648 : i32 to index
        %get3A_1652 = tpu.vector_load %arg5[%get3A_1650, %get3A_1651] {strides = array<i32>} : memref<8x6272xf32, #tpu.memory_space<vmem>>, vector<1x16xf32>,
        %get3A_1653 = vector.shape_cast %get3A_1652 : vector<1x16xf32> to vector<16xf32>
        %mul3A_1654 = arith.mulf %get3A_1653, %div3A_1023 : vector<16xf32>
        %mul3A_1655 = arith.constant 16 : i32
        %mul3A_1656 = arith.muli %scan3A_1563, %mul3A_1655 : i32
        %add3A_1657 = arith.constant 5120 : i32
        %add3A_1658 = arith.addi %add3A_1657, %mul3A_1656 : i32
        %swap3A_1659 = arith.constant 4 : i32
        %swap3A_1660 = arith.index_cast %swap3A_1659 : i32 to index
        %swap3A_1661 = arith.index_cast %add3A_1658 : i32 to index
        %swap3A_1662 = tpu.vector_load %arg5[%swap3A_1660, %swap3A_1661] {strides = array<i32>} : memref<8x6272xf32, #tpu.memory_space<vmem>>, vector<1x16xf32>,
        %swap3A_1663 = vector.shape_cast %swap3A_1662 : vector<1x16xf32> to vector<16xf32>
        %swap3A_1664 = vector.shape_cast %mul3A_1654 : vector<16xf32> to vector<1x16xf32>
        tpu.vector_store %arg5[%swap3A_1660, %swap3A_1661], %swap3A_1664 {strides = array<i32>} : memref<8x6272xf32, #tpu.memory_space<vmem>>, vector<1x16xf32>,
        %mul3A_1665 = arith.constant 16 : i32
        %mul3A_1666 = arith.muli %scan3A_1563, %mul3A_1665 : i32
        %add3A_1667 = arith.constant 5120 : i32
        %add3A_1668 = arith.addi %add3A_1667, %mul3A_1666 : i32
        %get3A_1669 = arith.constant 5 : i32
        %get3A_1670 = arith.index_cast %get3A_1669 : i32 to index
        %get3A_1671 = arith.index_cast %add3A_1668 : i32 to index
        %get3A_1672 = tpu.vector_load %arg5[%get3A_1670, %get3A_1671] {strides = array<i32>} : memref<8x6272xf32, #tpu.memory_space<vmem>>, vector<1x16xf32>,
        %get3A_1673 = vector.shape_cast %get3A_1672 : vector<1x16xf32> to vector<16xf32>
        %mul3A_1674 = arith.mulf %get3A_1673, %div3A_1145 : vector<16xf32>
        %mul3A_1675 = arith.constant 16 : i32
        %mul3A_1676 = arith.muli %scan3A_1563, %mul3A_1675 : i32
        %add3A_1677 = arith.constant 5120 : i32
        %add3A_1678 = arith.addi %add3A_1677, %mul3A_1676 : i32
        %swap3A_1679 = arith.constant 5 : i32
        %swap3A_1680 = arith.index_cast %swap3A_1679 : i32 to index
        %swap3A_1681 = arith.index_cast %add3A_1678 : i32 to index
        %swap3A_1682 = tpu.vector_load %arg5[%swap3A_1680, %swap3A_1681] {strides = array<i32>} : memref<8x6272xf32, #tpu.memory_space<vmem>>, vector<1x16xf32>,
        %swap3A_1683 = vector.shape_cast %swap3A_1682 : vector<1x16xf32> to vector<16xf32>
        %swap3A_1684 = vector.shape_cast %mul3A_1674 : vector<16xf32> to vector<1x16xf32>
        tpu.vector_store %arg5[%swap3A_1680, %swap3A_1681], %swap3A_1684 {strides = array<i32>} : memref<8x6272xf32, #tpu.memory_space<vmem>>, vector<1x16xf32>,
        %mul3A_1685 = arith.constant 16 : i32
        %mul3A_1686 = arith.muli %scan3A_1563, %mul3A_1685 : i32
        %add3A_1687 = arith.constant 5120 : i32
        %add3A_1688 = arith.addi %add3A_1687, %mul3A_1686 : i32
        %get3A_1689 = arith.constant 6 : i32
        %get3A_1690 = arith.index_cast %get3A_1689 : i32 to index
        %get3A_1691 = arith.index_cast %add3A_1688 : i32 to index
        %get3A_1692 = tpu.vector_load %arg5[%get3A_1690, %get3A_1691] {strides = array<i32>} : memref<8x6272xf32, #tpu.memory_space<vmem>>, vector<1x16xf32>,
        %get3A_1693 = vector.shape_cast %get3A_1692 : vector<1x16xf32> to vector<16xf32>
        %mul3A_1694 = arith.mulf %get3A_1693, %div3A_1267 : vector<16xf32>
        %mul3A_1695 = arith.constant 16 : i32
        %mul3A_1696 = arith.muli %scan3A_1563, %mul3A_1695 : i32
        %add3A_1697 = arith.constant 5120 : i32
        %add3A_1698 = arith.addi %add3A_1697, %mul3A_1696 : i32
        %swap3A_1699 = arith.constant 6 : i32
        %swap3A_1700 = arith.index_cast %swap3A_1699 : i32 to index
        %swap3A_1701 = arith.index_cast %add3A_1698 : i32 to index
        %swap3A_1702 = tpu.vector_load %arg5[%swap3A_1700, %swap3A_1701] {strides = array<i32>} : memref<8x6272xf32, #tpu.memory_space<vmem>>, vector<1x16xf32>,
        %swap3A_1703 = vector.shape_cast %swap3A_1702 : vector<1x16xf32> to vector<16xf32>
        %swap3A_1704 = vector.shape_cast %mul3A_1694 : vector<16xf32> to vector<1x16xf32>
        tpu.vector_store %arg5[%swap3A_1700, %swap3A_1701], %swap3A_1704 {strides = array<i32>} : memref<8x6272xf32, #tpu.memory_space<vmem>>, vector<1x16xf32>,
        %mul3A_1705 = arith.constant 16 : i32
        %mul3A_1706 = arith.muli %scan3A_1563, %mul3A_1705 : i32
        %add3A_1707 = arith.constant 5120 : i32
        %add3A_1708 = arith.addi %add3A_1707, %mul3A_1706 : i32
        %get3A_1709 = arith.constant 7 : i32
        %get3A_1710 = arith.index_cast %get3A_1709 : i32 to index
        %get3A_1711 = arith.index_cast %add3A_1708 : i32 to index
        %get3A_1712 = tpu.vector_load %arg5[%get3A_1710, %get3A_1711] {strides = array<i32>} : memref<8x6272xf32, #tpu.memory_space<vmem>>, vector<1x16xf32>,
        %get3A_1713 = vector.shape_cast %get3A_1712 : vector<1x16xf32> to vector<16xf32>
        %mul3A_1714 = arith.mulf %get3A_1713, %div3A_1389 : vector<16xf32>
        %mul3A_1715 = arith.constant 16 : i32
        %mul3A_1716 = arith.muli %scan3A_1563, %mul3A_1715 : i32
        %add3A_1717 = arith.constant 5120 : i32
        %add3A_1718 = arith.addi %add3A_1717, %mul3A_1716 : i32
        %swap3A_1719 = arith.constant 7 : i32
        %swap3A_1720 = arith.index_cast %swap3A_1719 : i32 to index
        %swap3A_1721 = arith.index_cast %add3A_1718 : i32 to index
        %swap3A_1722 = tpu.vector_load %arg5[%swap3A_1720, %swap3A_1721] {strides = array<i32>} : memref<8x6272xf32, #tpu.memory_space<vmem>>, vector<1x16xf32>,
        %swap3A_1723 = vector.shape_cast %swap3A_1722 : vector<1x16xf32> to vector<16xf32>
        %swap3A_1724 = vector.shape_cast %mul3A_1714 : vector<16xf32> to vector<1x16xf32>
        tpu.vector_store %arg5[%swap3A_1720, %swap3A_1721], %swap3A_1724 {strides = array<i32>} : memref<8x6272xf32, #tpu.memory_space<vmem>>, vector<1x16xf32>,
        %scan3A_1725 = arith.constant 0 : i32
        scf.yield %scan3A_1725 : i32
      }
      %scan3A_1496 = arith.constant 64 : i32
      %mul3A_1497 = arith.constant 1024 : i32
      %mul3A_1498 = arith.muli %arg1, %mul3A_1497 : i32
      %add3A_1499 = arith.constant 81920 : i32
      %add3A_1500 = arith.addi %add3A_1499, %mul3A_1498 : i32
      %multiple_of3A_1501 = tpu.assume_multiple %add3A_1500, 128 : i32
      %dma_start3A_1502 = arith.constant 0 : i32
      %dma_start3A_1503 = arith.constant 5120 : i32
      %dma_start3A_1504 = tpu.memref_slice %arg5[%dma_start3A_1502, %dma_start3A_1503] : memref<8x6272xf32, #tpu.memory_space<vmem>> -> memref<8x1024xf32, #tpu.memory_space<vmem>>
      %dma_start3A_1505 = tpu.memref_slice %arg4[%multiple_of3A_14, %multiple_of3A_1501] : memref<128x100000xf32, #tpu.memory_space<hbm>> -> memref<8x1024xf32, #tpu.memory_space<hbm>>
      %dma_start3A_1506 = tpu.memref_slice %arg4[%multiple_of3A_14, %multiple_of3A_1501] : memref<128x100000xf32, #tpu.memory_space<hbm>> -> memref<8x1024xf32, #tpu.memory_space<hbm>>
      %dma_start3A_1507 = arith.constant 0 : i32
      %dma_start3A_1508 = arith.constant 5120 : i32
      %dma_start3A_1509 = tpu.memref_slice %arg5[%dma_start3A_1507, %dma_start3A_1508] : memref<8x6272xf32, #tpu.memory_space<vmem>> -> memref<8x1024xf32, #tpu.memory_space<vmem>>
      tpu.enqueue_dma source(%dma_start3A_1509 : memref<8x1024xf32, #tpu.memory_space<vmem>>) target(%dma_start3A_1506 : memref<8x1024xf32, #tpu.memory_space<hbm>>) target_semaphore(%arg13 : memref<!tpu.dma_semaphore, #tpu.memory_space<semaphore_mem>>)
      %lt3A_1510 = arith.constant 14 : i32
      %lt3A_1511 = arith.cmpi slt, %arg1, %lt3A_1510 : i32
      %convert_element_type3A_1512 = arith.extui %lt3A_1511 : i1 to i32
      %cond3A_1513 = arith.constant 0 : i32
      %cond3A_1514 = arith.cmpi ne, %convert_element_type3A_1512, %cond3A_1513 : i32
      scf.if %cond3A_1514 {
        %scan3A_1563 = arith.constant 0 : i32
        %scan3A_1564 = arith.constant 0 : i32
        %scan3A_1565 = arith.constant 8 : i32
        %scan3A_1566 = arith.addi %scan3A_1564, %scan3A_1565 : i32
        %scan3A_1567 = arith.constant 1 : i32
        %scan3A_1568 = scf.for %scan3A_1586 = %scan3A_1564 to %scan3A_1566 step %scan3A_1567 iter_args(%scan3A_1587 = %scan3A_1563) -> (i32)  : i32 {
          %mul3A_1588 = arith.constant 16 : i32
          %mul3A_1589 = arith.muli %scan3A_1586, %mul3A_1588 : i32
          %add3A_1590 = arith.constant 6144 : i32
          %add3A_1591 = arith.addi %add3A_1590, %mul3A_1589 : i32
          %get3A_1592 = arith.constant 0 : i32
          %get3A_1593 = arith.index_cast %get3A_1592 : i32 to index
          %get3A_1594 = arith.index_cast %add3A_1591 : i32 to index
          %get3A_1595 = tpu.vector_load %arg5[%get3A_1593, %get3A_1594] {strides = array<i32>} : memref<8x6272xf32, #tpu.memory_space<vmem>>, vector<1x16xf32>,
          %get3A_1596 = vector.shape_cast %get3A_1595 : vector<1x16xf32> to vector<16xf32>
          %mul3A_1597 = arith.mulf %get3A_1596, %div3A_535 : vector<16xf32>
          %mul3A_1598 = arith.constant 16 : i32
          %mul3A_1599 = arith.muli %scan3A_1586, %mul3A_1598 : i32
          %add3A_1600 = arith.constant 6144 : i32
          %add3A_1601 = arith.addi %add3A_1600, %mul3A_1599 : i32
          %swap3A_1602 = arith.constant 0 : i32
          %swap3A_1603 = arith.index_cast %swap3A_1602 : i32 to index
          %swap3A_1604 = arith.index_cast %add3A_1601 : i32 to index
          %swap3A_1605 = tpu.vector_load %arg5[%swap3A_1603, %swap3A_1604] {strides = array<i32>} : memref<8x6272xf32, #tpu.memory_space<vmem>>, vector<1x16xf32>,
          %swap3A_1606 = vector.shape_cast %swap3A_1605 : vector<1x16xf32> to vector<16xf32>
          %swap3A_1607 = vector.shape_cast %mul3A_1597 : vector<16xf32> to vector<1x16xf32>
          tpu.vector_store %arg5[%swap3A_1603, %swap3A_1604], %swap3A_1607 {strides = array<i32>} : memref<8x6272xf32, #tpu.memory_space<vmem>>, vector<1x16xf32>,
          %mul3A_1608 = arith.constant 16 : i32
          %mul3A_1609 = arith.muli %scan3A_1586, %mul3A_1608 : i32
          %add3A_1610 = arith.constant 6144 : i32
          %add3A_1611 = arith.addi %add3A_1610, %mul3A_1609 : i32
          %get3A_1612 = arith.constant 1 : i32
          %get3A_1613 = arith.index_cast %get3A_1612 : i32 to index
          %get3A_1614 = arith.index_cast %add3A_1611 : i32 to index
          %get3A_1615 = tpu.vector_load %arg5[%get3A_1613, %get3A_1614] {strides = array<i32>} : memref<8x6272xf32, #tpu.memory_space<vmem>>, vector<1x16xf32>,
          %get3A_1616 = vector.shape_cast %get3A_1615 : vector<1x16xf32> to vector<16xf32>
          %mul3A_1617 = arith.mulf %get3A_1616, %div3A_657 : vector<16xf32>
          %mul3A_1618 = arith.constant 16 : i32
          %mul3A_1619 = arith.muli %scan3A_1586, %mul3A_1618 : i32
          %add3A_1620 = arith.constant 6144 : i32
          %add3A_1621 = arith.addi %add3A_1620, %mul3A_1619 : i32
          %swap3A_1622 = arith.constant 1 : i32
          %swap3A_1623 = arith.index_cast %swap3A_1622 : i32 to index
          %swap3A_1624 = arith.index_cast %add3A_1621 : i32 to index
          %swap3A_1625 = tpu.vector_load %arg5[%swap3A_1623, %swap3A_1624] {strides = array<i32>} : memref<8x6272xf32, #tpu.memory_space<vmem>>, vector<1x16xf32>,
          %swap3A_1626 = vector.shape_cast %swap3A_1625 : vector<1x16xf32> to vector<16xf32>
          %swap3A_1627 = vector.shape_cast %mul3A_1617 : vector<16xf32> to vector<1x16xf32>
          tpu.vector_store %arg5[%swap3A_1623, %swap3A_1624], %swap3A_1627 {strides = array<i32>} : memref<8x6272xf32, #tpu.memory_space<vmem>>, vector<1x16xf32>,
          %mul3A_1628 = arith.constant 16 : i32
          %mul3A_1629 = arith.muli %scan3A_1586, %mul3A_1628 : i32
          %add3A_1630 = arith.constant 6144 : i32
          %add3A_1631 = arith.addi %add3A_1630, %mul3A_1629 : i32
          %get3A_1632 = arith.constant 2 : i32
          %get3A_1633 = arith.index_cast %get3A_1632 : i32 to index
          %get3A_1634 = arith.index_cast %add3A_1631 : i32 to index
          %get3A_1635 = tpu.vector_load %arg5[%get3A_1633, %get3A_1634] {strides = array<i32>} : memref<8x6272xf32, #tpu.memory_space<vmem>>, vector<1x16xf32>,
          %get3A_1636 = vector.shape_cast %get3A_1635 : vector<1x16xf32> to vector<16xf32>
          %mul3A_1637 = arith.mulf %get3A_1636, %div3A_779 : vector<16xf32>
          %mul3A_1638 = arith.constant 16 : i32
          %mul3A_1639 = arith.muli %scan3A_1586, %mul3A_1638 : i32
          %add3A_1640 = arith.constant 6144 : i32
          %add3A_1641 = arith.addi %add3A_1640, %mul3A_1639 : i32
          %swap3A_1642 = arith.constant 2 : i32
          %swap3A_1643 = arith.index_cast %swap3A_1642 : i32 to index
          %swap3A_1644 = arith.index_cast %add3A_1641 : i32 to index
          %swap3A_1645 = tpu.vector_load %arg5[%swap3A_1643, %swap3A_1644] {strides = array<i32>} : memref<8x6272xf32, #tpu.memory_space<vmem>>, vector<1x16xf32>,
          %swap3A_1646 = vector.shape_cast %swap3A_1645 : vector<1x16xf32> to vector<16xf32>
          %swap3A_1647 = vector.shape_cast %mul3A_1637 : vector<16xf32> to vector<1x16xf32>
          tpu.vector_store %arg5[%swap3A_1643, %swap3A_1644], %swap3A_1647 {strides = array<i32>} : memref<8x6272xf32, #tpu.memory_space<vmem>>, vector<1x16xf32>,
          %mul3A_1648 = arith.constant 16 : i32
          %mul3A_1649 = arith.muli %scan3A_1586, %mul3A_1648 : i32
          %add3A_1650 = arith.constant 6144 : i32
          %add3A_1651 = arith.addi %add3A_1650, %mul3A_1649 : i32
          %get3A_1652 = arith.constant 3 : i32
          %get3A_1653 = arith.index_cast %get3A_1652 : i32 to index
          %get3A_1654 = arith.index_cast %add3A_1651 : i32 to index
          %get3A_1655 = tpu.vector_load %arg5[%get3A_1653, %get3A_1654] {strides = array<i32>} : memref<8x6272xf32, #tpu.memory_space<vmem>>, vector<1x16xf32>,
          %get3A_1656 = vector.shape_cast %get3A_1655 : vector<1x16xf32> to vector<16xf32>
          %mul3A_1657 = arith.mulf %get3A_1656, %div3A_901 : vector<16xf32>
          %mul3A_1658 = arith.constant 16 : i32
          %mul3A_1659 = arith.muli %scan3A_1586, %mul3A_1658 : i32
          %add3A_1660 = arith.constant 6144 : i32
          %add3A_1661 = arith.addi %add3A_1660, %mul3A_1659 : i32
          %swap3A_1662 = arith.constant 3 : i32
          %swap3A_1663 = arith.index_cast %swap3A_1662 : i32 to index
          %swap3A_1664 = arith.index_cast %add3A_1661 : i32 to index
          %swap3A_1665 = tpu.vector_load %arg5[%swap3A_1663, %swap3A_1664] {strides = array<i32>} : memref<8x6272xf32, #tpu.memory_space<vmem>>, vector<1x16xf32>,
          %swap3A_1666 = vector.shape_cast %swap3A_1665 : vector<1x16xf32> to vector<16xf32>
          %swap3A_1667 = vector.shape_cast %mul3A_1657 : vector<16xf32> to vector<1x16xf32>
          tpu.vector_store %arg5[%swap3A_1663, %swap3A_1664], %swap3A_1667 {strides = array<i32>} : memref<8x6272xf32, #tpu.memory_space<vmem>>, vector<1x16xf32>,
          %mul3A_1668 = arith.constant 16 : i32
          %mul3A_1669 = arith.muli %scan3A_1586, %mul3A_1668 : i32
          %add3A_1670 = arith.constant 6144 : i32
          %add3A_1671 = arith.addi %add3A_1670, %mul3A_1669 : i32
          %get3A_1672 = arith.constant 4 : i32
          %get3A_1673 = arith.index_cast %get3A_1672 : i32 to index
          %get3A_1674 = arith.index_cast %add3A_1671 : i32 to index
          %get3A_1675 = tpu.vector_load %arg5[%get3A_1673, %get3A_1674] {strides = array<i32>} : memref<8x6272xf32, #tpu.memory_space<vmem>>, vector<1x16xf32>,
          %get3A_1676 = vector.shape_cast %get3A_1675 : vector<1x16xf32> to vector<16xf32>
          %mul3A_1677 = arith.mulf %get3A_1676, %div3A_1023 : vector<16xf32>
          %mul3A_1678 = arith.constant 16 : i32
          %mul3A_1679 = arith.muli %scan3A_1586, %mul3A_1678 : i32
          %add3A_1680 = arith.constant 6144 : i32
          %add3A_1681 = arith.addi %add3A_1680, %mul3A_1679 : i32
          %swap3A_1682 = arith.constant 4 : i32
          %swap3A_1683 = arith.index_cast %swap3A_1682 : i32 to index
          %swap3A_1684 = arith.index_cast %add3A_1681 : i32 to index
          %swap3A_1685 = tpu.vector_load %arg5[%swap3A_1683, %swap3A_1684] {strides = array<i32>} : memref<8x6272xf32, #tpu.memory_space<vmem>>, vector<1x16xf32>,
          %swap3A_1686 = vector.shape_cast %swap3A_1685 : vector<1x16xf32> to vector<16xf32>
          %swap3A_1687 = vector.shape_cast %mul3A_1677 : vector<16xf32> to vector<1x16xf32>
          tpu.vector_store %arg5[%swap3A_1683, %swap3A_1684], %swap3A_1687 {strides = array<i32>} : memref<8x6272xf32, #tpu.memory_space<vmem>>, vector<1x16xf32>,
          %mul3A_1688 = arith.constant 16 : i32
          %mul3A_1689 = arith.muli %scan3A_1586, %mul3A_1688 : i32
          %add3A_1690 = arith.constant 6144 : i32
          %add3A_1691 = arith.addi %add3A_1690, %mul3A_1689 : i32
          %get3A_1692 = arith.constant 5 : i32
          %get3A_1693 = arith.index_cast %get3A_1692 : i32 to index
          %get3A_1694 = arith.index_cast %add3A_1691 : i32 to index
          %get3A_1695 = tpu.vector_load %arg5[%get3A_1693, %get3A_1694] {strides = array<i32>} : memref<8x6272xf32, #tpu.memory_space<vmem>>, vector<1x16xf32>,
          %get3A_1696 = vector.shape_cast %get3A_1695 : vector<1x16xf32> to vector<16xf32>
          %mul3A_1697 = arith.mulf %get3A_1696, %div3A_1145 : vector<16xf32>
          %mul3A_1698 = arith.constant 16 : i32
          %mul3A_1699 = arith.muli %scan3A_1586, %mul3A_1698 : i32
          %add3A_1700 = arith.constant 6144 : i32
          %add3A_1701 = arith.addi %add3A_1700, %mul3A_1699 : i32
          %swap3A_1702 = arith.constant 5 : i32
          %swap3A_1703 = arith.index_cast %swap3A_1702 : i32 to index
          %swap3A_1704 = arith.index_cast %add3A_1701 : i32 to index
          %swap3A_1705 = tpu.vector_load %arg5[%swap3A_1703, %swap3A_1704] {strides = array<i32>} : memref<8x6272xf32, #tpu.memory_space<vmem>>, vector<1x16xf32>,
          %swap3A_1706 = vector.shape_cast %swap3A_1705 : vector<1x16xf32> to vector<16xf32>
          %swap3A_1707 = vector.shape_cast %mul3A_1697 : vector<16xf32> to vector<1x16xf32>
          tpu.vector_store %arg5[%swap3A_1703, %swap3A_1704], %swap3A_1707 {strides = array<i32>} : memref<8x6272xf32, #tpu.memory_space<vmem>>, vector<1x16xf32>,
          %mul3A_1708 = arith.constant 16 : i32
          %mul3A_1709 = arith.muli %scan3A_1586, %mul3A_1708 : i32
          %add3A_1710 = arith.constant 6144 : i32
          %add3A_1711 = arith.addi %add3A_1710, %mul3A_1709 : i32
          %get3A_1712 = arith.constant 6 : i32
          %get3A_1713 = arith.index_cast %get3A_1712 : i32 to index
          %get3A_1714 = arith.index_cast %add3A_1711 : i32 to index
          %get3A_1715 = tpu.vector_load %arg5[%get3A_1713, %get3A_1714] {strides = array<i32>} : memref<8x6272xf32, #tpu.memory_space<vmem>>, vector<1x16xf32>,
          %get3A_1716 = vector.shape_cast %get3A_1715 : vector<1x16xf32> to vector<16xf32>
          %mul3A_1717 = arith.mulf %get3A_1716, %div3A_1267 : vector<16xf32>
          %mul3A_1718 = arith.constant 16 : i32
          %mul3A_1719 = arith.muli %scan3A_1586, %mul3A_1718 : i32
          %add3A_1720 = arith.constant 6144 : i32
          %add3A_1721 = arith.addi %add3A_1720, %mul3A_1719 : i32
          %swap3A_1722 = arith.constant 6 : i32
          %swap3A_1723 = arith.index_cast %swap3A_1722 : i32 to index
          %swap3A_1724 = arith.index_cast %add3A_1721 : i32 to index
          %swap3A_1725 = tpu.vector_load %arg5[%swap3A_1723, %swap3A_1724] {strides = array<i32>} : memref<8x6272xf32, #tpu.memory_space<vmem>>, vector<1x16xf32>,
          %swap3A_1726 = vector.shape_cast %swap3A_1725 : vector<1x16xf32> to vector<16xf32>
          %swap3A_1727 = vector.shape_cast %mul3A_1717 : vector<16xf32> to vector<1x16xf32>
          tpu.vector_store %arg5[%swap3A_1723, %swap3A_1724], %swap3A_1727 {strides = array<i32>} : memref<8x6272xf32, #tpu.memory_space<vmem>>, vector<1x16xf32>,
          %mul3A_1728 = arith.constant 16 : i32
          %mul3A_1729 = arith.muli %scan3A_1586, %mul3A_1728 : i32
          %add3A_1730 = arith.constant 6144 : i32
          %add3A_1731 = arith.addi %add3A_1730, %mul3A_1729 : i32
          %get3A_1732 = arith.constant 7 : i32
          %get3A_1733 = arith.index_cast %get3A_1732 : i32 to index
          %get3A_1734 = arith.index_cast %add3A_1731 : i32 to index
          %get3A_1735 = tpu.vector_load %arg5[%get3A_1733, %get3A_1734] {strides = array<i32>} : memref<8x6272xf32, #tpu.memory_space<vmem>>, vector<1x16xf32>,
          %get3A_1736 = vector.shape_cast %get3A_1735 : vector<1x16xf32> to vector<16xf32>
          %mul3A_1737 = arith.mulf %get3A_1736, %div3A_1389 : vector<16xf32>
          %mul3A_1738 = arith.constant 16 : i32
          %mul3A_1739 = arith.muli %scan3A_1586, %mul3A_1738 : i32
          %add3A_1740 = arith.constant 6144 : i32
          %add3A_1741 = arith.addi %add3A_1740, %mul3A_1739 : i32
          %swap3A_1742 = arith.constant 7 : i32
          %swap3A_1743 = arith.index_cast %swap3A_1742 : i32 to index
          %swap3A_1744 = arith.index_cast %add3A_1741 : i32 to index
          %swap3A_1745 = tpu.vector_load %arg5[%swap3A_1743, %swap3A_1744] {strides = array<i32>} : memref<8x6272xf32, #tpu.memory_space<vmem>>, vector<1x16xf32>,
          %swap3A_1746 = vector.shape_cast %swap3A_1745 : vector<1x16xf32> to vector<16xf32>
          %swap3A_1747 = vector.shape_cast %mul3A_1737 : vector<16xf32> to vector<1x16xf32>
          tpu.vector_store %arg5[%swap3A_1743, %swap3A_1744], %swap3A_1747 {strides = array<i32>} : memref<8x6272xf32, #tpu.memory_space<vmem>>, vector<1x16xf32>,
          %scan3A_1748 = arith.constant 0 : i32
          scf.yield %scan3A_1748 : i32
        }
        %scan3A_1569 = arith.constant 8 : i32
        %dma_start3A_1570 = arith.constant 0 : i32
        %dma_start3A_1571 = arith.constant 6144 : i32
        %dma_start3A_1572 = tpu.memref_slice %arg5[%dma_start3A_1570, %dma_start3A_1571] : memref<8x6272xf32, #tpu.memory_space<vmem>> -> memref<8x128xf32, #tpu.memory_space<vmem>>
        %dma_start3A_1573 = tpu.memref_slice %arg4[%multiple_of3A_14, %multiple_of3A] : memref<128x100000xf32, #tpu.memory_space<hbm>> -> memref<8x128xf32, #tpu.memory_space<hbm>>
        %dma_start3A_1574 = tpu.memref_slice %arg4[%multiple_of3A_14, %multiple_of3A] : memref<128x100000xf32, #tpu.memory_space<hbm>> -> memref<8x128xf32, #tpu.memory_space<hbm>>
        %dma_start3A_1575 = arith.constant 0 : i32
        %dma_start3A_1576 = arith.constant 6144 : i32
        %dma_start3A_1577 = tpu.memref_slice %arg5[%dma_start3A_1575, %dma_start3A_1576] : memref<8x6272xf32, #tpu.memory_space<vmem>> -> memref<8x128xf32, #tpu.memory_space<vmem>>
        tpu.enqueue_dma source(%dma_start3A_1577 : memref<8x128xf32, #tpu.memory_space<vmem>>) target(%dma_start3A_1574 : memref<8x128xf32, #tpu.memory_space<hbm>>) target_semaphore(%arg14 : memref<!tpu.dma_semaphore, #tpu.memory_space<semaphore_mem>>)
        %dma_wait3A_1578 = arith.constant 0 : i32
        %dma_wait3A_1579 = arith.constant 6144 : i32
        %dma_wait3A_1580 = tpu.memref_slice %arg5[%dma_wait3A_1578, %dma_wait3A_1579] : memref<8x6272xf32, #tpu.memory_space<vmem>> -> memref<8x128xf32, #tpu.memory_space<vmem>>
        %dma_wait3A_1581 = tpu.memref_slice %arg4[%multiple_of3A_14, %multiple_of3A] : memref<128x100000xf32, #tpu.memory_space<hbm>> -> memref<8x128xf32, #tpu.memory_space<hbm>>
        %dma_wait3A_1582 = tpu.memref_slice %arg4[%multiple_of3A_14, %multiple_of3A] : memref<128x100000xf32, #tpu.memory_space<hbm>> -> memref<8x128xf32, #tpu.memory_space<hbm>>
        %dma_wait3A_1583 = arith.constant 0 : i32
        %dma_wait3A_1584 = arith.constant 6144 : i32
        %dma_wait3A_1585 = tpu.memref_slice %arg5[%dma_wait3A_1583, %dma_wait3A_1584] : memref<8x6272xf32, #tpu.memory_space<vmem>> -> memref<8x128xf32, #tpu.memory_space<vmem>>
        tpu.wait_dma2 semaphore(%arg14 : memref<!tpu.dma_semaphore, #tpu.memory_space<semaphore_mem>>) src(%dma_wait3A_1585 : memref<8x128xf32, #tpu.memory_space<vmem>>) dst(%dma_wait3A_1582 : memref<8x128xf32, #tpu.memory_space<hbm>>)
      } else {
      }
      %dma_wait3A_1515 = arith.constant 0 : i32
      %dma_wait3A_1516 = arith.constant 0 : i32
      %dma_wait3A_1517 = tpu.memref_slice %arg5[%dma_wait3A_1515, %dma_wait3A_1516] : memref<8x6272xf32, #tpu.memory_space<vmem>> -> memref<8x1024xf32, #tpu.memory_space<vmem>>
      %dma_wait3A_1518 = tpu.memref_slice %arg4[%multiple_of3A_14, %multiple_of3A_1401] : memref<128x100000xf32, #tpu.memory_space<hbm>> -> memref<8x1024xf32, #tpu.memory_space<hbm>>
      %dma_wait3A_1519 = tpu.memref_slice %arg4[%multiple_of3A_14, %multiple_of3A_1401] : memref<128x100000xf32, #tpu.memory_space<hbm>> -> memref<8x1024xf32, #tpu.memory_space<hbm>>
      %dma_wait3A_1520 = arith.constant 0 : i32
      %dma_wait3A_1521 = arith.constant 0 : i32
      %dma_wait3A_1522 = tpu.memref_slice %arg5[%dma_wait3A_1520, %dma_wait3A_1521] : memref<8x6272xf32, #tpu.memory_space<vmem>> -> memref<8x1024xf32, #tpu.memory_space<vmem>>
      tpu.wait_dma2 semaphore(%arg13 : memref<!tpu.dma_semaphore, #tpu.memory_space<semaphore_mem>>) src(%dma_wait3A_1522 : memref<8x1024xf32, #tpu.memory_space<vmem>>) dst(%dma_wait3A_1519 : memref<8x1024xf32, #tpu.memory_space<hbm>>)
      %dma_wait3A_1523 = arith.constant 0 : i32
      %dma_wait3A_1524 = arith.constant 1024 : i32
      %dma_wait3A_1525 = tpu.memref_slice %arg5[%dma_wait3A_1523, %dma_wait3A_1524] : memref<8x6272xf32, #tpu.memory_space<vmem>> -> memref<8x1024xf32, #tpu.memory_space<vmem>>
      %dma_wait3A_1526 = tpu.memref_slice %arg4[%multiple_of3A_14, %multiple_of3A_1421] : memref<128x100000xf32, #tpu.memory_space<hbm>> -> memref<8x1024xf32, #tpu.memory_space<hbm>>
      %dma_wait3A_1527 = tpu.memref_slice %arg4[%multiple_of3A_14, %multiple_of3A_1421] : memref<128x100000xf32, #tpu.memory_space<hbm>> -> memref<8x1024xf32, #tpu.memory_space<hbm>>
      %dma_wait3A_1528 = arith.constant 0 : i32
      %dma_wait3A_1529 = arith.constant 1024 : i32
      %dma_wait3A_1530 = tpu.memref_slice %arg5[%dma_wait3A_1528, %dma_wait3A_1529] : memref<8x6272xf32, #tpu.memory_space<vmem>> -> memref<8x1024xf32, #tpu.memory_space<vmem>>
      tpu.wait_dma2 semaphore(%arg13 : memref<!tpu.dma_semaphore, #tpu.memory_space<semaphore_mem>>) src(%dma_wait3A_1530 : memref<8x1024xf32, #tpu.memory_space<vmem>>) dst(%dma_wait3A_1527 : memref<8x1024xf32, #tpu.memory_space<hbm>>)
      %dma_wait3A_1531 = arith.constant 0 : i32
      %dma_wait3A_1532 = arith.constant 2048 : i32
      %dma_wait3A_1533 = tpu.memref_slice %arg5[%dma_wait3A_1531, %dma_wait3A_1532] : memref<8x6272xf32, #tpu.memory_space<vmem>> -> memref<8x1024xf32, #tpu.memory_space<vmem>>
      %dma_wait3A_1534 = tpu.memref_slice %arg4[%multiple_of3A_14, %multiple_of3A_1441] : memref<128x100000xf32, #tpu.memory_space<hbm>> -> memref<8x1024xf32, #tpu.memory_space<hbm>>
      %dma_wait3A_1535 = tpu.memref_slice %arg4[%multiple_of3A_14, %multiple_of3A_1441] : memref<128x100000xf32, #tpu.memory_space<hbm>> -> memref<8x1024xf32, #tpu.memory_space<hbm>>
      %dma_wait3A_1536 = arith.constant 0 : i32
      %dma_wait3A_1537 = arith.constant 2048 : i32
      %dma_wait3A_1538 = tpu.memref_slice %arg5[%dma_wait3A_1536, %dma_wait3A_1537] : memref<8x6272xf32, #tpu.memory_space<vmem>> -> memref<8x1024xf32, #tpu.memory_space<vmem>>
      tpu.wait_dma2 semaphore(%arg13 : memref<!tpu.dma_semaphore, #tpu.memory_space<semaphore_mem>>) src(%dma_wait3A_1538 : memref<8x1024xf32, #tpu.memory_space<vmem>>) dst(%dma_wait3A_1535 : memref<8x1024xf32, #tpu.memory_space<hbm>>)
      %dma_wait3A_1539 = arith.constant 0 : i32
      %dma_wait3A_1540 = arith.constant 3072 : i32
      %dma_wait3A_1541 = tpu.memref_slice %arg5[%dma_wait3A_1539, %dma_wait3A_1540] : memref<8x6272xf32, #tpu.memory_space<vmem>> -> memref<8x1024xf32, #tpu.memory_space<vmem>>
      %dma_wait3A_1542 = tpu.memref_slice %arg4[%multiple_of3A_14, %multiple_of3A_1461] : memref<128x100000xf32, #tpu.memory_space<hbm>> -> memref<8x1024xf32, #tpu.memory_space<hbm>>
      %dma_wait3A_1543 = tpu.memref_slice %arg4[%multiple_of3A_14, %multiple_of3A_1461] : memref<128x100000xf32, #tpu.memory_space<hbm>> -> memref<8x1024xf32, #tpu.memory_space<hbm>>
      %dma_wait3A_1544 = arith.constant 0 : i32
      %dma_wait3A_1545 = arith.constant 3072 : i32
      %dma_wait3A_1546 = tpu.memref_slice %arg5[%dma_wait3A_1544, %dma_wait3A_1545] : memref<8x6272xf32, #tpu.memory_space<vmem>> -> memref<8x1024xf32, #tpu.memory_space<vmem>>
      tpu.wait_dma2 semaphore(%arg13 : memref<!tpu.dma_semaphore, #tpu.memory_space<semaphore_mem>>) src(%dma_wait3A_1546 : memref<8x1024xf32, #tpu.memory_space<vmem>>) dst(%dma_wait3A_1543 : memref<8x1024xf32, #tpu.memory_space<hbm>>)
      %dma_wait3A_1547 = arith.constant 0 : i32
      %dma_wait3A_1548 = arith.constant 4096 : i32
      %dma_wait3A_1549 = tpu.memref_slice %arg5[%dma_wait3A_1547, %dma_wait3A_1548] : memref<8x6272xf32, #tpu.memory_space<vmem>> -> memref<8x1024xf32, #tpu.memory_space<vmem>>
      %dma_wait3A_1550 = tpu.memref_slice %arg4[%multiple_of3A_14, %multiple_of3A_1481] : memref<128x100000xf32, #tpu.memory_space<hbm>> -> memref<8x1024xf32, #tpu.memory_space<hbm>>
      %dma_wait3A_1551 = tpu.memref_slice %arg4[%multiple_of3A_14, %multiple_of3A_1481] : memref<128x100000xf32, #tpu.memory_space<hbm>> -> memref<8x1024xf32, #tpu.memory_space<hbm>>
      %dma_wait3A_1552 = arith.constant 0 : i32
      %dma_wait3A_1553 = arith.constant 4096 : i32
      %dma_wait3A_1554 = tpu.memref_slice %arg5[%dma_wait3A_1552, %dma_wait3A_1553] : memref<8x6272xf32, #tpu.memory_space<vmem>> -> memref<8x1024xf32, #tpu.memory_space<vmem>>
      tpu.wait_dma2 semaphore(%arg13 : memref<!tpu.dma_semaphore, #tpu.memory_space<semaphore_mem>>) src(%dma_wait3A_1554 : memref<8x1024xf32, #tpu.memory_space<vmem>>) dst(%dma_wait3A_1551 : memref<8x1024xf32, #tpu.memory_space<hbm>>)
      %dma_wait3A_1555 = arith.constant 0 : i32
      %dma_wait3A_1556 = arith.constant 5120 : i32
      %dma_wait3A_1557 = tpu.memref_slice %arg5[%dma_wait3A_1555, %dma_wait3A_1556] : memref<8x6272xf32, #tpu.memory_space<vmem>> -> memref<8x1024xf32, #tpu.memory_space<vmem>>
      %dma_wait3A_1558 = tpu.memref_slice %arg4[%multiple_of3A_14, %multiple_of3A_1501] : memref<128x100000xf32, #tpu.memory_space<hbm>> -> memref<8x1024xf32, #tpu.memory_space<hbm>>
      %dma_wait3A_1559 = tpu.memref_slice %arg4[%multiple_of3A_14, %multiple_of3A_1501] : memref<128x100000xf32, #tpu.memory_space<hbm>> -> memref<8x1024xf32, #tpu.memory_space<hbm>>
      %dma_wait3A_1560 = arith.constant 0 : i32
      %dma_wait3A_1561 = arith.constant 5120 : i32
      %dma_wait3A_1562 = tpu.memref_slice %arg5[%dma_wait3A_1560, %dma_wait3A_1561] : memref<8x6272xf32, #tpu.memory_space<vmem>> -> memref<8x1024xf32, #tpu.memory_space<vmem>>
      tpu.wait_dma2 semaphore(%arg13 : memref<!tpu.dma_semaphore, #tpu.memory_space<semaphore_mem>>) src(%dma_wait3A_1562 : memref<8x1024xf32, #tpu.memory_space<vmem>>) dst(%dma_wait3A_1559 : memref<8x1024xf32, #tpu.memory_space<hbm>>)
    }
    %scan3A_7 = arith.constant 8 : i32
    return
  }
}

</mosaic_0001>

<sc_bundles>
// kernel: kernel.3.cloned.1.call-start
scs
__scs_entry_jumppad:
0x0: {  	(pc) =	sbr.rel $0x88, $3  }
0x1: {  	(tag) =	ssettag $0x0;
	lr =	simm.s32 $0x1  }
0x2: {  	[smem:$0x3F9F] =	sst lr;
	_ =	strace $0xD0000000  }
0x3: {  	_ = 	snop  }
0x4: {  	_ = 	snop  }
0x5: {  	_ = 	snop  }
0x6: {  	_ = 	snop  }
0x7: {  	_ = 	snop  }
__scs_overlays_trampoline_lowered:
0x8: {  	[smem:$0x3FAE] =	sst s0  }
0x9: {  	[smem:$0x3FAF] =	sst s1  }
0xa: {  	[smem:$0x3FB0] =	sst s2  }
0xb: {  	[smem:$0x3FB1] =	sst s3  }
0xc: {  	[smem:$0x3FB2] =	sst s4  }
0xd: {  	[smem:$0x3FB3] =	sst s5  }
0xe: {  	[smem:$0x3FB4] =	sst s6  }
0xf: {  	[smem:$0x3FB5] =	sst s7  }
0x10: {  	[smem:$0x3FB6] =	sst s8  }
0x11: {  	[smem:$0x3FB7] =	sst s9;
	s0 =	simm.s32 @!p0 $0x0  }
0x12: {  	s1 =	sld [smem:$0x3F9D];
	s0 =	simm.s32 @p0 $0x1  }
0x13: {  	[smem:$0x3FB8] =	sst s0;
	s0 =	simm.s32 @!p1 $0x0  }
0x14: {  	s2 =	sld [smem:$0x3F9C];
	s0 =	simm.s32 @p1 $0x1  }
0x15: {  	[smem:$0x3FB9] =	sst s0;
	s0 =	simm.s32 @!p2 $0x0  }
0x16: {  	s3 =	sld [smem:$0x3FDB];
	s0 =	simm.s32 @p2 $0x1  }
0x17: {  	s4 =	simm.s32 $0x1BF5;
	[smem:$0x3FBB] =	sst s0  }
0x18: {  	s0 =	sld [smem:$0x3F9E];
	_ =	swait.ge [sflag:s4], $0x0  }
0x19: {  	s7 =	sld [smem:$0x3F9F]  }
0x1a: {  	s8 =	sadd.s32 $0xFFFFE003, lr  }
0x1b: {  	s9 =	sadd.s32 $0xFFFFFEF7, lr;
	s5 =	simm.s32 $0xFFFFFFFF;
	p2 =	slt.u32 s8, $0xFFFFF086  }
0x1c: {  	p1 =	slt.u32 s9, $0xF7A;
	s5 =	simm.s32 @!p2 $0x0  }
0x1d: {  	s5 =	simm.s32 @p1 $0x1;
	p0 =	seq.s32 s7, s2  }
0x1e: {  	s7 =	smul.u32 @!p0 $0xF7A, s2;
	p2 =	seq.s32 @!p0 s5, $0x0  }
0x1f: {  	s9 =	smul.u32 $0xF7A, s1;
	s8 =	simm.s32 @!p0 $0x1BF5;
	p2 =	por !p2, p0  }
0x20: {  	[sflag:s8] =	ssyncset.s32 @!p0 $0xFFFFF086;
	s6 =	sadd.s32 @!p0 s3, s7;
	s7 =	simm.s32 @!p0 $0x108  }
0x21: {  	s3 =	sadd.s32 s3, s9;
	s6 =	sadd.s32 @!p0 $0x88, s6;
	s7 =	simm.s32 @p2 $0x1082  }
0x22: {  	[simem:s7], [sflag:s8] =	dma.local @!p0 [hbm:s6], $0xF7A  }
0x23: {  	s9 =	sor.u32 $0xD0000000, s2;
	s6 =	simm.s32 $0x108;
	_ =	swait.ge @!p0 [sflag:s8], $0x0  }
0x24: {  	s3 =	sadd.s32 $0x88, s3;
	s6 =	simm.s32 @!p1 $0x1082;
	[sflag:s4] =	ssyncset.s32 $0xFFFFF086  }
0x25: {  	[simem:s6], [sflag:s4] =	dma.local [hbm:s3], $0xF7A  }
0x26: {  	[smem:$0x3F9F] =	sst s1;
	(tag) =	ssettag s2;
	_ =	strace s9  }
0x27: {  	s1 =	sld [smem:$0x3FAF]  }
0x28: {  	s2 =	sld [smem:$0x3FB0]  }
0x29: {  	s4 =	sld [smem:$0x3FB2]  }
0x2a: {  	p0 =	seq.s32 s5, $0x0;
	s5 =	sld [smem:$0x3FB3]  }
0x2b: {  	s6 =	sld [smem:$0x3FB4]  }
0x2c: {  	s7 =	sld [smem:$0x3FB5]  }
0x2d: {  	s3 =	simm.s32 $0x108;
	s8 =	sld [smem:$0x3FB6]  }
0x2e: {  	s3 =	simm.s32 @!p0 $0x1082;
	s9 =	sld [smem:$0x3FB7]  }
0x2f: {  	lr =	sadd.s32 s0, s3;
	s0 =	sld [smem:$0x3FAE]  }
0x30: {  	s3 =	sld [smem:$0x3FB1]  }
0x31: {  	[smem:$0x3FBA] =	sst s10  }
0x32: {  	s10 =	sld [smem:$0x3FB8];
	_ =	sdelay $0x3  }
0x33: {  	p0 =	seq.s32 s10, $0x1;
	s10 =	sld [smem:$0x3FBA];
	_ =	sdelay $0x3  }
0x34: {  	[smem:$0x3FBA] =	sst s10  }
0x35: {  	s10 =	sld [smem:$0x3FB9];
	_ =	sdelay $0x3  }
0x36: {  	p1 =	seq.s32 s10, $0x1;
	s10 =	sld [smem:$0x3FBA];
	_ =	sdelay $0x3  }
0x37: {  	[smem:$0x3FBA] =	sst s10  }
0x38: {  	s10 =	sld [smem:$0x3FBB]  }
0x39: {  	_ = 	snop;
	(pc) =	sbr.ind lr, $3  }
0x3a: {  	_ = 	snop  }
0x3b: {  	_ = 	snop  }
0x3c: {  	p2 =	seq.s32 s10, $0x1;
	s10 =	sld [smem:$0x3FBA]  }
0x3d: {  	_ =	shalt  }
0x3e: {  	_ =	shalt  }
0x3f: {  	_ =	shalt  }
0x40: {  	_ =	shalt  }
0x41: {  	_ =	shalt  }
0x42: {  	_ =	shalt  }
0x43: {  	_ =	shalt  }
0x44: {  	_ =	shalt  }
0x45: {  	_ =	shalt  }
0x46: {  	_ =	shalt  }
0x47: {  	_ =	shalt  }
0x48: {  	_ =	shalt  }
0x49: {  	_ =	shalt  }
0x4a: {  	_ =	shalt  }
0x4b: {  	_ =	shalt  }
0x4c: {  	_ =	shalt  }
0x4d: {  	_ =	shalt  }
0x4e: {  	_ =	shalt  }
0x4f: {  	_ =	shalt  }
0x50: {  	_ =	shalt  }
0x51: {  	_ =	shalt  }
0x52: {  	_ =	shalt  }
0x53: {  	_ =	shalt  }
0x54: {  	_ =	shalt  }
0x55: {  	_ =	shalt  }
0x56: {  	_ =	shalt  }
0x57: {  	_ =	shalt  }
0x58: {  	_ =	shalt  }
0x59: {  	_ =	shalt  }
0x5a: {  	_ =	shalt  }
0x5b: {  	_ =	shalt  }
0x5c: {  	_ =	shalt  }
0x5d: {  	_ =	shalt  }
0x5e: {  	_ =	shalt  }
0x5f: {  	_ =	shalt  }
0x60: {  	_ =	shalt  }
0x61: {  	_ =	shalt  }
0x62: {  	_ =	shalt  }
0x63: {  	_ =	shalt  }
0x64: {  	_ =	shalt  }
0x65: {  	_ =	shalt  }
0x66: {  	_ =	shalt  }
0x67: {  	_ =	shalt  }
0x68: {  	_ =	shalt  }
0x69: {  	_ =	shalt  }
0x6a: {  	_ =	shalt  }
0x6b: {  	_ =	shalt  }
0x6c: {  	_ =	shalt  }
0x6d: {  	_ =	shalt  }
0x6e: {  	_ =	shalt  }
0x6f: {  	_ =	shalt  }
0x70: {  	_ =	shalt  }
0x71: {  	_ =	shalt  }
0x72: {  	_ =	shalt  }
0x73: {  	_ =	shalt  }
0x74: {  	_ =	shalt  }
0x75: {  	_ =	shalt  }
0x76: {  	_ =	shalt  }
0x77: {  	_ =	shalt  }
0x78: {  	_ =	shalt  }
0x79: {  	_ =	shalt  }
0x7a: {  	_ =	shalt  }
0x7b: {  	_ =	shalt  }
0x7c: {  	_ =	shalt  }
0x7d: {  	_ =	shalt  }
0x7e: {  	_ =	shalt  }
0x7f: {  	_ =	shalt  }
0x80: {  	_ =	shalt  }
0x81: {  	_ =	shalt  }
0x82: {  	_ =	shalt  }
0x83: {  	_ =	shalt  }
0x84: {  	_ =	shalt  }
0x85: {  	_ =	shalt  }
0x86: {  	_ =	shalt  }
0x87: {  	_ =	shalt  }
.Lfunc_end0:
.L_simem_size_0:
called_computation_lowered:
.L_overlay_start_0:
0x88: {  	s2 =	sld [smem:$0x3FD9]  }
0x89: {  	s3 =	sld [smem:$0x3FFE];
	_ =	sdelay $0x1  }
0x8a: {  	s1 =	srdreg.scid  }
0x8b: {  	s0 =	sand.u32 $0x1, s1  }
0x8c: {  	s16 =	sshll.u32 s0, $0xA;
	s2 =	sadd.s32 s3, s2  }
0x8d: {  	s2 =	sadd.s32 s2, s16  }
0x8e: {  	[smem:$0x3FC6] =	sst s2  }
0x8f: {  	_ = 	snop  }
0x90: {  	(tm) =	ssettm $0x1  }
0x91: {  	s17 =	sld [smem:$0x3FFB];
	_ =	sdelay $0x3  }
0x92: {  	_ =	strace s17  }
0x93: {  	s2 =	sld [smem:$0x3FFC];
	_ =	sdelay $0x3  }
0x94: {  	_ =	strace s2  }
0x95: {  	s2 =	sld [smem:$0x3FFD];
	_ =	sdelay $0x3  }
0x96: {  	_ =	strace s2  }
0x97: {  	_ =	strace $0x8FFFFFFF  }
0x98: {  	s18 =	sld [smem:$0x3FDB];
	_ =	sdelay $0x1  }
0x99: {  	s19 =	simm.s32 $_scs_section_size  }
0x9a: {  	s4 =	simm.s32 $_size__tile_overlayer_lowered;
	s5 =	simm.s32 $_tile_overlayer_lowered  }
0x9b: {  	s22 =	simm.s32 $0x1BFF;
	s21 =	sshll.u32 s5, $0x1;
	s2 =	sadd.s32 s19, s18  }
0x9c: {  	s6 =	simm.s32 $0x0;
	s20 =	sshll.u32 s4, $0x1;
	s4 =	sadd.s32 s21, s2  }
0x9d: {  	[timem:s6], [sflag:s22] =	dma.local [hbm:s4], s20  }
0x9e: {  	_ =	swait.ge [sflag:s22], s20  }
0x9f: {  	s3 =	ssub.s32 $0x0, s20;
	[sflag:s22] =	ssyncset.done $0x0  }
0xa0: {  	[sflag:s22] =	ssyncadd.s32 s3;
	_ =	sdelay $0x1  }
0xa1: {  	s23 =	simm.s32 $0x1B8B  }
0xa2: {  	_ =	swait.ge [sflag:s23], $0x1  }
0xa3: {  	[sflag:s23] =	ssyncset.done $0x0  }
0xa4: {  	s25 =	simm.s32 $0x1B8E;
	s24 =	sld [smem:$0x3FFE];
	[sflag:s23] =	ssyncadd.s32 $0xFFFFFFFF  }
0xa5: {  	s26 =	simm.s32 $execute0_lowered;
	[smem:$0x3FD2] =	sst s25  }
0xa6: {  	s4 =	sshll.u32 s26, $0x1;
	_ =	strace $0x80000046;
	[dreg:$0x1] =	wrdreg $0xFFFFFFFF  }
0xa7: {  	s28 =	simm.s32 $_size_execute0_lowered;
	s2 =	sadd.s32 s2, s4;
	[dreg:$0x0] =	wrdreg $0x0  }
0xa8: {  	s4 =	sshll.u32 s28, $0x1;
	[dreg:$0x2] =	wrdreg s2  }
0xa9: {  	[dreg:$0x3] =	wrdreg s4  }
0xaa: {  	[dreg:$0x4] =	wrdreg $0xC0  }
0xab: {  	_ =	task [dreg:s6], $0x5FFFF  }
0xac: {  	[dreg:$0x1] =	wrdreg $0xFFFFFFFF  }
0xad: {  	[dreg:$0x0] =	wrdreg $0x60  }
0xae: {  	[dreg:$0x2] =	wrdreg s24  }
0xaf: {  	[dreg:$0x3] =	wrdreg $0xC4000  }
0xb0: {  	[dreg:$0x4] =	wrdreg $0x9  }
0xb1: {  	_ =	task.clear_ibuf [dreg:s6], $0x5FFFF;
	_ =	strace $0x90000046  }
0xb2: {  	s29 =	simm.s32 $0x9;
	_ =	strace $0x80000048  }
0xb3: {  	_ =	swait.ge [sflag:s29], $0x1  }
0xb4: {  	[sflag:s29] =	ssyncadd.s32 $0xFFFFFFFF  }
0xb5: {  	_ =	strace $0x90000048  }
0xb6: {  	_ =	sfence  }
0xb7: {  	s30 =	sld [smem:$0x0];
	_ =	sdelay $0x2  }
0xb8: {  	s31 =	sshll.u32 s1, $0xD;
	s1 =	sshrl.u32 s1, $0x2  }
0xb9: {  	s3 =	sand.u32 $0x4000, s31;
	s1 =	sadd.s32 s1, s30  }
0xba: {  	s0 =	sor.u32 s3, s0;
	s1 =	sshll.u32 s1, $0x11  }
0xbb: {  	s0 =	sor.u32 s1, s0  }
0xbc: {  	s0 =	sadd.s32 $0x8F2B, s0  }
0xbd: {  	[sflag:s0] =	ssyncadd.remote.s32 $0x1  }
0xbe: {  	_ =	sfence.sel $0xFFFF  }
0xbf: {  	[dreg:$0x0] =	wrdreg $0xFFFFFFFF;
	(pc) =	sbr.abs _section_cstart, $3  }
0xc0: {  	[dreg:$0x1] =	wrdreg $0xFFFFFFFF  }
0xc1: {  	_ =	task.clear_ibuf [dreg:s6], $0x2FFFF;
	_ =	strace $0x9FFFFFFF  }
0xc2: {  	(tm) =	ssettm $0x7FFFFFFF  }
0xc3: {  	_ =	shalt  }
tec
execute0_lowered:
.L_overlay_start_1:
0x0: {  	(tag) =	ssettag $0x1  }
0x1: {  	s0 =	rddreg [dreg:$0x0];
	s2 =	simm.s32 $0x0  }
0x2: {  	s1 =	srdreg.scid;
	s7 =	stileid.u32;
	s15 =	simm.s32 $0xCD80  }
0x3: {  	s18 =	simm.s32 $0x2000;
	s19 =	simm.s32 $0xED80;
	s28 =	simm.s32 $0xA000  }
0x4: {  	v0 =	vimm.s32 $0xEFCDAB89;
	s29 =	simm.s32 $0x4;
	s31 =	simm.s32 $0x5;
	s17 =	simm.s32 $0x3  }
0x5: {  	v1 =	vimm.s32 $0x67452301;
	v2 =	vimm.s32 $0xDCFE98BA;
	[smem:$0x7FF] =	sst s2;
	s3 =	sadd.s32 $0x400, s0;
	s1 =	sand.u32 $0x1, s1  }
0x6: {  	v3 =	vimm.s32 $0x54761032;
	s4 =	sadd.s32 $0x187400, s0;
	s6 =	sadd.s32 $0x30E400, s0;
	s21 =	sshll.u32 s7, $0x7  }
0x7: {  	v4 =	vimm.s32 $0xBA98FEDC;
	s8 =	sshll.u32 s7, $0xD;
	p0 =	sgt.u32 s7, $0xD;
	_ =	strace $0x80000047  }
0x8: {  	v5 =	vimm.s32 $0x32107654;
	v6 =	vimm.s32 $0xFEDCBA98;
	s5 =	ssub.s32 $0x2, s1;
	[dreg:$0x3] =	wrdreg s21;
	s22 =	sor.u32 $0x20000, s8  }
0x9: {  	v7 =	vimm.s32 $0x76543210;
	v0 =	vunpack.c.l.s4.s8 v0;
	v1 =	vunpack.c.l.s4.s8 v1;
	s9 =	sor.u32 $0x18000, s21;
	s23 =	sor.u32 $0x40000, s8;
	[dreg:$0x4] =	wrdreg s22  }
0xa: {  	v2 =	vunpack.c.l.s4.s8 v2;
	v3 =	vunpack.c.l.s4.s8 v3;
	v4 =	vunpack.c.l.s4.s8 v4;
	s1 =	sshll.u32 s1, $0x3;
	s24 =	sor.u32 $0x60000, s8;
	[dreg:$0x5] =	wrdreg s23  }
0xb: {  	v5 =	vunpack.c.l.s4.s8 v5;
	v6 =	vunpack.c.l.s4.s8 v6;
	v7 =	vunpack.c.l.s4.s8 v7;
	s25 =	sor.u32 $0x80000, s8;
	s26 =	sor.u32 $0xA0000, s8;
	[dreg:$0x6] =	wrdreg s1  }
0xc: {  	s21 =	simm.s32 $0x10D80;
	s20 =	sshrl.u32 s5, $0x1;
	v0 =	vunpack.c.0.s8.s32 v0;
	v1 =	vunpack.c.0.s8.s32 v1;
	v2 =	vunpack.c.0.s8.s32 v2;
	[dreg:$0x7] =	wrdreg s24  }
.Ltmp0:
0xd: {  	[dreg:$0x8] =	wrdreg s25;
	s22 =	smov.u32 s8;
	v3 =	vunpack.c.0.s8.s32 v3;
	v4 =	vunpack.c.0.s8.s32 v4;
	v5 =	vunpack.c.0.s8.s32 v5;
	(pc) =	sbr.rel .LBB2_1-.Ltmp0, $4  }
0xe: {  	[dreg:$0x9] =	wrdreg s26;
	s30 =	sadd.s32 s6, s9;
	s23 =	simm.s32 $0x1;
	v0 =	vcombine.low v1, v0;
	v1 =	vunpack.c.0.s8.s32 v6  }
0xf: {  	s24 =	simm.s32 $0x2;
	s25 =	simm.s32 $0x6000;
	s0 =	ssub.s32 s5, s20;
	v2 =	vcombine.low v3, v2;
	v3 =	vcombine.low v5, v4;
	v4 =	vunpack.c.0.s8.s32 v7  }
0x10: {  	s26 =	simm.s32 $0x8000;
	[dreg:$0xa] =	wrdreg s30;
	s0 =	smax.u32 s0, $0x1;
	v0 =	vand.u32 $0xF, v0;
	v5 =	vand.u32 $0xF, v1  }
0x11: {  	s1 =	simm.s32 $0x0;
	s20 =	simm.s32 $0x4000;
	[dreg:$0xb] =	wrdreg s0;
	v1 =	vand.u32 $0xF, v2;
	v2 =	vand.u32 $0xF, v3;
	v3 =	vcombine.low v5, v4  }
.LBB2_33:
0x12: {  	s1 =	rddreg [dreg:$0xc]  }
0x13: {  	s0 =	rddreg [dreg:$0xb];
	s1 =	sadd.s32 $0x1, s1  }
0x14: {  	p1 =	sne.s32 s1, s0  }
.Ltmp1:
0x15: {  	_ = 	snop;
	(pc) =	sbr.rel @!p1 .LBB2_34-.Ltmp1, $1  }
0x16: {  	_ =	sdelay $0x3  }
.LBB2_1:
.Ltmp2:
0x17: {  	(pc) =	sbr.rel .LBB2_2-.Ltmp2, $2  }
0x18: {  	_ =	sdelay $0x2  }
0x19: {  	[dreg:$0xc] =	wrdreg s1;
	s5 =	simm.s32 $0x0  }
.LBB2_32:
0x1a: {  	_ =	swait.ge [sflag:s17], $0x2000  }
0x1b: {  	[sflag:s17] =	ssyncset.done $0x0  }
0x1c: {  	[sflag:s17] =	ssyncadd.s32 $0xFFFFE000  }
0x1d: {  	_ =	swait.ge [sflag:s17], $0x2000  }
0x1e: {  	[sflag:s17] =	ssyncset.done $0x0  }
0x1f: {  	[sflag:s17] =	ssyncadd.s32 $0xFFFFE000  }
0x20: {  	_ =	swait.ge [sflag:s17], $0x2000  }
0x21: {  	[sflag:s17] =	ssyncset.done $0x0  }
0x22: {  	[sflag:s17] =	ssyncadd.s32 $0xFFFFE000  }
0x23: {  	_ =	swait.ge [sflag:s17], $0x2000  }
0x24: {  	[sflag:s17] =	ssyncset.done $0x0  }
0x25: {  	s5 =	sadd.s32 $0x1, s5;
	[sflag:s17] =	ssyncadd.s32 $0xFFFFE000  }
0x26: {  	p1 =	sne.s32 s5, $0x8;
	_ =	swait.ge [sflag:s17], $0x2000  }
.Ltmp3:
0x27: {  	[sflag:s17] =	ssyncset.done $0x0;
	(pc) =	sbr.rel @!p1 .LBB2_33-.Ltmp3, $4  }
0x28: {  	[sflag:s17] =	ssyncadd.s32 $0xFFFFE000  }
0x29: {  	_ =	swait.ge [sflag:s17], $0x2000  }
0x2a: {  	[sflag:s17] =	ssyncset.done $0x0  }
0x2b: {  	[sflag:s17] =	ssyncadd.s32 $0xFFFFE000  }
.LBB2_2:
0x2c: {  	s0 =	rddreg [dreg:$0x6]  }
0x2d: {  	s0 =	sadd.s32 s0, s5  }
0x2e: {  	s1 =	smul.u32 $0xC3800, s0;
	_ =	sdelay $0x1  }
0x2f: {  	s0 =	sadd.s32 s22, s1  }
0x30: {  	s7 =	sshrl.u32 s0, $0x3  }
0x31: {  	s10 =	rddreg [dreg:$0x4];
	s0 =	sadd.s32 s3, s7  }
0x32: {  	[tilespmem:s2], [sflag:$0x1] =	stream.linear.gather [hbm4b:s0+s2], $0x2000, $0x38;
	[tilespmem:$0x13180] =	vst v63  }
0x33: {  	s0 =	sadd.s32 s1, s10  }
0x34: {  	s8 =	sadd.s32 s4, s7;
	s30 =	sshrl.u32 s0, $0x3  }
0x35: {  	[tilespmem:s15], [sflag:$0x2] =	stream.linear.gather [hbm4b:s8+s2], $0x2000, $0x38;
	[tilespmem:$0x13180] =	vst v63  }
0x36: {  	s0 =	sadd.s32 s3, s30  }
0x37: {  	[tilespmem:s18], [sflag:$0x1] =	stream.linear.gather [hbm4b:s0+s2], $0x2000, $0x38;
	[tilespmem:$0x13180] =	vst v63  }
0x38: {  	s0 =	sshrl.u32 @!p0 s1, $0x3  }
0x39: {  	s11 =	sadd.s32 s4, s30;
	s0 =	sadd.s32 @!p0 s9, s0  }
0x3a: {  	[tilespmem:s19], [sflag:$0x2] =	stream.linear.gather [hbm4b:s11+s2], $0x2000, $0x38;
	[tilespmem:$0x13180] =	vst v63  }
0x3b: {  	s10 =	simm.s32 @!p0 $0x0;
	s8 =	sadd.s32 @!p0 s3, s0;
	s11 =	simm.s32 @!p0 $0xC000  }
0x3c: {  	[tilespmem:s11], [sflag:$0x4] =	stream.linear.gather @!p0 [hbm4b:s8+s10], $0x400, $0x38;
	[tilespmem:$0x13180] =	vst v63  }
0x3d: {  	s12 =	rddreg [dreg:$0x5];
	s0 =	sadd.s32 @!p0 s4, s0;
	s8 =	simm.s32 @!p0 $0x12D80  }
0x3e: {  	[tilespmem:s8], [sflag:$0x4] =	stream.linear.gather @!p0 [hbm4b:s0+s10], $0x400, $0x38;
	[tilespmem:$0x13180] =	vst v63  }
0x3f: {  	s0 =	sadd.s32 s1, s12  }
0x40: {  	s16 =	sshrl.u32 s0, $0x3  }
0x41: {  	s0 =	simm.s32 $0x0;
	s13 =	sadd.s32 s3, s16  }
0x42: {  	[tilespmem:s20], [sflag:$0x1] =	stream.linear.gather [hbm4b:s13+s0], $0x2000, $0x38;
	[tilespmem:$0x13180] =	vst v63  }
0x43: {  	s14 =	sadd.s32 s4, s16  }
0x44: {  	[tilespmem:s21], [sflag:$0x2] =	stream.linear.gather [hbm4b:s14+s0], $0x2000, $0x38;
	[tilespmem:$0x13180] =	vst v63  }
0x45: {  	_ =	swait.ge [sflag:s23], $0x2000  }
0x46: {  	[sflag:s23] =	ssyncset.done $0x0  }
0x47: {  	[sflag:s23] =	ssyncadd.s32 $0xFFFFE000  }
0x48: {  	_ =	swait.ge [sflag:s24], $0x2000  }
0x49: {  	s18 =	sand.u32 $0x70, s0;
	s20 =	sand.u32 $0x1C00, s0;
	[sflag:s24] =	ssyncset.done $0x0  }
0x4a: {  	s10 =	sor.u32 s18, s20;
	[sflag:s24] =	ssyncadd.s32 $0xFFFFE000  }
0x4b: {  	v4 =	vld [tilespmem:s10+$0xD080]  }
0x4c: {  	v5 =	vld [tilespmem:s10+$0xCF80]  }
0x4d: {  	v6 =	vld [tilespmem:s10+$0xCE00]  }
0x4e: {  	v7 =	vld [tilespmem:s10+$0x80]  }
0x4f: {  	v8 =	vld [tilespmem:s10+$0x300]  }
0x50: {  	v9 =	vld [tilespmem:s10+$0x200]  }
0x51: {  	v10 =	vld [tilespmem:s10+$0xD000]  }
0x52: {  	v11 =	vld [tilespmem:s10+$0x280]  }
0x53: {  	v12 =	vld [tilespmem:s10+$0xCF00];
	v6 =	vadd.f32 v6, v7  }
0x54: {  	v13 =	vld [tilespmem:s10+$0xCE80]  }
0x55: {  	v7 =	vld [tilespmem:s10+$0x180];
	v4 =	vadd.f32 v4, v8;
	v6 =	vmul.f32 $1.442695020e+00, v6  }
0x56: {  	v14 =	vld [tilespmem:s10+$0x100];
	v5 =	vadd.f32 v5, v9  }
0x57: {  	v8 =	vld [tilespmem:s10+$0xCD80];
	v4 =	vmul.f32 $1.442695020e+00, v4;
	(erf) = vpow2.f32 v6  }
0x58: {  	v9 =	vadd.f32 v10, v11;
	v5 =	vmul.f32 $1.442695020e+00, v5;
	v6 =	vld [tilespmem:s10+$0x0]  }
0x59: {  	(erf) = vpow2.f32 v4  }
0x5a: {  	v7 =	vadd.f32 v12, v7;
	v4 =	vmul.f32 $1.442695020e+00, v9;
	(erf) = vpow2.f32 v5  }
0x5b: {  	v10 =	vimm.f32 $0.0e+00  }
0x5c: {  	v9 =	vadd.f32 v13, v14;
	v7 =	vmul.f32 $1.442695020e+00, v7;
	(erf) = vpow2.f32 v4  }
0x5d: {  	v11 =	vimm.f32 $0.0e+00;
	v5 =	vimm.f32 $0.0e+00;
	v4 =	vadd.f32 v8, v6  }
0x5e: {  	v6 =	vmul.f32 $1.442695020e+00, v9;
	(erf) = vpow2.f32 v7;
	v9 =	vimm.f32 $0.0e+00  }
0x5f: {  	v7 =	vimm.f32 $0.0e+00;
	v8 =	vimm.f32 $0.0e+00;
	v13 =	vmul.f32 $1.442695020e+00, v4  }
0x60: {  	s12 =	simm.s32 $0x10;
	s11 =	sor.u32 s0, s0;
	(erf) = vpow2.f32 v6;
	v6 =	vimm.f32 $0.0e+00;
	v4 =	vimm.f32 $0.0e+00;
	v12 =	vpop (erf)  }
.LBB2_3:
0x61: {  	p1 =	sne.s32 s12, $0x3F0  }
0x62: {  	s0 =	sadd.s32 $0x80, s0;
	(erf) = vpow2.f32 v13;
	v13 =	vpop (erf);
	s8 =	smov.u32 s12;
	s12 =	sadd.s32 $0x10, s12  }
0x63: {  	s13 =	sor.u32 s0, s8;
	v5 =	vadd.f32 v13, v5;
	v14 =	vpop (erf)  }
0x64: {  	v9 =	vadd.f32 v14, v9  }
0x65: {  	v15 =	vpop (erf)  }
0x66: {  	v6 =	vadd.f32 v15, v6;
	[tilespmem:s10+$0x300] =	vst v13  }
0x67: {  	[tilespmem:s10+$0x280] =	vst v15;
	v13 =	vpop (erf)  }
0x68: {  	[tilespmem:s10+$0x180] =	vst v13;
	v7 =	vadd.f32 v13, v7  }
0x69: {  	[tilespmem:s10+$0x80] =	vst v12;
	v13 =	vpop (erf)  }
0x6a: {  	[tilespmem:s10+$0x100] =	vst v13;
	v4 =	vadd.f32 v13, v4  }
0x6b: {  	[tilespmem:s10+$0x200] =	vst v14;
	v13 =	vpop (erf)  }
0x6c: {  	s14 =	sor.u32 $0x380, s11;
	s11 =	smov.u32 s13;
	[tilespmem:s10+$0x0] =	vst v13;
	v10 =	vadd.f32 v13, v10  }
0x6d: {  	v13 =	vld [tilespmem:s14+$0x0]  }
0x6e: {  	v14 =	vld [tilespmem:s14+$0xCD80]  }
0x6f: {  	s8 =	sand.u32 $0x70, s8;
	s10 =	sand.u32 $0x1C00, s0  }
0x70: {  	s10 =	sor.u32 s8, s10  }
0x71: {  	v11 =	vadd.f32 v12, v11;
	_ =	sdelay $0x1  }
0x72: {  	v12 =	vadd.f32 v14, v13;
	_ =	sdelay $0x1  }
0x73: {  	v12 =	vmul.f32 $1.442695020e+00, v12;
	_ =	sdelay $0x1  }
0x74: {  	(erf) = vpow2.f32 v12;
	_ =	sdelay $0x8  }
0x75: {  	v12 =	vpop (erf)  }
0x76: {  	[tilespmem:s14+$0x0] =	vst v12;
	v8 =	vadd.f32 v12, v8  }
0x77: {  	v12 =	vld [tilespmem:s10+$0xD080]  }
0x78: {  	v13 =	vld [tilespmem:s10+$0xCF80]  }
0x79: {  	v14 =	vld [tilespmem:s10+$0xCE00]  }
0x7a: {  	v15 =	vld [tilespmem:s10+$0x80]  }
0x7b: {  	v16 =	vld [tilespmem:s10+$0x300]  }
0x7c: {  	v17 =	vld [tilespmem:s10+$0x200]  }
0x7d: {  	v18 =	vld [tilespmem:s10+$0xD000]  }
0x7e: {  	v19 =	vld [tilespmem:s10+$0x280]  }
0x7f: {  	v14 =	vadd.f32 v14, v15;
	v15 =	vld [tilespmem:s10+$0xCF00]  }
0x80: {  	v20 =	vld [tilespmem:s10+$0x180];
	v12 =	vadd.f32 v12, v16  }
0x81: {  	v14 =	vmul.f32 $1.442695020e+00, v14;
	v16 =	vld [tilespmem:s10+$0xCE80];
	v13 =	vadd.f32 v13, v17  }
0x82: {  	v17 =	vld [tilespmem:s10+$0x100];
	v12 =	vmul.f32 $1.442695020e+00, v12  }
0x83: {  	v21 =	vld [tilespmem:s10+$0xCD80];
	v13 =	vmul.f32 $1.442695020e+00, v13;
	v18 =	vadd.f32 v18, v19;
	(erf) = vpow2.f32 v14  }
0x84: {  	v14 =	vld [tilespmem:s10+$0x0];
	(erf) = vpow2.f32 v12  }
0x85: {  	v12 =	vadd.f32 v15, v20;
	v15 =	vmul.f32 $1.442695020e+00, v18;
	(erf) = vpow2.f32 v13;
	_ =	sdelay $0x1  }
0x86: {  	v13 =	vadd.f32 v16, v17;
	v12 =	vmul.f32 $1.442695020e+00, v12;
	(erf) = vpow2.f32 v15  }
.Ltmp4:
0x87: {  	(pc) =	sbr.rel @p1 .LBB2_3-.Ltmp4, $3  }
0x88: {  	v14 =	vadd.f32 v21, v14;
	v15 =	vmul.f32 $1.442695020e+00, v13;
	(erf) = vpow2.f32 v12;
	_ =	sdelay $0x1  }
0x89: {  	v13 =	vmul.f32 $1.442695020e+00, v14;
	(erf) = vpow2.f32 v15  }
0x8a: {  	v12 =	vpop (erf)  }
0x8b: {  	(erf) = vpow2.f32 v13;
	_ =	sdelay $0x3  }
0x8c: {  	v16 =	vpop (erf);
	[tilespmem:s10+$0x80] =	vst v12  }
0x8d: {  	v22 =	vpop (erf);
	[tilespmem:s10+$0x300] =	vst v16  }
0x8e: {  	[tilespmem:s10+$0x200] =	vst v22;
	v23 =	vpop (erf)  }
0x8f: {  	[tilespmem:s10+$0x280] =	vst v23;
	v24 =	vpop (erf)  }
0x90: {  	[tilespmem:s10+$0x180] =	vst v24;
	v25 =	vpop (erf)  }
0x91: {  	[tilespmem:s10+$0x100] =	vst v25;
	v26 =	vpop (erf)  }
0x92: {  	s8 =	sor.u32 $0x380, s11;
	[tilespmem:s10+$0x0] =	vst v26  }
0x93: {  	v13 =	vld [tilespmem:s8+$0x0]  }
0x94: {  	v14 =	vld [tilespmem:s8+$0xCD80];
	_ =	sdelay $0x4  }
0x95: {  	v13 =	vadd.f32 v14, v13;
	_ =	sdelay $0x1  }
0x96: {  	v13 =	vmul.f32 $1.442695020e+00, v13;
	_ =	sdelay $0x1  }
0x97: {  	(erf) = vpow2.f32 v13;
	_ =	sdelay $0x6  }
0x98: {  	s0 =	rddreg [dreg:$0x7]  }
0x99: {  	s0 =	sadd.s32 s1, s0  }
0x9a: {  	s0 =	sshrl.u32 s0, $0x3;
	v27 =	vpop (erf)  }
0x9b: {  	s13 =	simm.s32 $0x0;
	s12 =	sadd.s32 s3, s0;
	[tilespmem:s8+$0x0] =	vst v27  }
0x9c: {  	[tilespmem:s25], [sflag:$0x1] =	stream.linear.gather [hbm4b:s12+s13], $0x2000, $0x38;
	[tilespmem:$0x13180] =	vst v63  }
0x9d: {  	s14 =	sadd.s32 s4, s0  }
0x9e: {  	[tilespmem:s15], [sflag:$0x2] =	stream.linear.gather [hbm4b:s14+s13], $0x2000, $0x38;
	[tilespmem:$0x13180] =	vst v63  }
0x9f: {  	_ =	swait.ge [sflag:s23], $0x2000  }
0xa0: {  	[sflag:s23] =	ssyncset.done $0x0  }
0xa1: {  	[sflag:s23] =	ssyncadd.s32 $0xFFFFE000  }
0xa2: {  	_ =	swait.ge [sflag:s24], $0x2000  }
0xa3: {  	s10 =	sand.u32 $0x1C00, s13;
	s15 =	sand.u32 $0x70, s13;
	[sflag:s24] =	ssyncset.done $0x0  }
0xa4: {  	s10 =	sor.u32 s15, s10;
	[sflag:s24] =	ssyncadd.s32 $0xFFFFE000  }
0xa5: {  	v13 =	vld [tilespmem:s10+$0xED80]  }
0xa6: {  	v14 =	vld [tilespmem:s10+$0xEE00]  }
0xa7: {  	v15 =	vld [tilespmem:s10+$0xEE80]  }
0xa8: {  	v17 =	vld [tilespmem:s10+$0xEF00]  }
0xa9: {  	v18 =	vld [tilespmem:s10+$0xEF80]  }
0xaa: {  	v19 =	vld [tilespmem:s10+$0x2000]  }
0xab: {  	v20 =	vld [tilespmem:s10+$0x2080]  }
0xac: {  	v21 =	vld [tilespmem:s10+$0xF000]  }
0xad: {  	v28 =	vld [tilespmem:s10+$0xF080]  }
0xae: {  	v29 =	vld [tilespmem:s10+$0x2100]  }
0xaf: {  	v30 =	vld [tilespmem:s10+$0xF100];
	v13 =	vadd.f32 v13, v19  }
0xb0: {  	v19 =	vld [tilespmem:s10+$0x2180];
	v14 =	vadd.f32 v14, v20  }
0xb1: {  	v31 =	vld [tilespmem:s10+$0x2200];
	v13 =	vmul.f32 $1.442695020e+00, v13  }
0xb2: {  	v32 =	vld [tilespmem:s10+$0x2280];
	v14 =	vmul.f32 $1.442695020e+00, v14  }
0xb3: {  	v33 =	vld [tilespmem:s10+$0x2300];
	(erf) = vpow2.f32 v13  }
0xb4: {  	v15 =	vadd.f32 v15, v29;
	v13 =	vld [tilespmem:s10+$0x2380];
	(erf) = vpow2.f32 v14  }
0xb5: {  	v17 =	vadd.f32 v17, v19  }
0xb6: {  	s18 =	simm.s32 $0x10;
	s12 =	simm.s32 $0x80;
	v15 =	vmul.f32 $1.442695020e+00, v15;
	v14 =	vadd.f32 v18, v31  }
0xb7: {  	s8 =	sand.u32 $0x70, s18;
	s20 =	sand.u32 $0x1C00, s12;
	v21 =	vadd.f32 v21, v32;
	v19 =	vmul.f32 $1.442695020e+00, v17  }
0xb8: {  	s11 =	sor.u32 s8, s20;
	v28 =	vadd.f32 v28, v33;
	(erf) = vpow2.f32 v15;
	v14 =	vmul.f32 $1.442695020e+00, v14  }
0xb9: {  	v58 =	vld [tilespmem:s11+$0xED80];
	v21 =	vmul.f32 $1.442695020e+00, v21;
	(erf) = vpow2.f32 v19;
	v30 =	vadd.f32 v30, v13  }
0xba: {  	v20 =	vld [tilespmem:s11+$0xEE00];
	v28 =	vmul.f32 $1.442695020e+00, v28;
	(erf) = vpow2.f32 v14  }
0xbb: {  	v18 =	vld [tilespmem:s11+$0xEE80];
	(erf) = vpow2.f32 v21;
	v21 =	vmul.f32 $1.442695020e+00, v30  }
0xbc: {  	v15 =	vld [tilespmem:s11+$0xF000];
	v59 =	vpop (erf);
	(erf) = vpow2.f32 v28  }
0xbd: {  	v17 =	vld [tilespmem:s11+$0xEF00];
	v60 =	vpop (erf);
	(erf) = vpow2.f32 v21  }
0xbe: {  	v19 =	vld [tilespmem:s11+$0xEF80]  }
0xbf: {  	v16 =	vadd.f32 v16, v5;
	v9 =	vadd.f32 v22, v9;
	v13 =	vld [tilespmem:s11+$0xF100]  }
0xc0: {  	v34 =	vadd.f32 v23, v6;
	v6 =	vadd.f32 v12, v11;
	v14 =	vld [tilespmem:s11+$0xF080];
	[tilespmem:s10+$0x2000] =	vst v59  }
0xc1: {  	v24 =	vadd.f32 v24, v7;
	v5 =	vadd.f32 v26, v10;
	v61 =	vld [tilespmem:s11+$0x2000];
	[tilespmem:s10+$0x2080] =	vst v60;
	v62 =	vpop (erf)  }
0xc2: {  	v7 =	vadd.f32 v25, v4;
	v4 =	vadd.f32 v27, v8;
	v21 =	vld [tilespmem:s11+$0x2080];
	[tilespmem:s10+$0x2100] =	vst v62;
	v63 =	vpop (erf)  }
0xc3: {  	v5 =	vadd.f32 v59, v5;
	v6 =	vadd.f32 v60, v6;
	v22 =	vld [tilespmem:s11+$0x2100];
	[tilespmem:s10+$0x2180] =	vst v63;
	v10 =	vpop (erf)  }
0xc4: {  	v7 =	vadd.f32 v62, v7;
	v8 =	vadd.f32 v63, v24;
	v12 =	vld [tilespmem:s11+$0x2180];
	[tilespmem:s10+$0x2200] =	vst v10;
	v11 =	vpop (erf)  }
0xc5: {  	v9 =	vadd.f32 v10, v9;
	v23 =	vld [tilespmem:s11+$0x2200];
	[tilespmem:s10+$0x2280] =	vst v11;
	v10 =	vadd.f32 v11, v34;
	v11 =	vpop (erf)  }
0xc6: {  	s8 =	simm.s32 $0x20;
	v25 =	vadd.f32 v58, v61;
	v24 =	vld [tilespmem:s11+$0x2280];
	[tilespmem:s10+$0x2300] =	vst v11;
	v11 =	vadd.f32 v11, v16;
	v16 =	vpop (erf)  }
.LBB2_5:
0xc7: {  	p1 =	sne.s32 s8, $0x3F0;
	v20 =	vadd.f32 v20, v21;
	v21 =	vld [tilespmem:s11+$0x2300];
	[tilespmem:s10+$0x2380] =	vst v16;
	v4 =	vadd.f32 v16, v4;
	s10 =	smov.u32 s11  }
0xc8: {  	v16 =	vmul.f32 $1.442695020e+00, v25;
	v18 =	vadd.f32 v18, v22;
	v22 =	vld [tilespmem:s10+$0x2380]  }
0xc9: {  	v20 =	vmul.f32 $1.442695020e+00, v20;
	v12 =	vadd.f32 v17, v12  }
0xca: {  	s12 =	sadd.s32 $0x80, s12;
	v17 =	vmul.f32 $1.442695020e+00, v18;
	v18 =	vadd.f32 v19, v23;
	(erf) = vpow2.f32 v16  }
0xcb: {  	s11 =	sand.u32 $0x70, s8;
	s13 =	sand.u32 $0x1C00, s12;
	v12 =	vmul.f32 $1.442695020e+00, v12;
	v15 =	vadd.f32 v15, v24;
	(erf) = vpow2.f32 v20  }
0xcc: {  	s11 =	sor.u32 s11, s13;
	v16 =	vmul.f32 $1.442695020e+00, v18;
	v14 =	vadd.f32 v14, v21;
	(erf) = vpow2.f32 v17  }
0xcd: {  	v24 =	vld [tilespmem:s11+$0xED80];
	v15 =	vmul.f32 $1.442695020e+00, v15;
	v13 =	vadd.f32 v13, v22;
	(erf) = vpow2.f32 v12  }
0xce: {  	v20 =	vld [tilespmem:s11+$0xEE00];
	v12 =	vmul.f32 $1.442695020e+00, v14;
	(erf) = vpow2.f32 v16  }
0xcf: {  	v18 =	vld [tilespmem:s11+$0xEE80];
	v13 =	vmul.f32 $1.442695020e+00, v13;
	(erf) = vpow2.f32 v15  }
0xd0: {  	v17 =	vld [tilespmem:s11+$0xEF00];
	(erf) = vpow2.f32 v12  }
0xd1: {  	v19 =	vld [tilespmem:s11+$0xEF80];
	(erf) = vpow2.f32 v13  }
0xd2: {  	v15 =	vld [tilespmem:s11+$0xF000]  }
0xd3: {  	v14 =	vld [tilespmem:s11+$0xF080];
	v12 =	vpop (erf)  }
0xd4: {  	v13 =	vld [tilespmem:s11+$0xF100];
	[tilespmem:s10+$0x2000] =	vst v12;
	v5 =	vadd.f32 v12, v5;
	v12 =	vpop (erf)  }
0xd5: {  	v16 =	vld [tilespmem:s11+$0x2000];
	[tilespmem:s10+$0x2080] =	vst v12;
	v6 =	vadd.f32 v12, v6;
	v12 =	vpop (erf)  }
.Ltmp5:
0xd6: {  	v21 =	vld [tilespmem:s11+$0x2080];
	[tilespmem:s10+$0x2100] =	vst v12;
	v7 =	vadd.f32 v12, v7;
	v12 =	vpop (erf);
	(pc) =	sbr.rel @p1 .LBB2_5-.Ltmp5, $4  }
0xd7: {  	v22 =	vld [tilespmem:s11+$0x2100];
	[tilespmem:s10+$0x2180] =	vst v12;
	v8 =	vadd.f32 v12, v8;
	v23 =	vpop (erf)  }
0xd8: {  	v12 =	vld [tilespmem:s11+$0x2180];
	[tilespmem:s10+$0x2200] =	vst v23;
	v9 =	vadd.f32 v23, v9;
	v25 =	vpop (erf)  }
0xd9: {  	v23 =	vld [tilespmem:s11+$0x2200];
	[tilespmem:s10+$0x2280] =	vst v25;
	v10 =	vadd.f32 v25, v10;
	v26 =	vpop (erf)  }
0xda: {  	s8 =	sadd.s32 $0x10, s8;
	v25 =	vadd.f32 v24, v16;
	v24 =	vld [tilespmem:s11+$0x2280];
	[tilespmem:s10+$0x2300] =	vst v26;
	v11 =	vadd.f32 v26, v11;
	v16 =	vpop (erf)  }
0xdb: {  	v26 =	vld [tilespmem:s11+$0x2300];
	v20 =	vadd.f32 v20, v21;
	[tilespmem:s10+$0x2380] =	vst v16  }
0xdc: {  	v21 =	vmul.f32 $1.442695020e+00, v25;
	v18 =	vadd.f32 v18, v22;
	v22 =	vld [tilespmem:s11+$0x2380]  }
0xdd: {  	v20 =	vmul.f32 $1.442695020e+00, v20;
	v12 =	vadd.f32 v17, v12  }
0xde: {  	v17 =	vmul.f32 $1.442695020e+00, v18;
	v18 =	vadd.f32 v19, v23;
	(erf) = vpow2.f32 v21  }
0xdf: {  	v12 =	vmul.f32 $1.442695020e+00, v12;
	v15 =	vadd.f32 v15, v24;
	(erf) = vpow2.f32 v20  }
0xe0: {  	v18 =	vmul.f32 $1.442695020e+00, v18;
	v14 =	vadd.f32 v14, v26;
	(erf) = vpow2.f32 v17  }
0xe1: {  	v15 =	vmul.f32 $1.442695020e+00, v15;
	v13 =	vadd.f32 v13, v22;
	(erf) = vpow2.f32 v12  }
0xe2: {  	v12 =	vmul.f32 $1.442695020e+00, v14;
	(erf) = vpow2.f32 v18  }
0xe3: {  	v13 =	vmul.f32 $1.442695020e+00, v13;
	(erf) = vpow2.f32 v15  }
0xe4: {  	(erf) = vpow2.f32 v12  }
0xe5: {  	(erf) = vpow2.f32 v13;
	_ =	sdelay $0x1  }
0xe6: {  	v21 =	vpop (erf)  }
0xe7: {  	[tilespmem:s11+$0x2000] =	vst v21;
	v22 =	vpop (erf)  }
0xe8: {  	[tilespmem:s11+$0x2080] =	vst v22;
	v23 =	vpop (erf)  }
0xe9: {  	[tilespmem:s11+$0x2100] =	vst v23;
	v24 =	vpop (erf)  }
0xea: {  	[tilespmem:s11+$0x2180] =	vst v24;
	v25 =	vpop (erf)  }
0xeb: {  	s8 =	rddreg [dreg:$0x8];
	[tilespmem:s11+$0x2200] =	vst v25;
	v26 =	vpop (erf)  }
0xec: {  	s8 =	sadd.s32 s1, s8;
	[tilespmem:s11+$0x2280] =	vst v26;
	v27 =	vpop (erf)  }
0xed: {  	s10 =	sshrl.u32 s8, $0x3;
	[tilespmem:s11+$0x2300] =	vst v27;
	v28 =	vpop (erf)  }
0xee: {  	s15 =	simm.s32 $0x0;
	s8 =	sadd.s32 s3, s10;
	[tilespmem:s11+$0x2380] =	vst v28  }
0xef: {  	[tilespmem:s26], [sflag:$0x1] =	stream.linear.gather [hbm4b:s8+s15], $0x2000, $0x38;
	[tilespmem:$0x13180] =	vst v63  }
0xf0: {  	s18 =	sadd.s32 s4, s10  }
0xf1: {  	[tilespmem:s19], [sflag:$0x2] =	stream.linear.gather [hbm4b:s18+s15], $0x2000, $0x38;
	[tilespmem:$0x13180] =	vst v63  }
0xf2: {  	_ =	swait.ge [sflag:s23], $0x2000  }
0xf3: {  	[sflag:s23] =	ssyncset.done $0x0  }
0xf4: {  	[sflag:s23] =	ssyncadd.s32 $0xFFFFE000  }
0xf5: {  	_ =	swait.ge [sflag:s24], $0x2000  }
0xf6: {  	s11 =	sand.u32 $0x1C00, s15;
	s19 =	sand.u32 $0x70, s15;
	[sflag:s24] =	ssyncset.done $0x0  }
0xf7: {  	s11 =	sor.u32 s19, s11;
	[sflag:s24] =	ssyncadd.s32 $0xFFFFE000  }
0xf8: {  	v12 =	vld [tilespmem:s11+$0x10D80]  }
0xf9: {  	v13 =	vld [tilespmem:s11+$0x10E00]  }
0xfa: {  	v14 =	vld [tilespmem:s11+$0x10E80]  }
0xfb: {  	v15 =	vld [tilespmem:s11+$0x10F00]  }
0xfc: {  	v17 =	vld [tilespmem:s11+$0x10F80]  }
0xfd: {  	v18 =	vld [tilespmem:s11+$0x4000]  }
0xfe: {  	v19 =	vld [tilespmem:s11+$0x4080]  }
0xff: {  	v20 =	vld [tilespmem:s11+$0x11000]  }
0x100: {  	v29 =	vld [tilespmem:s11+$0x11080]  }
0x101: {  	v30 =	vld [tilespmem:s11+$0x4100]  }
0x102: {  	v31 =	vld [tilespmem:s11+$0x11100];
	v12 =	vadd.f32 v12, v18  }
0x103: {  	v18 =	vld [tilespmem:s11+$0x4180];
	v13 =	vadd.f32 v13, v19  }
0x104: {  	v32 =	vld [tilespmem:s11+$0x4200];
	v12 =	vmul.f32 $1.442695020e+00, v12  }
0x105: {  	v33 =	vld [tilespmem:s11+$0x4280];
	v13 =	vmul.f32 $1.442695020e+00, v13  }
0x106: {  	v34 =	vld [tilespmem:s11+$0x4300];
	(erf) = vpow2.f32 v12  }
0x107: {  	v14 =	vadd.f32 v14, v30;
	v12 =	vld [tilespmem:s11+$0x4380];
	(erf) = vpow2.f32 v13  }
0x108: {  	s20 =	simm.s32 $0x10;
	s13 =	simm.s32 $0x80;
	v15 =	vadd.f32 v15, v18  }
0x109: {  	s12 =	sand.u32 $0x1C00, s13;
	s8 =	sand.u32 $0x70, s20;
	v14 =	vmul.f32 $1.442695020e+00, v14;
	v13 =	vadd.f32 v17, v32  }
0x10a: {  	s12 =	sor.u32 s8, s12;
	v20 =	vadd.f32 v20, v33;
	v18 =	vmul.f32 $1.442695020e+00, v15  }
0x10b: {  	v58 =	vld [tilespmem:s12+$0x10D80];
	v29 =	vadd.f32 v29, v34;
	(erf) = vpow2.f32 v14;
	v13 =	vmul.f32 $1.442695020e+00, v13  }
0x10c: {  	v19 =	vld [tilespmem:s12+$0x10E00];
	v20 =	vmul.f32 $1.442695020e+00, v20;
	(erf) = vpow2.f32 v18;
	v31 =	vadd.f32 v31, v12  }
0x10d: {  	v29 =	vmul.f32 $1.442695020e+00, v29;
	v17 =	vld [tilespmem:s12+$0x10E80];
	(erf) = vpow2.f32 v13  }
0x10e: {  	v14 =	vld [tilespmem:s12+$0x11000];
	(erf) = vpow2.f32 v20;
	v20 =	vmul.f32 $1.442695020e+00, v31  }
0x10f: {  	v15 =	vld [tilespmem:s12+$0x10F00];
	v59 =	vpop (erf);
	(erf) = vpow2.f32 v29  }
0x110: {  	v18 =	vld [tilespmem:s12+$0x10F80];
	v60 =	vpop (erf);
	(erf) = vpow2.f32 v20  }
0x111: {  	v4 =	vadd.f32 v16, v4;
	v12 =	vld [tilespmem:s12+$0x11100]  }
0x112: {  	v5 =	vadd.f32 v21, v5;
	v16 =	vadd.f32 v22, v6;
	v13 =	vld [tilespmem:s12+$0x11080];
	[tilespmem:s11+$0x4000] =	vst v59  }
0x113: {  	v7 =	vadd.f32 v23, v7;
	v24 =	vadd.f32 v24, v8;
	v61 =	vld [tilespmem:s12+$0x4000]  }
0x114: {  	v25 =	vadd.f32 v25, v9;
	v26 =	vadd.f32 v26, v10;
	[tilespmem:s11+$0x4080] =	vst v60;
	v62 =	vpop (erf)  }
0x115: {  	v11 =	vadd.f32 v27, v11;
	v6 =	vadd.f32 v28, v4;
	v20 =	vld [tilespmem:s12+$0x4080];
	[tilespmem:s11+$0x4100] =	vst v62;
	v63 =	vpop (erf)  }
0x116: {  	v8 =	vadd.f32 v59, v5;
	v4 =	vadd.f32 v60, v16;
	v21 =	vld [tilespmem:s12+$0x4100];
	[tilespmem:s11+$0x4180] =	vst v63;
	v10 =	vpop (erf)  }
0x117: {  	v9 =	vadd.f32 v62, v7;
	v7 =	vadd.f32 v63, v24;
	v22 =	vld [tilespmem:s12+$0x4180];
	[tilespmem:s11+$0x4200] =	vst v10;
	v5 =	vpop (erf)  }
0x118: {  	v10 =	vadd.f32 v10, v25;
	v25 =	vadd.f32 v58, v61;
	v23 =	vld [tilespmem:s12+$0x4200];
	[tilespmem:s11+$0x4280] =	vst v5;
	v16 =	vpop (erf)  }
0x119: {  	s8 =	simm.s32 $0x20;
	v5 =	vadd.f32 v5, v26;
	v24 =	vld [tilespmem:s12+$0x4280];
	[tilespmem:s11+$0x4300] =	vst v16;
	v11 =	vadd.f32 v16, v11;
	v16 =	vpop (erf)  }
.LBB2_7:
0x11a: {  	p1 =	sne.s32 s8, $0x3F0;
	v19 =	vadd.f32 v19, v20;
	v20 =	vld [tilespmem:s12+$0x4300];
	[tilespmem:s11+$0x4380] =	vst v16;
	v6 =	vadd.f32 v16, v6;
	s11 =	smov.u32 s12  }
0x11b: {  	v16 =	vmul.f32 $1.442695020e+00, v25;
	v17 =	vadd.f32 v17, v21;
	v21 =	vld [tilespmem:s11+$0x4380]  }
0x11c: {  	v19 =	vmul.f32 $1.442695020e+00, v19;
	v15 =	vadd.f32 v15, v22  }
0x11d: {  	s13 =	sadd.s32 $0x80, s13;
	v17 =	vmul.f32 $1.442695020e+00, v17;
	v18 =	vadd.f32 v18, v23;
	(erf) = vpow2.f32 v16  }
0x11e: {  	s12 =	sand.u32 $0x70, s8;
	s14 =	sand.u32 $0x1C00, s13;
	v15 =	vmul.f32 $1.442695020e+00, v15;
	v14 =	vadd.f32 v14, v24;
	(erf) = vpow2.f32 v19  }
0x11f: {  	s12 =	sor.u32 s12, s14;
	v16 =	vmul.f32 $1.442695020e+00, v18;
	v13 =	vadd.f32 v13, v20;
	(erf) = vpow2.f32 v17  }
0x120: {  	v24 =	vld [tilespmem:s12+$0x10D80];
	v14 =	vmul.f32 $1.442695020e+00, v14;
	v12 =	vadd.f32 v12, v21;
	(erf) = vpow2.f32 v15  }
0x121: {  	v19 =	vld [tilespmem:s12+$0x10E00];
	v13 =	vmul.f32 $1.442695020e+00, v13;
	(erf) = vpow2.f32 v16  }
0x122: {  	v17 =	vld [tilespmem:s12+$0x10E80];
	v12 =	vmul.f32 $1.442695020e+00, v12;
	(erf) = vpow2.f32 v14  }
0x123: {  	v15 =	vld [tilespmem:s12+$0x10F00];
	(erf) = vpow2.f32 v13  }
0x124: {  	v18 =	vld [tilespmem:s12+$0x10F80];
	(erf) = vpow2.f32 v12  }
0x125: {  	v14 =	vld [tilespmem:s12+$0x11000]  }
0x126: {  	v13 =	vld [tilespmem:s12+$0x11080];
	v16 =	vpop (erf)  }
0x127: {  	v12 =	vld [tilespmem:s12+$0x11100];
	[tilespmem:s11+$0x4000] =	vst v16;
	v8 =	vadd.f32 v16, v8;
	v16 =	vpop (erf)  }
0x128: {  	v25 =	vld [tilespmem:s12+$0x4000];
	[tilespmem:s11+$0x4080] =	vst v16;
	v4 =	vadd.f32 v16, v4;
	v16 =	vpop (erf)  }
.Ltmp6:
0x129: {  	v20 =	vld [tilespmem:s12+$0x4080];
	[tilespmem:s11+$0x4100] =	vst v16;
	v9 =	vadd.f32 v16, v9;
	v16 =	vpop (erf);
	(pc) =	sbr.rel @p1 .LBB2_7-.Ltmp6, $4  }
0x12a: {  	v21 =	vld [tilespmem:s12+$0x4100];
	[tilespmem:s11+$0x4180] =	vst v16;
	v7 =	vadd.f32 v16, v7;
	v16 =	vpop (erf)  }
0x12b: {  	v22 =	vld [tilespmem:s12+$0x4180];
	[tilespmem:s11+$0x4200] =	vst v16;
	v10 =	vadd.f32 v16, v10;
	v16 =	vpop (erf)  }
0x12c: {  	v23 =	vld [tilespmem:s12+$0x4200];
	[tilespmem:s11+$0x4280] =	vst v16;
	v5 =	vadd.f32 v16, v5;
	v16 =	vpop (erf)  }
0x12d: {  	s8 =	sadd.s32 $0x10, s8;
	v25 =	vadd.f32 v24, v25;
	v24 =	vld [tilespmem:s12+$0x4280];
	[tilespmem:s11+$0x4300] =	vst v16;
	v11 =	vadd.f32 v16, v11;
	v16 =	vpop (erf)  }
0x12e: {  	v26 =	vld [tilespmem:s12+$0x4300];
	v19 =	vadd.f32 v19, v20;
	[tilespmem:s11+$0x4380] =	vst v16  }
0x12f: {  	v20 =	vmul.f32 $1.442695020e+00, v25;
	v17 =	vadd.f32 v17, v21;
	v21 =	vld [tilespmem:s12+$0x4380]  }
0x130: {  	v19 =	vmul.f32 $1.442695020e+00, v19;
	v15 =	vadd.f32 v15, v22  }
0x131: {  	v17 =	vmul.f32 $1.442695020e+00, v17;
	v18 =	vadd.f32 v18, v23;
	(erf) = vpow2.f32 v20  }
0x132: {  	v15 =	vmul.f32 $1.442695020e+00, v15;
	v14 =	vadd.f32 v14, v24;
	(erf) = vpow2.f32 v19  }
0x133: {  	v18 =	vmul.f32 $1.442695020e+00, v18;
	v13 =	vadd.f32 v13, v26;
	(erf) = vpow2.f32 v17  }
0x134: {  	v14 =	vmul.f32 $1.442695020e+00, v14;
	v12 =	vadd.f32 v12, v21;
	(erf) = vpow2.f32 v15  }
0x135: {  	v13 =	vmul.f32 $1.442695020e+00, v13;
	(erf) = vpow2.f32 v18  }
0x136: {  	v12 =	vmul.f32 $1.442695020e+00, v12;
	(erf) = vpow2.f32 v14  }
0x137: {  	(erf) = vpow2.f32 v13  }
0x138: {  	(erf) = vpow2.f32 v12;
	_ =	sdelay $0x1  }
0x139: {  	v14 =	vpop (erf)  }
0x13a: {  	[tilespmem:s12+$0x4000] =	vst v14;
	v15 =	vpop (erf)  }
0x13b: {  	[tilespmem:s12+$0x4080] =	vst v15;
	v17 =	vpop (erf)  }
0x13c: {  	[tilespmem:s12+$0x4100] =	vst v17;
	v18 =	vpop (erf)  }
0x13d: {  	[tilespmem:s12+$0x4180] =	vst v18;
	v19 =	vpop (erf)  }
0x13e: {  	s8 =	rddreg [dreg:$0x9];
	[tilespmem:s12+$0x4200] =	vst v19;
	v20 =	vpop (erf)  }
0x13f: {  	s8 =	sadd.s32 s1, s8;
	[tilespmem:s12+$0x4280] =	vst v20;
	v21 =	vpop (erf)  }
0x140: {  	s11 =	sshrl.u32 s8, $0x3;
	[tilespmem:s12+$0x4300] =	vst v21;
	v22 =	vpop (erf)  }
0x141: {  	s8 =	simm.s32 $0x0;
	s15 =	sadd.s32 s3, s11;
	[tilespmem:s12+$0x4380] =	vst v22  }
0x142: {  	[tilespmem:s28], [sflag:$0x1] =	stream.linear.gather [hbm4b:s15+s8], $0x2000, $0x38;
	[tilespmem:$0x13180] =	vst v63  }
0x143: {  	s18 =	sadd.s32 s4, s11  }
0x144: {  	[tilespmem:s21], [sflag:$0x2] =	stream.linear.gather [hbm4b:s18+s8], $0x2000, $0x38;
	[tilespmem:$0x13180] =	vst v63  }
0x145: {  	_ =	swait.ge [sflag:s23], $0x2000  }
0x146: {  	[sflag:s23] =	ssyncset.done $0x0  }
0x147: {  	[sflag:s23] =	ssyncadd.s32 $0xFFFFE000  }
0x148: {  	_ =	swait.ge [sflag:s24], $0x2000  }
0x149: {  	s19 =	sand.u32 $0x70, s8;
	s13 =	sand.u32 $0x1C00, s8;
	[sflag:s24] =	ssyncset.done $0x0  }
0x14a: {  	s12 =	sor.u32 s19, s13;
	[sflag:s24] =	ssyncadd.s32 $0xFFFFE000  }
0x14b: {  	v12 =	vld [tilespmem:s12+$0xCF80]  }
0x14c: {  	v13 =	vld [tilespmem:s12+$0x6200]  }
0x14d: {  	v48 =	vld [tilespmem:s12+$0xCE80]  }
0x14e: {  	v49 =	vld [tilespmem:s12+$0x6100]  }
0x14f: {  	v50 =	vld [tilespmem:s12+$0xCF00]  }
0x150: {  	v27 =	vld [tilespmem:s12+$0x6180]  }
0x151: {  	v28 =	vld [tilespmem:s12+$0x6080]  }
0x152: {  	v29 =	vld [tilespmem:s12+$0xD000];
	v12 =	vadd.f32 v12, v13  }
0x153: {  	v13 =	vld [tilespmem:s12+$0xCE00]  }
0x154: {  	v51 =	vld [tilespmem:s12+$0x6280];
	v24 =	vadd.f32 v48, v49;
	v12 =	vmul.f32 $1.442695020e+00, v12  }
0x155: {  	v30 =	vld [tilespmem:s12+$0xD080]  }
0x156: {  	v52 =	vld [tilespmem:s12+$0x6300];
	v24 =	vmul.f32 $1.442695020e+00, v24;
	(erf) = vpow2.f32 v12  }
0x157: {  	v23 =	vld [tilespmem:s12+$0xCD80];
	v12 =	vadd.f32 v50, v27  }
0x158: {  	v53 =	vld [tilespmem:s12+$0x6000];
	v13 =	vadd.f32 v13, v28;
	(erf) = vpow2.f32 v24  }
0x159: {  	v55 =	vadd.f32 v29, v51;
	v54 =	vmul.f32 $1.442695020e+00, v12  }
0x15a: {  	s14 =	simm.s32 $0x80;
	s15 =	simm.s32 $0x10;
	v13 =	vmul.f32 $1.442695020e+00, v13  }
0x15b: {  	s20 =	sand.u32 $0x70, s15;
	s18 =	sand.u32 $0x1C00, s14;
	v26 =	vadd.f32 v30, v52;
	v24 =	vmul.f32 $1.442695020e+00, v55;
	(erf) = vpow2.f32 v54  }
0x15c: {  	s13 =	sor.u32 s20, s18;
	(erf) = vpow2.f32 v13  }
0x15d: {  	v56 =	vld [tilespmem:s13+$0xD000];
	v13 =	vadd.f32 v23, v53;
	v23 =	vmul.f32 $1.442695020e+00, v26;
	(erf) = vpow2.f32 v24  }
0x15e: {  	v57 =	vld [tilespmem:s13+$0xCF80]  }
0x15f: {  	v58 =	vld [tilespmem:s13+$0xCF00];
	v27 =	vmul.f32 $1.442695020e+00, v13;
	v60 =	vpop (erf);
	(erf) = vpow2.f32 v23  }
0x160: {  	v59 =	vld [tilespmem:s13+$0xCE80]  }
0x161: {  	v61 =	vld [tilespmem:s13+$0xCE00];
	v23 =	vpop (erf);
	(erf) = vpow2.f32 v27  }
0x162: {  	v6 =	vadd.f32 v16, v6;
	v12 =	vld [tilespmem:s13+$0xCD80];
	[tilespmem:s12+$0x6200] =	vst v60  }
0x163: {  	v16 =	vadd.f32 v14, v8;
	v15 =	vadd.f32 v15, v4;
	v13 =	vld [tilespmem:s13+$0xD080]  }
0x164: {  	v8 =	vadd.f32 v17, v9;
	v9 =	vadd.f32 v18, v7;
	v31 =	vld [tilespmem:s13+$0x6200];
	[tilespmem:s12+$0x6100] =	vst v23;
	v32 =	vpop (erf)  }
0x165: {  	v7 =	vadd.f32 v19, v10;
	v18 =	vadd.f32 v20, v5;
	v62 =	vld [tilespmem:s13+$0x6100];
	[tilespmem:s12+$0x6180] =	vst v32;
	v14 =	vpop (erf)  }
0x166: {  	v11 =	vadd.f32 v21, v11;
	v4 =	vadd.f32 v22, v6;
	v33 =	vld [tilespmem:s13+$0x6180];
	[tilespmem:s12+$0x6080] =	vst v14;
	v10 =	vpop (erf)  }
0x167: {  	v5 =	vadd.f32 v60, v7;
	v7 =	vadd.f32 v23, v8;
	v17 =	vld [tilespmem:s13+$0x6080];
	[tilespmem:s12+$0x6280] =	vst v10  }
0x168: {  	v8 =	vadd.f32 v32, v9;
	v6 =	vadd.f32 v14, v15;
	v21 =	vld [tilespmem:s13+$0x6280];
	v19 =	vpop (erf)  }
0x169: {  	v20 =	vadd.f32 v57, v31;
	v9 =	vadd.f32 v10, v18;
	[tilespmem:s12+$0x6300] =	vst v19  }
0x16a: {  	v23 =	vadd.f32 v59, v62;
	v22 =	vpop (erf);
	v10 =	vadd.f32 v19, v11;
	v14 =	vld [tilespmem:s13+$0x6300]  }
0x16b: {  	s8 =	sor.u32 s8, s8;
	v19 =	vmul.f32 $1.442695020e+00, v20;
	[tilespmem:s12+$0x6000] =	vst v22;
	v63 =	vadd.f32 v58, v33;
	v11 =	vadd.f32 v22, v16;
	v16 =	vld [tilespmem:s12+$0x6380]  }
0x16c: {  	s21 =	sor.u32 $0x380, s8;
	v20 =	vmul.f32 $1.442695020e+00, v23;
	v15 =	vld [tilespmem:s13+$0x6000];
	v18 =	vadd.f32 v61, v17  }
0x16d: {  	s15 =	sor.u32 s14, s15;
	s8 =	simm.s32 $0x20;
	(erf) = vpow2.f32 v19;
	v17 =	vld [tilespmem:s21+$0xCD80];
	v19 =	vmul.f32 $1.442695020e+00, v63;
	v21 =	vadd.f32 v56, v21  }
.LBB2_9:
0x16e: {  	p1 =	sne.s32 s8, $0x3F0  }
0x16f: {  	s14 =	sadd.s32 $0x80, s14;
	(erf) = vpow2.f32 v20;
	s18 =	smov.u32 s8;
	s8 =	sadd.s32 $0x10, s8  }
0x170: {  	v18 =	vmul.f32 $1.442695020e+00, v18;
	v13 =	vadd.f32 v13, v14;
	s20 =	sand.u32 $0x70, s18;
	s21 =	sand.u32 $0x1C00, s14;
	s19 =	sor.u32 s14, s18;
	v20 =	vmul.f32 $1.442695020e+00, v21  }
0x171: {  	v14 =	vadd.f32 v12, v15;
	s18 =	sor.u32 s20, s21;
	(erf) = vpow2.f32 v19  }
0x172: {  	v13 =	vmul.f32 $1.442695020e+00, v13;
	v12 =	vld [tilespmem:s18+$0xCD80];
	(erf) = vpow2.f32 v18;
	v15 =	vadd.f32 v17, v16  }
0x173: {  	v19 =	vmul.f32 $1.442695020e+00, v14;
	v21 =	vld [tilespmem:s18+$0xD000];
	(erf) = vpow2.f32 v20  }
0x174: {  	v16 =	vld [tilespmem:s18+$0xCF80];
	(erf) = vpow2.f32 v13;
	v13 =	vmul.f32 $1.442695020e+00, v15  }
0x175: {  	v17 =	vld [tilespmem:s18+$0xCF00];
	(erf) = vpow2.f32 v19  }
0x176: {  	v18 =	vld [tilespmem:s18+$0xCE80];
	v14 =	vpop (erf);
	(erf) = vpow2.f32 v13  }
0x177: {  	v19 =	vld [tilespmem:s18+$0xCE00];
	[tilespmem:s13+$0x6200] =	vst v14;
	v5 =	vadd.f32 v14, v5  }
0x178: {  	v13 =	vld [tilespmem:s18+$0xD080];
	v14 =	vpop (erf)  }
0x179: {  	v15 =	vld [tilespmem:s18+$0x6200];
	[tilespmem:s13+$0x6100] =	vst v14;
	v7 =	vadd.f32 v14, v7  }
0x17a: {  	v20 =	vld [tilespmem:s18+$0x6100];
	v14 =	vpop (erf)  }
0x17b: {  	[tilespmem:s13+$0x6180] =	vst v14;
	v8 =	vadd.f32 v14, v8;
	v14 =	vpop (erf)  }
0x17c: {  	v22 =	vld [tilespmem:s18+$0x6180];
	[tilespmem:s13+$0x6080] =	vst v14;
	v6 =	vadd.f32 v14, v6;
	v14 =	vpop (erf)  }
0x17d: {  	v23 =	vld [tilespmem:s18+$0x6080];
	[tilespmem:s13+$0x6280] =	vst v14;
	v9 =	vadd.f32 v14, v9;
	v14 =	vpop (erf)  }
0x17e: {  	v16 =	vadd.f32 v16, v15;
	v24 =	vld [tilespmem:s18+$0x6280];
	[tilespmem:s13+$0x6300] =	vst v14;
	v10 =	vadd.f32 v14, v10;
	v15 =	vpop (erf)  }
.Ltmp7:
0x17f: {  	v14 =	vld [tilespmem:s18+$0x6300];
	[tilespmem:s13+$0x6000] =	vst v15;
	v11 =	vadd.f32 v15, v11;
	v25 =	vpop (erf);
	(pc) =	sbr.rel @p1 .LBB2_9-.Ltmp7, $4  }
0x180: {  	s20 =	sor.u32 $0x380, s15;
	s15 =	smov.u32 s19;
	v20 =	vadd.f32 v18, v20;
	v15 =	vld [tilespmem:s18+$0x6000];
	v26 =	vmul.f32 $1.442695020e+00, v16;
	[tilespmem:s12+$0x6380] =	vst v25;
	v4 =	vadd.f32 v25, v4;
	s12 =	smov.u32 s13  }
0x181: {  	s13 =	smov.u32 s18;
	v22 =	vadd.f32 v17, v22;
	v16 =	vld [tilespmem:s12+$0x6380]  }
0x182: {  	v20 =	vmul.f32 $1.442695020e+00, v20;
	v18 =	vadd.f32 v19, v23;
	(erf) = vpow2.f32 v26;
	v17 =	vld [tilespmem:s20+$0xCD80]  }
0x183: {  	v19 =	vmul.f32 $1.442695020e+00, v22;
	v21 =	vadd.f32 v21, v24  }
0x184: {  	_ = 	snop  }
0x185: {  	(erf) = vpow2.f32 v20;
	v18 =	vmul.f32 $1.442695020e+00, v18;
	v13 =	vadd.f32 v13, v14  }
0x186: {  	v14 =	vmul.f32 $1.442695020e+00, v21;
	v12 =	vadd.f32 v12, v15;
	(erf) = vpow2.f32 v19  }
0x187: {  	v13 =	vmul.f32 $1.442695020e+00, v13;
	(erf) = vpow2.f32 v18;
	v15 =	vadd.f32 v17, v16  }
0x188: {  	v12 =	vmul.f32 $1.442695020e+00, v12;
	(erf) = vpow2.f32 v14  }
0x189: {  	(erf) = vpow2.f32 v13;
	v13 =	vmul.f32 $1.442695020e+00, v15  }
0x18a: {  	(erf) = vpow2.f32 v12  }
0x18b: {  	(erf) = vpow2.f32 v13;
	_ =	sdelay $0x1  }
0x18c: {  	v19 =	vpop (erf)  }
0x18d: {  	[tilespmem:s13+$0x6200] =	vst v19;
	v21 =	vpop (erf)  }
0x18e: {  	[tilespmem:s13+$0x6100] =	vst v21;
	v22 =	vpop (erf)  }
0x18f: {  	[tilespmem:s13+$0x6180] =	vst v22;
	v23 =	vpop (erf)  }
0x190: {  	[tilespmem:s13+$0x6080] =	vst v23;
	v24 =	vpop (erf)  }
0x191: {  	[tilespmem:s13+$0x6280] =	vst v24;
	v25 =	vpop (erf)  }
0x192: {  	[tilespmem:s13+$0x6300] =	vst v25;
	v26 =	vpop (erf)  }
0x193: {  	[tilespmem:s13+$0x6000] =	vst v26;
	v27 =	vpop (erf)  }
0x194: {  	[tilespmem:s12+$0x6380] =	vst v27  }
0x195: {  	s8 =	sor.u32 $0x380, s15;
	v12 =	vld [tilespmem:s13+$0x6380]  }
0x196: {  	v13 =	vld [tilespmem:s8+$0xCD80];
	_ =	sdelay $0x4  }
0x197: {  	v12 =	vadd.f32 v13, v12;
	_ =	sdelay $0x1  }
0x198: {  	v12 =	vmul.f32 $1.442695020e+00, v12;
	_ =	sdelay $0x1  }
0x199: {  	(erf) = vpow2.f32 v12;
	_ =	sdelay $0x8  }
0x19a: {  	v28 =	vpop (erf)  }
0x19b: {  	[tilespmem:s13+$0x6380] =	vst v28  }
0x19c: {  	_ =	swait.ge [sflag:s23], $0x2000  }
0x19d: {  	[sflag:s23] =	ssyncset.done $0x0  }
0x19e: {  	[sflag:s23] =	ssyncadd.s32 $0xFFFFE000  }
0x19f: {  	s18 =	simm.s32 $0x0;
	_ =	swait.ge [sflag:s24], $0x2000  }
0x1a0: {  	s19 =	sand.u32 $0x70, s18;
	s8 =	sand.u32 $0x1C00, s18;
	[sflag:s24] =	ssyncset.done $0x0  }
0x1a1: {  	s12 =	sor.u32 s19, s8;
	[sflag:s24] =	ssyncadd.s32 $0xFFFFE000  }
0x1a2: {  	v12 =	vld [tilespmem:s12+$0xED80]  }
0x1a3: {  	v13 =	vld [tilespmem:s12+$0xEE00]  }
0x1a4: {  	v14 =	vld [tilespmem:s12+$0xEE80]  }
0x1a5: {  	v15 =	vld [tilespmem:s12+$0xEF00]  }
0x1a6: {  	v16 =	vld [tilespmem:s12+$0xEF80]  }
0x1a7: {  	v17 =	vld [tilespmem:s12+$0x8000]  }
0x1a8: {  	v18 =	vld [tilespmem:s12+$0x8080]  }
0x1a9: {  	v20 =	vld [tilespmem:s12+$0xF000]  }
0x1aa: {  	v29 =	vld [tilespmem:s12+$0xF080]  }
0x1ab: {  	v30 =	vld [tilespmem:s12+$0x8100]  }
0x1ac: {  	v31 =	vld [tilespmem:s12+$0xF100];
	v12 =	vadd.f32 v12, v17  }
0x1ad: {  	v17 =	vld [tilespmem:s12+$0x8180];
	v13 =	vadd.f32 v13, v18  }
0x1ae: {  	v32 =	vld [tilespmem:s12+$0x8200];
	v12 =	vmul.f32 $1.442695020e+00, v12  }
0x1af: {  	v33 =	vld [tilespmem:s12+$0x8280];
	v13 =	vmul.f32 $1.442695020e+00, v13  }
0x1b0: {  	v34 =	vld [tilespmem:s12+$0x8300];
	(erf) = vpow2.f32 v12  }
0x1b1: {  	v14 =	vadd.f32 v14, v30;
	v12 =	vld [tilespmem:s12+$0x8380];
	(erf) = vpow2.f32 v13  }
0x1b2: {  	s20 =	simm.s32 $0x10;
	s14 =	simm.s32 $0x80;
	v15 =	vadd.f32 v15, v17  }
0x1b3: {  	s21 =	sand.u32 $0x1C00, s14;
	s8 =	sand.u32 $0x70, s20;
	v14 =	vmul.f32 $1.442695020e+00, v14;
	v13 =	vadd.f32 v16, v32  }
0x1b4: {  	s13 =	sor.u32 s8, s21;
	v20 =	vadd.f32 v20, v33;
	v17 =	vmul.f32 $1.442695020e+00, v15  }
0x1b5: {  	v58 =	vld [tilespmem:s13+$0xED80];
	v29 =	vadd.f32 v29, v34;
	(erf) = vpow2.f32 v14;
	v13 =	vmul.f32 $1.442695020e+00, v13  }
0x1b6: {  	v18 =	vld [tilespmem:s13+$0xEE00];
	v20 =	vmul.f32 $1.442695020e+00, v20;
	(erf) = vpow2.f32 v17;
	v31 =	vadd.f32 v31, v12  }
0x1b7: {  	v29 =	vmul.f32 $1.442695020e+00, v29;
	v16 =	vld [tilespmem:s13+$0xEE80];
	(erf) = vpow2.f32 v13  }
0x1b8: {  	v14 =	vld [tilespmem:s13+$0xF000];
	(erf) = vpow2.f32 v20;
	v20 =	vmul.f32 $1.442695020e+00, v31  }
0x1b9: {  	v15 =	vld [tilespmem:s13+$0xEF00];
	v59 =	vpop (erf);
	(erf) = vpow2.f32 v29  }
0x1ba: {  	v17 =	vld [tilespmem:s13+$0xEF80];
	v60 =	vpop (erf);
	(erf) = vpow2.f32 v20  }
0x1bb: {  	v19 =	vadd.f32 v19, v5;
	v12 =	vld [tilespmem:s13+$0xF100]  }
0x1bc: {  	v7 =	vadd.f32 v21, v7;
	v8 =	vadd.f32 v22, v8;
	v13 =	vld [tilespmem:s13+$0xF080];
	[tilespmem:s12+$0x8000] =	vst v59  }
0x1bd: {  	v6 =	vadd.f32 v23, v6;
	v4 =	vadd.f32 v27, v4;
	v61 =	vld [tilespmem:s13+$0x8000]  }
0x1be: {  	v24 =	vadd.f32 v24, v9;
	v5 =	vadd.f32 v26, v11;
	[tilespmem:s12+$0x8080] =	vst v60;
	v62 =	vpop (erf)  }
0x1bf: {  	v11 =	vadd.f32 v25, v10;
	v4 =	vadd.f32 v28, v4;
	v20 =	vld [tilespmem:s13+$0x8080];
	[tilespmem:s12+$0x8100] =	vst v62;
	v63 =	vpop (erf)  }
0x1c0: {  	v5 =	vadd.f32 v59, v5;
	v6 =	vadd.f32 v60, v6;
	v21 =	vld [tilespmem:s13+$0x8100];
	[tilespmem:s12+$0x8180] =	vst v63;
	v9 =	vpop (erf)  }
0x1c1: {  	v7 =	vadd.f32 v62, v7;
	v8 =	vadd.f32 v63, v8;
	v22 =	vld [tilespmem:s13+$0x8180];
	[tilespmem:s12+$0x8200] =	vst v9;
	v10 =	vpop (erf)  }
0x1c2: {  	v9 =	vadd.f32 v9, v19;
	v25 =	vadd.f32 v58, v61;
	v23 =	vld [tilespmem:s13+$0x8200];
	[tilespmem:s12+$0x8280] =	vst v10;
	v19 =	vpop (erf)  }
0x1c3: {  	s8 =	simm.s32 $0x20;
	v10 =	vadd.f32 v10, v24;
	v24 =	vld [tilespmem:s13+$0x8280];
	[tilespmem:s12+$0x8300] =	vst v19;
	v11 =	vadd.f32 v19, v11;
	v19 =	vpop (erf)  }
.LBB2_11:
0x1c4: {  	p1 =	sne.s32 s8, $0x3F0;
	v18 =	vadd.f32 v18, v20;
	v20 =	vld [tilespmem:s13+$0x8300];
	[tilespmem:s12+$0x8380] =	vst v19;
	v4 =	vadd.f32 v19, v4;
	s12 =	smov.u32 s13  }
0x1c5: {  	v19 =	vmul.f32 $1.442695020e+00, v25;
	v16 =	vadd.f32 v16, v21;
	v21 =	vld [tilespmem:s12+$0x8380]  }
0x1c6: {  	v18 =	vmul.f32 $1.442695020e+00, v18;
	v15 =	vadd.f32 v15, v22  }
0x1c7: {  	s14 =	sadd.s32 $0x80, s14;
	v16 =	vmul.f32 $1.442695020e+00, v16;
	v17 =	vadd.f32 v17, v23;
	(erf) = vpow2.f32 v19  }
0x1c8: {  	s13 =	sand.u32 $0x70, s8;
	s15 =	sand.u32 $0x1C00, s14;
	v15 =	vmul.f32 $1.442695020e+00, v15;
	v14 =	vadd.f32 v14, v24;
	(erf) = vpow2.f32 v18  }
0x1c9: {  	s13 =	sor.u32 s13, s15;
	v17 =	vmul.f32 $1.442695020e+00, v17;
	v13 =	vadd.f32 v13, v20;
	(erf) = vpow2.f32 v16  }
0x1ca: {  	v19 =	vld [tilespmem:s13+$0xED80];
	v14 =	vmul.f32 $1.442695020e+00, v14;
	v12 =	vadd.f32 v12, v21;
	(erf) = vpow2.f32 v15  }
0x1cb: {  	v18 =	vld [tilespmem:s13+$0xEE00];
	v13 =	vmul.f32 $1.442695020e+00, v13;
	(erf) = vpow2.f32 v17  }
0x1cc: {  	v16 =	vld [tilespmem:s13+$0xEE80];
	v12 =	vmul.f32 $1.442695020e+00, v12;
	(erf) = vpow2.f32 v14  }
0x1cd: {  	v15 =	vld [tilespmem:s13+$0xEF00];
	(erf) = vpow2.f32 v13  }
0x1ce: {  	v17 =	vld [tilespmem:s13+$0xEF80];
	(erf) = vpow2.f32 v12  }
0x1cf: {  	v14 =	vld [tilespmem:s13+$0xF000]  }
0x1d0: {  	v13 =	vld [tilespmem:s13+$0xF080];
	v20 =	vpop (erf)  }
0x1d1: {  	v12 =	vld [tilespmem:s13+$0xF100];
	[tilespmem:s12+$0x8000] =	vst v20;
	v5 =	vadd.f32 v20, v5;
	v20 =	vpop (erf)  }
0x1d2: {  	v24 =	vld [tilespmem:s13+$0x8000];
	[tilespmem:s12+$0x8080] =	vst v20;
	v6 =	vadd.f32 v20, v6;
	v21 =	vpop (erf)  }
.Ltmp8:
0x1d3: {  	v20 =	vld [tilespmem:s13+$0x8080];
	[tilespmem:s12+$0x8100] =	vst v21;
	v7 =	vadd.f32 v21, v7;
	v22 =	vpop (erf);
	(pc) =	sbr.rel @p1 .LBB2_11-.Ltmp8, $4  }
0x1d4: {  	v21 =	vld [tilespmem:s13+$0x8100];
	[tilespmem:s12+$0x8180] =	vst v22;
	v8 =	vadd.f32 v22, v8;
	v23 =	vpop (erf)  }
0x1d5: {  	v22 =	vld [tilespmem:s13+$0x8180];
	[tilespmem:s12+$0x8200] =	vst v23;
	v9 =	vadd.f32 v23, v9;
	v25 =	vpop (erf)  }
0x1d6: {  	v23 =	vld [tilespmem:s13+$0x8200];
	[tilespmem:s12+$0x8280] =	vst v25;
	v10 =	vadd.f32 v25, v10;
	v26 =	vpop (erf)  }
0x1d7: {  	s8 =	sadd.s32 $0x10, s8;
	v25 =	vadd.f32 v19, v24;
	v24 =	vld [tilespmem:s13+$0x8280];
	[tilespmem:s12+$0x8300] =	vst v26;
	v11 =	vadd.f32 v26, v11;
	v19 =	vpop (erf)  }
0x1d8: {  	v26 =	vld [tilespmem:s13+$0x8300];
	v18 =	vadd.f32 v18, v20;
	[tilespmem:s12+$0x8380] =	vst v19  }
0x1d9: {  	v20 =	vmul.f32 $1.442695020e+00, v25;
	v16 =	vadd.f32 v16, v21;
	v21 =	vld [tilespmem:s13+$0x8380]  }
0x1da: {  	v18 =	vmul.f32 $1.442695020e+00, v18;
	v15 =	vadd.f32 v15, v22  }
0x1db: {  	v16 =	vmul.f32 $1.442695020e+00, v16;
	v17 =	vadd.f32 v17, v23;
	(erf) = vpow2.f32 v20  }
0x1dc: {  	v15 =	vmul.f32 $1.442695020e+00, v15;
	v14 =	vadd.f32 v14, v24;
	(erf) = vpow2.f32 v18  }
0x1dd: {  	v17 =	vmul.f32 $1.442695020e+00, v17;
	v13 =	vadd.f32 v13, v26;
	(erf) = vpow2.f32 v16  }
0x1de: {  	v14 =	vmul.f32 $1.442695020e+00, v14;
	v12 =	vadd.f32 v12, v21;
	(erf) = vpow2.f32 v15  }
0x1df: {  	v13 =	vmul.f32 $1.442695020e+00, v13;
	(erf) = vpow2.f32 v17  }
0x1e0: {  	v12 =	vmul.f32 $1.442695020e+00, v12;
	(erf) = vpow2.f32 v14  }
0x1e1: {  	(erf) = vpow2.f32 v13  }
0x1e2: {  	(erf) = vpow2.f32 v12;
	_ =	sdelay $0x1  }
0x1e3: {  	v12 =	vpop (erf)  }
0x1e4: {  	[tilespmem:s13+$0x8000] =	vst v12;
	v22 =	vpop (erf)  }
0x1e5: {  	[tilespmem:s13+$0x8080] =	vst v22;
	v23 =	vpop (erf)  }
0x1e6: {  	[tilespmem:s13+$0x8100] =	vst v23;
	v24 =	vpop (erf)  }
0x1e7: {  	[tilespmem:s13+$0x8180] =	vst v24;
	v25 =	vpop (erf)  }
0x1e8: {  	[tilespmem:s13+$0x8200] =	vst v25;
	v26 =	vpop (erf)  }
0x1e9: {  	[tilespmem:s13+$0x8280] =	vst v26;
	v27 =	vpop (erf)  }
0x1ea: {  	[tilespmem:s13+$0x8300] =	vst v27;
	v28 =	vpop (erf)  }
0x1eb: {  	[tilespmem:s13+$0x8380] =	vst v28  }
0x1ec: {  	_ =	swait.ge [sflag:s23], $0x2000  }
0x1ed: {  	[sflag:s23] =	ssyncset.done $0x0  }
0x1ee: {  	[sflag:s23] =	ssyncadd.s32 $0xFFFFE000  }
0x1ef: {  	s8 =	simm.s32 $0x0;
	_ =	swait.ge [sflag:s24], $0x2000  }
0x1f0: {  	s19 =	sand.u32 $0x70, s8;
	s8 =	sand.u32 $0x1C00, s8;
	[sflag:s24] =	ssyncset.done $0x0  }
0x1f1: {  	s13 =	sor.u32 s19, s8;
	[sflag:s24] =	ssyncadd.s32 $0xFFFFE000  }
0x1f2: {  	v13 =	vld [tilespmem:s13+$0x10D80]  }
0x1f3: {  	v14 =	vld [tilespmem:s13+$0x10E00]  }
0x1f4: {  	v15 =	vld [tilespmem:s13+$0x10E80]  }
0x1f5: {  	v16 =	vld [tilespmem:s13+$0x10F00]  }
0x1f6: {  	v17 =	vld [tilespmem:s13+$0x10F80]  }
0x1f7: {  	v18 =	vld [tilespmem:s13+$0xA000]  }
0x1f8: {  	v20 =	vld [tilespmem:s13+$0xA080]  }
0x1f9: {  	v21 =	vld [tilespmem:s13+$0x11000]  }
0x1fa: {  	v29 =	vld [tilespmem:s13+$0x11080]  }
0x1fb: {  	v30 =	vld [tilespmem:s13+$0xA100]  }
0x1fc: {  	v31 =	vld [tilespmem:s13+$0x11100];
	v13 =	vadd.f32 v13, v18  }
0x1fd: {  	v18 =	vld [tilespmem:s13+$0xA180];
	v14 =	vadd.f32 v14, v20  }
0x1fe: {  	v32 =	vld [tilespmem:s13+$0xA200];
	v13 =	vmul.f32 $1.442695020e+00, v13  }
0x1ff: {  	v33 =	vld [tilespmem:s13+$0xA280];
	v14 =	vmul.f32 $1.442695020e+00, v14  }
0x200: {  	v34 =	vld [tilespmem:s13+$0xA300];
	(erf) = vpow2.f32 v13  }
0x201: {  	v15 =	vadd.f32 v15, v30;
	v13 =	vld [tilespmem:s13+$0xA380];
	(erf) = vpow2.f32 v14  }
0x202: {  	s20 =	simm.s32 $0x10;
	s14 =	simm.s32 $0x80;
	v16 =	vadd.f32 v16, v18  }
0x203: {  	s21 =	sand.u32 $0x1C00, s14;
	s8 =	sand.u32 $0x70, s20;
	v15 =	vmul.f32 $1.442695020e+00, v15;
	v14 =	vadd.f32 v17, v32  }
0x204: {  	s12 =	sor.u32 s8, s21;
	v21 =	vadd.f32 v21, v33;
	v18 =	vmul.f32 $1.442695020e+00, v16  }
0x205: {  	v59 =	vld [tilespmem:s12+$0x10D80];
	v29 =	vadd.f32 v29, v34;
	(erf) = vpow2.f32 v15;
	v14 =	vmul.f32 $1.442695020e+00, v14  }
0x206: {  	v20 =	vld [tilespmem:s12+$0x10E00];
	v21 =	vmul.f32 $1.442695020e+00, v21;
	(erf) = vpow2.f32 v18;
	v31 =	vadd.f32 v31, v13  }
0x207: {  	v29 =	vmul.f32 $1.442695020e+00, v29;
	v17 =	vld [tilespmem:s12+$0x10E80];
	(erf) = vpow2.f32 v14  }
0x208: {  	v15 =	vld [tilespmem:s12+$0x11000];
	(erf) = vpow2.f32 v21;
	v21 =	vmul.f32 $1.442695020e+00, v31  }
0x209: {  	v16 =	vld [tilespmem:s12+$0x10F00];
	v60 =	vpop (erf);
	(erf) = vpow2.f32 v29  }
0x20a: {  	v18 =	vld [tilespmem:s12+$0x10F80];
	v61 =	vpop (erf);
	(erf) = vpow2.f32 v21  }
0x20b: {  	v4 =	vadd.f32 v19, v4;
	v13 =	vld [tilespmem:s12+$0x11100]  }
0x20c: {  	v5 =	vadd.f32 v12, v5;
	v6 =	vadd.f32 v22, v6;
	v14 =	vld [tilespmem:s12+$0x11080];
	[tilespmem:s13+$0xA000] =	vst v60  }
0x20d: {  	v7 =	vadd.f32 v23, v7;
	v8 =	vadd.f32 v24, v8;
	v62 =	vld [tilespmem:s12+$0xA000]  }
0x20e: {  	v9 =	vadd.f32 v25, v9;
	v23 =	vadd.f32 v26, v10;
	[tilespmem:s13+$0xA080] =	vst v61;
	v63 =	vpop (erf)  }
0x20f: {  	v26 =	vadd.f32 v27, v11;
	v4 =	vadd.f32 v28, v4;
	v21 =	vld [tilespmem:s12+$0xA080];
	[tilespmem:s13+$0xA100] =	vst v63;
	v12 =	vpop (erf)  }
0x210: {  	v10 =	vadd.f32 v60, v5;
	v6 =	vadd.f32 v61, v6;
	v19 =	vld [tilespmem:s12+$0xA100];
	[tilespmem:s13+$0xA180] =	vst v12;
	v24 =	vpop (erf)  }
0x211: {  	v7 =	vadd.f32 v63, v7;
	v8 =	vadd.f32 v12, v8;
	v22 =	vld [tilespmem:s12+$0xA180];
	[tilespmem:s13+$0xA200] =	vst v24;
	v5 =	vpop (erf)  }
0x212: {  	v9 =	vadd.f32 v24, v9;
	v25 =	vadd.f32 v59, v62;
	v11 =	vld [tilespmem:s12+$0xA200];
	[tilespmem:s13+$0xA280] =	vst v5;
	v12 =	vpop (erf)  }
0x213: {  	s8 =	simm.s32 $0x20;
	v5 =	vadd.f32 v5, v23;
	v23 =	vld [tilespmem:s12+$0xA280];
	[tilespmem:s13+$0xA300] =	vst v12;
	v12 =	vadd.f32 v12, v26;
	v24 =	vpop (erf)  }
.LBB2_13:
0x214: {  	p1 =	sne.s32 s8, $0x3F0;
	v20 =	vadd.f32 v20, v21;
	v21 =	vld [tilespmem:s12+$0xA300];
	[tilespmem:s13+$0xA380] =	vst v24;
	v4 =	vadd.f32 v24, v4;
	s13 =	smov.u32 s12  }
0x215: {  	v24 =	vmul.f32 $1.442695020e+00, v25;
	v17 =	vadd.f32 v17, v19;
	v19 =	vld [tilespmem:s13+$0xA380]  }
0x216: {  	v20 =	vmul.f32 $1.442695020e+00, v20;
	v16 =	vadd.f32 v16, v22  }
0x217: {  	s14 =	sadd.s32 $0x80, s14;
	v17 =	vmul.f32 $1.442695020e+00, v17;
	v11 =	vadd.f32 v18, v11;
	(erf) = vpow2.f32 v24  }
0x218: {  	s12 =	sand.u32 $0x70, s8;
	s15 =	sand.u32 $0x1C00, s14;
	v16 =	vmul.f32 $1.442695020e+00, v16;
	v15 =	vadd.f32 v15, v23;
	(erf) = vpow2.f32 v20  }
0x219: {  	s12 =	sor.u32 s12, s15;
	v11 =	vmul.f32 $1.442695020e+00, v11;
	v14 =	vadd.f32 v14, v21;
	(erf) = vpow2.f32 v17  }
0x21a: {  	v23 =	vld [tilespmem:s12+$0x10D80];
	v15 =	vmul.f32 $1.442695020e+00, v15;
	v13 =	vadd.f32 v13, v19;
	(erf) = vpow2.f32 v16  }
0x21b: {  	v20 =	vld [tilespmem:s12+$0x10E00];
	v14 =	vmul.f32 $1.442695020e+00, v14;
	(erf) = vpow2.f32 v11  }
0x21c: {  	v17 =	vld [tilespmem:s12+$0x10E80];
	v11 =	vmul.f32 $1.442695020e+00, v13;
	(erf) = vpow2.f32 v15  }
0x21d: {  	v16 =	vld [tilespmem:s12+$0x10F00];
	(erf) = vpow2.f32 v14  }
0x21e: {  	v18 =	vld [tilespmem:s12+$0x10F80];
	(erf) = vpow2.f32 v11  }
0x21f: {  	v15 =	vld [tilespmem:s12+$0x11000]  }
0x220: {  	v14 =	vld [tilespmem:s12+$0x11080];
	v11 =	vpop (erf)  }
0x221: {  	v13 =	vld [tilespmem:s12+$0x11100];
	[tilespmem:s13+$0xA000] =	vst v11;
	v10 =	vadd.f32 v11, v10;
	v11 =	vpop (erf)  }
0x222: {  	v24 =	vld [tilespmem:s12+$0xA000];
	[tilespmem:s13+$0xA080] =	vst v11;
	v6 =	vadd.f32 v11, v6;
	v11 =	vpop (erf)  }
.Ltmp9:
0x223: {  	v21 =	vld [tilespmem:s12+$0xA080];
	[tilespmem:s13+$0xA100] =	vst v11;
	v7 =	vadd.f32 v11, v7;
	v11 =	vpop (erf);
	(pc) =	sbr.rel @p1 .LBB2_13-.Ltmp9, $4  }
0x224: {  	v19 =	vld [tilespmem:s12+$0xA100];
	[tilespmem:s13+$0xA180] =	vst v11;
	v8 =	vadd.f32 v11, v8;
	v11 =	vpop (erf)  }
0x225: {  	v22 =	vld [tilespmem:s12+$0xA180];
	[tilespmem:s13+$0xA200] =	vst v11;
	v9 =	vadd.f32 v11, v9;
	v25 =	vpop (erf)  }
0x226: {  	v11 =	vld [tilespmem:s12+$0xA200];
	[tilespmem:s13+$0xA280] =	vst v25;
	v5 =	vadd.f32 v25, v5;
	v26 =	vpop (erf)  }
0x227: {  	s8 =	sadd.s32 $0x10, s8;
	v25 =	vadd.f32 v23, v24;
	v23 =	vld [tilespmem:s12+$0xA280];
	[tilespmem:s13+$0xA300] =	vst v26;
	v12 =	vadd.f32 v26, v12;
	v24 =	vpop (erf)  }
0x228: {  	v26 =	vld [tilespmem:s12+$0xA300];
	v20 =	vadd.f32 v20, v21;
	[tilespmem:s13+$0xA380] =	vst v24  }
0x229: {  	v63 =	vmul.f32 $1.442695020e+00, v25;
	v17 =	vadd.f32 v17, v19;
	v19 =	vld [tilespmem:s12+$0xA380]  }
0x22a: {  	v20 =	vmul.f32 $1.442695020e+00, v20;
	v16 =	vadd.f32 v16, v22  }
0x22b: {  	v17 =	vmul.f32 $1.442695020e+00, v17;
	v11 =	vadd.f32 v18, v11;
	(erf) = vpow2.f32 v63  }
0x22c: {  	v16 =	vmul.f32 $1.442695020e+00, v16;
	v15 =	vadd.f32 v15, v23;
	(erf) = vpow2.f32 v20  }
0x22d: {  	v11 =	vmul.f32 $1.442695020e+00, v11;
	v14 =	vadd.f32 v14, v26;
	(erf) = vpow2.f32 v17  }
0x22e: {  	v15 =	vmul.f32 $1.442695020e+00, v15;
	v13 =	vadd.f32 v13, v19;
	(erf) = vpow2.f32 v16  }
0x22f: {  	v14 =	vmul.f32 $1.442695020e+00, v14;
	(erf) = vpow2.f32 v11  }
0x230: {  	v11 =	vmul.f32 $1.442695020e+00, v13;
	(erf) = vpow2.f32 v15  }
0x231: {  	(erf) = vpow2.f32 v14  }
0x232: {  	(erf) = vpow2.f32 v11;
	_ =	sdelay $0x1  }
0x233: {  	v11 =	vpop (erf)  }
0x234: {  	v13 =	vpop (erf);
	[tilespmem:s12+$0xA000] =	vst v11  }
0x235: {  	v14 =	vpop (erf);
	[tilespmem:s12+$0xA080] =	vst v13  }
0x236: {  	v18 =	vimm.f32 $0.0e+00;
	v16 =	vadd.f32 v24, v4;
	v15 =	vpop (erf);
	[tilespmem:s12+$0xA100] =	vst v14  }
.Ltmp10:
0x237: {  	v19 =	vimm.f32 $0.0e+00;
	v4 =	vadd.f32 v11, v10;
	v6 =	vadd.f32 v13, v6;
	v11 =	vpop (erf);
	[tilespmem:s12+$0xA180] =	vst v15;
	(pc) =	sbr.rel @p0 .LBB2_18-.Ltmp10, $4  }
0x238: {  	v7 =	vadd.f32 v14, v7;
	v10 =	vadd.f32 v15, v8;
	v15 =	vimm.f32 $0.0e+00;
	v13 =	vpop (erf);
	[tilespmem:s12+$0xA200] =	vst v11  }
0x239: {  	v8 =	vadd.f32 v11, v9;
	v14 =	vpop (erf);
	v11 =	vadd.f32 v13, v5;
	[tilespmem:s12+$0xA280] =	vst v13;
	v13 =	vimm.f32 $0.0e+00  }
0x23a: {  	v9 =	vadd.f32 v14, v12;
	v17 =	vpop (erf);
	[tilespmem:s12+$0xA300] =	vst v14;
	v12 =	vimm.f32 $0.0e+00;
	v14 =	vimm.f32 $0.0e+00  }
0x23b: {  	s19 =	simm.s32 $0xED80;
	s20 =	simm.s32 $0x4000;
	s21 =	simm.s32 $0x10D80;
	v5 =	vadd.f32 v17, v16;
	v16 =	vimm.f32 $0.0e+00;
	[tilespmem:s12+$0xA380] =	vst v17;
	v17 =	vimm.f32 $0.0e+00  }
0x23c: {  	_ =	swait.ge [sflag:s29], $0x400  }
0x23d: {  	[sflag:s29] =	ssyncset.done $0x0  }
0x23e: {  	[sflag:s29] =	ssyncadd.s32 $0xFFFFFC00  }
0x23f: {  	_ =	swait.ge [sflag:s29], $0x400  }
0x240: {  	[sflag:s29] =	ssyncset.done $0x0  }
0x241: {  	s13 =	simm.s32 $0x0;
	[sflag:s29] =	ssyncadd.s32 $0xFFFFFC00  }
0x242: {  	v12 =	vld [tilespmem:s13+$0x12D80]  }
0x243: {  	v13 =	vld [tilespmem:s13+$0x12E00]  }
0x244: {  	v17 =	vld [tilespmem:s13+$0xC000]  }
0x245: {  	v14 =	vld [tilespmem:s13+$0x12E80]  }
0x246: {  	v15 =	vld [tilespmem:s13+$0x12F00]  }
0x247: {  	v19 =	vld [tilespmem:s13+$0xC080]  }
0x248: {  	v21 =	vld [tilespmem:s13+$0xC100]  }
0x249: {  	v16 =	vld [tilespmem:s13+$0x12F80];
	v12 =	vadd.f32 v12, v17  }
0x24a: {  	v22 =	vld [tilespmem:s13+$0xC200]  }
0x24b: {  	v17 =	vld [tilespmem:s13+$0xC180];
	v12 =	vmul.f32 $1.442695020e+00, v12  }
0x24c: {  	v18 =	vld [tilespmem:s13+$0x13000];
	v13 =	vadd.f32 v13, v19  }
0x24d: {  	v19 =	vld [tilespmem:s13+$0xC280];
	v14 =	vadd.f32 v14, v21;
	(erf) = vpow2.f32 v12  }
0x24e: {  	v20 =	vld [tilespmem:s13+$0x13080];
	v13 =	vmul.f32 $1.442695020e+00, v13  }
0x24f: {  	v27 =	vld [tilespmem:s13+$0x13100];
	v14 =	vmul.f32 $1.442695020e+00, v14  }
0x250: {  	v28 =	vld [tilespmem:s13+$0xC300];
	v15 =	vadd.f32 v15, v17;
	(erf) = vpow2.f32 v13;
	v13 =	vadd.f32 v16, v22  }
0x251: {  	v12 =	vld [tilespmem:s13+$0xC380];
	(erf) = vpow2.f32 v14  }
0x252: {  	v14 =	vadd.f32 v18, v19;
	v15 =	vmul.f32 $1.442695020e+00, v15;
	v13 =	vmul.f32 $1.442695020e+00, v13  }
0x253: {  	s12 =	simm.s32 $0x10  }
0x254: {  	v26 =	vld [tilespmem:s12+$0x12E00];
	v14 =	vmul.f32 $1.442695020e+00, v14;
	(erf) = vpow2.f32 v15  }
0x255: {  	v25 =	vld [tilespmem:s12+$0x12E80];
	v15 =	vadd.f32 v20, v28;
	(erf) = vpow2.f32 v13  }
0x256: {  	v23 =	vld [tilespmem:s12+$0x12F00];
	v12 =	vadd.f32 v27, v12;
	v13 =	vpop (erf);
	(erf) = vpow2.f32 v14  }
0x257: {  	v24 =	vld [tilespmem:s12+$0x12F80];
	v15 =	vmul.f32 $1.442695020e+00, v15  }
0x258: {  	v21 =	vld [tilespmem:s12+$0x13080];
	v12 =	vmul.f32 $1.442695020e+00, v12  }
0x259: {  	v17 =	vld [tilespmem:s12+$0x12D80];
	v14 =	vpop (erf);
	(erf) = vpow2.f32 v15  }
0x25a: {  	v22 =	vld [tilespmem:s12+$0x13000];
	(erf) = vpow2.f32 v12  }
0x25b: {  	v19 =	vld [tilespmem:s12+$0x13100];
	[tilespmem:s13+$0xC000] =	vst v13  }
0x25c: {  	v20 =	vld [tilespmem:s12+$0xC000];
	[tilespmem:s13+$0xC080] =	vst v14;
	v12 =	vpop (erf)  }
0x25d: {  	p1 =	slt.u32 s9, $0x186A0;
	v28 =	vld [tilespmem:s12+$0xC080];
	[tilespmem:s13+$0xC100] =	vst v12;
	v16 =	vpop (erf)  }
0x25e: {  	v18 =	vimm.f32 $0.0e+00;
	v13 =	vpsel !p1, $0x0, v13;
	v14 =	vpsel !p1, $0x0, v14;
	v27 =	vld [tilespmem:s12+$0xC100];
	[tilespmem:s13+$0xC180] =	vst v16;
	v31 =	vpop (erf)  }
0x25f: {  	v13 =	vadd.f32 v13, v18;
	v15 =	vadd.f32 v14, v18;
	v29 =	vld [tilespmem:s12+$0xC180];
	[tilespmem:s13+$0xC200] =	vst v31;
	v32 =	vpop (erf)  }
0x260: {  	v12 =	vpsel !p1, $0x0, v12;
	v14 =	vpsel !p1, $0x0, v16;
	v30 =	vld [tilespmem:s12+$0xC200];
	[tilespmem:s13+$0xC280] =	vst v32;
	v32 =	vpsel !p1, $0x0, v32  }
0x261: {  	v16 =	vadd.f32 v12, v18;
	v12 =	vadd.f32 v14, v18  }
0x262: {  	v14 =	vpsel !p1, $0x0, v31;
	v34 =	vadd.f32 v17, v20;
	v20 =	vimm.f32 $0.0e+00;
	v33 =	vpop (erf)  }
0x263: {  	s15 =	simm.s32 $0x80;
	s14 =	smov.u32 s9;
	v14 =	vadd.f32 v14, v18;
	v31 =	vld [tilespmem:s12+$0xC280];
	v17 =	vadd.f32 v32, v18;
	[tilespmem:s13+$0xC300] =	vst v33;
	v33 =	vpsel !p1, $0x0, v33;
	v32 =	vpop (erf)  }
.LBB2_16:
0x264: {  	p2 =	sne.s32 s15, $0x1C0;
	v26 =	vadd.f32 v26, v28;
	v28 =	vld [tilespmem:s12+$0xC300];
	v18 =	vadd.f32 v33, v18;
	[tilespmem:s13+$0xC380] =	vst v32;
	v32 =	vpsel !p1, $0x0, v32;
	s13 =	smov.u32 s12  }
0x265: {  	v33 =	vmul.f32 $1.442695020e+00, v34;
	v25 =	vadd.f32 v25, v27;
	v27 =	vld [tilespmem:s13+$0xC380];
	v20 =	vadd.f32 v32, v20  }
0x266: {  	v26 =	vmul.f32 $1.442695020e+00, v26;
	v23 =	vadd.f32 v23, v29  }
0x267: {  	v25 =	vmul.f32 $1.442695020e+00, v25;
	v24 =	vadd.f32 v24, v30;
	(erf) = vpow2.f32 v33  }
0x268: {  	v23 =	vmul.f32 $1.442695020e+00, v23;
	v22 =	vadd.f32 v22, v31;
	(erf) = vpow2.f32 v26  }
0x269: {  	s12 =	sshra.s32 s15, $0x2;
	v24 =	vmul.f32 $1.442695020e+00, v24;
	v21 =	vadd.f32 v21, v28;
	(erf) = vpow2.f32 v25  }
0x26a: {  	v31 =	vld [tilespmem:s12+$0x12D80];
	v22 =	vmul.f32 $1.442695020e+00, v22;
	v19 =	vadd.f32 v19, v27;
	(erf) = vpow2.f32 v23  }
0x26b: {  	v26 =	vld [tilespmem:s12+$0x12E00];
	v21 =	vmul.f32 $1.442695020e+00, v21;
	(erf) = vpow2.f32 v24  }
0x26c: {  	v25 =	vld [tilespmem:s12+$0x12E80];
	v19 =	vmul.f32 $1.442695020e+00, v19;
	(erf) = vpow2.f32 v22  }
0x26d: {  	v23 =	vld [tilespmem:s12+$0x12F00];
	(erf) = vpow2.f32 v21  }
0x26e: {  	v24 =	vld [tilespmem:s12+$0x12F80];
	(erf) = vpow2.f32 v19  }
0x26f: {  	s14 =	sadd.s32 $0x10, s14;
	v22 =	vld [tilespmem:s12+$0x13000]  }
0x270: {  	p1 =	slt.u32 s14, $0x186A0;
	v21 =	vld [tilespmem:s12+$0x13080];
	v27 =	vpop (erf)  }
0x271: {  	v19 =	vld [tilespmem:s12+$0x13100];
	[tilespmem:s13+$0xC000] =	vst v27;
	v27 =	vpsel !p1, $0x0, v27;
	v28 =	vpop (erf)  }
0x272: {  	v32 =	vld [tilespmem:s12+$0xC000];
	v13 =	vadd.f32 v27, v13;
	[tilespmem:s13+$0xC080] =	vst v28;
	v27 =	vpsel !p1, $0x0, v28;
	v29 =	vpop (erf)  }
.Ltmp11:
0x273: {  	v28 =	vld [tilespmem:s12+$0xC080];
	v15 =	vadd.f32 v27, v15;
	[tilespmem:s13+$0xC100] =	vst v29;
	v29 =	vpsel !p1, $0x0, v29;
	v30 =	vpop (erf);
	(pc) =	sbr.rel @p2 .LBB2_16-.Ltmp11, $4  }
0x274: {  	v27 =	vld [tilespmem:s12+$0xC100];
	v16 =	vadd.f32 v29, v16;
	[tilespmem:s13+$0xC180] =	vst v30;
	v30 =	vpsel !p1, $0x0, v30;
	v33 =	vpop (erf)  }
0x275: {  	v29 =	vld [tilespmem:s12+$0xC180];
	v12 =	vadd.f32 v30, v12;
	[tilespmem:s13+$0xC200] =	vst v33;
	v33 =	vpsel !p1, $0x0, v33;
	v34 =	vpop (erf)  }
0x276: {  	v30 =	vld [tilespmem:s12+$0xC200];
	v14 =	vadd.f32 v33, v14;
	[tilespmem:s13+$0xC280] =	vst v34;
	v33 =	vpsel !p1, $0x0, v34;
	v35 =	vpop (erf)  }
0x277: {  	s15 =	sadd.s32 $0x40, s15;
	v34 =	vadd.f32 v31, v32;
	v31 =	vld [tilespmem:s12+$0xC280];
	v17 =	vadd.f32 v33, v17;
	[tilespmem:s13+$0xC300] =	vst v35;
	v33 =	vpsel !p1, $0x0, v35;
	v32 =	vpop (erf)  }
0x278: {  	v35 =	vld [tilespmem:s12+$0xC300];
	v26 =	vadd.f32 v26, v28;
	[tilespmem:s13+$0xC380] =	vst v32  }
0x279: {  	v52 =	vmul.f32 $1.442695020e+00, v34;
	v25 =	vadd.f32 v25, v27;
	v53 =	vld [tilespmem:s12+$0xC380]  }
0x27a: {  	v26 =	vmul.f32 $1.442695020e+00, v26;
	v23 =	vadd.f32 v23, v29  }
0x27b: {  	v25 =	vmul.f32 $1.442695020e+00, v25;
	v24 =	vadd.f32 v24, v30;
	(erf) = vpow2.f32 v52  }
0x27c: {  	v23 =	vmul.f32 $1.442695020e+00, v23;
	v22 =	vadd.f32 v22, v31;
	(erf) = vpow2.f32 v26  }
0x27d: {  	v24 =	vmul.f32 $1.442695020e+00, v24;
	v21 =	vadd.f32 v21, v35;
	(erf) = vpow2.f32 v25  }
0x27e: {  	v22 =	vmul.f32 $1.442695020e+00, v22;
	v19 =	vadd.f32 v19, v53;
	(erf) = vpow2.f32 v23  }
0x27f: {  	v21 =	vmul.f32 $1.442695020e+00, v21;
	(erf) = vpow2.f32 v24  }
0x280: {  	v19 =	vmul.f32 $1.442695020e+00, v19;
	(erf) = vpow2.f32 v22  }
0x281: {  	(erf) = vpow2.f32 v21  }
0x282: {  	(erf) = vpow2.f32 v19;
	_ =	sdelay $0x1  }
0x283: {  	v19 =	vpop (erf)  }
0x284: {  	v54 =	vpop (erf)  }
0x285: {  	s8 =	sadd.s32 $0x10, s14;
	[tilespmem:s12+$0xC000] =	vst v19;
	v55 =	vpop (erf)  }
0x286: {  	v18 =	vadd.f32 v33, v18;
	v56 =	vpsel !p1, $0x0, v32;
	p6 =	slt.u32 s8, $0x186A0;
	[tilespmem:s12+$0xC080] =	vst v54;
	v57 =	vpop (erf)  }
0x287: {  	v20 =	vadd.f32 v56, v20;
	v19 =	vpsel !p6, $0x0, v19;
	v21 =	vpsel !p6, $0x0, v54;
	[tilespmem:s12+$0xC100] =	vst v55;
	v58 =	vpop (erf)  }
0x288: {  	v13 =	vadd.f32 v19, v13;
	v15 =	vadd.f32 v21, v15;
	v19 =	vpsel !p6, $0x0, v55;
	[tilespmem:s12+$0xC180] =	vst v57;
	v59 =	vpop (erf)  }
0x289: {  	v16 =	vadd.f32 v19, v16;
	v19 =	vpsel !p6, $0x0, v57;
	[tilespmem:s12+$0xC200] =	vst v58;
	v60 =	vpsel !p6, $0x0, v58;
	v61 =	vpop (erf)  }
0x28a: {  	v12 =	vadd.f32 v19, v12;
	v14 =	vadd.f32 v60, v14;
	[tilespmem:s12+$0xC280] =	vst v59;
	v19 =	vpsel !p6, $0x0, v59;
	v62 =	vpop (erf)  }
0x28b: {  	v17 =	vadd.f32 v19, v17;
	[tilespmem:s12+$0xC300] =	vst v61;
	v19 =	vpsel !p6, $0x0, v61;
	v63 =	vpsel !p6, $0x0, v62  }
0x28c: {  	v18 =	vadd.f32 v19, v18;
	[tilespmem:s12+$0xC380] =	vst v62;
	v19 =	vadd.f32 v63, v20  }
.LBB2_18:
0x28d: {  	v4 =	vadd.f32 v13, v4  }
0x28e: {  	v6 =	vadd.f32 v15, v6  }
0x28f: {  	v5 =	vadd.f32 v19, v5;
	[tilespmem:$0xCD00] =	vst v4  }
0x290: {  	v4 =	vadd.f32 v16, v7;
	[tilespmem:$0xCD10] =	vst v6  }
0x291: {  	v6 =	vadd.f32 v12, v10;
	[tilespmem:$0xCD70] =	vst v5  }
0x292: {  	[tilespmem:$0xCD20] =	vst v4;
	v4 =	vadd.f32 v14, v8  }
0x293: {  	s8 =	sshll.u32 s5, $0xB;
	[tilespmem:$0xCD30] =	vst v6;
	v6 =	vadd.f32 v17, v11  }
0x294: {  	s12 =	rddreg [dreg:$0x1];
	s8 =	sand.u32 $0x800, s8;
	[tilespmem:$0xCD40] =	vst v4;
	v4 =	vadd.f32 v18, v9  }
0x295: {  	s18 =	rddreg [dreg:$0x3];
	s8 =	sadd.s32 s8, s12;
	[tilespmem:$0xCD50] =	vst v6  }
0x296: {  	s13 =	simm.s32 $0xCD00;
	s12 =	sadd.s32 s18, s8;
	[tilespmem:$0xCD60] =	vst v4  }
0x297: {  	[spmem:s12] =	stream.linear.scatter [tilespmem:s13], [sflag:$0x5], $0x80, $0x38;
	[tilespmem:$0x13180] =	vst v63  }
0x298: {  	_ =	swait.ge [sflag:s31], $0x80  }
0x299: {  	[sflag:s31] =	ssyncset.done $0x0  }
0x29a: {  	[sflag:s31] =	ssyncadd.s32 $0xFFFFFF80  }
0x29b: {  	s13 =	simm.s32 $0xC500;
	[bflag:$0x0] =	sbarrier.arrive $0xFFFF  }
0x29c: {  	[tilespmem:s13], [sflag:$0x5] =	stream.linear.gather [spmem:s8], $0x800, $0x38;
	[tilespmem:$0x13180] =	vst v63  }
0x29d: {  	_ =	swait.ge [sflag:s31], $0x800  }
0x29e: {  	[sflag:s31] =	ssyncset.done $0x0  }
0x29f: {  	[sflag:s31] =	ssyncadd.s32 $0xFFFFF800  }
0x2a0: {  	v4 =	vld [tilespmem:$0xC500]  }
0x2a1: {  	v5 =	vld [tilespmem:$0xC580]  }
0x2a2: {  	v6 =	vld [tilespmem:$0xC600]  }
0x2a3: {  	v7 =	vld [tilespmem:$0xC680]  }
0x2a4: {  	v8 =	vld [tilespmem:$0xC700]  }
0x2a5: {  	v9 =	vld [tilespmem:$0xC780]  }
0x2a6: {  	v10 =	vld [tilespmem:$0xC800]  }
0x2a7: {  	v11 =	vld [tilespmem:$0xC880]  }
0x2a8: {  	v12 =	vld [tilespmem:$0xC900]  }
0x2a9: {  	v13 =	vld [tilespmem:$0xC980]  }
0x2aa: {  	v14 =	vld [tilespmem:$0xCA00]  }
0x2ab: {  	v15 =	vld [tilespmem:$0xCA80]  }
0x2ac: {  	v58 =	vld [tilespmem:$0xCB00]  }
0x2ad: {  	v59 =	vld [tilespmem:$0xCB80]  }
0x2ae: {  	v60 =	vld [tilespmem:$0xCC00]  }
0x2af: {  	v61 =	vld [tilespmem:$0xCC80]  }
0x2b0: {  	v20 =	vld [tilespmem:$0xC510]  }
0x2b1: {  	v21 =	vld [tilespmem:$0xC590]  }
0x2b2: {  	v22 =	vld [tilespmem:$0xC610]  }
0x2b3: {  	v23 =	vld [tilespmem:$0xC690]  }
0x2b4: {  	v24 =	vld [tilespmem:$0xC710]  }
0x2b5: {  	v25 =	vld [tilespmem:$0xC790]  }
0x2b6: {  	v26 =	vld [tilespmem:$0xC810]  }
0x2b7: {  	v27 =	vld [tilespmem:$0xC890]  }
0x2b8: {  	v28 =	vld [tilespmem:$0xC910]  }
0x2b9: {  	v29 =	vld [tilespmem:$0xC990]  }
0x2ba: {  	v30 =	vld [tilespmem:$0xCA10]  }
0x2bb: {  	v31 =	vld [tilespmem:$0xCA90]  }
0x2bc: {  	v32 =	vld [tilespmem:$0xCB10]  }
0x2bd: {  	v33 =	vld [tilespmem:$0xCB90]  }
0x2be: {  	v34 =	vld [tilespmem:$0xCC10]  }
0x2bf: {  	v35 =	vld [tilespmem:$0xCC90]  }
0x2c0: {  	v36 =	vld [tilespmem:$0xC520]  }
0x2c1: {  	v37 =	vld [tilespmem:$0xC5A0]  }
0x2c2: {  	v38 =	vld [tilespmem:$0xC620]  }
0x2c3: {  	v39 =	vld [tilespmem:$0xC6A0]  }
0x2c4: {  	v40 =	vld [tilespmem:$0xC720]  }
0x2c5: {  	v41 =	vld [tilespmem:$0xC7A0]  }
0x2c6: {  	v42 =	vld [tilespmem:$0xC820]  }
0x2c7: {  	v43 =	vld [tilespmem:$0xC8A0]  }
0x2c8: {  	v44 =	vld [tilespmem:$0xC920]  }
0x2c9: {  	v45 =	vld [tilespmem:$0xC9A0]  }
0x2ca: {  	v46 =	vld [tilespmem:$0xCA20]  }
0x2cb: {  	v47 =	vld [tilespmem:$0xCAA0]  }
0x2cc: {  	v48 =	vld [tilespmem:$0xCB20]  }
0x2cd: {  	v49 =	vld [tilespmem:$0xCBA0]  }
0x2ce: {  	v50 =	vld [tilespmem:$0xCC20]  }
0x2cf: {  	v51 =	vld [tilespmem:$0xCCA0]  }
0x2d0: {  	v52 =	vld [tilespmem:$0xC530]  }
0x2d1: {  	v53 =	vld [tilespmem:$0xC5B0]  }
0x2d2: {  	v54 =	vld [tilespmem:$0xC630]  }
0x2d3: {  	v55 =	vld [tilespmem:$0xC6B0]  }
0x2d4: {  	v62 =	vld [tilespmem:$0xC7B0]  }
0x2d5: {  	v63 =	vld [tilespmem:$0xC8B0]  }
0x2d6: {  	v16 =	vld [tilespmem:$0xC940]  }
0x2d7: {  	v17 =	vld [tilespmem:$0xCA40]  }
0x2d8: {  	v18 =	vld [tilespmem:$0xCB40]  }
0x2d9: {  	v57 =	vld [tilespmem:$0xC850];
	v4 =	vadd.f32 v5, v4  }
0x2da: {  	v5 =	vadd.f32 v21, v20;
	v20 =	vld [tilespmem:$0xC8D0]  }
0x2db: {  	v21 =	vld [tilespmem:$0xCAD0];
	v4 =	vadd.f32 v6, v4  }
0x2dc: {  	v6 =	vld [tilespmem:$0xC730];
	v5 =	vadd.f32 v22, v5  }
0x2dd: {  	v22 =	vld [tilespmem:$0xC9B0];
	v4 =	vadd.f32 v7, v4  }
0x2de: {  	v7 =	vld [tilespmem:$0xC830];
	v5 =	vadd.f32 v23, v5  }
0x2df: {  	v23 =	vld [tilespmem:$0xCAB0];
	v4 =	vadd.f32 v8, v4  }
0x2e0: {  	v8 =	vld [tilespmem:$0xC930];
	v5 =	vadd.f32 v24, v5  }
0x2e1: {  	v24 =	vld [tilespmem:$0xCBB0];
	v4 =	vadd.f32 v9, v4  }
0x2e2: {  	v9 =	vld [tilespmem:$0xCA30];
	v5 =	vadd.f32 v25, v5  }
0x2e3: {  	v25 =	vld [tilespmem:$0xCCB0];
	v4 =	vadd.f32 v10, v4  }
0x2e4: {  	v10 =	vld [tilespmem:$0xCB30];
	v5 =	vadd.f32 v26, v5  }
0x2e5: {  	v26 =	vld [tilespmem:$0xC5C0];
	v4 =	vadd.f32 v11, v4  }
0x2e6: {  	v37 =	vadd.f32 v37, v36;
	v11 =	vld [tilespmem:$0xCC30];
	v5 =	vadd.f32 v27, v5  }
0x2e7: {  	v27 =	vld [tilespmem:$0xC6C0];
	v4 =	vadd.f32 v12, v4  }
0x2e8: {  	v12 =	vld [tilespmem:$0xC540];
	v5 =	vadd.f32 v28, v5;
	v28 =	vadd.f32 v38, v37  }
0x2e9: {  	v38 =	vld [tilespmem:$0xC5D0]  }
0x2ea: {  	v4 =	vadd.f32 v13, v4;
	v13 =	vld [tilespmem:$0xC640];
	v28 =	vadd.f32 v39, v28  }
0x2eb: {  	v5 =	vadd.f32 v29, v5;
	v29 =	vld [tilespmem:$0xC7C0]  }
0x2ec: {  	v4 =	vadd.f32 v14, v4;
	v14 =	vld [tilespmem:$0xC740];
	v28 =	vadd.f32 v40, v28  }
0x2ed: {  	v5 =	vadd.f32 v30, v5;
	v30 =	vld [tilespmem:$0xC8C0];
	v12 =	vadd.f32 v26, v12  }
0x2ee: {  	v40 =	vld [tilespmem:$0xC6D0];
	v4 =	vadd.f32 v15, v4;
	v28 =	vadd.f32 v41, v28  }
0x2ef: {  	v15 =	vld [tilespmem:$0xC840];
	v5 =	vadd.f32 v31, v5;
	v41 =	vadd.f32 v53, v52  }
0x2f0: {  	v31 =	vld [tilespmem:$0xC9C0];
	v12 =	vadd.f32 v13, v12;
	v28 =	vadd.f32 v42, v28  }
0x2f1: {  	v53 =	vld [tilespmem:$0xC650];
	v4 =	vadd.f32 v58, v4;
	v36 =	vadd.f32 v54, v41  }
0x2f2: {  	v5 =	vadd.f32 v32, v5;
	v32 =	vld [tilespmem:$0xCAC0];
	v28 =	vadd.f32 v43, v28  }
0x2f3: {  	v41 =	vld [tilespmem:$0xC950];
	v12 =	vadd.f32 v27, v12;
	v36 =	vadd.f32 v55, v36  }
0x2f4: {  	v5 =	vadd.f32 v33, v5;
	v33 =	vld [tilespmem:$0xCBC0];
	v28 =	vadd.f32 v44, v28  }
0x2f5: {  	v4 =	vadd.f32 v59, v4;
	v55 =	vld [tilespmem:$0xC750];
	v6 =	vadd.f32 v6, v36  }
0x2f6: {  	v12 =	vadd.f32 v14, v12;
	v14 =	vld [tilespmem:$0xC860];
	v28 =	vadd.f32 v45, v28  }
0x2f7: {  	v34 =	vadd.f32 v34, v5;
	v5 =	vld [tilespmem:$0xCC40];
	v6 =	vadd.f32 v62, v6  }
0x2f8: {  	v4 =	vadd.f32 v60, v4;
	v36 =	vld [tilespmem:$0xC7D0];
	v28 =	vadd.f32 v46, v28  }
0x2f9: {  	v60 =	vld [tilespmem:$0xCA50];
	v12 =	vadd.f32 v29, v12;
	v6 =	vadd.f32 v7, v6  }
0x2fa: {  	v34 =	vadd.f32 v35, v34;
	v35 =	vld [tilespmem:$0xC550];
	v28 =	vadd.f32 v47, v28  }
0x2fb: {  	v19 =	vadd.f32 v61, v4;
	v4 =	vld [tilespmem:$0xCCC0];
	v6 =	vadd.f32 v63, v6  }
0x2fc: {  	v62 =	vld [tilespmem:$0xCB50];
	v12 =	vadd.f32 v15, v12;
	v28 =	vadd.f32 v48, v28  }
0x2fd: {  	v42 =	vperm.xlane v19, v0;
	v6 =	vadd.f32 v8, v6;
	v8 =	vld [tilespmem:$0xC560]  }
0x2fe: {  	v12 =	vadd.f32 v30, v12;
	v48 =	vld [tilespmem:$0xC5E0];
	v28 =	vadd.f32 v49, v28  }
0x2ff: {  	v15 =	vld [tilespmem:$0xC670];
	v52 =	vperm.xlane v34, v0;
	v19 =	vadd.f32 v42, v19;
	v13 =	vadd.f32 v38, v35  }
0x300: {  	v6 =	vadd.f32 v22, v6;
	v28 =	vadd.f32 v50, v28;
	v50 =	vld [tilespmem:$0xC660]  }
0x301: {  	v7 =	vld [tilespmem:$0xC9D0];
	v34 =	vadd.f32 v52, v34;
	v13 =	vadd.f32 v53, v13  }
0x302: {  	v6 =	vadd.f32 v9, v6;
	v28 =	vadd.f32 v51, v28;
	v51 =	vld [tilespmem:$0xC6E0]  }
0x303: {  	v52 =	vld [tilespmem:$0xCCD0];
	v12 =	vadd.f32 v16, v12;
	v8 =	vadd.f32 v48, v8  }
0x304: {  	v53 =	vld [tilespmem:$0xC760];
	v13 =	vadd.f32 v40, v13;
	v6 =	vadd.f32 v23, v6  }
0x305: {  	v54 =	vperm.xlane v19, v1;
	v12 =	vadd.f32 v31, v12;
	v49 =	vld [tilespmem:$0xCBD0];
	v8 =	vadd.f32 v50, v8  }
0x306: {  	v13 =	vadd.f32 v55, v13;
	v6 =	vadd.f32 v10, v6;
	v10 =	vld [tilespmem:$0xC7E0]  }
0x307: {  	v56 =	vperm.xlane v34, v1;
	v19 =	vadd.f32 v54, v19;
	v54 =	vld [tilespmem:$0xC570];
	v8 =	vadd.f32 v51, v8  }
0x308: {  	v55 =	vld [tilespmem:$0xC5F0];
	v13 =	vadd.f32 v36, v13;
	v6 =	vadd.f32 v24, v6  }
0x309: {  	v34 =	vadd.f32 v56, v34;
	v56 =	vld [tilespmem:$0xC6F0];
	v8 =	vadd.f32 v53, v8  }
0x30a: {  	v58 =	vperm.xlane v19, v2;
	v13 =	vadd.f32 v57, v13;
	v6 =	vadd.f32 v11, v6;
	v11 =	vld [tilespmem:$0xC8E0]  }
0x30b: {  	v12 =	vadd.f32 v17, v12;
	v9 =	vld [tilespmem:$0xCC50];
	v8 =	vadd.f32 v10, v8  }
0x30c: {  	v19 =	vadd.f32 v58, v19;
	v13 =	vadd.f32 v20, v13;
	v10 =	vld [tilespmem:$0xC960]  }
0x30d: {  	v58 =	vld [tilespmem:$0xC770];
	v8 =	vadd.f32 v14, v8;
	v14 =	vadd.f32 v55, v54  }
0x30e: {  	v12 =	vadd.f32 v32, v12;
	v57 =	vld [tilespmem:$0xC9E0];
	v13 =	vadd.f32 v41, v13  }
0x30f: {  	v8 =	vadd.f32 v11, v8;
	v11 =	vadd.f32 v15, v14;
	v14 =	vld [tilespmem:$0xCA60]  }
0x310: {  	v59 =	vperm.xlane v34, v2;
	v12 =	vadd.f32 v18, v12;
	v7 =	vadd.f32 v7, v13;
	v15 =	vld [tilespmem:$0xC7F0]  }
0x311: {  	v13 =	vld [tilespmem:$0xC870];
	v8 =	vadd.f32 v10, v8;
	v10 =	vadd.f32 v56, v11  }
0x312: {  	v34 =	vadd.f32 v59, v34;
	v61 =	vperm.xlane v19, v3;
	v12 =	vadd.f32 v33, v12;
	v11 =	vld [tilespmem:$0xCAE0]  }
0x313: {  	v59 =	vld [tilespmem:$0xCB60];
	v8 =	vadd.f32 v57, v8;
	v10 =	vadd.f32 v58, v10  }
0x314: {  	v63 =	vperm.xlane v34, v3;
	v19 =	vadd.f32 v61, v19;
	v7 =	vadd.f32 v60, v7;
	v60 =	vld [tilespmem:$0xC8F0]  }
0x315: {  	v8 =	vadd.f32 v14, v8;
	v10 =	vadd.f32 v15, v10;
	v14 =	vld [tilespmem:$0xCBE0]  }
0x316: {  	v34 =	vadd.f32 v63, v34;
	v7 =	vadd.f32 v21, v7;
	v15 =	vld [tilespmem:$0xC970]  }
0x317: {  	v8 =	vadd.f32 v11, v8;
	v10 =	vadd.f32 v13, v10;
	v11 =	vld [tilespmem:$0xCC60]  }
0x318: {  	v5 =	vadd.f32 v5, v12;
	v7 =	vadd.f32 v62, v7;
	v13 =	vld [tilespmem:$0xC9F0]  }
0x319: {  	v61 =	vld [tilespmem:$0xCCE0];
	v8 =	vadd.f32 v59, v8;
	v10 =	vadd.f32 v60, v10  }
0x31a: {  	v12 =	vld [tilespmem:$0xCA70];
	v4 =	vadd.f32 v4, v5;
	v7 =	vadd.f32 v49, v7  }
0x31b: {  	(erf) = vrcp.f32 v19;
	v8 =	vadd.f32 v14, v8;
	v10 =	vadd.f32 v15, v10  }
0x31c: {  	v6 =	vadd.f32 v25, v6;
	v5 =	vadd.f32 v9, v7;
	v7 =	vld [tilespmem:$0xCAF0];
	v14 =	vperm.xlane v28, v0  }
0x31d: {  	(erf) = vrcp.f32 v34;
	v8 =	vadd.f32 v11, v8;
	v9 =	vadd.f32 v13, v10  }
0x31e: {  	v5 =	vadd.f32 v52, v5;
	v10 =	vadd.f32 v14, v28;
	v11 =	vperm.xlane v6, v0;
	v13 =	vld [tilespmem:$0xCB70]  }
0x31f: {  	v14 =	vperm.xlane v4, v0;
	v8 =	vadd.f32 v61, v8;
	v9 =	vadd.f32 v12, v9  }
0x320: {  	v15 =	vld [tilespmem:$0xCBF0];
	v12 =	vperm.xlane v10, v1;
	v6 =	vadd.f32 v11, v6;
	v11 =	vperm.xlane v5, v0  }
0x321: {  	v4 =	vadd.f32 v14, v4;
	v14 =	vperm.xlane v8, v0;
	v7 =	vadd.f32 v7, v9  }
0x322: {  	v9 =	vadd.f32 v12, v10;
	v10 =	vperm.xlane v6, v1;
	v5 =	vadd.f32 v11, v5;
	v11 =	vld [tilespmem:$0xCC70]  }
0x323: {  	v12 =	vperm.xlane v4, v1;
	v8 =	vadd.f32 v14, v8;
	v7 =	vadd.f32 v13, v7  }
0x324: {  	v13 =	vperm.xlane v9, v2;
	v6 =	vadd.f32 v10, v6;
	v10 =	vperm.xlane v5, v1;
	v14 =	vld [tilespmem:$0xCCF0]  }
0x325: {  	v4 =	vadd.f32 v12, v4;
	v12 =	vperm.xlane v8, v1;
	v7 =	vadd.f32 v15, v7  }
0x326: {  	v9 =	vadd.f32 v13, v9;
	v13 =	vperm.xlane v6, v2;
	v5 =	vadd.f32 v10, v5  }
0x327: {  	v10 =	vperm.xlane v4, v2;
	v8 =	vadd.f32 v12, v8;
	v7 =	vadd.f32 v11, v7  }
0x328: {  	v11 =	vperm.xlane v9, v3;
	v6 =	vadd.f32 v13, v6;
	v12 =	vperm.xlane v5, v2  }
0x329: {  	v4 =	vadd.f32 v10, v4;
	v10 =	vperm.xlane v8, v2;
	v7 =	vadd.f32 v14, v7  }
0x32a: {  	v9 =	vadd.f32 v11, v9;
	v11 =	vperm.xlane v6, v3;
	v5 =	vadd.f32 v12, v5  }
0x32b: {  	v12 =	vperm.xlane v4, v3;
	v8 =	vadd.f32 v10, v8;
	v10 =	vperm.xlane v7, v0  }
0x32c: {  	(erf) = vrcp.f32 v9;
	v6 =	vadd.f32 v11, v6;
	v9 =	vperm.xlane v5, v3  }
0x32d: {  	v4 =	vadd.f32 v12, v4;
	v11 =	vperm.xlane v8, v3;
	v7 =	vadd.f32 v10, v7  }
0x32e: {  	(erf) = vrcp.f32 v6;
	v5 =	vadd.f32 v9, v5  }
0x32f: {  	(erf) = vrcp.f32 v4;
	v4 =	vadd.f32 v11, v8;
	v6 =	vperm.xlane v7, v1  }
0x330: {  	(erf) = vrcp.f32 v5  }
0x331: {  	(erf) = vrcp.f32 v4;
	v4 =	vadd.f32 v6, v7  }
0x332: {  	s8 =	simm.s32 $0x0  }
0x333: {  	s14 =	sand.u32 $0x70, s8;
	s15 =	sand.u32 $0x1C00, s8;
	v7 =	vperm.xlane v4, v2  }
0x334: {  	s12 =	sor.u32 s14, s15  }
0x335: {  	v63 =	vld [tilespmem:s12+$0x0];
	v5 =	vpop (erf);
	v10 =	vadd.f32 v7, v4  }
0x336: {  	v13 =	vld [tilespmem:s12+$0x100];
	v6 =	vpop (erf)  }
0x337: {  	v11 =	vld [tilespmem:s12+$0x300];
	v7 =	vpop (erf);
	v12 =	vperm.xlane v10, v3  }
0x338: {  	v14 =	vld [tilespmem:s12+$0x180];
	v4 =	vpop (erf)  }
0x339: {  	v15 =	vld [tilespmem:s12+$0x280];
	v8 =	vpop (erf);
	v12 =	vadd.f32 v12, v10  }
0x33a: {  	v62 =	vld [tilespmem:s12+$0x80];
	v9 =	vpop (erf)  }
0x33b: {  	v13 =	vmul.f32 v13, v7;
	v10 =	vpop (erf);
	(erf) = vrcp.f32 v12;
	v12 =	vld [tilespmem:s12+$0x200]  }
0x33c: {  	v11 =	vmul.f32 v11, v10  }
0x33d: {  	v14 =	vmul.f32 v14, v4;
	[tilespmem:s12+$0x100] =	vst v13  }
0x33e: {  	[tilespmem:s12+$0x300] =	vst v11;
	v11 =	vmul.f32 v15, v9  }
0x33f: {  	v13 =	vmul.f32 v62, v6;
	[tilespmem:s12+$0x180] =	vst v14  }
0x340: {  	v12 =	vmul.f32 v12, v8;
	[tilespmem:s12+$0x280] =	vst v11;
	v11 =	vmul.f32 v63, v5  }
0x341: {  	[tilespmem:s12+$0x80] =	vst v13  }
0x342: {  	s18 =	sor.u32 s8, s8;
	[tilespmem:s12+$0x200] =	vst v12  }
0x343: {  	s13 =	sor.u32 $0x380, s18;
	[tilespmem:s12+$0x0] =	vst v11  }
0x344: {  	s12 =	simm.s32 $0x10;
	v12 =	vld [tilespmem:s13+$0x0];
	v11 =	vpop (erf)  }
.LBB2_19:
0x345: {  	p1 =	sne.s32 s12, $0x3F0  }
0x346: {  	s8 =	sadd.s32 $0x80, s8;
	s14 =	smov.u32 s12;
	s12 =	sadd.s32 $0x10, s12  }
0x347: {  	_ =	sdelay $0x2  }
0x348: {  	v12 =	vmul.f32 v12, v11;
	_ =	sdelay $0x1  }
0x349: {  	s15 =	sand.u32 $0x70, s14;
	s18 =	sand.u32 $0x1C00, s8;
	[tilespmem:s13+$0x0] =	vst v12  }
0x34a: {  	s13 =	sor.u32 s15, s18  }
0x34b: {  	v12 =	vld [tilespmem:s13+$0x300]  }
0x34c: {  	v13 =	vld [tilespmem:s13+$0x100]  }
0x34d: {  	v14 =	vld [tilespmem:s13+$0x180]  }
0x34e: {  	v15 =	vld [tilespmem:s13+$0x280]  }
0x34f: {  	v16 =	vld [tilespmem:s13+$0x80]  }
0x350: {  	v17 =	vld [tilespmem:s13+$0x200];
	v12 =	vmul.f32 v12, v10  }
0x351: {  	v18 =	vld [tilespmem:s13+$0x0];
	v13 =	vmul.f32 v13, v7  }
0x352: {  	v14 =	vmul.f32 v14, v4;
	[tilespmem:s13+$0x300] =	vst v12  }
0x353: {  	[tilespmem:s13+$0x100] =	vst v13;
	v12 =	vmul.f32 v15, v9  }
0x354: {  	v13 =	vmul.f32 v16, v6;
	[tilespmem:s13+$0x180] =	vst v14  }
.Ltmp12:
0x355: {  	v14 =	vmul.f32 v17, v8;
	[tilespmem:s13+$0x280] =	vst v12;
	(pc) =	sbr.rel @p1 .LBB2_19-.Ltmp12, $4  }
0x356: {  	v12 =	vmul.f32 v18, v5;
	[tilespmem:s13+$0x80] =	vst v13  }
0x357: {  	s14 =	sor.u32 s8, s14;
	[tilespmem:s13+$0x200] =	vst v14  }
0x358: {  	[tilespmem:s13+$0x0] =	vst v12;
	s13 =	sor.u32 $0x380, s14  }
0x359: {  	v12 =	vld [tilespmem:s13+$0x0]  }
0x35a: {  	_ =	sdelay $0x3  }
0x35b: {  	v12 =	vmul.f32 v12, v11;
	_ =	sdelay $0x1  }
0x35c: {  	s7 =	sadd.s32 s6, s7;
	s8 =	simm.s32 $0x0;
	[tilespmem:s13+$0x0] =	vst v12  }
0x35d: {  	[hbm4b:s7+s8] =	stream.linear.scatter [tilespmem:s8], [sflag:$0x3], $0x2000, $0x38;
	[tilespmem:$0x13180] =	vst v63  }
0x35e: {  	s15 =	sand.u32 $0x70, s8;
	s8 =	sand.u32 $0x1C00, s8  }
0x35f: {  	s8 =	sor.u32 s15, s8  }
0x360: {  	v12 =	vld [tilespmem:s8+$0x2000];
	_ =	sdelay $0x1  }
0x361: {  	v13 =	vld [tilespmem:s8+$0x2080]  }
0x362: {  	v14 =	vld [tilespmem:s8+$0x2100]  }
0x363: {  	v15 =	vld [tilespmem:s8+$0x2180]  }
0x364: {  	v16 =	vld [tilespmem:s8+$0x2200];
	v12 =	vmul.f32 v12, v5  }
0x365: {  	s18 =	simm.s32 $0x80;
	s12 =	simm.s32 $0x10;
	v17 =	vld [tilespmem:s8+$0x2280]  }
0x366: {  	s12 =	sand.u32 $0x70, s12;
	s7 =	sand.u32 $0x1C00, s18;
	v18 =	vld [tilespmem:s8+$0x2300];
	[tilespmem:s8+$0x2000] =	vst v12;
	v12 =	vmul.f32 v13, v6  }
0x367: {  	s7 =	sor.u32 s12, s7;
	v19 =	vld [tilespmem:s8+$0x2380];
	v13 =	vmul.f32 v14, v7  }
0x368: {  	v20 =	vld [tilespmem:s7+$0x2000];
	[tilespmem:s8+$0x2080] =	vst v12;
	v12 =	vmul.f32 v15, v4  }
0x369: {  	v14 =	vld [tilespmem:s7+$0x2080];
	[tilespmem:s8+$0x2100] =	vst v13;
	v13 =	vmul.f32 v16, v8  }
0x36a: {  	v16 =	vmul.f32 v17, v9;
	v15 =	vld [tilespmem:s7+$0x2100];
	[tilespmem:s8+$0x2180] =	vst v12  }
0x36b: {  	v21 =	vmul.f32 v18, v10;
	v12 =	vld [tilespmem:s7+$0x2180];
	[tilespmem:s8+$0x2200] =	vst v13  }
0x36c: {  	v18 =	vmul.f32 v19, v11;
	v13 =	vld [tilespmem:s7+$0x2200];
	[tilespmem:s8+$0x2280] =	vst v16  }
0x36d: {  	s13 =	simm.s32 $0x20;
	s12 =	simm.s32 $0x100;
	v17 =	vmul.f32 v20, v5;
	v16 =	vld [tilespmem:s7+$0x2280];
	[tilespmem:s8+$0x2300] =	vst v21  }
.LBB2_21:
0x36e: {  	s14 =	sand.u32 $0x70, s13;
	s15 =	sand.u32 $0x1C00, s12;
	p1 =	sne.s32 s13, $0x3F0;
	v14 =	vmul.f32 v14, v6;
	v19 =	vld [tilespmem:s7+$0x2300];
	[tilespmem:s8+$0x2380] =	vst v18  }
0x36f: {  	s8 =	smov.u32 s7;
	[tilespmem:s7+$0x2000] =	vst v17;
	v15 =	vmul.f32 v15, v7;
	v17 =	vld [tilespmem:s7+$0x2380];
	s7 =	sor.u32 s14, s15  }
0x370: {  	v20 =	vld [tilespmem:s7+$0x2000];
	[tilespmem:s8+$0x2080] =	vst v14;
	v12 =	vmul.f32 v12, v4  }
.Ltmp13:
0x371: {  	v14 =	vld [tilespmem:s7+$0x2080];
	[tilespmem:s8+$0x2100] =	vst v15;
	v13 =	vmul.f32 v13, v8;
	(pc) =	sbr.rel @p1 .LBB2_21-.Ltmp13, $4  }
0x372: {  	v15 =	vld [tilespmem:s7+$0x2100];
	[tilespmem:s8+$0x2180] =	vst v12;
	v16 =	vmul.f32 v16, v9  }
0x373: {  	v12 =	vld [tilespmem:s7+$0x2180];
	[tilespmem:s8+$0x2200] =	vst v13;
	v19 =	vmul.f32 v19, v10  }
0x374: {  	v13 =	vld [tilespmem:s7+$0x2200];
	[tilespmem:s8+$0x2280] =	vst v16;
	v18 =	vmul.f32 v17, v11  }
0x375: {  	s12 =	sadd.s32 $0x80, s12;
	s13 =	sadd.s32 $0x10, s13;
	v17 =	vmul.f32 v20, v5;
	v16 =	vld [tilespmem:s7+$0x2280];
	[tilespmem:s8+$0x2300] =	vst v19  }
0x376: {  	v19 =	vld [tilespmem:s7+$0x2300];
	[tilespmem:s8+$0x2380] =	vst v18;
	v14 =	vmul.f32 v14, v6  }
0x377: {  	[tilespmem:s7+$0x2000] =	vst v17;
	v15 =	vmul.f32 v15, v7;
	v17 =	vld [tilespmem:s7+$0x2380]  }
0x378: {  	[tilespmem:s7+$0x2080] =	vst v14;
	v12 =	vmul.f32 v12, v4  }
0x379: {  	[tilespmem:s7+$0x2100] =	vst v15;
	v13 =	vmul.f32 v13, v8  }
0x37a: {  	[tilespmem:s7+$0x2180] =	vst v12;
	v12 =	vmul.f32 v16, v9  }
0x37b: {  	[tilespmem:s7+$0x2200] =	vst v13;
	v13 =	vmul.f32 v19, v10  }
0x37c: {  	s14 =	simm.s32 $0x0;
	[tilespmem:s7+$0x2280] =	vst v12;
	v12 =	vmul.f32 v17, v11  }
0x37d: {  	s15 =	sand.u32 $0x70, s14;
	s8 =	sand.u32 $0x1C00, s14;
	[tilespmem:s7+$0x2300] =	vst v13  }
0x37e: {  	s13 =	sadd.s32 s6, s30;
	s18 =	simm.s32 $0x2000;
	s8 =	sor.u32 s15, s8;
	[tilespmem:s7+$0x2380] =	vst v12  }
0x37f: {  	[hbm4b:s13+s14] =	stream.linear.scatter [tilespmem:s18], [sflag:$0x3], $0x2000, $0x38;
	[tilespmem:$0x13180] =	vst v63  }
0x380: {  	v12 =	vld [tilespmem:s8+$0x4000];
	_ =	sdelay $0x1  }
0x381: {  	v13 =	vld [tilespmem:s8+$0x4080]  }
0x382: {  	v14 =	vld [tilespmem:s8+$0x4100]  }
0x383: {  	v15 =	vld [tilespmem:s8+$0x4180]  }
0x384: {  	v16 =	vld [tilespmem:s8+$0x4200];
	v12 =	vmul.f32 v12, v5  }
0x385: {  	s30 =	simm.s32 $0x80;
	s12 =	simm.s32 $0x10;
	v17 =	vld [tilespmem:s8+$0x4280]  }
0x386: {  	s12 =	sand.u32 $0x70, s12;
	s7 =	sand.u32 $0x1C00, s30;
	v18 =	vld [tilespmem:s8+$0x4300];
	[tilespmem:s8+$0x4000] =	vst v12;
	v12 =	vmul.f32 v13, v6  }
0x387: {  	s7 =	sor.u32 s12, s7;
	v19 =	vld [tilespmem:s8+$0x4380];
	v13 =	vmul.f32 v14, v7  }
0x388: {  	v20 =	vld [tilespmem:s7+$0x4000];
	[tilespmem:s8+$0x4080] =	vst v12;
	v12 =	vmul.f32 v15, v4  }
0x389: {  	v14 =	vld [tilespmem:s7+$0x4080];
	[tilespmem:s8+$0x4100] =	vst v13;
	v13 =	vmul.f32 v16, v8  }
0x38a: {  	v16 =	vmul.f32 v17, v9;
	v15 =	vld [tilespmem:s7+$0x4100];
	[tilespmem:s8+$0x4180] =	vst v12  }
0x38b: {  	v21 =	vmul.f32 v18, v10;
	v12 =	vld [tilespmem:s7+$0x4180];
	[tilespmem:s8+$0x4200] =	vst v13  }
0x38c: {  	v18 =	vmul.f32 v19, v11;
	v13 =	vld [tilespmem:s7+$0x4200];
	[tilespmem:s8+$0x4280] =	vst v16  }
0x38d: {  	s12 =	simm.s32 $0x100;
	s13 =	simm.s32 $0x20;
	v17 =	vmul.f32 v20, v5;
	v16 =	vld [tilespmem:s7+$0x4280];
	[tilespmem:s8+$0x4300] =	vst v21  }
.LBB2_23:
0x38e: {  	s14 =	sand.u32 $0x70, s13;
	s15 =	sand.u32 $0x1C00, s12;
	p1 =	sne.s32 s13, $0x3F0;
	v14 =	vmul.f32 v14, v6;
	v19 =	vld [tilespmem:s7+$0x4300];
	[tilespmem:s8+$0x4380] =	vst v18  }
0x38f: {  	s8 =	smov.u32 s7;
	[tilespmem:s7+$0x4000] =	vst v17;
	v15 =	vmul.f32 v15, v7;
	v17 =	vld [tilespmem:s7+$0x4380];
	s7 =	sor.u32 s14, s15  }
0x390: {  	v20 =	vld [tilespmem:s7+$0x4000];
	[tilespmem:s8+$0x4080] =	vst v14;
	v12 =	vmul.f32 v12, v4  }
.Ltmp14:
0x391: {  	v14 =	vld [tilespmem:s7+$0x4080];
	[tilespmem:s8+$0x4100] =	vst v15;
	v13 =	vmul.f32 v13, v8;
	(pc) =	sbr.rel @p1 .LBB2_23-.Ltmp14, $4  }
0x392: {  	v15 =	vld [tilespmem:s7+$0x4100];
	[tilespmem:s8+$0x4180] =	vst v12;
	v16 =	vmul.f32 v16, v9  }
0x393: {  	v12 =	vld [tilespmem:s7+$0x4180];
	[tilespmem:s8+$0x4200] =	vst v13;
	v19 =	vmul.f32 v19, v10  }
0x394: {  	v13 =	vld [tilespmem:s7+$0x4200];
	[tilespmem:s8+$0x4280] =	vst v16;
	v18 =	vmul.f32 v17, v11  }
0x395: {  	s12 =	sadd.s32 $0x80, s12;
	s13 =	sadd.s32 $0x10, s13;
	v17 =	vmul.f32 v20, v5;
	v16 =	vld [tilespmem:s7+$0x4280];
	[tilespmem:s8+$0x4300] =	vst v19  }
0x396: {  	v19 =	vld [tilespmem:s7+$0x4300];
	[tilespmem:s8+$0x4380] =	vst v18;
	v14 =	vmul.f32 v14, v6  }
0x397: {  	[tilespmem:s7+$0x4000] =	vst v17;
	v15 =	vmul.f32 v15, v7;
	v17 =	vld [tilespmem:s7+$0x4380]  }
0x398: {  	[tilespmem:s7+$0x4080] =	vst v14;
	v12 =	vmul.f32 v12, v4  }
0x399: {  	[tilespmem:s7+$0x4100] =	vst v15;
	v13 =	vmul.f32 v13, v8  }
0x39a: {  	[tilespmem:s7+$0x4180] =	vst v12;
	v12 =	vmul.f32 v16, v9  }
0x39b: {  	[tilespmem:s7+$0x4200] =	vst v13;
	v13 =	vmul.f32 v19, v10  }
0x39c: {  	s15 =	simm.s32 $0x0;
	[tilespmem:s7+$0x4280] =	vst v12;
	v12 =	vmul.f32 v17, v11  }
0x39d: {  	s14 =	sadd.s32 s6, s16;
	s16 =	sand.u32 $0x70, s15;
	s8 =	sand.u32 $0x1C00, s15;
	[tilespmem:s7+$0x4300] =	vst v13  }
0x39e: {  	s8 =	sor.u32 s16, s8;
	[tilespmem:s7+$0x4380] =	vst v12  }
0x39f: {  	[hbm4b:s14+s15] =	stream.linear.scatter [tilespmem:s20], [sflag:$0x3], $0x2000, $0x38;
	[tilespmem:$0x13180] =	vst v63  }
0x3a0: {  	v12 =	vld [tilespmem:s8+$0x6000];
	_ =	sdelay $0x1  }
0x3a1: {  	v13 =	vld [tilespmem:s8+$0x6080]  }
0x3a2: {  	v14 =	vld [tilespmem:s8+$0x6100]  }
0x3a3: {  	v15 =	vld [tilespmem:s8+$0x6180]  }
0x3a4: {  	v16 =	vld [tilespmem:s8+$0x6200];
	v12 =	vmul.f32 v12, v5  }
0x3a5: {  	s30 =	simm.s32 $0x80;
	s12 =	simm.s32 $0x10;
	v17 =	vld [tilespmem:s8+$0x6280]  }
0x3a6: {  	s12 =	sand.u32 $0x70, s12;
	s7 =	sand.u32 $0x1C00, s30;
	v18 =	vld [tilespmem:s8+$0x6300];
	[tilespmem:s8+$0x6000] =	vst v12;
	v12 =	vmul.f32 v13, v6  }
0x3a7: {  	s7 =	sor.u32 s12, s7;
	v19 =	vld [tilespmem:s8+$0x6380];
	v13 =	vmul.f32 v14, v7  }
0x3a8: {  	v20 =	vld [tilespmem:s7+$0x6000];
	[tilespmem:s8+$0x6080] =	vst v12;
	v12 =	vmul.f32 v15, v4  }
0x3a9: {  	v14 =	vld [tilespmem:s7+$0x6080];
	[tilespmem:s8+$0x6100] =	vst v13;
	v13 =	vmul.f32 v16, v8  }
0x3aa: {  	v16 =	vmul.f32 v17, v9;
	v15 =	vld [tilespmem:s7+$0x6100];
	[tilespmem:s8+$0x6180] =	vst v12  }
0x3ab: {  	v21 =	vmul.f32 v18, v10;
	v12 =	vld [tilespmem:s7+$0x6180];
	[tilespmem:s8+$0x6200] =	vst v13  }
0x3ac: {  	v18 =	vmul.f32 v19, v11;
	v13 =	vld [tilespmem:s7+$0x6200];
	[tilespmem:s8+$0x6280] =	vst v16  }
0x3ad: {  	s13 =	simm.s32 $0x20;
	s12 =	simm.s32 $0x100;
	v17 =	vmul.f32 v20, v5;
	v16 =	vld [tilespmem:s7+$0x6280];
	[tilespmem:s8+$0x6300] =	vst v21  }
.LBB2_25:
0x3ae: {  	s14 =	sand.u32 $0x70, s13;
	s15 =	sand.u32 $0x1C00, s12;
	p1 =	sne.s32 s13, $0x3F0;
	v14 =	vmul.f32 v14, v6;
	v19 =	vld [tilespmem:s7+$0x6300];
	[tilespmem:s8+$0x6380] =	vst v18  }
0x3af: {  	s8 =	smov.u32 s7;
	[tilespmem:s7+$0x6000] =	vst v17;
	v15 =	vmul.f32 v15, v7;
	v17 =	vld [tilespmem:s7+$0x6380];
	s7 =	sor.u32 s14, s15  }
0x3b0: {  	v20 =	vld [tilespmem:s7+$0x6000];
	[tilespmem:s8+$0x6080] =	vst v14;
	v12 =	vmul.f32 v12, v4  }
.Ltmp15:
0x3b1: {  	v14 =	vld [tilespmem:s7+$0x6080];
	[tilespmem:s8+$0x6100] =	vst v15;
	v13 =	vmul.f32 v13, v8;
	(pc) =	sbr.rel @p1 .LBB2_25-.Ltmp15, $4  }
0x3b2: {  	v15 =	vld [tilespmem:s7+$0x6100];
	[tilespmem:s8+$0x6180] =	vst v12;
	v16 =	vmul.f32 v16, v9  }
0x3b3: {  	v12 =	vld [tilespmem:s7+$0x6180];
	[tilespmem:s8+$0x6200] =	vst v13;
	v19 =	vmul.f32 v19, v10  }
0x3b4: {  	v13 =	vld [tilespmem:s7+$0x6200];
	[tilespmem:s8+$0x6280] =	vst v16;
	v18 =	vmul.f32 v17, v11  }
0x3b5: {  	s12 =	sadd.s32 $0x80, s12;
	s13 =	sadd.s32 $0x10, s13;
	v17 =	vmul.f32 v20, v5;
	v16 =	vld [tilespmem:s7+$0x6280];
	[tilespmem:s8+$0x6300] =	vst v19  }
0x3b6: {  	v19 =	vld [tilespmem:s7+$0x6300];
	[tilespmem:s8+$0x6380] =	vst v18;
	v14 =	vmul.f32 v14, v6  }
0x3b7: {  	[tilespmem:s7+$0x6000] =	vst v17;
	v15 =	vmul.f32 v15, v7;
	v17 =	vld [tilespmem:s7+$0x6380]  }
0x3b8: {  	[tilespmem:s7+$0x6080] =	vst v14;
	v12 =	vmul.f32 v12, v4  }
0x3b9: {  	[tilespmem:s7+$0x6100] =	vst v15;
	v13 =	vmul.f32 v13, v8  }
0x3ba: {  	[tilespmem:s7+$0x6180] =	vst v12;
	v12 =	vmul.f32 v16, v9  }
0x3bb: {  	[tilespmem:s7+$0x6200] =	vst v13;
	v13 =	vmul.f32 v19, v10  }
0x3bc: {  	[tilespmem:s7+$0x6280] =	vst v12;
	v12 =	vmul.f32 v17, v11  }
0x3bd: {  	s14 =	simm.s32 $0x0;
	[tilespmem:s7+$0x6300] =	vst v13  }
0x3be: {  	s0 =	sadd.s32 s6, s0;
	s15 =	sand.u32 $0x70, s14;
	[tilespmem:s7+$0x6380] =	vst v12;
	s7 =	sand.u32 $0x1C00, s14  }
0x3bf: {  	[hbm4b:s0+s14] =	stream.linear.scatter [tilespmem:s25], [sflag:$0x3], $0x2000, $0x38;
	[tilespmem:$0x13180] =	vst v63  }
0x3c0: {  	s7 =	sor.u32 s15, s7  }
0x3c1: {  	v12 =	vld [tilespmem:s7+$0x8000];
	_ =	sdelay $0x1  }
0x3c2: {  	v13 =	vld [tilespmem:s7+$0x8080]  }
0x3c3: {  	v14 =	vld [tilespmem:s7+$0x8100]  }
0x3c4: {  	v15 =	vld [tilespmem:s7+$0x8180]  }
0x3c5: {  	v16 =	vld [tilespmem:s7+$0x8200];
	v12 =	vmul.f32 v12, v5  }
0x3c6: {  	s16 =	simm.s32 $0x80;
	s30 =	simm.s32 $0x10;
	v17 =	vld [tilespmem:s7+$0x8280]  }
0x3c7: {  	s8 =	sand.u32 $0x70, s30;
	s0 =	sand.u32 $0x1C00, s16;
	v18 =	vld [tilespmem:s7+$0x8300];
	[tilespmem:s7+$0x8000] =	vst v12;
	v12 =	vmul.f32 v13, v6  }
0x3c8: {  	s0 =	sor.u32 s8, s0;
	v19 =	vld [tilespmem:s7+$0x8380];
	v13 =	vmul.f32 v14, v7  }
0x3c9: {  	v20 =	vld [tilespmem:s0+$0x8000];
	[tilespmem:s7+$0x8080] =	vst v12;
	v12 =	vmul.f32 v15, v4  }
0x3ca: {  	v14 =	vld [tilespmem:s0+$0x8080];
	[tilespmem:s7+$0x8100] =	vst v13;
	v13 =	vmul.f32 v16, v8  }
0x3cb: {  	v16 =	vmul.f32 v17, v9;
	v15 =	vld [tilespmem:s0+$0x8100];
	[tilespmem:s7+$0x8180] =	vst v12  }
0x3cc: {  	v21 =	vmul.f32 v18, v10;
	v12 =	vld [tilespmem:s0+$0x8180];
	[tilespmem:s7+$0x8200] =	vst v13  }
0x3cd: {  	v18 =	vmul.f32 v19, v11;
	v13 =	vld [tilespmem:s0+$0x8200];
	[tilespmem:s7+$0x8280] =	vst v16  }
0x3ce: {  	s12 =	simm.s32 $0x20;
	s8 =	simm.s32 $0x100;
	v17 =	vmul.f32 v20, v5;
	v16 =	vld [tilespmem:s0+$0x8280];
	[tilespmem:s7+$0x8300] =	vst v21  }
.LBB2_27:
0x3cf: {  	s13 =	sand.u32 $0x70, s12;
	s14 =	sand.u32 $0x1C00, s8;
	p1 =	sne.s32 s12, $0x3F0;
	v14 =	vmul.f32 v14, v6;
	v19 =	vld [tilespmem:s0+$0x8300];
	[tilespmem:s7+$0x8380] =	vst v18  }
0x3d0: {  	s7 =	smov.u32 s0;
	[tilespmem:s0+$0x8000] =	vst v17;
	v15 =	vmul.f32 v15, v7;
	v17 =	vld [tilespmem:s0+$0x8380];
	s0 =	sor.u32 s13, s14  }
0x3d1: {  	v20 =	vld [tilespmem:s0+$0x8000];
	[tilespmem:s7+$0x8080] =	vst v14;
	v12 =	vmul.f32 v12, v4  }
.Ltmp16:
0x3d2: {  	v14 =	vld [tilespmem:s0+$0x8080];
	[tilespmem:s7+$0x8100] =	vst v15;
	v13 =	vmul.f32 v13, v8;
	(pc) =	sbr.rel @p1 .LBB2_27-.Ltmp16, $4  }
0x3d3: {  	v15 =	vld [tilespmem:s0+$0x8100];
	[tilespmem:s7+$0x8180] =	vst v12;
	v16 =	vmul.f32 v16, v9  }
0x3d4: {  	v12 =	vld [tilespmem:s0+$0x8180];
	[tilespmem:s7+$0x8200] =	vst v13;
	v19 =	vmul.f32 v19, v10  }
0x3d5: {  	v13 =	vld [tilespmem:s0+$0x8200];
	[tilespmem:s7+$0x8280] =	vst v16;
	v18 =	vmul.f32 v17, v11  }
0x3d6: {  	s8 =	sadd.s32 $0x80, s8;
	s12 =	sadd.s32 $0x10, s12;
	v17 =	vmul.f32 v20, v5;
	v16 =	vld [tilespmem:s0+$0x8280];
	[tilespmem:s7+$0x8300] =	vst v19  }
0x3d7: {  	v19 =	vld [tilespmem:s0+$0x8300];
	[tilespmem:s7+$0x8380] =	vst v18;
	v14 =	vmul.f32 v14, v6  }
0x3d8: {  	[tilespmem:s0+$0x8000] =	vst v17;
	v15 =	vmul.f32 v15, v7;
	v17 =	vld [tilespmem:s0+$0x8380]  }
0x3d9: {  	[tilespmem:s0+$0x8080] =	vst v14;
	v12 =	vmul.f32 v12, v4  }
0x3da: {  	[tilespmem:s0+$0x8100] =	vst v15;
	v13 =	vmul.f32 v13, v8  }
0x3db: {  	[tilespmem:s0+$0x8180] =	vst v12;
	v12 =	vmul.f32 v16, v9  }
0x3dc: {  	[tilespmem:s0+$0x8200] =	vst v13;
	v13 =	vmul.f32 v19, v10  }
0x3dd: {  	s15 =	simm.s32 $0x0;
	[tilespmem:s0+$0x8280] =	vst v12;
	v12 =	vmul.f32 v17, v11  }
0x3de: {  	s16 =	sand.u32 $0x70, s15;
	s7 =	sand.u32 $0x1C00, s15;
	[tilespmem:s0+$0x8300] =	vst v13  }
0x3df: {  	s14 =	sadd.s32 s6, s10;
	s7 =	sor.u32 s16, s7;
	[tilespmem:s0+$0x8380] =	vst v12  }
0x3e0: {  	[hbm4b:s14+s15] =	stream.linear.scatter [tilespmem:s26], [sflag:$0x3], $0x2000, $0x38;
	[tilespmem:$0x13180] =	vst v63  }
0x3e1: {  	v12 =	vld [tilespmem:s7+$0xA000];
	_ =	sdelay $0x1  }
0x3e2: {  	v13 =	vld [tilespmem:s7+$0xA080]  }
0x3e3: {  	v14 =	vld [tilespmem:s7+$0xA100]  }
0x3e4: {  	v15 =	vld [tilespmem:s7+$0xA180]  }
0x3e5: {  	v16 =	vld [tilespmem:s7+$0xA200];
	v12 =	vmul.f32 v12, v5  }
0x3e6: {  	s30 =	simm.s32 $0x80;
	s8 =	simm.s32 $0x10;
	v17 =	vld [tilespmem:s7+$0xA280]  }
0x3e7: {  	s8 =	sand.u32 $0x70, s8;
	s0 =	sand.u32 $0x1C00, s30;
	v18 =	vld [tilespmem:s7+$0xA300];
	[tilespmem:s7+$0xA000] =	vst v12;
	v12 =	vmul.f32 v13, v6  }
0x3e8: {  	s0 =	sor.u32 s8, s0;
	v19 =	vld [tilespmem:s7+$0xA380];
	v13 =	vmul.f32 v14, v7  }
0x3e9: {  	v20 =	vld [tilespmem:s0+$0xA000];
	[tilespmem:s7+$0xA080] =	vst v12;
	v12 =	vmul.f32 v15, v4  }
0x3ea: {  	v14 =	vld [tilespmem:s0+$0xA080];
	[tilespmem:s7+$0xA100] =	vst v13;
	v13 =	vmul.f32 v16, v8  }
0x3eb: {  	v16 =	vmul.f32 v17, v9;
	v15 =	vld [tilespmem:s0+$0xA100];
	[tilespmem:s7+$0xA180] =	vst v12  }
0x3ec: {  	v21 =	vmul.f32 v18, v10;
	v12 =	vld [tilespmem:s0+$0xA180];
	[tilespmem:s7+$0xA200] =	vst v13  }
0x3ed: {  	v18 =	vmul.f32 v19, v11;
	v13 =	vld [tilespmem:s0+$0xA200];
	[tilespmem:s7+$0xA280] =	vst v16  }
0x3ee: {  	s10 =	simm.s32 $0x20;
	s8 =	simm.s32 $0x100;
	s15 =	simm.s32 $0xCD80;
	v17 =	vmul.f32 v20, v5;
	v16 =	vld [tilespmem:s0+$0xA280];
	[tilespmem:s7+$0xA300] =	vst v21  }
.LBB2_29:
0x3ef: {  	s12 =	sand.u32 $0x70, s10;
	s13 =	sand.u32 $0x1C00, s8;
	p1 =	sne.s32 s10, $0x3F0;
	v14 =	vmul.f32 v14, v6;
	v19 =	vld [tilespmem:s0+$0xA300];
	[tilespmem:s7+$0xA380] =	vst v18  }
0x3f0: {  	s7 =	smov.u32 s0;
	[tilespmem:s0+$0xA000] =	vst v17;
	v15 =	vmul.f32 v15, v7;
	v17 =	vld [tilespmem:s0+$0xA380];
	s0 =	sor.u32 s12, s13  }
0x3f1: {  	v20 =	vld [tilespmem:s0+$0xA000];
	[tilespmem:s7+$0xA080] =	vst v14;
	v12 =	vmul.f32 v12, v4  }
.Ltmp17:
0x3f2: {  	v14 =	vld [tilespmem:s0+$0xA080];
	[tilespmem:s7+$0xA100] =	vst v15;
	v13 =	vmul.f32 v13, v8;
	(pc) =	sbr.rel @p1 .LBB2_29-.Ltmp17, $4  }
0x3f3: {  	v15 =	vld [tilespmem:s0+$0xA100];
	[tilespmem:s7+$0xA180] =	vst v12;
	v16 =	vmul.f32 v16, v9  }
0x3f4: {  	v12 =	vld [tilespmem:s0+$0xA180];
	[tilespmem:s7+$0xA200] =	vst v13;
	v19 =	vmul.f32 v19, v10  }
0x3f5: {  	v13 =	vld [tilespmem:s0+$0xA200];
	[tilespmem:s7+$0xA280] =	vst v16;
	v18 =	vmul.f32 v17, v11  }
0x3f6: {  	s8 =	sadd.s32 $0x80, s8;
	s10 =	sadd.s32 $0x10, s10;
	v17 =	vmul.f32 v20, v5;
	v16 =	vld [tilespmem:s0+$0xA280];
	[tilespmem:s7+$0xA300] =	vst v19  }
0x3f7: {  	v19 =	vld [tilespmem:s0+$0xA300];
	[tilespmem:s7+$0xA380] =	vst v18;
	v14 =	vmul.f32 v14, v6  }
0x3f8: {  	[tilespmem:s0+$0xA000] =	vst v17;
	v15 =	vmul.f32 v15, v7;
	v60 =	vld [tilespmem:s0+$0xA380]  }
0x3f9: {  	[tilespmem:s0+$0xA080] =	vst v14;
	v12 =	vmul.f32 v12, v4  }
0x3fa: {  	[tilespmem:s0+$0xA100] =	vst v15;
	v13 =	vmul.f32 v13, v8  }
0x3fb: {  	[tilespmem:s0+$0xA180] =	vst v12;
	v61 =	vmul.f32 v16, v9  }
.Ltmp18:
0x3fc: {  	[tilespmem:s0+$0xA200] =	vst v13;
	v62 =	vmul.f32 v19, v10;
	(pc) =	sbr.rel @p0 .LBB2_32-.Ltmp18, $4  }
0x3fd: {  	[tilespmem:s0+$0xA280] =	vst v61;
	v63 =	vmul.f32 v60, v11  }
0x3fe: {  	[tilespmem:s0+$0xA300] =	vst v62  }
0x3ff: {  	s30 =	sadd.s32 s6, s11;
	[tilespmem:s0+$0xA380] =	vst v63  }
0x400: {  	[hbm4b:s30+s2] =	stream.linear.scatter [tilespmem:s28], [sflag:$0x3], $0x2000, $0x38;
	[tilespmem:$0x13180] =	vst v63  }
0x401: {  	v12 =	vld [tilespmem:$0xC000]  }
0x402: {  	v13 =	vld [tilespmem:$0xC080]  }
0x403: {  	v14 =	vld [tilespmem:$0xC100]  }
0x404: {  	v15 =	vld [tilespmem:$0xC180]  }
0x405: {  	v16 =	vld [tilespmem:$0xC200]  }
0x406: {  	v17 =	vld [tilespmem:$0xC280];
	v12 =	vmul.f32 v12, v5  }
0x407: {  	v18 =	vld [tilespmem:$0xC300];
	v13 =	vmul.f32 v13, v6  }
0x408: {  	v39 =	vld [tilespmem:$0xC380];
	v38 =	vmul.f32 v14, v7;
	[tilespmem:$0xC000] =	vst v12  }
0x409: {  	v41 =	vld [tilespmem:$0xC010];
	v40 =	vmul.f32 v15, v4;
	[tilespmem:$0xC080] =	vst v13  }
0x40a: {  	v43 =	vld [tilespmem:$0xC090];
	v42 =	vmul.f32 v16, v8;
	[tilespmem:$0xC100] =	vst v38  }
0x40b: {  	v45 =	vld [tilespmem:$0xC110];
	v44 =	vmul.f32 v17, v9;
	[tilespmem:$0xC180] =	vst v40  }
0x40c: {  	v47 =	vld [tilespmem:$0xC190];
	v46 =	vmul.f32 v18, v10;
	[tilespmem:$0xC200] =	vst v42  }
0x40d: {  	v49 =	vld [tilespmem:$0xC210];
	v48 =	vmul.f32 v39, v11;
	[tilespmem:$0xC280] =	vst v44  }
0x40e: {  	v51 =	vld [tilespmem:$0xC290];
	v50 =	vmul.f32 v41, v5;
	[tilespmem:$0xC300] =	vst v46  }
0x40f: {  	v53 =	vld [tilespmem:$0xC310];
	v52 =	vmul.f32 v43, v6;
	[tilespmem:$0xC380] =	vst v48  }
0x410: {  	v55 =	vld [tilespmem:$0xC390];
	v54 =	vmul.f32 v45, v7;
	[tilespmem:$0xC010] =	vst v50  }
0x411: {  	v57 =	vld [tilespmem:$0xC020];
	v56 =	vmul.f32 v47, v4;
	[tilespmem:$0xC090] =	vst v52  }
0x412: {  	v59 =	vld [tilespmem:$0xC0A0];
	v58 =	vmul.f32 v49, v8;
	[tilespmem:$0xC110] =	vst v54  }
0x413: {  	v61 =	vld [tilespmem:$0xC120];
	v60 =	vmul.f32 v51, v9;
	[tilespmem:$0xC190] =	vst v56  }
0x414: {  	v63 =	vld [tilespmem:$0xC1A0];
	v62 =	vmul.f32 v53, v10;
	[tilespmem:$0xC210] =	vst v58  }
0x415: {  	v22 =	vld [tilespmem:$0xC220];
	v21 =	vmul.f32 v55, v11;
	[tilespmem:$0xC290] =	vst v60  }
0x416: {  	v24 =	vld [tilespmem:$0xC2A0];
	v23 =	vmul.f32 v57, v5;
	[tilespmem:$0xC310] =	vst v62  }
0x417: {  	v26 =	vld [tilespmem:$0xC320];
	v25 =	vmul.f32 v59, v6;
	[tilespmem:$0xC390] =	vst v21  }
0x418: {  	v28 =	vld [tilespmem:$0xC3A0];
	v27 =	vmul.f32 v61, v7;
	[tilespmem:$0xC020] =	vst v23  }
0x419: {  	v30 =	vld [tilespmem:$0xC030];
	v29 =	vmul.f32 v63, v4;
	[tilespmem:$0xC0A0] =	vst v25  }
0x41a: {  	v32 =	vld [tilespmem:$0xC0B0];
	v31 =	vmul.f32 v22, v8;
	[tilespmem:$0xC120] =	vst v27  }
0x41b: {  	v34 =	vld [tilespmem:$0xC130];
	v33 =	vmul.f32 v24, v9;
	[tilespmem:$0xC1A0] =	vst v29  }
0x41c: {  	v36 =	vld [tilespmem:$0xC1B0];
	v35 =	vmul.f32 v26, v10;
	[tilespmem:$0xC220] =	vst v31  }
0x41d: {  	v37 =	vmul.f32 v28, v11;
	[tilespmem:$0xC2A0] =	vst v33;
	v38 =	vld [tilespmem:$0xC230]  }
0x41e: {  	v39 =	vmul.f32 v30, v5;
	[tilespmem:$0xC320] =	vst v35;
	v40 =	vld [tilespmem:$0xC2B0]  }
0x41f: {  	v41 =	vmul.f32 v32, v6;
	[tilespmem:$0xC3A0] =	vst v37;
	v42 =	vld [tilespmem:$0xC330]  }
0x420: {  	v43 =	vmul.f32 v34, v7;
	[tilespmem:$0xC030] =	vst v39;
	v44 =	vld [tilespmem:$0xC3B0]  }
0x421: {  	v45 =	vmul.f32 v36, v4;
	[tilespmem:$0xC0B0] =	vst v41;
	v46 =	vld [tilespmem:$0xC040]  }
0x422: {  	[tilespmem:$0xC130] =	vst v43;
	v48 =	vld [tilespmem:$0xC0C0];
	v47 =	vmul.f32 v38, v8  }
0x423: {  	[tilespmem:$0xC1B0] =	vst v45;
	v50 =	vld [tilespmem:$0xC140];
	v49 =	vmul.f32 v40, v9  }
0x424: {  	v52 =	vld [tilespmem:$0xC1C0];
	v51 =	vmul.f32 v42, v10;
	[tilespmem:$0xC230] =	vst v47  }
0x425: {  	v54 =	vld [tilespmem:$0xC240];
	v53 =	vmul.f32 v44, v11;
	[tilespmem:$0xC2B0] =	vst v49  }
0x426: {  	v56 =	vld [tilespmem:$0xC2C0];
	v55 =	vmul.f32 v46, v5;
	[tilespmem:$0xC330] =	vst v51  }
0x427: {  	v58 =	vld [tilespmem:$0xC340];
	v57 =	vmul.f32 v48, v6;
	[tilespmem:$0xC3B0] =	vst v53  }
0x428: {  	v60 =	vld [tilespmem:$0xC3C0];
	v59 =	vmul.f32 v50, v7;
	[tilespmem:$0xC040] =	vst v55  }
0x429: {  	v62 =	vld [tilespmem:$0xC050];
	v61 =	vmul.f32 v52, v4;
	[tilespmem:$0xC0C0] =	vst v57  }
0x42a: {  	v21 =	vld [tilespmem:$0xC0D0];
	v63 =	vmul.f32 v54, v8;
	[tilespmem:$0xC140] =	vst v59  }
0x42b: {  	v23 =	vld [tilespmem:$0xC150];
	v22 =	vmul.f32 v56, v9;
	[tilespmem:$0xC1C0] =	vst v61  }
0x42c: {  	v25 =	vld [tilespmem:$0xC1D0];
	v24 =	vmul.f32 v58, v10;
	[tilespmem:$0xC240] =	vst v63  }
0x42d: {  	v27 =	vld [tilespmem:$0xC250];
	v26 =	vmul.f32 v60, v11;
	[tilespmem:$0xC2C0] =	vst v22  }
0x42e: {  	v29 =	vld [tilespmem:$0xC2D0];
	v28 =	vmul.f32 v62, v5;
	[tilespmem:$0xC340] =	vst v24  }
0x42f: {  	v31 =	vld [tilespmem:$0xC350];
	v30 =	vmul.f32 v21, v6;
	[tilespmem:$0xC3C0] =	vst v26  }
0x430: {  	v33 =	vld [tilespmem:$0xC3D0];
	v32 =	vmul.f32 v23, v7;
	[tilespmem:$0xC050] =	vst v28  }
0x431: {  	v35 =	vld [tilespmem:$0xC060];
	v34 =	vmul.f32 v25, v4;
	[tilespmem:$0xC0D0] =	vst v30  }
0x432: {  	v37 =	vld [tilespmem:$0xC0E0];
	v36 =	vmul.f32 v27, v8;
	[tilespmem:$0xC150] =	vst v32  }
0x433: {  	v39 =	vld [tilespmem:$0xC160];
	v38 =	vmul.f32 v29, v9;
	[tilespmem:$0xC1D0] =	vst v34  }
0x434: {  	v41 =	vld [tilespmem:$0xC1E0];
	v40 =	vmul.f32 v31, v10;
	[tilespmem:$0xC250] =	vst v36  }
0x435: {  	v43 =	vld [tilespmem:$0xC260];
	v42 =	vmul.f32 v33, v11;
	[tilespmem:$0xC2D0] =	vst v38  }
0x436: {  	v45 =	vld [tilespmem:$0xC2E0];
	v44 =	vmul.f32 v35, v5;
	[tilespmem:$0xC350] =	vst v40  }
0x437: {  	v46 =	vmul.f32 v37, v6;
	[tilespmem:$0xC3D0] =	vst v42;
	v47 =	vld [tilespmem:$0xC360]  }
0x438: {  	v48 =	vmul.f32 v39, v7;
	[tilespmem:$0xC060] =	vst v44;
	v49 =	vld [tilespmem:$0xC3E0]  }
0x439: {  	v50 =	vmul.f32 v41, v4;
	[tilespmem:$0xC0E0] =	vst v46;
	v51 =	vld [tilespmem:$0xC070]  }
0x43a: {  	v52 =	vmul.f32 v43, v8;
	[tilespmem:$0xC160] =	vst v48;
	v53 =	vld [tilespmem:$0xC0F0]  }
0x43b: {  	v54 =	vmul.f32 v45, v9;
	[tilespmem:$0xC1E0] =	vst v50;
	v57 =	vld [tilespmem:$0xC1F0]  }
0x43c: {  	v55 =	vld [tilespmem:$0xC170];
	[tilespmem:$0xC260] =	vst v52;
	v56 =	vmul.f32 v47, v10  }
0x43d: {  	v60 =	vld [tilespmem:$0xC2F0];
	[tilespmem:$0xC2E0] =	vst v54;
	v58 =	vmul.f32 v49, v11  }
0x43e: {  	v59 =	vld [tilespmem:$0xC270];
	v5 =	vmul.f32 v51, v5;
	[tilespmem:$0xC360] =	vst v56  }
0x43f: {  	v63 =	vld [tilespmem:$0xC3F0];
	v61 =	vmul.f32 v53, v6;
	[tilespmem:$0xC3E0] =	vst v58  }
0x440: {  	v62 =	vld [tilespmem:$0xC370];
	v4 =	vmul.f32 v57, v4;
	[tilespmem:$0xC070] =	vst v5  }
0x441: {  	v5 =	vmul.f32 v55, v7;
	[tilespmem:$0xC0F0] =	vst v61  }
0x442: {  	[tilespmem:$0xC1F0] =	vst v4;
	v4 =	vmul.f32 v60, v9  }
0x443: {  	[tilespmem:$0xC170] =	vst v5;
	v5 =	vmul.f32 v59, v8  }
0x444: {  	[tilespmem:$0xC2F0] =	vst v4;
	v4 =	vmul.f32 v63, v11  }
0x445: {  	[tilespmem:$0xC270] =	vst v5;
	v5 =	vmul.f32 v62, v10  }
0x446: {  	s0 =	sshrl.u32 s1, $0x3;
	s16 =	rddreg [dreg:$0xa];
	[tilespmem:$0xC3F0] =	vst v4  }
.Ltmp19:
0x447: {  	s30 =	simm.s32 $0xC000;
	s0 =	sadd.s32 s0, s16;
	[tilespmem:$0xC370] =	vst v5;
	(pc) =	sbr.rel .LBB2_32-.Ltmp19, $4  }
0x448: {  	[hbm4b:s0+s2] =	stream.linear.scatter [tilespmem:s30], [sflag:$0x4], $0x400, $0x38;
	[tilespmem:$0x13180] =	vst v63  }
0x449: {  	_ =	swait.ge [sflag:s29], $0x400  }
0x44a: {  	[sflag:s29] =	ssyncset.done $0x0  }
0x44b: {  	[sflag:s29] =	ssyncadd.s32 $0xFFFFFC00  }
.LBB2_34:
0x44c: {  	_ =	sfence.sel $0x180000  }
0x44d: {  	[bflag:$0x0] =	sbarrier.arrive $0xFFFF  }
0x44e: {  	_ =	strace $0x90000047  }
0x44f: {  	s0 =	stileid.u32;
	[bflag:$0x2] =	sbarrier.arrive $0xFFFF  }
0x450: {  	p0 =	sne.s32 s0, $0x0;
	s0 =	rddreg [dreg:$0x2]  }
0x451: {  	s0 =	sadd.s32 @!p0 $0x100000, s0  }
0x452: {  	[sflag:s0] =	ssyncadd.tile.s32 @!p0 $0x1;
	_ =	shalt  }
.Lfunc_end2:
_tile_overlayer_lowered:
.L_overlay_start_2:
0x453: {  	(tag) =	ssettag $0x2  }
0x454: {  	s0 =	rddreg [dreg:$0x0];
	s2 =	stileid.u32  }
0x455: {  	s1 =	rddreg [dreg:$0x1];
	p0 =	sne.s32 s2, $0x0  }
0x456: {  	s3 =	rddreg [dreg:$0x2];
	[bflag:$0x3] =	sbarrier.arrive $0xFFFF;
	s2 =	simm.s32 @!p0 $0x1C05  }
0x457: {  	[timem:s3], [sflag:s2] =	dma.local @!p0 [hbm:s0], s1  }
0x458: {  	s0 =	simm.s32 @!p0 $0x5  }
0x459: {  	_ =	swait.ge @!p0 [sflag:s0], s1  }
0x45a: {  	s1 =	ssub.s32 @!p0 $0x0, s1;
	[sflag:s0] =	ssyncset.done @!p0 $0x0  }
0x45b: {  	[sflag:s0] =	ssyncadd.s32 @!p0 s1  }
0x45c: {  	[bflag:$0x3] =	sbarrier.arrive $0xFFFF  }
0x45d: {  	_ =	shalt  }

</sc_bundles>
